<compile_context>
chip_gen: v7x
topology: tpu7x:2x2x1
jax: 0.10.2.dev20260603
libtpu: 0.0.44.dev20260713+nightly
codegen_flags: <defaults>
</compile_context>

<pallas_src>
import functools

import jax
import jax.numpy as jnp
from jax import lax
from jax.experimental import pallas as pl
from jax.experimental.pallas import tpu as pltpu
from jax.experimental.pallas import tpu_sc as plsc

N = 10000
E = 320000
D = 128
EPS = 1e-5

NC = 2
NS = 16
NW = NC * NS
EPT = E // NW
CHUNK = 64
NCHUNK = 160
EPT_PAD = NCHUNK * CHUNK
ACC_ROWS = 10112
DEG_ROWS = EPT_PAD // 16
NBUF = 5

_mesh = plsc.VectorSubcoreMesh(core_axis_name="c", subcore_axis_name="s")


@functools.partial(
    pl.kernel,
    out_type=jax.ShapeDtypeStruct((NW, EPT_PAD), jnp.float32),
    mesh=_mesh,
    scratch_types=[
        pltpu.VMEM((DEG_ROWS, 16), jnp.int32),
        pltpu.VMEM((EPT_PAD,), jnp.float32),
    ],
    compiler_params=pltpu.CompilerParams(needs_layout_passes=False),
)
def _deg_kernel(dst_hbm, zeros_hbm, out_hbm, dst_v, acc_v):
    c = lax.axis_index("c")
    s = lax.axis_index("s")
    wid = c * NS + s
    pltpu.sync_copy(zeros_hbm, acc_v)
    pltpu.sync_copy(dst_hbm.at[wid], dst_v)
    ones = jnp.full((16,), 1.0, jnp.float32)

    def body(j, carry):
        v = dst_v[j]
        plsc.addupdate_scatter(acc_v, [v], ones)
        return carry

    lax.fori_loop(0, DEG_ROWS, body, 0)
    pltpu.sync_copy(acc_v, out_hbm.at[wid])


@functools.partial(
    pl.kernel,
    out_type=[
        jax.ShapeDtypeStruct((ACC_ROWS, D), jnp.float32),
        jax.ShapeDtypeStruct((ACC_ROWS, D), jnp.float32),
    ],
    mesh=_mesh,
    scratch_types=[
        pltpu.VMEM((2 * NBUF, 2, CHUNK), jnp.int32),
        pltpu.VMEM((NBUF, CHUNK, D), jnp.float32),
        pltpu.VMEM_SHARED((ACC_ROWS, D), jnp.float32),
        pltpu.SemaphoreType.DMA((2 * NBUF,)),
        pltpu.SemaphoreType.DMA((NBUF,)),
        pltpu.SemaphoreType.DMA((NBUF,)),
    ],
)
def _agg_kernel(g_hbm, sd_hbm, zeros_hbm,
                out0_hbm, out1_hbm, idx_v, rows_v, acc, semi, semg, sems):
    c = lax.axis_index("c")
    s = lax.axis_index("s")
    wid = c * NS + s
    zrows = ACC_ROWS // NS
    pltpu.sync_copy(zeros_hbm.at[pl.ds(s * zrows, zrows)],
                    acc.at[pl.ds(s * zrows, zrows)])
    plsc.subcore_barrier()

    def start_idx(sl, b, jj):
        pltpu.async_copy(sd_hbm.at[wid, jj], idx_v.at[sl], semi.at[sl])

    def wait_idx(sl, b, jj):
        pltpu.make_async_copy(
            sd_hbm.at[wid, jj], idx_v.at[sl], semi.at[sl]).wait()

    def start_gather(sl, b):
        pltpu.async_copy(g_hbm.at[idx_v.at[sl, 0]], rows_v.at[b], semg.at[b])

    def wait_gather(sl, b):
        pltpu.make_async_copy(
            g_hbm.at[idx_v.at[sl, 0]], rows_v.at[b], semg.at[b]).wait()

    def start_scatter(sl, b):
        pltpu.async_copy(rows_v.at[b], acc.at[idx_v.at[sl, 1]], sems.at[b],
                         add=True)

    def wait_scatter(sl, b):
        pltpu.make_async_copy(
            rows_v.at[b], acc.at[idx_v.at[sl, 1]], sems.at[b]).wait()

    for b in range(NBUF):
        start_idx(b, b, b)
    for b in range(NBUF):
        wait_idx(b, b, b)
        start_gather(b, b)

    @pl.loop(0, NCHUNK, step=NBUF)
    def _(j):
        par = (j // NBUF) % 2
        sl0 = NBUF * par
        sl1 = NBUF - sl0
        for b in range(NBUF):
            wait_gather(sl0 + b, b)
            start_scatter(sl0 + b, b)

            @pl.when(j + b + NBUF < NCHUNK)
            def _():
                start_idx(sl1 + b, b, j + b + NBUF)
        for b in range(NBUF):
            wait_scatter(sl0 + b, b)

            @pl.when(j + b + NBUF < NCHUNK)
            def _():
                wait_idx(sl1 + b, b, j + b + NBUF)
                start_gather(sl1 + b, b)

    plsc.subcore_barrier()
    sl = pl.ds(s * zrows, zrows)

    @pl.when(c == 0)
    def _():
        pltpu.sync_copy(acc.at[sl], out0_hbm.at[sl])

    @pl.when(c == 1)
    def _():
        pltpu.sync_copy(acc.at[sl], out1_hbm.at[sl])


def _prep_body(x_ref, fcw_ref, fcb_ref, g0_ref, b0_ref, c1w_ref, degp_ref,
               h0_ref, g1_ref, dinv_ref):
    y = jnp.dot(x_ref[...], fcw_ref[...],
                preferred_element_type=jnp.float32) + fcb_ref[...]
    mu = jnp.mean(y, axis=0)
    yc = y - mu
    var = jnp.mean(yc * yc, axis=0)
    h0 = jnp.maximum(g0_ref[...] * yc * lax.rsqrt(var + EPS) + b0_ref[...], 0.0)
    h0_ref[...] = h0
    deg = jnp.sum(degp_ref[...], axis=0)[:N] + 1.0
    dinv = lax.rsqrt(deg)
    dinv_ref[...] = dinv
    g1_ref[...] = jnp.dot(h0, c1w_ref[...],
                          preferred_element_type=jnp.float32) * dinv[:, None]


def _conv_out_body(a0_ref, a1_ref, g_ref, dinv_ref, b_ref, gam_ref, bet_ref,
                   res_ref, wn_ref, out_ref, gn_ref):
    dinv = dinv_ref[...]
    z = ((a0_ref[...][:N] + a1_ref[...][:N] + g_ref[...]) * dinv[:, None]
         + b_ref[...])
    mu = jnp.mean(z, axis=0)
    zc = z - mu
    var = jnp.mean(zc * zc, axis=0)
    h = jnp.maximum(gam_ref[...] * zc * lax.rsqrt(var + EPS) + bet_ref[...],
                    0.0) + res_ref[...]
    out_ref[...] = h
    if gn_ref is not None:
        gn_ref[...] = jnp.dot(h, wn_ref[...],
                              preferred_element_type=jnp.float32) * dinv[:, None]


_prep_call = pl.pallas_call(
    _prep_body,
    out_shape=[
        jax.ShapeDtypeStruct((N, D), jnp.float32),
        jax.ShapeDtypeStruct((N, D), jnp.float32),
        jax.ShapeDtypeStruct((N,), jnp.float32),
    ],
)

_mid_call = pl.pallas_call(
    _conv_out_body,
    out_shape=[
        jax.ShapeDtypeStruct((N, D), jnp.float32),
        jax.ShapeDtypeStruct((N, D), jnp.float32),
    ],
)


def _final_body(a0, a1, g, dinv, b, gam, bet, res, out):
    _conv_out_body(a0, a1, g, dinv, b, gam, bet, res, None, out, None)


_final_call = pl.pallas_call(
    _final_body,
    out_shape=jax.ShapeDtypeStruct((N, D), jnp.float32),
)


def kernel(x, edge_index, params):
    p = params
    src = edge_index[0].reshape(NW, EPT)
    dst = edge_index[1].reshape(NW, EPT)
    padn = EPT_PAD - EPT
    pad_lanes = jnp.arange(NW * padn, dtype=jnp.int32).reshape(NW, padn)
    src_p = jnp.concatenate([src, (pad_lanes * 37) % N], axis=1)
    dst_p = jnp.concatenate(
        [dst, N + pad_lanes % (ACC_ROWS - N)], axis=1)
    src_c = src_p.reshape(NW, NCHUNK, 1, CHUNK)
    dst_c = dst_p.reshape(NW, NCHUNK, 1, CHUNK)
    sd = jnp.concatenate([src_c, dst_c], axis=2)
    dst_d = dst_p.reshape(NW, DEG_ROWS, 16)

    zeros_deg = jnp.zeros((EPT_PAD,), jnp.float32)
    zeros_acc = jnp.zeros((ACC_ROWS, D), jnp.float32)

    degp2 = _deg_kernel(dst_d, zeros_deg)
    h0, g1, dinv = _prep_call(
        x, p['fc_w'], p['fc_b'], p['bn0_g'], p['bn0_b'], p['conv1_w'], degp2)

    a0, a1 = _agg_kernel(g1, sd, zeros_acc)
    h1, g2 = _mid_call(a0, a1, g1, dinv, p['conv1_b'], p['bn1_g'], p['bn1_b'],
                       h0, p['conv2_w'])

    b0, b1 = _agg_kernel(g2, sd, zeros_acc)
    h2 = _final_call(b0, b1, g2, dinv, p['conv2_b'], p['bn2_g'], p['bn2_b'], h0)
    return h2

# --- scband reference (transcript-rebuilt; emitter-appended) ---
"""Pipeline reference for scband-graph-module-16149077033381 (READ-ONLY COPY).

The authoritative reference and input builder live on the scoring server;
editing this copy changes nothing except your own understanding.
"""

import jax, jax.numpy as jnp
import numpy as np

N = 10000
E = 320000
D = 128
EPS = 1e-5


def _init_linear(key, fan_in, fan_out):
    kw, kb = jax.random.split(key)
    bound = 1.0 / np.sqrt(fan_in)
    W = jax.random.uniform(kw, (fan_in, fan_out), minval=-bound, maxval=bound, dtype=jnp.float32)
    b = jax.random.uniform(kb, (fan_out,), minval=-bound, maxval=bound, dtype=jnp.float32)
    return W, b


def setup_inputs(seed: int = 0) -> dict:
    key = jax.random.key(seed)
    kx, ke, k0, k1, k2 = jax.random.split(key, 5)
    x = jax.random.normal(kx, (N, D), dtype=jnp.float32)
    edge_index = jax.random.randint(ke, (2, E), 0, N, dtype=jnp.int32)
    fc_w, fc_b = _init_linear(k0, D, D)
    c1_w, c1_b = _init_linear(k1, D, D)
    c2_w, c2_b = _init_linear(k2, D, D)
    params = {
        'fc_w': fc_w, 'fc_b': fc_b,
        'conv1_w': c1_w, 'conv1_b': c1_b,
        'conv2_w': c2_w, 'conv2_b': c2_b,
        'bn0_g': jnp.ones((D,), jnp.float32), 'bn0_b': jnp.zeros((D,), jnp.float32),
        'bn1_g': jnp.ones((D,), jnp.float32), 'bn1_b': jnp.zeros((D,), jnp.float32),
        'bn2_g': jnp.ones((D,), jnp.float32), 'bn2_b': jnp.zeros((D,), jnp.float32),
    }
    return {'x': x, 'edge_index': edge_index, 'params': params}


def _batch_norm(h, g, b):
    mu = jnp.mean(h, axis=0)
    var = jnp.var(h, axis=0)
    return g * (h - mu) / jnp.sqrt(var + EPS) + b


def _gcn_conv(h, src, dst, norm, W, b):
    # GCNConv: linear transform, then symmetric-normalized scatter-add aggregation
    h = h @ W
    msg = jnp.take(h, src, axis=0) * norm[:, None]
    out = jnp.zeros((N, h.shape[1]), h.dtype).at[dst].add(msg)
    return out + b


def _gcn_norm(edge_index):
    # add self-loops, compute D^{-1/2} A_hat D^{-1/2} edge weights
    loop = jnp.arange(N, dtype=edge_index.dtype)
    src = jnp.concatenate([edge_index[0], loop])
    dst = jnp.concatenate([edge_index[1], loop])
    deg = jnp.zeros((N,), jnp.float32).at[dst].add(1.0)
    dinv = jnp.where(deg > 0, 1.0 / jnp.sqrt(deg), 0.0)
    norm = dinv[src] * dinv[dst]
    return src, dst, norm


def reference(x, edge_index, params):
    src, dst, norm = _gcn_norm(edge_index)
    h = x @ params['fc_w'] + params['fc_b']
    h = jax.nn.relu(_batch_norm(h, params['bn0_g'], params['bn0_b']))
    # dropout is identity in eval mode
    last = h
    for i in (1, 2):
        h = _gcn_conv(h, src, dst, norm, params['conv%d_w' % i], params['conv%d_b' % i])
        h = jax.nn.relu(_batch_norm(h, params['bn%d_g' % i], params['bn%d_b' % i]))
        h = h + last
    return h

if __name__ == "__main__":
    import jax
    _d = setup_inputs()
    print(jax.jit(kernel)(*tuple(_d.values())))

</pallas_src>

<mosaic_0001>
#map = affine_map<(d0, d1) -> (0, 0)>
#map1 = affine_map<(d0, d1) -> (0, 0, 0, 0)>
module attributes {stable_mosaic.version = 14 : i64} {
  func.func @_agg_kernel(%arg0: i32, %arg1: i32, %arg2: memref<10000x128xf32, #tpu.memory_space<hbm>>, %arg3: memref<32x160x2x64xi32, #tpu.memory_space<hbm>>, %arg4: memref<10112x128xf32, #tpu.memory_space<hbm>>, %arg5: memref<10112x128xf32, #tpu.memory_space<hbm>>, %arg6: memref<10112x128xf32, #tpu.memory_space<hbm>>, %arg7: memref<10x2x64xi32, #tpu.memory_space<vmem>>, %arg8: memref<5x64x128xf32, #tpu.memory_space<vmem>>, %arg9: memref<10112x128xf32, #tpu.memory_space<vmem_shared>>, %arg10: memref<10x!tpu.dma_semaphore, #tpu.memory_space<semaphore_mem>>, %arg11: memref<5x!tpu.dma_semaphore, #tpu.memory_space<semaphore_mem>>, %arg12: memref<5x!tpu.dma_semaphore, #tpu.memory_space<semaphore_mem>>) attributes {dimension_semantics = [#tpu.dimension_semantics<core_parallel>, #tpu.dimension_semantics<subcore_parallel>], iteration_bounds = array<i64: 2, 16>, scalar_prefetch = 0 : i64, scratch_operands = 6 : i64, tpu.core_type = #tpu.core_type<sc_vector_subcore>, window_params = [{transform_indices = #map}, {transform_indices = #map1}, {transform_indices = #map}, {transform_indices = #map}, {transform_indices = #map}]} {
    %mul3A = arith.constant 16 : i32
    %mul3A_0 = arith.muli %arg0, %mul3A : i32
    %add3A = arith.addi %mul3A_0, %arg1 : i32
    %mul3A_1 = arith.constant 632 : i32
    %mul3A_2 = arith.muli %arg1, %mul3A_1 : i32
    %mul3A_3 = arith.constant 632 : i32
    %mul3A_4 = arith.muli %arg1, %mul3A_3 : i32
    "tpu.region"() ({
      %run_scoped3A = tpu.sem_alloc : memref<!tpu.dma_semaphore, #tpu.memory_space<semaphore_mem>>
      %dma_start3A_307 = arith.constant 0 : i32
      %dma_start3A_308 = tpu.memref_slice %arg9[%mul3A_4, %dma_start3A_307] : memref<10112x128xf32, #tpu.memory_space<vmem_shared>> -> memref<632x128xf32, #tpu.memory_space<vmem_shared>>
      %dma_start3A_309 = arith.constant 0 : i32
      %dma_start3A_310 = tpu.memref_slice %arg4[%mul3A_2, %dma_start3A_309] : memref<10112x128xf32, #tpu.memory_space<hbm>> -> memref<632x128xf32, #tpu.memory_space<hbm>>
      tpu.enqueue_dma source(%dma_start3A_310 : memref<632x128xf32, #tpu.memory_space<hbm>>) target(%dma_start3A_308 : memref<632x128xf32, #tpu.memory_space<vmem_shared>>) target_semaphore(%run_scoped3A : memref<!tpu.dma_semaphore, #tpu.memory_space<semaphore_mem>>)
      %dma_wait3A_311 = arith.constant 0 : i32
      %dma_wait3A_312 = tpu.memref_slice %arg9[%mul3A_4, %dma_wait3A_311] : memref<10112x128xf32, #tpu.memory_space<vmem_shared>> -> memref<632x128xf32, #tpu.memory_space<vmem_shared>>
      %dma_wait3A_313 = arith.constant 0 : i32
      %dma_wait3A_314 = tpu.memref_slice %arg4[%mul3A_2, %dma_wait3A_313] : memref<10112x128xf32, #tpu.memory_space<hbm>> -> memref<632x128xf32, #tpu.memory_space<hbm>>
      tpu.wait_dma2 semaphore(%run_scoped3A : memref<!tpu.dma_semaphore, #tpu.memory_space<semaphore_mem>>) src(%dma_wait3A_314 : memref<632x128xf32, #tpu.memory_space<hbm>>) dst(%dma_wait3A_312 : memref<632x128xf32, #tpu.memory_space<vmem_shared>>)
      tpu.yield
    }) : () -> ()
    %barrier3A = arith.constant 0 : index
    tpu.barrier barrier_id(%barrier3A)
    %dma_start3A = arith.constant 0 : i32
    %dma_start3A_5 = arith.constant 0 : i32
    %dma_start3A_6 = arith.constant 0 : i32
    %dma_start3A_7 = arith.constant 0 : i32
    %dma_start3A_8 = arith.constant 0 : i32
    %dma_start3A_9 = tpu.memref_slice %arg7[%dma_start3A_5, %dma_start3A_7, %dma_start3A_8] : memref<10x2x64xi32, #tpu.memory_space<vmem>> -> memref<1x2x64xi32, #tpu.memory_space<vmem>>
    %dma_start3A_10 = tpu.memref_squeeze %dma_start3A_9 : memref<1x2x64xi32, #tpu.memory_space<vmem>> -> memref<2x64xi32, #tpu.memory_space<vmem>>
    %dma_start3A_11 = arith.constant 0 : i32
    %dma_start3A_12 = arith.constant 0 : i32
    %dma_start3A_13 = tpu.memref_slice %arg3[%add3A, %dma_start3A, %dma_start3A_11, %dma_start3A_12] : memref<32x160x2x64xi32, #tpu.memory_space<hbm>> -> memref<1x1x2x64xi32, #tpu.memory_space<hbm>>
    %dma_start3A_14 = tpu.memref_squeeze %dma_start3A_13 : memref<1x1x2x64xi32, #tpu.memory_space<hbm>> -> memref<2x64xi32, #tpu.memory_space<hbm>>
    %dma_start3A_15 = tpu.memref_slice %arg10[%dma_start3A_6] : memref<10x!tpu.dma_semaphore, #tpu.memory_space<semaphore_mem>> -> memref<1x!tpu.dma_semaphore, #tpu.memory_space<semaphore_mem>>
    %dma_start3A_16 = tpu.memref_squeeze %dma_start3A_15 : memref<1x!tpu.dma_semaphore, #tpu.memory_space<semaphore_mem>> -> memref<!tpu.dma_semaphore, #tpu.memory_space<semaphore_mem>>
    %dma_start3A_17 = arith.constant 0 : i32
    %dma_start3A_18 = arith.constant 0 : i32
    %dma_start3A_19 = tpu.memref_slice %arg7[%dma_start3A_5, %dma_start3A_17, %dma_start3A_18] : memref<10x2x64xi32, #tpu.memory_space<vmem>> -> memref<1x2x64xi32, #tpu.memory_space<vmem>>
    %dma_start3A_20 = tpu.memref_squeeze %dma_start3A_19 : memref<1x2x64xi32, #tpu.memory_space<vmem>> -> memref<2x64xi32, #tpu.memory_space<vmem>>
    %dma_start3A_21 = arith.constant 0 : i32
    %dma_start3A_22 = arith.constant 0 : i32
    %dma_start3A_23 = tpu.memref_slice %arg3[%add3A, %dma_start3A, %dma_start3A_21, %dma_start3A_22] : memref<32x160x2x64xi32, #tpu.memory_space<hbm>> -> memref<1x1x2x64xi32, #tpu.memory_space<hbm>>
    %dma_start3A_24 = tpu.memref_squeeze %dma_start3A_23 : memref<1x1x2x64xi32, #tpu.memory_space<hbm>> -> memref<2x64xi32, #tpu.memory_space<hbm>>
    tpu.enqueue_dma source(%dma_start3A_24 : memref<2x64xi32, #tpu.memory_space<hbm>>) target(%dma_start3A_20 : memref<2x64xi32, #tpu.memory_space<vmem>>) target_semaphore(%dma_start3A_16 : memref<!tpu.dma_semaphore, #tpu.memory_space<semaphore_mem>>)
    %dma_start3A_25 = arith.constant 1 : i32
    %dma_start3A_26 = arith.constant 1 : i32
    %dma_start3A_27 = arith.constant 1 : i32
    %dma_start3A_28 = arith.constant 0 : i32
    %dma_start3A_29 = arith.constant 0 : i32
    %dma_start3A_30 = tpu.memref_slice %arg7[%dma_start3A_26, %dma_start3A_28, %dma_start3A_29] : memref<10x2x64xi32, #tpu.memory_space<vmem>> -> memref<1x2x64xi32, #tpu.memory_space<vmem>>
    %dma_start3A_31 = tpu.memref_squeeze %dma_start3A_30 : memref<1x2x64xi32, #tpu.memory_space<vmem>> -> memref<2x64xi32, #tpu.memory_space<vmem>>
    %dma_start3A_32 = arith.constant 0 : i32
    %dma_start3A_33 = arith.constant 0 : i32
    %dma_start3A_34 = tpu.memref_slice %arg3[%add3A, %dma_start3A_25, %dma_start3A_32, %dma_start3A_33] : memref<32x160x2x64xi32, #tpu.memory_space<hbm>> -> memref<1x1x2x64xi32, #tpu.memory_space<hbm>>
    %dma_start3A_35 = tpu.memref_squeeze %dma_start3A_34 : memref<1x1x2x64xi32, #tpu.memory_space<hbm>> -> memref<2x64xi32, #tpu.memory_space<hbm>>
    %dma_start3A_36 = tpu.memref_slice %arg10[%dma_start3A_27] : memref<10x!tpu.dma_semaphore, #tpu.memory_space<semaphore_mem>> -> memref<1x!tpu.dma_semaphore, #tpu.memory_space<semaphore_mem>>
    %dma_start3A_37 = tpu.memref_squeeze %dma_start3A_36 : memref<1x!tpu.dma_semaphore, #tpu.memory_space<semaphore_mem>> -> memref<!tpu.dma_semaphore, #tpu.memory_space<semaphore_mem>>
    %dma_start3A_38 = arith.constant 0 : i32
    %dma_start3A_39 = arith.constant 0 : i32
    %dma_start3A_40 = tpu.memref_slice %arg7[%dma_start3A_26, %dma_start3A_38, %dma_start3A_39] : memref<10x2x64xi32, #tpu.memory_space<vmem>> -> memref<1x2x64xi32, #tpu.memory_space<vmem>>
    %dma_start3A_41 = tpu.memref_squeeze %dma_start3A_40 : memref<1x2x64xi32, #tpu.memory_space<vmem>> -> memref<2x64xi32, #tpu.memory_space<vmem>>
    %dma_start3A_42 = arith.constant 0 : i32
    %dma_start3A_43 = arith.constant 0 : i32
    %dma_start3A_44 = tpu.memref_slice %arg3[%add3A, %dma_start3A_25, %dma_start3A_42, %dma_start3A_43] : memref<32x160x2x64xi32, #tpu.memory_space<hbm>> -> memref<1x1x2x64xi32, #tpu.memory_space<hbm>>
    %dma_start3A_45 = tpu.memref_squeeze %dma_start3A_44 : memref<1x1x2x64xi32, #tpu.memory_space<hbm>> -> memref<2x64xi32, #tpu.memory_space<hbm>>
    tpu.enqueue_dma source(%dma_start3A_45 : memref<2x64xi32, #tpu.memory_space<hbm>>) target(%dma_start3A_41 : memref<2x64xi32, #tpu.memory_space<vmem>>) target_semaphore(%dma_start3A_37 : memref<!tpu.dma_semaphore, #tpu.memory_space<semaphore_mem>>)
    %dma_start3A_46 = arith.constant 2 : i32
    %dma_start3A_47 = arith.constant 2 : i32
    %dma_start3A_48 = arith.constant 2 : i32
    %dma_start3A_49 = arith.constant 0 : i32
    %dma_start3A_50 = arith.constant 0 : i32
    %dma_start3A_51 = tpu.memref_slice %arg7[%dma_start3A_47, %dma_start3A_49, %dma_start3A_50] : memref<10x2x64xi32, #tpu.memory_space<vmem>> -> memref<1x2x64xi32, #tpu.memory_space<vmem>>
    %dma_start3A_52 = tpu.memref_squeeze %dma_start3A_51 : memref<1x2x64xi32, #tpu.memory_space<vmem>> -> memref<2x64xi32, #tpu.memory_space<vmem>>
    %dma_start3A_53 = arith.constant 0 : i32
    %dma_start3A_54 = arith.constant 0 : i32
    %dma_start3A_55 = tpu.memref_slice %arg3[%add3A, %dma_start3A_46, %dma_start3A_53, %dma_start3A_54] : memref<32x160x2x64xi32, #tpu.memory_space<hbm>> -> memref<1x1x2x64xi32, #tpu.memory_space<hbm>>
    %dma_start3A_56 = tpu.memref_squeeze %dma_start3A_55 : memref<1x1x2x64xi32, #tpu.memory_space<hbm>> -> memref<2x64xi32, #tpu.memory_space<hbm>>
    %dma_start3A_57 = tpu.memref_slice %arg10[%dma_start3A_48] : memref<10x!tpu.dma_semaphore, #tpu.memory_space<semaphore_mem>> -> memref<1x!tpu.dma_semaphore, #tpu.memory_space<semaphore_mem>>
    %dma_start3A_58 = tpu.memref_squeeze %dma_start3A_57 : memref<1x!tpu.dma_semaphore, #tpu.memory_space<semaphore_mem>> -> memref<!tpu.dma_semaphore, #tpu.memory_space<semaphore_mem>>
    %dma_start3A_59 = arith.constant 0 : i32
    %dma_start3A_60 = arith.constant 0 : i32
    %dma_start3A_61 = tpu.memref_slice %arg7[%dma_start3A_47, %dma_start3A_59, %dma_start3A_60] : memref<10x2x64xi32, #tpu.memory_space<vmem>> -> memref<1x2x64xi32, #tpu.memory_space<vmem>>
    %dma_start3A_62 = tpu.memref_squeeze %dma_start3A_61 : memref<1x2x64xi32, #tpu.memory_space<vmem>> -> memref<2x64xi32, #tpu.memory_space<vmem>>
    %dma_start3A_63 = arith.constant 0 : i32
    %dma_start3A_64 = arith.constant 0 : i32
    %dma_start3A_65 = tpu.memref_slice %arg3[%add3A, %dma_start3A_46, %dma_start3A_63, %dma_start3A_64] : memref<32x160x2x64xi32, #tpu.memory_space<hbm>> -> memref<1x1x2x64xi32, #tpu.memory_space<hbm>>
    %dma_start3A_66 = tpu.memref_squeeze %dma_start3A_65 : memref<1x1x2x64xi32, #tpu.memory_space<hbm>> -> memref<2x64xi32, #tpu.memory_space<hbm>>
    tpu.enqueue_dma source(%dma_start3A_66 : memref<2x64xi32, #tpu.memory_space<hbm>>) target(%dma_start3A_62 : memref<2x64xi32, #tpu.memory_space<vmem>>) target_semaphore(%dma_start3A_58 : memref<!tpu.dma_semaphore, #tpu.memory_space<semaphore_mem>>)
    %dma_start3A_67 = arith.constant 3 : i32
    %dma_start3A_68 = arith.constant 3 : i32
    %dma_start3A_69 = arith.constant 3 : i32
    %dma_start3A_70 = arith.constant 0 : i32
    %dma_start3A_71 = arith.constant 0 : i32
    %dma_start3A_72 = tpu.memref_slice %arg7[%dma_start3A_68, %dma_start3A_70, %dma_start3A_71] : memref<10x2x64xi32, #tpu.memory_space<vmem>> -> memref<1x2x64xi32, #tpu.memory_space<vmem>>
    %dma_start3A_73 = tpu.memref_squeeze %dma_start3A_72 : memref<1x2x64xi32, #tpu.memory_space<vmem>> -> memref<2x64xi32, #tpu.memory_space<vmem>>
    %dma_start3A_74 = arith.constant 0 : i32
    %dma_start3A_75 = arith.constant 0 : i32
    %dma_start3A_76 = tpu.memref_slice %arg3[%add3A, %dma_start3A_67, %dma_start3A_74, %dma_start3A_75] : memref<32x160x2x64xi32, #tpu.memory_space<hbm>> -> memref<1x1x2x64xi32, #tpu.memory_space<hbm>>
    %dma_start3A_77 = tpu.memref_squeeze %dma_start3A_76 : memref<1x1x2x64xi32, #tpu.memory_space<hbm>> -> memref<2x64xi32, #tpu.memory_space<hbm>>
    %dma_start3A_78 = tpu.memref_slice %arg10[%dma_start3A_69] : memref<10x!tpu.dma_semaphore, #tpu.memory_space<semaphore_mem>> -> memref<1x!tpu.dma_semaphore, #tpu.memory_space<semaphore_mem>>
    %dma_start3A_79 = tpu.memref_squeeze %dma_start3A_78 : memref<1x!tpu.dma_semaphore, #tpu.memory_space<semaphore_mem>> -> memref<!tpu.dma_semaphore, #tpu.memory_space<semaphore_mem>>
    %dma_start3A_80 = arith.constant 0 : i32
    %dma_start3A_81 = arith.constant 0 : i32
    %dma_start3A_82 = tpu.memref_slice %arg7[%dma_start3A_68, %dma_start3A_80, %dma_start3A_81] : memref<10x2x64xi32, #tpu.memory_space<vmem>> -> memref<1x2x64xi32, #tpu.memory_space<vmem>>
    %dma_start3A_83 = tpu.memref_squeeze %dma_start3A_82 : memref<1x2x64xi32, #tpu.memory_space<vmem>> -> memref<2x64xi32, #tpu.memory_space<vmem>>
    %dma_start3A_84 = arith.constant 0 : i32
    %dma_start3A_85 = arith.constant 0 : i32
    %dma_start3A_86 = tpu.memref_slice %arg3[%add3A, %dma_start3A_67, %dma_start3A_84, %dma_start3A_85] : memref<32x160x2x64xi32, #tpu.memory_space<hbm>> -> memref<1x1x2x64xi32, #tpu.memory_space<hbm>>
    %dma_start3A_87 = tpu.memref_squeeze %dma_start3A_86 : memref<1x1x2x64xi32, #tpu.memory_space<hbm>> -> memref<2x64xi32, #tpu.memory_space<hbm>>
    tpu.enqueue_dma source(%dma_start3A_87 : memref<2x64xi32, #tpu.memory_space<hbm>>) target(%dma_start3A_83 : memref<2x64xi32, #tpu.memory_space<vmem>>) target_semaphore(%dma_start3A_79 : memref<!tpu.dma_semaphore, #tpu.memory_space<semaphore_mem>>)
    %dma_start3A_88 = arith.constant 4 : i32
    %dma_start3A_89 = arith.constant 4 : i32
    %dma_start3A_90 = arith.constant 4 : i32
    %dma_start3A_91 = arith.constant 0 : i32
    %dma_start3A_92 = arith.constant 0 : i32
    %dma_start3A_93 = tpu.memref_slice %arg7[%dma_start3A_89, %dma_start3A_91, %dma_start3A_92] : memref<10x2x64xi32, #tpu.memory_space<vmem>> -> memref<1x2x64xi32, #tpu.memory_space<vmem>>
    %dma_start3A_94 = tpu.memref_squeeze %dma_start3A_93 : memref<1x2x64xi32, #tpu.memory_space<vmem>> -> memref<2x64xi32, #tpu.memory_space<vmem>>
    %dma_start3A_95 = arith.constant 0 : i32
    %dma_start3A_96 = arith.constant 0 : i32
    %dma_start3A_97 = tpu.memref_slice %arg3[%add3A, %dma_start3A_88, %dma_start3A_95, %dma_start3A_96] : memref<32x160x2x64xi32, #tpu.memory_space<hbm>> -> memref<1x1x2x64xi32, #tpu.memory_space<hbm>>
    %dma_start3A_98 = tpu.memref_squeeze %dma_start3A_97 : memref<1x1x2x64xi32, #tpu.memory_space<hbm>> -> memref<2x64xi32, #tpu.memory_space<hbm>>
    %dma_start3A_99 = tpu.memref_slice %arg10[%dma_start3A_90] : memref<10x!tpu.dma_semaphore, #tpu.memory_space<semaphore_mem>> -> memref<1x!tpu.dma_semaphore, #tpu.memory_space<semaphore_mem>>
    %dma_start3A_100 = tpu.memref_squeeze %dma_start3A_99 : memref<1x!tpu.dma_semaphore, #tpu.memory_space<semaphore_mem>> -> memref<!tpu.dma_semaphore, #tpu.memory_space<semaphore_mem>>
    %dma_start3A_101 = arith.constant 0 : i32
    %dma_start3A_102 = arith.constant 0 : i32
    %dma_start3A_103 = tpu.memref_slice %arg7[%dma_start3A_89, %dma_start3A_101, %dma_start3A_102] : memref<10x2x64xi32, #tpu.memory_space<vmem>> -> memref<1x2x64xi32, #tpu.memory_space<vmem>>
    %dma_start3A_104 = tpu.memref_squeeze %dma_start3A_103 : memref<1x2x64xi32, #tpu.memory_space<vmem>> -> memref<2x64xi32, #tpu.memory_space<vmem>>
    %dma_start3A_105 = arith.constant 0 : i32
    %dma_start3A_106 = arith.constant 0 : i32
    %dma_start3A_107 = tpu.memref_slice %arg3[%add3A, %dma_start3A_88, %dma_start3A_105, %dma_start3A_106] : memref<32x160x2x64xi32, #tpu.memory_space<hbm>> -> memref<1x1x2x64xi32, #tpu.memory_space<hbm>>
    %dma_start3A_108 = tpu.memref_squeeze %dma_start3A_107 : memref<1x1x2x64xi32, #tpu.memory_space<hbm>> -> memref<2x64xi32, #tpu.memory_space<hbm>>
    tpu.enqueue_dma source(%dma_start3A_108 : memref<2x64xi32, #tpu.memory_space<hbm>>) target(%dma_start3A_104 : memref<2x64xi32, #tpu.memory_space<vmem>>) target_semaphore(%dma_start3A_100 : memref<!tpu.dma_semaphore, #tpu.memory_space<semaphore_mem>>)
    %dma_wait3A = arith.constant 0 : i32
    %dma_wait3A_109 = arith.constant 0 : i32
    %dma_wait3A_110 = arith.constant 0 : i32
    %dma_wait3A_111 = arith.constant 0 : i32
    %dma_wait3A_112 = arith.constant 0 : i32
    %dma_wait3A_113 = tpu.memref_slice %arg7[%dma_wait3A_109, %dma_wait3A_111, %dma_wait3A_112] : memref<10x2x64xi32, #tpu.memory_space<vmem>> -> memref<1x2x64xi32, #tpu.memory_space<vmem>>
    %dma_wait3A_114 = tpu.memref_squeeze %dma_wait3A_113 : memref<1x2x64xi32, #tpu.memory_space<vmem>> -> memref<2x64xi32, #tpu.memory_space<vmem>>
    %dma_wait3A_115 = arith.constant 0 : i32
    %dma_wait3A_116 = arith.constant 0 : i32
    %dma_wait3A_117 = tpu.memref_slice %arg3[%add3A, %dma_wait3A, %dma_wait3A_115, %dma_wait3A_116] : memref<32x160x2x64xi32, #tpu.memory_space<hbm>> -> memref<1x1x2x64xi32, #tpu.memory_space<hbm>>
    %dma_wait3A_118 = tpu.memref_squeeze %dma_wait3A_117 : memref<1x1x2x64xi32, #tpu.memory_space<hbm>> -> memref<2x64xi32, #tpu.memory_space<hbm>>
    %dma_wait3A_119 = tpu.memref_slice %arg10[%dma_wait3A_110] : memref<10x!tpu.dma_semaphore, #tpu.memory_space<semaphore_mem>> -> memref<1x!tpu.dma_semaphore, #tpu.memory_space<semaphore_mem>>
    %dma_wait3A_120 = tpu.memref_squeeze %dma_wait3A_119 : memref<1x!tpu.dma_semaphore, #tpu.memory_space<semaphore_mem>> -> memref<!tpu.dma_semaphore, #tpu.memory_space<semaphore_mem>>
    %dma_wait3A_121 = arith.constant 0 : i32
    %dma_wait3A_122 = arith.constant 0 : i32
    %dma_wait3A_123 = tpu.memref_slice %arg7[%dma_wait3A_109, %dma_wait3A_121, %dma_wait3A_122] : memref<10x2x64xi32, #tpu.memory_space<vmem>> -> memref<1x2x64xi32, #tpu.memory_space<vmem>>
    %dma_wait3A_124 = tpu.memref_squeeze %dma_wait3A_123 : memref<1x2x64xi32, #tpu.memory_space<vmem>> -> memref<2x64xi32, #tpu.memory_space<vmem>>
    %dma_wait3A_125 = arith.constant 0 : i32
    %dma_wait3A_126 = arith.constant 0 : i32
    %dma_wait3A_127 = tpu.memref_slice %arg3[%add3A, %dma_wait3A, %dma_wait3A_125, %dma_wait3A_126] : memref<32x160x2x64xi32, #tpu.memory_space<hbm>> -> memref<1x1x2x64xi32, #tpu.memory_space<hbm>>
    %dma_wait3A_128 = tpu.memref_squeeze %dma_wait3A_127 : memref<1x1x2x64xi32, #tpu.memory_space<hbm>> -> memref<2x64xi32, #tpu.memory_space<hbm>>
    tpu.wait_dma2 semaphore(%dma_wait3A_120 : memref<!tpu.dma_semaphore, #tpu.memory_space<semaphore_mem>>) src(%dma_wait3A_128 : memref<2x64xi32, #tpu.memory_space<hbm>>) dst(%dma_wait3A_124 : memref<2x64xi32, #tpu.memory_space<vmem>>)
    %dma_start3A_129 = arith.constant 0 : i32
    %dma_start3A_130 = arith.constant 0 : i32
    %dma_start3A_131 = arith.constant 0 : i32
    %dma_start3A_132 = arith.constant 0 : i32
    %dma_start3A_133 = arith.constant 0 : i32
    %dma_start3A_134 = arith.constant 0 : i32
    %dma_start3A_135 = tpu.memref_slice %arg8[%dma_start3A_131, %dma_start3A_133, %dma_start3A_134] : memref<5x64x128xf32, #tpu.memory_space<vmem>> -> memref<1x64x128xf32, #tpu.memory_space<vmem>>
    %dma_start3A_136 = tpu.memref_squeeze %dma_start3A_135 : memref<1x64x128xf32, #tpu.memory_space<vmem>> -> memref<64x128xf32, #tpu.memory_space<vmem>>
    %dma_start3A_137 = arith.constant 0 : i32
    %dma_start3A_138 = tpu.memref_slice %arg7[%dma_start3A_129, %dma_start3A_130, %dma_start3A_137] : memref<10x2x64xi32, #tpu.memory_space<vmem>> -> memref<1x1x64xi32, #tpu.memory_space<vmem>>
    %dma_start3A_139 = tpu.memref_squeeze %dma_start3A_138 : memref<1x1x64xi32, #tpu.memory_space<vmem>> -> memref<64xi32, #tpu.memory_space<vmem>>
    %dma_start3A_140 = arith.constant 0 : i32
    %dma_start3A_141 = arith.constant 0 : i32
    %dma_start3A_142 = tpu.memref_slice %arg2[%dma_start3A_140, %dma_start3A_141] : memref<10000x128xf32, #tpu.memory_space<hbm>> -> memref<10000x128xf32, #tpu.memory_space<hbm>>
    %dma_start3A_143 = tpu.memref_slice %arg11[%dma_start3A_132] : memref<5x!tpu.dma_semaphore, #tpu.memory_space<semaphore_mem>> -> memref<1x!tpu.dma_semaphore, #tpu.memory_space<semaphore_mem>>
    %dma_start3A_144 = tpu.memref_squeeze %dma_start3A_143 : memref<1x!tpu.dma_semaphore, #tpu.memory_space<semaphore_mem>> -> memref<!tpu.dma_semaphore, #tpu.memory_space<semaphore_mem>>
    tpu.enqueue_indirect_dma source(%dma_start3A_142 : memref<10000x128xf32, #tpu.memory_space<hbm>>) target(%dma_start3A_136 : memref<64x128xf32, #tpu.memory_space<vmem>>) offsets(%dma_start3A_139 : memref<64xi32, #tpu.memory_space<vmem>>) semaphore(%dma_start3A_144 : memref<!tpu.dma_semaphore, #tpu.memory_space<semaphore_mem>>)
    %dma_wait3A_145 = arith.constant 1 : i32
    %dma_wait3A_146 = arith.constant 1 : i32
    %dma_wait3A_147 = arith.constant 1 : i32
    %dma_wait3A_148 = arith.constant 0 : i32
    %dma_wait3A_149 = arith.constant 0 : i32
    %dma_wait3A_150 = tpu.memref_slice %arg7[%dma_wait3A_146, %dma_wait3A_148, %dma_wait3A_149] : memref<10x2x64xi32, #tpu.memory_space<vmem>> -> memref<1x2x64xi32, #tpu.memory_space<vmem>>
    %dma_wait3A_151 = tpu.memref_squeeze %dma_wait3A_150 : memref<1x2x64xi32, #tpu.memory_space<vmem>> -> memref<2x64xi32, #tpu.memory_space<vmem>>
    %dma_wait3A_152 = arith.constant 0 : i32
    %dma_wait3A_153 = arith.constant 0 : i32
    %dma_wait3A_154 = tpu.memref_slice %arg3[%add3A, %dma_wait3A_145, %dma_wait3A_152, %dma_wait3A_153] : memref<32x160x2x64xi32, #tpu.memory_space<hbm>> -> memref<1x1x2x64xi32, #tpu.memory_space<hbm>>
    %dma_wait3A_155 = tpu.memref_squeeze %dma_wait3A_154 : memref<1x1x2x64xi32, #tpu.memory_space<hbm>> -> memref<2x64xi32, #tpu.memory_space<hbm>>
    %dma_wait3A_156 = tpu.memref_slice %arg10[%dma_wait3A_147] : memref<10x!tpu.dma_semaphore, #tpu.memory_space<semaphore_mem>> -> memref<1x!tpu.dma_semaphore, #tpu.memory_space<semaphore_mem>>
    %dma_wait3A_157 = tpu.memref_squeeze %dma_wait3A_156 : memref<1x!tpu.dma_semaphore, #tpu.memory_space<semaphore_mem>> -> memref<!tpu.dma_semaphore, #tpu.memory_space<semaphore_mem>>
    %dma_wait3A_158 = arith.constant 0 : i32
    %dma_wait3A_159 = arith.constant 0 : i32
    %dma_wait3A_160 = tpu.memref_slice %arg7[%dma_wait3A_146, %dma_wait3A_158, %dma_wait3A_159] : memref<10x2x64xi32, #tpu.memory_space<vmem>> -> memref<1x2x64xi32, #tpu.memory_space<vmem>>
    %dma_wait3A_161 = tpu.memref_squeeze %dma_wait3A_160 : memref<1x2x64xi32, #tpu.memory_space<vmem>> -> memref<2x64xi32, #tpu.memory_space<vmem>>
    %dma_wait3A_162 = arith.constant 0 : i32
    %dma_wait3A_163 = arith.constant 0 : i32
    %dma_wait3A_164 = tpu.memref_slice %arg3[%add3A, %dma_wait3A_145, %dma_wait3A_162, %dma_wait3A_163] : memref<32x160x2x64xi32, #tpu.memory_space<hbm>> -> memref<1x1x2x64xi32, #tpu.memory_space<hbm>>
    %dma_wait3A_165 = tpu.memref_squeeze %dma_wait3A_164 : memref<1x1x2x64xi32, #tpu.memory_space<hbm>> -> memref<2x64xi32, #tpu.memory_space<hbm>>
    tpu.wait_dma2 semaphore(%dma_wait3A_157 : memref<!tpu.dma_semaphore, #tpu.memory_space<semaphore_mem>>) src(%dma_wait3A_165 : memref<2x64xi32, #tpu.memory_space<hbm>>) dst(%dma_wait3A_161 : memref<2x64xi32, #tpu.memory_space<vmem>>)
    %dma_start3A_166 = arith.constant 1 : i32
    %dma_start3A_167 = arith.constant 0 : i32
    %dma_start3A_168 = arith.constant 1 : i32
    %dma_start3A_169 = arith.constant 1 : i32
    %dma_start3A_170 = arith.constant 0 : i32
    %dma_start3A_171 = arith.constant 0 : i32
    %dma_start3A_172 = tpu.memref_slice %arg8[%dma_start3A_168, %dma_start3A_170, %dma_start3A_171] : memref<5x64x128xf32, #tpu.memory_space<vmem>> -> memref<1x64x128xf32, #tpu.memory_space<vmem>>
    %dma_start3A_173 = tpu.memref_squeeze %dma_start3A_172 : memref<1x64x128xf32, #tpu.memory_space<vmem>> -> memref<64x128xf32, #tpu.memory_space<vmem>>
    %dma_start3A_174 = arith.constant 0 : i32
    %dma_start3A_175 = tpu.memref_slice %arg7[%dma_start3A_166, %dma_start3A_167, %dma_start3A_174] : memref<10x2x64xi32, #tpu.memory_space<vmem>> -> memref<1x1x64xi32, #tpu.memory_space<vmem>>
    %dma_start3A_176 = tpu.memref_squeeze %dma_start3A_175 : memref<1x1x64xi32, #tpu.memory_space<vmem>> -> memref<64xi32, #tpu.memory_space<vmem>>
    %dma_start3A_177 = arith.constant 0 : i32
    %dma_start3A_178 = arith.constant 0 : i32
    %dma_start3A_179 = tpu.memref_slice %arg2[%dma_start3A_177, %dma_start3A_178] : memref<10000x128xf32, #tpu.memory_space<hbm>> -> memref<10000x128xf32, #tpu.memory_space<hbm>>
    %dma_start3A_180 = tpu.memref_slice %arg11[%dma_start3A_169] : memref<5x!tpu.dma_semaphore, #tpu.memory_space<semaphore_mem>> -> memref<1x!tpu.dma_semaphore, #tpu.memory_space<semaphore_mem>>
    %dma_start3A_181 = tpu.memref_squeeze %dma_start3A_180 : memref<1x!tpu.dma_semaphore, #tpu.memory_space<semaphore_mem>> -> memref<!tpu.dma_semaphore, #tpu.memory_space<semaphore_mem>>
    tpu.enqueue_indirect_dma source(%dma_start3A_179 : memref<10000x128xf32, #tpu.memory_space<hbm>>) target(%dma_start3A_173 : memref<64x128xf32, #tpu.memory_space<vmem>>) offsets(%dma_start3A_176 : memref<64xi32, #tpu.memory_space<vmem>>) semaphore(%dma_start3A_181 : memref<!tpu.dma_semaphore, #tpu.memory_space<semaphore_mem>>)
    %dma_wait3A_182 = arith.constant 2 : i32
    %dma_wait3A_183 = arith.constant 2 : i32
    %dma_wait3A_184 = arith.constant 2 : i32
    %dma_wait3A_185 = arith.constant 0 : i32
    %dma_wait3A_186 = arith.constant 0 : i32
    %dma_wait3A_187 = tpu.memref_slice %arg7[%dma_wait3A_183, %dma_wait3A_185, %dma_wait3A_186] : memref<10x2x64xi32, #tpu.memory_space<vmem>> -> memref<1x2x64xi32, #tpu.memory_space<vmem>>
    %dma_wait3A_188 = tpu.memref_squeeze %dma_wait3A_187 : memref<1x2x64xi32, #tpu.memory_space<vmem>> -> memref<2x64xi32, #tpu.memory_space<vmem>>
    %dma_wait3A_189 = arith.constant 0 : i32
    %dma_wait3A_190 = arith.constant 0 : i32
    %dma_wait3A_191 = tpu.memref_slice %arg3[%add3A, %dma_wait3A_182, %dma_wait3A_189, %dma_wait3A_190] : memref<32x160x2x64xi32, #tpu.memory_space<hbm>> -> memref<1x1x2x64xi32, #tpu.memory_space<hbm>>
    %dma_wait3A_192 = tpu.memref_squeeze %dma_wait3A_191 : memref<1x1x2x64xi32, #tpu.memory_space<hbm>> -> memref<2x64xi32, #tpu.memory_space<hbm>>
    %dma_wait3A_193 = tpu.memref_slice %arg10[%dma_wait3A_184] : memref<10x!tpu.dma_semaphore, #tpu.memory_space<semaphore_mem>> -> memref<1x!tpu.dma_semaphore, #tpu.memory_space<semaphore_mem>>
    %dma_wait3A_194 = tpu.memref_squeeze %dma_wait3A_193 : memref<1x!tpu.dma_semaphore, #tpu.memory_space<semaphore_mem>> -> memref<!tpu.dma_semaphore, #tpu.memory_space<semaphore_mem>>
    %dma_wait3A_195 = arith.constant 0 : i32
    %dma_wait3A_196 = arith.constant 0 : i32
    %dma_wait3A_197 = tpu.memref_slice %arg7[%dma_wait3A_183, %dma_wait3A_195, %dma_wait3A_196] : memref<10x2x64xi32, #tpu.memory_space<vmem>> -> memref<1x2x64xi32, #tpu.memory_space<vmem>>
    %dma_wait3A_198 = tpu.memref_squeeze %dma_wait3A_197 : memref<1x2x64xi32, #tpu.memory_space<vmem>> -> memref<2x64xi32, #tpu.memory_space<vmem>>
    %dma_wait3A_199 = arith.constant 0 : i32
    %dma_wait3A_200 = arith.constant 0 : i32
    %dma_wait3A_201 = tpu.memref_slice %arg3[%add3A, %dma_wait3A_182, %dma_wait3A_199, %dma_wait3A_200] : memref<32x160x2x64xi32, #tpu.memory_space<hbm>> -> memref<1x1x2x64xi32, #tpu.memory_space<hbm>>
    %dma_wait3A_202 = tpu.memref_squeeze %dma_wait3A_201 : memref<1x1x2x64xi32, #tpu.memory_space<hbm>> -> memref<2x64xi32, #tpu.memory_space<hbm>>
    tpu.wait_dma2 semaphore(%dma_wait3A_194 : memref<!tpu.dma_semaphore, #tpu.memory_space<semaphore_mem>>) src(%dma_wait3A_202 : memref<2x64xi32, #tpu.memory_space<hbm>>) dst(%dma_wait3A_198 : memref<2x64xi32, #tpu.memory_space<vmem>>)
    %dma_start3A_203 = arith.constant 2 : i32
    %dma_start3A_204 = arith.constant 0 : i32
    %dma_start3A_205 = arith.constant 2 : i32
    %dma_start3A_206 = arith.constant 2 : i32
    %dma_start3A_207 = arith.constant 0 : i32
    %dma_start3A_208 = arith.constant 0 : i32
    %dma_start3A_209 = tpu.memref_slice %arg8[%dma_start3A_205, %dma_start3A_207, %dma_start3A_208] : memref<5x64x128xf32, #tpu.memory_space<vmem>> -> memref<1x64x128xf32, #tpu.memory_space<vmem>>
    %dma_start3A_210 = tpu.memref_squeeze %dma_start3A_209 : memref<1x64x128xf32, #tpu.memory_space<vmem>> -> memref<64x128xf32, #tpu.memory_space<vmem>>
    %dma_start3A_211 = arith.constant 0 : i32
    %dma_start3A_212 = tpu.memref_slice %arg7[%dma_start3A_203, %dma_start3A_204, %dma_start3A_211] : memref<10x2x64xi32, #tpu.memory_space<vmem>> -> memref<1x1x64xi32, #tpu.memory_space<vmem>>
    %dma_start3A_213 = tpu.memref_squeeze %dma_start3A_212 : memref<1x1x64xi32, #tpu.memory_space<vmem>> -> memref<64xi32, #tpu.memory_space<vmem>>
    %dma_start3A_214 = arith.constant 0 : i32
    %dma_start3A_215 = arith.constant 0 : i32
    %dma_start3A_216 = tpu.memref_slice %arg2[%dma_start3A_214, %dma_start3A_215] : memref<10000x128xf32, #tpu.memory_space<hbm>> -> memref<10000x128xf32, #tpu.memory_space<hbm>>
    %dma_start3A_217 = tpu.memref_slice %arg11[%dma_start3A_206] : memref<5x!tpu.dma_semaphore, #tpu.memory_space<semaphore_mem>> -> memref<1x!tpu.dma_semaphore, #tpu.memory_space<semaphore_mem>>
    %dma_start3A_218 = tpu.memref_squeeze %dma_start3A_217 : memref<1x!tpu.dma_semaphore, #tpu.memory_space<semaphore_mem>> -> memref<!tpu.dma_semaphore, #tpu.memory_space<semaphore_mem>>
    tpu.enqueue_indirect_dma source(%dma_start3A_216 : memref<10000x128xf32, #tpu.memory_space<hbm>>) target(%dma_start3A_210 : memref<64x128xf32, #tpu.memory_space<vmem>>) offsets(%dma_start3A_213 : memref<64xi32, #tpu.memory_space<vmem>>) semaphore(%dma_start3A_218 : memref<!tpu.dma_semaphore, #tpu.memory_space<semaphore_mem>>)
    %dma_wait3A_219 = arith.constant 3 : i32
    %dma_wait3A_220 = arith.constant 3 : i32
    %dma_wait3A_221 = arith.constant 3 : i32
    %dma_wait3A_222 = arith.constant 0 : i32
    %dma_wait3A_223 = arith.constant 0 : i32
    %dma_wait3A_224 = tpu.memref_slice %arg7[%dma_wait3A_220, %dma_wait3A_222, %dma_wait3A_223] : memref<10x2x64xi32, #tpu.memory_space<vmem>> -> memref<1x2x64xi32, #tpu.memory_space<vmem>>
    %dma_wait3A_225 = tpu.memref_squeeze %dma_wait3A_224 : memref<1x2x64xi32, #tpu.memory_space<vmem>> -> memref<2x64xi32, #tpu.memory_space<vmem>>
    %dma_wait3A_226 = arith.constant 0 : i32
    %dma_wait3A_227 = arith.constant 0 : i32
    %dma_wait3A_228 = tpu.memref_slice %arg3[%add3A, %dma_wait3A_219, %dma_wait3A_226, %dma_wait3A_227] : memref<32x160x2x64xi32, #tpu.memory_space<hbm>> -> memref<1x1x2x64xi32, #tpu.memory_space<hbm>>
    %dma_wait3A_229 = tpu.memref_squeeze %dma_wait3A_228 : memref<1x1x2x64xi32, #tpu.memory_space<hbm>> -> memref<2x64xi32, #tpu.memory_space<hbm>>
    %dma_wait3A_230 = tpu.memref_slice %arg10[%dma_wait3A_221] : memref<10x!tpu.dma_semaphore, #tpu.memory_space<semaphore_mem>> -> memref<1x!tpu.dma_semaphore, #tpu.memory_space<semaphore_mem>>
    %dma_wait3A_231 = tpu.memref_squeeze %dma_wait3A_230 : memref<1x!tpu.dma_semaphore, #tpu.memory_space<semaphore_mem>> -> memref<!tpu.dma_semaphore, #tpu.memory_space<semaphore_mem>>
    %dma_wait3A_232 = arith.constant 0 : i32
    %dma_wait3A_233 = arith.constant 0 : i32
    %dma_wait3A_234 = tpu.memref_slice %arg7[%dma_wait3A_220, %dma_wait3A_232, %dma_wait3A_233] : memref<10x2x64xi32, #tpu.memory_space<vmem>> -> memref<1x2x64xi32, #tpu.memory_space<vmem>>
    %dma_wait3A_235 = tpu.memref_squeeze %dma_wait3A_234 : memref<1x2x64xi32, #tpu.memory_space<vmem>> -> memref<2x64xi32, #tpu.memory_space<vmem>>
    %dma_wait3A_236 = arith.constant 0 : i32
    %dma_wait3A_237 = arith.constant 0 : i32
    %dma_wait3A_238 = tpu.memref_slice %arg3[%add3A, %dma_wait3A_219, %dma_wait3A_236, %dma_wait3A_237] : memref<32x160x2x64xi32, #tpu.memory_space<hbm>> -> memref<1x1x2x64xi32, #tpu.memory_space<hbm>>
    %dma_wait3A_239 = tpu.memref_squeeze %dma_wait3A_238 : memref<1x1x2x64xi32, #tpu.memory_space<hbm>> -> memref<2x64xi32, #tpu.memory_space<hbm>>
    tpu.wait_dma2 semaphore(%dma_wait3A_231 : memref<!tpu.dma_semaphore, #tpu.memory_space<semaphore_mem>>) src(%dma_wait3A_239 : memref<2x64xi32, #tpu.memory_space<hbm>>) dst(%dma_wait3A_235 : memref<2x64xi32, #tpu.memory_space<vmem>>)
    %dma_start3A_240 = arith.constant 3 : i32
    %dma_start3A_241 = arith.constant 0 : i32
    %dma_start3A_242 = arith.constant 3 : i32
    %dma_start3A_243 = arith.constant 3 : i32
    %dma_start3A_244 = arith.constant 0 : i32
    %dma_start3A_245 = arith.constant 0 : i32
    %dma_start3A_246 = tpu.memref_slice %arg8[%dma_start3A_242, %dma_start3A_244, %dma_start3A_245] : memref<5x64x128xf32, #tpu.memory_space<vmem>> -> memref<1x64x128xf32, #tpu.memory_space<vmem>>
    %dma_start3A_247 = tpu.memref_squeeze %dma_start3A_246 : memref<1x64x128xf32, #tpu.memory_space<vmem>> -> memref<64x128xf32, #tpu.memory_space<vmem>>
    %dma_start3A_248 = arith.constant 0 : i32
    %dma_start3A_249 = tpu.memref_slice %arg7[%dma_start3A_240, %dma_start3A_241, %dma_start3A_248] : memref<10x2x64xi32, #tpu.memory_space<vmem>> -> memref<1x1x64xi32, #tpu.memory_space<vmem>>
    %dma_start3A_250 = tpu.memref_squeeze %dma_start3A_249 : memref<1x1x64xi32, #tpu.memory_space<vmem>> -> memref<64xi32, #tpu.memory_space<vmem>>
    %dma_start3A_251 = arith.constant 0 : i32
    %dma_start3A_252 = arith.constant 0 : i32
    %dma_start3A_253 = tpu.memref_slice %arg2[%dma_start3A_251, %dma_start3A_252] : memref<10000x128xf32, #tpu.memory_space<hbm>> -> memref<10000x128xf32, #tpu.memory_space<hbm>>
    %dma_start3A_254 = tpu.memref_slice %arg11[%dma_start3A_243] : memref<5x!tpu.dma_semaphore, #tpu.memory_space<semaphore_mem>> -> memref<1x!tpu.dma_semaphore, #tpu.memory_space<semaphore_mem>>
    %dma_start3A_255 = tpu.memref_squeeze %dma_start3A_254 : memref<1x!tpu.dma_semaphore, #tpu.memory_space<semaphore_mem>> -> memref<!tpu.dma_semaphore, #tpu.memory_space<semaphore_mem>>
    tpu.enqueue_indirect_dma source(%dma_start3A_253 : memref<10000x128xf32, #tpu.memory_space<hbm>>) target(%dma_start3A_247 : memref<64x128xf32, #tpu.memory_space<vmem>>) offsets(%dma_start3A_250 : memref<64xi32, #tpu.memory_space<vmem>>) semaphore(%dma_start3A_255 : memref<!tpu.dma_semaphore, #tpu.memory_space<semaphore_mem>>)
    %dma_wait3A_256 = arith.constant 4 : i32
    %dma_wait3A_257 = arith.constant 4 : i32
    %dma_wait3A_258 = arith.constant 4 : i32
    %dma_wait3A_259 = arith.constant 0 : i32
    %dma_wait3A_260 = arith.constant 0 : i32
    %dma_wait3A_261 = tpu.memref_slice %arg7[%dma_wait3A_257, %dma_wait3A_259, %dma_wait3A_260] : memref<10x2x64xi32, #tpu.memory_space<vmem>> -> memref<1x2x64xi32, #tpu.memory_space<vmem>>
    %dma_wait3A_262 = tpu.memref_squeeze %dma_wait3A_261 : memref<1x2x64xi32, #tpu.memory_space<vmem>> -> memref<2x64xi32, #tpu.memory_space<vmem>>
    %dma_wait3A_263 = arith.constant 0 : i32
    %dma_wait3A_264 = arith.constant 0 : i32
    %dma_wait3A_265 = tpu.memref_slice %arg3[%add3A, %dma_wait3A_256, %dma_wait3A_263, %dma_wait3A_264] : memref<32x160x2x64xi32, #tpu.memory_space<hbm>> -> memref<1x1x2x64xi32, #tpu.memory_space<hbm>>
    %dma_wait3A_266 = tpu.memref_squeeze %dma_wait3A_265 : memref<1x1x2x64xi32, #tpu.memory_space<hbm>> -> memref<2x64xi32, #tpu.memory_space<hbm>>
    %dma_wait3A_267 = tpu.memref_slice %arg10[%dma_wait3A_258] : memref<10x!tpu.dma_semaphore, #tpu.memory_space<semaphore_mem>> -> memref<1x!tpu.dma_semaphore, #tpu.memory_space<semaphore_mem>>
    %dma_wait3A_268 = tpu.memref_squeeze %dma_wait3A_267 : memref<1x!tpu.dma_semaphore, #tpu.memory_space<semaphore_mem>> -> memref<!tpu.dma_semaphore, #tpu.memory_space<semaphore_mem>>
    %dma_wait3A_269 = arith.constant 0 : i32
    %dma_wait3A_270 = arith.constant 0 : i32
    %dma_wait3A_271 = tpu.memref_slice %arg7[%dma_wait3A_257, %dma_wait3A_269, %dma_wait3A_270] : memref<10x2x64xi32, #tpu.memory_space<vmem>> -> memref<1x2x64xi32, #tpu.memory_space<vmem>>
    %dma_wait3A_272 = tpu.memref_squeeze %dma_wait3A_271 : memref<1x2x64xi32, #tpu.memory_space<vmem>> -> memref<2x64xi32, #tpu.memory_space<vmem>>
    %dma_wait3A_273 = arith.constant 0 : i32
    %dma_wait3A_274 = arith.constant 0 : i32
    %dma_wait3A_275 = tpu.memref_slice %arg3[%add3A, %dma_wait3A_256, %dma_wait3A_273, %dma_wait3A_274] : memref<32x160x2x64xi32, #tpu.memory_space<hbm>> -> memref<1x1x2x64xi32, #tpu.memory_space<hbm>>
    %dma_wait3A_276 = tpu.memref_squeeze %dma_wait3A_275 : memref<1x1x2x64xi32, #tpu.memory_space<hbm>> -> memref<2x64xi32, #tpu.memory_space<hbm>>
    tpu.wait_dma2 semaphore(%dma_wait3A_268 : memref<!tpu.dma_semaphore, #tpu.memory_space<semaphore_mem>>) src(%dma_wait3A_276 : memref<2x64xi32, #tpu.memory_space<hbm>>) dst(%dma_wait3A_272 : memref<2x64xi32, #tpu.memory_space<vmem>>)
    %dma_start3A_277 = arith.constant 4 : i32
    %dma_start3A_278 = arith.constant 0 : i32
    %dma_start3A_279 = arith.constant 4 : i32
    %dma_start3A_280 = arith.constant 4 : i32
    %dma_start3A_281 = arith.constant 0 : i32
    %dma_start3A_282 = arith.constant 0 : i32
    %dma_start3A_283 = tpu.memref_slice %arg8[%dma_start3A_279, %dma_start3A_281, %dma_start3A_282] : memref<5x64x128xf32, #tpu.memory_space<vmem>> -> memref<1x64x128xf32, #tpu.memory_space<vmem>>
    %dma_start3A_284 = tpu.memref_squeeze %dma_start3A_283 : memref<1x64x128xf32, #tpu.memory_space<vmem>> -> memref<64x128xf32, #tpu.memory_space<vmem>>
    %dma_start3A_285 = arith.constant 0 : i32
    %dma_start3A_286 = tpu.memref_slice %arg7[%dma_start3A_277, %dma_start3A_278, %dma_start3A_285] : memref<10x2x64xi32, #tpu.memory_space<vmem>> -> memref<1x1x64xi32, #tpu.memory_space<vmem>>
    %dma_start3A_287 = tpu.memref_squeeze %dma_start3A_286 : memref<1x1x64xi32, #tpu.memory_space<vmem>> -> memref<64xi32, #tpu.memory_space<vmem>>
    %dma_start3A_288 = arith.constant 0 : i32
    %dma_start3A_289 = arith.constant 0 : i32
    %dma_start3A_290 = tpu.memref_slice %arg2[%dma_start3A_288, %dma_start3A_289] : memref<10000x128xf32, #tpu.memory_space<hbm>> -> memref<10000x128xf32, #tpu.memory_space<hbm>>
    %dma_start3A_291 = tpu.memref_slice %arg11[%dma_start3A_280] : memref<5x!tpu.dma_semaphore, #tpu.memory_space<semaphore_mem>> -> memref<1x!tpu.dma_semaphore, #tpu.memory_space<semaphore_mem>>
    %dma_start3A_292 = tpu.memref_squeeze %dma_start3A_291 : memref<1x!tpu.dma_semaphore, #tpu.memory_space<semaphore_mem>> -> memref<!tpu.dma_semaphore, #tpu.memory_space<semaphore_mem>>
    tpu.enqueue_indirect_dma source(%dma_start3A_290 : memref<10000x128xf32, #tpu.memory_space<hbm>>) target(%dma_start3A_284 : memref<64x128xf32, #tpu.memory_space<vmem>>) offsets(%dma_start3A_287 : memref<64xi32, #tpu.memory_space<vmem>>) semaphore(%dma_start3A_292 : memref<!tpu.dma_semaphore, #tpu.memory_space<semaphore_mem>>)
    %scan3A = arith.constant 0 : i32
    %scan3A_293 = arith.constant 32 : i32
    %scan3A_294 = arith.addi %scan3A, %scan3A_293 : i32
    %scan3A_295 = arith.constant 1 : i32
    scf.for %scan3A_307 = %scan3A to %scan3A_294 step %scan3A_295  : i32 {
      %mul3A_308 = arith.constant 5 : i32
      %mul3A_309 = arith.muli %scan3A_307, %mul3A_308 : i32
      %add3A_310 = arith.constant 0 : i32
      %add3A_311 = arith.addi %add3A_310, %mul3A_309 : i32
      %jit3A = arith.constant 5 : i32
      %div3A = arith.divsi %add3A_311, %jit3A : i32
      %sign3A = arith.constant 0 : i32
      %sign3A_312 = arith.cmpi sgt, %add3A_311, %sign3A : i32
      %sign3A_313 = arith.extui %sign3A_312 : i1 to i32
      %sign3A_314 = arith.constant 0 : i32
      %sign3A_315 = arith.cmpi slt, %add3A_311, %sign3A_314 : i32
      %sign3A_316 = arith.extui %sign3A_315 : i1 to i32
      %sign3A_317 = arith.subi %sign3A_313, %sign3A_316 : i32
      %sign3A_318 = arith.constant 0 : i32
      %sign3A_319 = arith.cmpi sgt, %jit3A, %sign3A_318 : i32
      %sign3A_320 = arith.extui %sign3A_319 : i1 to i32
      %sign3A_321 = arith.constant 0 : i32
      %sign3A_322 = arith.cmpi slt, %jit3A, %sign3A_321 : i32
      %sign3A_323 = arith.extui %sign3A_322 : i1 to i32
      %sign3A_324 = arith.subi %sign3A_320, %sign3A_323 : i32
      %ne3A = arith.cmpi ne, %sign3A_317, %sign3A_324 : i32
      %rem3A = arith.remsi %add3A_311, %jit3A : i32
      %ne3A_325 = arith.constant 0 : i32
      %ne3A_326 = arith.cmpi ne, %rem3A, %ne3A_325 : i32
      %and3A = arith.andi %ne3A, %ne3A_326 : i1
      %sub3A = arith.constant 1 : i32
      %sub3A_327 = arith.subi %div3A, %sub3A : i32
      %select_n3A = arith.select %and3A, %sub3A_327, %div3A : i32
      %jit3A_328 = arith.constant 2 : i32
      %eq3A_329 = arith.constant 0 : i32
      %eq3A_330 = arith.cmpi eq, %jit3A_328, %eq3A_329 : i32
      %jit3A_331 = arith.constant 1 : i32
      %select_n3A_332 = arith.select %eq3A_330, %jit3A_331, %jit3A_328 : i32
      %rem3A_333 = arith.remsi %select_n3A, %select_n3A_332 : i32
      %ne3A_334 = arith.constant 0 : i32
      %ne3A_335 = arith.cmpi ne, %rem3A_333, %ne3A_334 : i32
      %lt3A = arith.constant 0 : i32
      %lt3A_336 = arith.cmpi slt, %rem3A_333, %lt3A : i32
      %lt3A_337 = arith.constant 0 : i32
      %lt3A_338 = arith.cmpi slt, %select_n3A_332, %lt3A_337 : i32
      %ne3A_339 = arith.xori %lt3A_336, %lt3A_338 : i1
      %and3A_340 = arith.andi %ne3A_339, %ne3A_335 : i1
      %add3A_341 = arith.addi %rem3A_333, %select_n3A_332 : i32
      %select_n3A_342 = arith.select %and3A_340, %add3A_341, %rem3A_333 : i32
      %mul3A_343 = arith.constant 5 : i32
      %mul3A_344 = arith.muli %mul3A_343, %select_n3A_342 : i32
      %sub3A_345 = arith.constant 5 : i32
      %sub3A_346 = arith.subi %sub3A_345, %mul3A_344 : i32
      %add3A_347 = arith.constant 0 : i32
      %add3A_348 = arith.addi %mul3A_344, %add3A_347 : i32
      %dma_wait3A_349 = arith.constant 0 : i32
      %dma_wait3A_350 = arith.constant 0 : i32
      %dma_wait3A_351 = arith.constant 0 : i32
      %dma_wait3A_352 = arith.constant 0 : i32
      %dma_wait3A_353 = arith.constant 0 : i32
      %dma_wait3A_354 = tpu.memref_slice %arg8[%dma_wait3A_350, %dma_wait3A_352, %dma_wait3A_353] : memref<5x64x128xf32, #tpu.memory_space<vmem>> -> memref<1x64x128xf32, #tpu.memory_space<vmem>>
      %dma_wait3A_355 = tpu.memref_squeeze %dma_wait3A_354 : memref<1x64x128xf32, #tpu.memory_space<vmem>> -> memref<64x128xf32, #tpu.memory_space<vmem>>
      %dma_wait3A_356 = arith.constant 0 : i32
      %dma_wait3A_357 = tpu.memref_slice %arg7[%add3A_348, %dma_wait3A_349, %dma_wait3A_356] : memref<10x2x64xi32, #tpu.memory_space<vmem>> -> memref<1x1x64xi32, #tpu.memory_space<vmem>>
      %dma_wait3A_358 = tpu.memref_squeeze %dma_wait3A_357 : memref<1x1x64xi32, #tpu.memory_space<vmem>> -> memref<64xi32, #tpu.memory_space<vmem>>
      %dma_wait3A_359 = arith.constant 0 : i32
      %dma_wait3A_360 = arith.constant 0 : i32
      %dma_wait3A_361 = tpu.memref_slice %arg2[%dma_wait3A_359, %dma_wait3A_360] : memref<10000x128xf32, #tpu.memory_space<hbm>> -> memref<10000x128xf32, #tpu.memory_space<hbm>>
      %dma_wait3A_362 = tpu.memref_slice %arg11[%dma_wait3A_351] : memref<5x!tpu.dma_semaphore, #tpu.memory_space<semaphore_mem>> -> memref<1x!tpu.dma_semaphore, #tpu.memory_space<semaphore_mem>>
      %dma_wait3A_363 = tpu.memref_squeeze %dma_wait3A_362 : memref<1x!tpu.dma_semaphore, #tpu.memory_space<semaphore_mem>> -> memref<!tpu.dma_semaphore, #tpu.memory_space<semaphore_mem>>
      tpu.wait_indirect_dma semaphore(%dma_wait3A_363 : memref<!tpu.dma_semaphore, #tpu.memory_space<semaphore_mem>>) src(%dma_wait3A_361 : memref<10000x128xf32, #tpu.memory_space<hbm>>) dst(%dma_wait3A_355 : memref<64x128xf32, #tpu.memory_space<vmem>>)
      %add3A_364 = arith.constant 0 : i32
      %add3A_365 = arith.addi %mul3A_344, %add3A_364 : i32
      %dma_start3A_366 = arith.constant 0 : i32
      %dma_start3A_367 = arith.constant 1 : i32
      %dma_start3A_368 = arith.constant 0 : i32
      %dma_start3A_369 = arith.constant 0 : i32
      %dma_start3A_370 = arith.constant 0 : i32
      %dma_start3A_371 = tpu.memref_slice %arg8[%dma_start3A_366, %dma_start3A_369, %dma_start3A_370] : memref<5x64x128xf32, #tpu.memory_space<vmem>> -> memref<1x64x128xf32, #tpu.memory_space<vmem>>
      %dma_start3A_372 = tpu.memref_squeeze %dma_start3A_371 : memref<1x64x128xf32, #tpu.memory_space<vmem>> -> memref<64x128xf32, #tpu.memory_space<vmem>>
      %dma_start3A_373 = arith.constant 0 : i32
      %dma_start3A_374 = tpu.memref_slice %arg7[%add3A_365, %dma_start3A_367, %dma_start3A_373] : memref<10x2x64xi32, #tpu.memory_space<vmem>> -> memref<1x1x64xi32, #tpu.memory_space<vmem>>
      %dma_start3A_375 = tpu.memref_squeeze %dma_start3A_374 : memref<1x1x64xi32, #tpu.memory_space<vmem>> -> memref<64xi32, #tpu.memory_space<vmem>>
      %dma_start3A_376 = arith.constant 0 : i32
      %dma_start3A_377 = arith.constant 0 : i32
      %dma_start3A_378 = tpu.memref_slice %arg9[%dma_start3A_376, %dma_start3A_377] : memref<10112x128xf32, #tpu.memory_space<vmem_shared>> -> memref<10112x128xf32, #tpu.memory_space<vmem_shared>>
      %dma_start3A_379 = tpu.memref_slice %arg12[%dma_start3A_368] : memref<5x!tpu.dma_semaphore, #tpu.memory_space<semaphore_mem>> -> memref<1x!tpu.dma_semaphore, #tpu.memory_space<semaphore_mem>>
      %dma_start3A_380 = tpu.memref_squeeze %dma_start3A_379 : memref<1x!tpu.dma_semaphore, #tpu.memory_space<semaphore_mem>> -> memref<!tpu.dma_semaphore, #tpu.memory_space<semaphore_mem>>
      tpu.enqueue_indirect_dma source(%dma_start3A_372 : memref<64x128xf32, #tpu.memory_space<vmem>>) target(%dma_start3A_378 : memref<10112x128xf32, #tpu.memory_space<vmem_shared>>) offsets(%dma_start3A_375 : memref<64xi32, #tpu.memory_space<vmem>>) semaphore(%dma_start3A_380 : memref<!tpu.dma_semaphore, #tpu.memory_space<semaphore_mem>>) {add = true}
      %add3A_381 = arith.constant 0 : i32
      %add3A_382 = arith.addi %add3A_311, %add3A_381 : i32
      %add3A_383 = arith.constant 5 : i32
      %add3A_384 = arith.addi %add3A_382, %add3A_383 : i32
      %lt3A_385 = arith.constant 160 : i32
      %lt3A_386 = arith.cmpi slt, %add3A_384, %lt3A_385 : i32
      %convert_element_type3A_387 = arith.extui %lt3A_386 : i1 to i32
      %cond3A_388 = arith.constant 0 : i32
      %cond3A_389 = arith.cmpi ne, %convert_element_type3A_387, %cond3A_388 : i32
      scf.if %cond3A_389 {
        %add3A_692 = arith.constant 0 : i32
        %add3A_693 = arith.addi %sub3A_346, %add3A_692 : i32
        %add3A_694 = arith.constant 0 : i32
        %add3A_695 = arith.addi %add3A_311, %add3A_694 : i32
        %add3A_696 = arith.constant 5 : i32
        %add3A_697 = arith.addi %add3A_695, %add3A_696 : i32
        %dma_start3A_698 = arith.constant 0 : i32
        %dma_start3A_699 = arith.constant 0 : i32
        %dma_start3A_700 = tpu.memref_slice %arg7[%add3A_693, %dma_start3A_698, %dma_start3A_699] : memref<10x2x64xi32, #tpu.memory_space<vmem>> -> memref<1x2x64xi32, #tpu.memory_space<vmem>>
        %dma_start3A_701 = tpu.memref_squeeze %dma_start3A_700 : memref<1x2x64xi32, #tpu.memory_space<vmem>> -> memref<2x64xi32, #tpu.memory_space<vmem>>
        %dma_start3A_702 = arith.constant 0 : i32
        %dma_start3A_703 = arith.constant 0 : i32
        %dma_start3A_704 = tpu.memref_slice %arg3[%add3A, %add3A_697, %dma_start3A_702, %dma_start3A_703] : memref<32x160x2x64xi32, #tpu.memory_space<hbm>> -> memref<1x1x2x64xi32, #tpu.memory_space<hbm>>
        %dma_start3A_705 = tpu.memref_squeeze %dma_start3A_704 : memref<1x1x2x64xi32, #tpu.memory_space<hbm>> -> memref<2x64xi32, #tpu.memory_space<hbm>>
        %dma_start3A_706 = tpu.memref_slice %arg10[%add3A_693] : memref<10x!tpu.dma_semaphore, #tpu.memory_space<semaphore_mem>> -> memref<1x!tpu.dma_semaphore, #tpu.memory_space<semaphore_mem>>
        %dma_start3A_707 = tpu.memref_squeeze %dma_start3A_706 : memref<1x!tpu.dma_semaphore, #tpu.memory_space<semaphore_mem>> -> memref<!tpu.dma_semaphore, #tpu.memory_space<semaphore_mem>>
        %dma_start3A_708 = arith.constant 0 : i32
        %dma_start3A_709 = arith.constant 0 : i32
        %dma_start3A_710 = tpu.memref_slice %arg7[%add3A_693, %dma_start3A_708, %dma_start3A_709] : memref<10x2x64xi32, #tpu.memory_space<vmem>> -> memref<1x2x64xi32, #tpu.memory_space<vmem>>
        %dma_start3A_711 = tpu.memref_squeeze %dma_start3A_710 : memref<1x2x64xi32, #tpu.memory_space<vmem>> -> memref<2x64xi32, #tpu.memory_space<vmem>>
        %dma_start3A_712 = arith.constant 0 : i32
        %dma_start3A_713 = arith.constant 0 : i32
        %dma_start3A_714 = tpu.memref_slice %arg3[%add3A, %add3A_697, %dma_start3A_712, %dma_start3A_713] : memref<32x160x2x64xi32, #tpu.memory_space<hbm>> -> memref<1x1x2x64xi32, #tpu.memory_space<hbm>>
        %dma_start3A_715 = tpu.memref_squeeze %dma_start3A_714 : memref<1x1x2x64xi32, #tpu.memory_space<hbm>> -> memref<2x64xi32, #tpu.memory_space<hbm>>
        tpu.enqueue_dma source(%dma_start3A_715 : memref<2x64xi32, #tpu.memory_space<hbm>>) target(%dma_start3A_711 : memref<2x64xi32, #tpu.memory_space<vmem>>) target_semaphore(%dma_start3A_707 : memref<!tpu.dma_semaphore, #tpu.memory_space<semaphore_mem>>)
      } else {
      }
      %add3A_390 = arith.constant 1 : i32
      %add3A_391 = arith.addi %mul3A_344, %add3A_390 : i32
      %dma_wait3A_392 = arith.constant 0 : i32
      %dma_wait3A_393 = arith.constant 1 : i32
      %dma_wait3A_394 = arith.constant 1 : i32
      %dma_wait3A_395 = arith.constant 0 : i32
      %dma_wait3A_396 = arith.constant 0 : i32
      %dma_wait3A_397 = tpu.memref_slice %arg8[%dma_wait3A_393, %dma_wait3A_395, %dma_wait3A_396] : memref<5x64x128xf32, #tpu.memory_space<vmem>> -> memref<1x64x128xf32, #tpu.memory_space<vmem>>
      %dma_wait3A_398 = tpu.memref_squeeze %dma_wait3A_397 : memref<1x64x128xf32, #tpu.memory_space<vmem>> -> memref<64x128xf32, #tpu.memory_space<vmem>>
      %dma_wait3A_399 = arith.constant 0 : i32
      %dma_wait3A_400 = tpu.memref_slice %arg7[%add3A_391, %dma_wait3A_392, %dma_wait3A_399] : memref<10x2x64xi32, #tpu.memory_space<vmem>> -> memref<1x1x64xi32, #tpu.memory_space<vmem>>
      %dma_wait3A_401 = tpu.memref_squeeze %dma_wait3A_400 : memref<1x1x64xi32, #tpu.memory_space<vmem>> -> memref<64xi32, #tpu.memory_space<vmem>>
      %dma_wait3A_402 = arith.constant 0 : i32
      %dma_wait3A_403 = arith.constant 0 : i32
      %dma_wait3A_404 = tpu.memref_slice %arg2[%dma_wait3A_402, %dma_wait3A_403] : memref<10000x128xf32, #tpu.memory_space<hbm>> -> memref<10000x128xf32, #tpu.memory_space<hbm>>
      %dma_wait3A_405 = tpu.memref_slice %arg11[%dma_wait3A_394] : memref<5x!tpu.dma_semaphore, #tpu.memory_space<semaphore_mem>> -> memref<1x!tpu.dma_semaphore, #tpu.memory_space<semaphore_mem>>
      %dma_wait3A_406 = tpu.memref_squeeze %dma_wait3A_405 : memref<1x!tpu.dma_semaphore, #tpu.memory_space<semaphore_mem>> -> memref<!tpu.dma_semaphore, #tpu.memory_space<semaphore_mem>>
      tpu.wait_indirect_dma semaphore(%dma_wait3A_406 : memref<!tpu.dma_semaphore, #tpu.memory_space<semaphore_mem>>) src(%dma_wait3A_404 : memref<10000x128xf32, #tpu.memory_space<hbm>>) dst(%dma_wait3A_398 : memref<64x128xf32, #tpu.memory_space<vmem>>)
      %add3A_407 = arith.constant 1 : i32
      %add3A_408 = arith.addi %mul3A_344, %add3A_407 : i32
      %dma_start3A_409 = arith.constant 1 : i32
      %dma_start3A_410 = arith.constant 1 : i32
      %dma_start3A_411 = arith.constant 1 : i32
      %dma_start3A_412 = arith.constant 0 : i32
      %dma_start3A_413 = arith.constant 0 : i32
      %dma_start3A_414 = tpu.memref_slice %arg8[%dma_start3A_409, %dma_start3A_412, %dma_start3A_413] : memref<5x64x128xf32, #tpu.memory_space<vmem>> -> memref<1x64x128xf32, #tpu.memory_space<vmem>>
      %dma_start3A_415 = tpu.memref_squeeze %dma_start3A_414 : memref<1x64x128xf32, #tpu.memory_space<vmem>> -> memref<64x128xf32, #tpu.memory_space<vmem>>
      %dma_start3A_416 = arith.constant 0 : i32
      %dma_start3A_417 = tpu.memref_slice %arg7[%add3A_408, %dma_start3A_410, %dma_start3A_416] : memref<10x2x64xi32, #tpu.memory_space<vmem>> -> memref<1x1x64xi32, #tpu.memory_space<vmem>>
      %dma_start3A_418 = tpu.memref_squeeze %dma_start3A_417 : memref<1x1x64xi32, #tpu.memory_space<vmem>> -> memref<64xi32, #tpu.memory_space<vmem>>
      %dma_start3A_419 = arith.constant 0 : i32
      %dma_start3A_420 = arith.constant 0 : i32
      %dma_start3A_421 = tpu.memref_slice %arg9[%dma_start3A_419, %dma_start3A_420] : memref<10112x128xf32, #tpu.memory_space<vmem_shared>> -> memref<10112x128xf32, #tpu.memory_space<vmem_shared>>
      %dma_start3A_422 = tpu.memref_slice %arg12[%dma_start3A_411] : memref<5x!tpu.dma_semaphore, #tpu.memory_space<semaphore_mem>> -> memref<1x!tpu.dma_semaphore, #tpu.memory_space<semaphore_mem>>
      %dma_start3A_423 = tpu.memref_squeeze %dma_start3A_422 : memref<1x!tpu.dma_semaphore, #tpu.memory_space<semaphore_mem>> -> memref<!tpu.dma_semaphore, #tpu.memory_space<semaphore_mem>>
      tpu.enqueue_indirect_dma source(%dma_start3A_415 : memref<64x128xf32, #tpu.memory_space<vmem>>) target(%dma_start3A_421 : memref<10112x128xf32, #tpu.memory_space<vmem_shared>>) offsets(%dma_start3A_418 : memref<64xi32, #tpu.memory_space<vmem>>) semaphore(%dma_start3A_423 : memref<!tpu.dma_semaphore, #tpu.memory_space<semaphore_mem>>) {add = true}
      %add3A_424 = arith.constant 1 : i32
      %add3A_425 = arith.addi %add3A_311, %add3A_424 : i32
      %add3A_426 = arith.constant 5 : i32
      %add3A_427 = arith.addi %add3A_425, %add3A_426 : i32
      %lt3A_428 = arith.constant 160 : i32
      %lt3A_429 = arith.cmpi slt, %add3A_427, %lt3A_428 : i32
      %convert_element_type3A_430 = arith.extui %lt3A_429 : i1 to i32
      %cond3A_431 = arith.constant 0 : i32
      %cond3A_432 = arith.cmpi ne, %convert_element_type3A_430, %cond3A_431 : i32
      scf.if %cond3A_432 {
        %add3A_692 = arith.constant 1 : i32
        %add3A_693 = arith.addi %sub3A_346, %add3A_692 : i32
        %add3A_694 = arith.constant 1 : i32
        %add3A_695 = arith.addi %add3A_311, %add3A_694 : i32
        %add3A_696 = arith.constant 5 : i32
        %add3A_697 = arith.addi %add3A_695, %add3A_696 : i32
        %dma_start3A_698 = arith.constant 0 : i32
        %dma_start3A_699 = arith.constant 0 : i32
        %dma_start3A_700 = tpu.memref_slice %arg7[%add3A_693, %dma_start3A_698, %dma_start3A_699] : memref<10x2x64xi32, #tpu.memory_space<vmem>> -> memref<1x2x64xi32, #tpu.memory_space<vmem>>
        %dma_start3A_701 = tpu.memref_squeeze %dma_start3A_700 : memref<1x2x64xi32, #tpu.memory_space<vmem>> -> memref<2x64xi32, #tpu.memory_space<vmem>>
        %dma_start3A_702 = arith.constant 0 : i32
        %dma_start3A_703 = arith.constant 0 : i32
        %dma_start3A_704 = tpu.memref_slice %arg3[%add3A, %add3A_697, %dma_start3A_702, %dma_start3A_703] : memref<32x160x2x64xi32, #tpu.memory_space<hbm>> -> memref<1x1x2x64xi32, #tpu.memory_space<hbm>>
        %dma_start3A_705 = tpu.memref_squeeze %dma_start3A_704 : memref<1x1x2x64xi32, #tpu.memory_space<hbm>> -> memref<2x64xi32, #tpu.memory_space<hbm>>
        %dma_start3A_706 = tpu.memref_slice %arg10[%add3A_693] : memref<10x!tpu.dma_semaphore, #tpu.memory_space<semaphore_mem>> -> memref<1x!tpu.dma_semaphore, #tpu.memory_space<semaphore_mem>>
        %dma_start3A_707 = tpu.memref_squeeze %dma_start3A_706 : memref<1x!tpu.dma_semaphore, #tpu.memory_space<semaphore_mem>> -> memref<!tpu.dma_semaphore, #tpu.memory_space<semaphore_mem>>
        %dma_start3A_708 = arith.constant 0 : i32
        %dma_start3A_709 = arith.constant 0 : i32
        %dma_start3A_710 = tpu.memref_slice %arg7[%add3A_693, %dma_start3A_708, %dma_start3A_709] : memref<10x2x64xi32, #tpu.memory_space<vmem>> -> memref<1x2x64xi32, #tpu.memory_space<vmem>>
        %dma_start3A_711 = tpu.memref_squeeze %dma_start3A_710 : memref<1x2x64xi32, #tpu.memory_space<vmem>> -> memref<2x64xi32, #tpu.memory_space<vmem>>
        %dma_start3A_712 = arith.constant 0 : i32
        %dma_start3A_713 = arith.constant 0 : i32
        %dma_start3A_714 = tpu.memref_slice %arg3[%add3A, %add3A_697, %dma_start3A_712, %dma_start3A_713] : memref<32x160x2x64xi32, #tpu.memory_space<hbm>> -> memref<1x1x2x64xi32, #tpu.memory_space<hbm>>
        %dma_start3A_715 = tpu.memref_squeeze %dma_start3A_714 : memref<1x1x2x64xi32, #tpu.memory_space<hbm>> -> memref<2x64xi32, #tpu.memory_space<hbm>>
        tpu.enqueue_dma source(%dma_start3A_715 : memref<2x64xi32, #tpu.memory_space<hbm>>) target(%dma_start3A_711 : memref<2x64xi32, #tpu.memory_space<vmem>>) target_semaphore(%dma_start3A_707 : memref<!tpu.dma_semaphore, #tpu.memory_space<semaphore_mem>>)
      } else {
      }
      %add3A_433 = arith.constant 2 : i32
      %add3A_434 = arith.addi %mul3A_344, %add3A_433 : i32
      %dma_wait3A_435 = arith.constant 0 : i32
      %dma_wait3A_436 = arith.constant 2 : i32
      %dma_wait3A_437 = arith.constant 2 : i32
      %dma_wait3A_438 = arith.constant 0 : i32
      %dma_wait3A_439 = arith.constant 0 : i32
      %dma_wait3A_440 = tpu.memref_slice %arg8[%dma_wait3A_436, %dma_wait3A_438, %dma_wait3A_439] : memref<5x64x128xf32, #tpu.memory_space<vmem>> -> memref<1x64x128xf32, #tpu.memory_space<vmem>>
      %dma_wait3A_441 = tpu.memref_squeeze %dma_wait3A_440 : memref<1x64x128xf32, #tpu.memory_space<vmem>> -> memref<64x128xf32, #tpu.memory_space<vmem>>
      %dma_wait3A_442 = arith.constant 0 : i32
      %dma_wait3A_443 = tpu.memref_slice %arg7[%add3A_434, %dma_wait3A_435, %dma_wait3A_442] : memref<10x2x64xi32, #tpu.memory_space<vmem>> -> memref<1x1x64xi32, #tpu.memory_space<vmem>>
      %dma_wait3A_444 = tpu.memref_squeeze %dma_wait3A_443 : memref<1x1x64xi32, #tpu.memory_space<vmem>> -> memref<64xi32, #tpu.memory_space<vmem>>
      %dma_wait3A_445 = arith.constant 0 : i32
      %dma_wait3A_446 = arith.constant 0 : i32
      %dma_wait3A_447 = tpu.memref_slice %arg2[%dma_wait3A_445, %dma_wait3A_446] : memref<10000x128xf32, #tpu.memory_space<hbm>> -> memref<10000x128xf32, #tpu.memory_space<hbm>>
      %dma_wait3A_448 = tpu.memref_slice %arg11[%dma_wait3A_437] : memref<5x!tpu.dma_semaphore, #tpu.memory_space<semaphore_mem>> -> memref<1x!tpu.dma_semaphore, #tpu.memory_space<semaphore_mem>>
      %dma_wait3A_449 = tpu.memref_squeeze %dma_wait3A_448 : memref<1x!tpu.dma_semaphore, #tpu.memory_space<semaphore_mem>> -> memref<!tpu.dma_semaphore, #tpu.memory_space<semaphore_mem>>
      tpu.wait_indirect_dma semaphore(%dma_wait3A_449 : memref<!tpu.dma_semaphore, #tpu.memory_space<semaphore_mem>>) src(%dma_wait3A_447 : memref<10000x128xf32, #tpu.memory_space<hbm>>) dst(%dma_wait3A_441 : memref<64x128xf32, #tpu.memory_space<vmem>>)
      %add3A_450 = arith.constant 2 : i32
      %add3A_451 = arith.addi %mul3A_344, %add3A_450 : i32
      %dma_start3A_452 = arith.constant 2 : i32
      %dma_start3A_453 = arith.constant 1 : i32
      %dma_start3A_454 = arith.constant 2 : i32
      %dma_start3A_455 = arith.constant 0 : i32
      %dma_start3A_456 = arith.constant 0 : i32
      %dma_start3A_457 = tpu.memref_slice %arg8[%dma_start3A_452, %dma_start3A_455, %dma_start3A_456] : memref<5x64x128xf32, #tpu.memory_space<vmem>> -> memref<1x64x128xf32, #tpu.memory_space<vmem>>
      %dma_start3A_458 = tpu.memref_squeeze %dma_start3A_457 : memref<1x64x128xf32, #tpu.memory_space<vmem>> -> memref<64x128xf32, #tpu.memory_space<vmem>>
      %dma_start3A_459 = arith.constant 0 : i32
      %dma_start3A_460 = tpu.memref_slice %arg7[%add3A_451, %dma_start3A_453, %dma_start3A_459] : memref<10x2x64xi32, #tpu.memory_space<vmem>> -> memref<1x1x64xi32, #tpu.memory_space<vmem>>
      %dma_start3A_461 = tpu.memref_squeeze %dma_start3A_460 : memref<1x1x64xi32, #tpu.memory_space<vmem>> -> memref<64xi32, #tpu.memory_space<vmem>>
      %dma_start3A_462 = arith.constant 0 : i32
      %dma_start3A_463 = arith.constant 0 : i32
      %dma_start3A_464 = tpu.memref_slice %arg9[%dma_start3A_462, %dma_start3A_463] : memref<10112x128xf32, #tpu.memory_space<vmem_shared>> -> memref<10112x128xf32, #tpu.memory_space<vmem_shared>>
      %dma_start3A_465 = tpu.memref_slice %arg12[%dma_start3A_454] : memref<5x!tpu.dma_semaphore, #tpu.memory_space<semaphore_mem>> -> memref<1x!tpu.dma_semaphore, #tpu.memory_space<semaphore_mem>>
      %dma_start3A_466 = tpu.memref_squeeze %dma_start3A_465 : memref<1x!tpu.dma_semaphore, #tpu.memory_space<semaphore_mem>> -> memref<!tpu.dma_semaphore, #tpu.memory_space<semaphore_mem>>
      tpu.enqueue_indirect_dma source(%dma_start3A_458 : memref<64x128xf32, #tpu.memory_space<vmem>>) target(%dma_start3A_464 : memref<10112x128xf32, #tpu.memory_space<vmem_shared>>) offsets(%dma_start3A_461 : memref<64xi32, #tpu.memory_space<vmem>>) semaphore(%dma_start3A_466 : memref<!tpu.dma_semaphore, #tpu.memory_space<semaphore_mem>>) {add = true}
      %add3A_467 = arith.constant 2 : i32
      %add3A_468 = arith.addi %add3A_311, %add3A_467 : i32
      %add3A_469 = arith.constant 5 : i32
      %add3A_470 = arith.addi %add3A_468, %add3A_469 : i32
      %lt3A_471 = arith.constant 160 : i32
      %lt3A_472 = arith.cmpi slt, %add3A_470, %lt3A_471 : i32
      %convert_element_type3A_473 = arith.extui %lt3A_472 : i1 to i32
      %cond3A_474 = arith.constant 0 : i32
      %cond3A_475 = arith.cmpi ne, %convert_element_type3A_473, %cond3A_474 : i32
      scf.if %cond3A_475 {
        %add3A_692 = arith.constant 2 : i32
        %add3A_693 = arith.addi %sub3A_346, %add3A_692 : i32
        %add3A_694 = arith.constant 2 : i32
        %add3A_695 = arith.addi %add3A_311, %add3A_694 : i32
        %add3A_696 = arith.constant 5 : i32
        %add3A_697 = arith.addi %add3A_695, %add3A_696 : i32
        %dma_start3A_698 = arith.constant 0 : i32
        %dma_start3A_699 = arith.constant 0 : i32
        %dma_start3A_700 = tpu.memref_slice %arg7[%add3A_693, %dma_start3A_698, %dma_start3A_699] : memref<10x2x64xi32, #tpu.memory_space<vmem>> -> memref<1x2x64xi32, #tpu.memory_space<vmem>>
        %dma_start3A_701 = tpu.memref_squeeze %dma_start3A_700 : memref<1x2x64xi32, #tpu.memory_space<vmem>> -> memref<2x64xi32, #tpu.memory_space<vmem>>
        %dma_start3A_702 = arith.constant 0 : i32
        %dma_start3A_703 = arith.constant 0 : i32
        %dma_start3A_704 = tpu.memref_slice %arg3[%add3A, %add3A_697, %dma_start3A_702, %dma_start3A_703] : memref<32x160x2x64xi32, #tpu.memory_space<hbm>> -> memref<1x1x2x64xi32, #tpu.memory_space<hbm>>
        %dma_start3A_705 = tpu.memref_squeeze %dma_start3A_704 : memref<1x1x2x64xi32, #tpu.memory_space<hbm>> -> memref<2x64xi32, #tpu.memory_space<hbm>>
        %dma_start3A_706 = tpu.memref_slice %arg10[%add3A_693] : memref<10x!tpu.dma_semaphore, #tpu.memory_space<semaphore_mem>> -> memref<1x!tpu.dma_semaphore, #tpu.memory_space<semaphore_mem>>
        %dma_start3A_707 = tpu.memref_squeeze %dma_start3A_706 : memref<1x!tpu.dma_semaphore, #tpu.memory_space<semaphore_mem>> -> memref<!tpu.dma_semaphore, #tpu.memory_space<semaphore_mem>>
        %dma_start3A_708 = arith.constant 0 : i32
        %dma_start3A_709 = arith.constant 0 : i32
        %dma_start3A_710 = tpu.memref_slice %arg7[%add3A_693, %dma_start3A_708, %dma_start3A_709] : memref<10x2x64xi32, #tpu.memory_space<vmem>> -> memref<1x2x64xi32, #tpu.memory_space<vmem>>
        %dma_start3A_711 = tpu.memref_squeeze %dma_start3A_710 : memref<1x2x64xi32, #tpu.memory_space<vmem>> -> memref<2x64xi32, #tpu.memory_space<vmem>>
        %dma_start3A_712 = arith.constant 0 : i32
        %dma_start3A_713 = arith.constant 0 : i32
        %dma_start3A_714 = tpu.memref_slice %arg3[%add3A, %add3A_697, %dma_start3A_712, %dma_start3A_713] : memref<32x160x2x64xi32, #tpu.memory_space<hbm>> -> memref<1x1x2x64xi32, #tpu.memory_space<hbm>>
        %dma_start3A_715 = tpu.memref_squeeze %dma_start3A_714 : memref<1x1x2x64xi32, #tpu.memory_space<hbm>> -> memref<2x64xi32, #tpu.memory_space<hbm>>
        tpu.enqueue_dma source(%dma_start3A_715 : memref<2x64xi32, #tpu.memory_space<hbm>>) target(%dma_start3A_711 : memref<2x64xi32, #tpu.memory_space<vmem>>) target_semaphore(%dma_start3A_707 : memref<!tpu.dma_semaphore, #tpu.memory_space<semaphore_mem>>)
      } else {
      }
      %add3A_476 = arith.constant 3 : i32
      %add3A_477 = arith.addi %mul3A_344, %add3A_476 : i32
      %dma_wait3A_478 = arith.constant 0 : i32
      %dma_wait3A_479 = arith.constant 3 : i32
      %dma_wait3A_480 = arith.constant 3 : i32
      %dma_wait3A_481 = arith.constant 0 : i32
      %dma_wait3A_482 = arith.constant 0 : i32
      %dma_wait3A_483 = tpu.memref_slice %arg8[%dma_wait3A_479, %dma_wait3A_481, %dma_wait3A_482] : memref<5x64x128xf32, #tpu.memory_space<vmem>> -> memref<1x64x128xf32, #tpu.memory_space<vmem>>
      %dma_wait3A_484 = tpu.memref_squeeze %dma_wait3A_483 : memref<1x64x128xf32, #tpu.memory_space<vmem>> -> memref<64x128xf32, #tpu.memory_space<vmem>>
      %dma_wait3A_485 = arith.constant 0 : i32
      %dma_wait3A_486 = tpu.memref_slice %arg7[%add3A_477, %dma_wait3A_478, %dma_wait3A_485] : memref<10x2x64xi32, #tpu.memory_space<vmem>> -> memref<1x1x64xi32, #tpu.memory_space<vmem>>
      %dma_wait3A_487 = tpu.memref_squeeze %dma_wait3A_486 : memref<1x1x64xi32, #tpu.memory_space<vmem>> -> memref<64xi32, #tpu.memory_space<vmem>>
      %dma_wait3A_488 = arith.constant 0 : i32
      %dma_wait3A_489 = arith.constant 0 : i32
      %dma_wait3A_490 = tpu.memref_slice %arg2[%dma_wait3A_488, %dma_wait3A_489] : memref<10000x128xf32, #tpu.memory_space<hbm>> -> memref<10000x128xf32, #tpu.memory_space<hbm>>
      %dma_wait3A_491 = tpu.memref_slice %arg11[%dma_wait3A_480] : memref<5x!tpu.dma_semaphore, #tpu.memory_space<semaphore_mem>> -> memref<1x!tpu.dma_semaphore, #tpu.memory_space<semaphore_mem>>
      %dma_wait3A_492 = tpu.memref_squeeze %dma_wait3A_491 : memref<1x!tpu.dma_semaphore, #tpu.memory_space<semaphore_mem>> -> memref<!tpu.dma_semaphore, #tpu.memory_space<semaphore_mem>>
      tpu.wait_indirect_dma semaphore(%dma_wait3A_492 : memref<!tpu.dma_semaphore, #tpu.memory_space<semaphore_mem>>) src(%dma_wait3A_490 : memref<10000x128xf32, #tpu.memory_space<hbm>>) dst(%dma_wait3A_484 : memref<64x128xf32, #tpu.memory_space<vmem>>)
      %add3A_493 = arith.constant 3 : i32
      %add3A_494 = arith.addi %mul3A_344, %add3A_493 : i32
      %dma_start3A_495 = arith.constant 3 : i32
      %dma_start3A_496 = arith.constant 1 : i32
      %dma_start3A_497 = arith.constant 3 : i32
      %dma_start3A_498 = arith.constant 0 : i32
      %dma_start3A_499 = arith.constant 0 : i32
      %dma_start3A_500 = tpu.memref_slice %arg8[%dma_start3A_495, %dma_start3A_498, %dma_start3A_499] : memref<5x64x128xf32, #tpu.memory_space<vmem>> -> memref<1x64x128xf32, #tpu.memory_space<vmem>>
      %dma_start3A_501 = tpu.memref_squeeze %dma_start3A_500 : memref<1x64x128xf32, #tpu.memory_space<vmem>> -> memref<64x128xf32, #tpu.memory_space<vmem>>
      %dma_start3A_502 = arith.constant 0 : i32
      %dma_start3A_503 = tpu.memref_slice %arg7[%add3A_494, %dma_start3A_496, %dma_start3A_502] : memref<10x2x64xi32, #tpu.memory_space<vmem>> -> memref<1x1x64xi32, #tpu.memory_space<vmem>>
      %dma_start3A_504 = tpu.memref_squeeze %dma_start3A_503 : memref<1x1x64xi32, #tpu.memory_space<vmem>> -> memref<64xi32, #tpu.memory_space<vmem>>
      %dma_start3A_505 = arith.constant 0 : i32
      %dma_start3A_506 = arith.constant 0 : i32
      %dma_start3A_507 = tpu.memref_slice %arg9[%dma_start3A_505, %dma_start3A_506] : memref<10112x128xf32, #tpu.memory_space<vmem_shared>> -> memref<10112x128xf32, #tpu.memory_space<vmem_shared>>
      %dma_start3A_508 = tpu.memref_slice %arg12[%dma_start3A_497] : memref<5x!tpu.dma_semaphore, #tpu.memory_space<semaphore_mem>> -> memref<1x!tpu.dma_semaphore, #tpu.memory_space<semaphore_mem>>
      %dma_start3A_509 = tpu.memref_squeeze %dma_start3A_508 : memref<1x!tpu.dma_semaphore, #tpu.memory_space<semaphore_mem>> -> memref<!tpu.dma_semaphore, #tpu.memory_space<semaphore_mem>>
      tpu.enqueue_indirect_dma source(%dma_start3A_501 : memref<64x128xf32, #tpu.memory_space<vmem>>) target(%dma_start3A_507 : memref<10112x128xf32, #tpu.memory_space<vmem_shared>>) offsets(%dma_start3A_504 : memref<64xi32, #tpu.memory_space<vmem>>) semaphore(%dma_start3A_509 : memref<!tpu.dma_semaphore, #tpu.memory_space<semaphore_mem>>) {add = true}
      %add3A_510 = arith.constant 3 : i32
      %add3A_511 = arith.addi %add3A_311, %add3A_510 : i32
      %add3A_512 = arith.constant 5 : i32
      %add3A_513 = arith.addi %add3A_511, %add3A_512 : i32
      %lt3A_514 = arith.constant 160 : i32
      %lt3A_515 = arith.cmpi slt, %add3A_513, %lt3A_514 : i32
      %convert_element_type3A_516 = arith.extui %lt3A_515 : i1 to i32
      %cond3A_517 = arith.constant 0 : i32
      %cond3A_518 = arith.cmpi ne, %convert_element_type3A_516, %cond3A_517 : i32
      scf.if %cond3A_518 {
        %add3A_692 = arith.constant 3 : i32
        %add3A_693 = arith.addi %sub3A_346, %add3A_692 : i32
        %add3A_694 = arith.constant 3 : i32
        %add3A_695 = arith.addi %add3A_311, %add3A_694 : i32
        %add3A_696 = arith.constant 5 : i32
        %add3A_697 = arith.addi %add3A_695, %add3A_696 : i32
        %dma_start3A_698 = arith.constant 0 : i32
        %dma_start3A_699 = arith.constant 0 : i32
        %dma_start3A_700 = tpu.memref_slice %arg7[%add3A_693, %dma_start3A_698, %dma_start3A_699] : memref<10x2x64xi32, #tpu.memory_space<vmem>> -> memref<1x2x64xi32, #tpu.memory_space<vmem>>
        %dma_start3A_701 = tpu.memref_squeeze %dma_start3A_700 : memref<1x2x64xi32, #tpu.memory_space<vmem>> -> memref<2x64xi32, #tpu.memory_space<vmem>>
        %dma_start3A_702 = arith.constant 0 : i32
        %dma_start3A_703 = arith.constant 0 : i32
        %dma_start3A_704 = tpu.memref_slice %arg3[%add3A, %add3A_697, %dma_start3A_702, %dma_start3A_703] : memref<32x160x2x64xi32, #tpu.memory_space<hbm>> -> memref<1x1x2x64xi32, #tpu.memory_space<hbm>>
        %dma_start3A_705 = tpu.memref_squeeze %dma_start3A_704 : memref<1x1x2x64xi32, #tpu.memory_space<hbm>> -> memref<2x64xi32, #tpu.memory_space<hbm>>
        %dma_start3A_706 = tpu.memref_slice %arg10[%add3A_693] : memref<10x!tpu.dma_semaphore, #tpu.memory_space<semaphore_mem>> -> memref<1x!tpu.dma_semaphore, #tpu.memory_space<semaphore_mem>>
        %dma_start3A_707 = tpu.memref_squeeze %dma_start3A_706 : memref<1x!tpu.dma_semaphore, #tpu.memory_space<semaphore_mem>> -> memref<!tpu.dma_semaphore, #tpu.memory_space<semaphore_mem>>
        %dma_start3A_708 = arith.constant 0 : i32
        %dma_start3A_709 = arith.constant 0 : i32
        %dma_start3A_710 = tpu.memref_slice %arg7[%add3A_693, %dma_start3A_708, %dma_start3A_709] : memref<10x2x64xi32, #tpu.memory_space<vmem>> -> memref<1x2x64xi32, #tpu.memory_space<vmem>>
        %dma_start3A_711 = tpu.memref_squeeze %dma_start3A_710 : memref<1x2x64xi32, #tpu.memory_space<vmem>> -> memref<2x64xi32, #tpu.memory_space<vmem>>
        %dma_start3A_712 = arith.constant 0 : i32
        %dma_start3A_713 = arith.constant 0 : i32
        %dma_start3A_714 = tpu.memref_slice %arg3[%add3A, %add3A_697, %dma_start3A_712, %dma_start3A_713] : memref<32x160x2x64xi32, #tpu.memory_space<hbm>> -> memref<1x1x2x64xi32, #tpu.memory_space<hbm>>
        %dma_start3A_715 = tpu.memref_squeeze %dma_start3A_714 : memref<1x1x2x64xi32, #tpu.memory_space<hbm>> -> memref<2x64xi32, #tpu.memory_space<hbm>>
        tpu.enqueue_dma source(%dma_start3A_715 : memref<2x64xi32, #tpu.memory_space<hbm>>) target(%dma_start3A_711 : memref<2x64xi32, #tpu.memory_space<vmem>>) target_semaphore(%dma_start3A_707 : memref<!tpu.dma_semaphore, #tpu.memory_space<semaphore_mem>>)
      } else {
      }
      %add3A_519 = arith.constant 4 : i32
      %add3A_520 = arith.addi %mul3A_344, %add3A_519 : i32
      %dma_wait3A_521 = arith.constant 0 : i32
      %dma_wait3A_522 = arith.constant 4 : i32
      %dma_wait3A_523 = arith.constant 4 : i32
      %dma_wait3A_524 = arith.constant 0 : i32
      %dma_wait3A_525 = arith.constant 0 : i32
      %dma_wait3A_526 = tpu.memref_slice %arg8[%dma_wait3A_522, %dma_wait3A_524, %dma_wait3A_525] : memref<5x64x128xf32, #tpu.memory_space<vmem>> -> memref<1x64x128xf32, #tpu.memory_space<vmem>>
      %dma_wait3A_527 = tpu.memref_squeeze %dma_wait3A_526 : memref<1x64x128xf32, #tpu.memory_space<vmem>> -> memref<64x128xf32, #tpu.memory_space<vmem>>
      %dma_wait3A_528 = arith.constant 0 : i32
      %dma_wait3A_529 = tpu.memref_slice %arg7[%add3A_520, %dma_wait3A_521, %dma_wait3A_528] : memref<10x2x64xi32, #tpu.memory_space<vmem>> -> memref<1x1x64xi32, #tpu.memory_space<vmem>>
      %dma_wait3A_530 = tpu.memref_squeeze %dma_wait3A_529 : memref<1x1x64xi32, #tpu.memory_space<vmem>> -> memref<64xi32, #tpu.memory_space<vmem>>
      %dma_wait3A_531 = arith.constant 0 : i32
      %dma_wait3A_532 = arith.constant 0 : i32
      %dma_wait3A_533 = tpu.memref_slice %arg2[%dma_wait3A_531, %dma_wait3A_532] : memref<10000x128xf32, #tpu.memory_space<hbm>> -> memref<10000x128xf32, #tpu.memory_space<hbm>>
      %dma_wait3A_534 = tpu.memref_slice %arg11[%dma_wait3A_523] : memref<5x!tpu.dma_semaphore, #tpu.memory_space<semaphore_mem>> -> memref<1x!tpu.dma_semaphore, #tpu.memory_space<semaphore_mem>>
      %dma_wait3A_535 = tpu.memref_squeeze %dma_wait3A_534 : memref<1x!tpu.dma_semaphore, #tpu.memory_space<semaphore_mem>> -> memref<!tpu.dma_semaphore, #tpu.memory_space<semaphore_mem>>
      tpu.wait_indirect_dma semaphore(%dma_wait3A_535 : memref<!tpu.dma_semaphore, #tpu.memory_space<semaphore_mem>>) src(%dma_wait3A_533 : memref<10000x128xf32, #tpu.memory_space<hbm>>) dst(%dma_wait3A_527 : memref<64x128xf32, #tpu.memory_space<vmem>>)
      %add3A_536 = arith.constant 4 : i32
      %add3A_537 = arith.addi %mul3A_344, %add3A_536 : i32
      %dma_start3A_538 = arith.constant 4 : i32
      %dma_start3A_539 = arith.constant 1 : i32
      %dma_start3A_540 = arith.constant 4 : i32
      %dma_start3A_541 = arith.constant 0 : i32
      %dma_start3A_542 = arith.constant 0 : i32
      %dma_start3A_543 = tpu.memref_slice %arg8[%dma_start3A_538, %dma_start3A_541, %dma_start3A_542] : memref<5x64x128xf32, #tpu.memory_space<vmem>> -> memref<1x64x128xf32, #tpu.memory_space<vmem>>
      %dma_start3A_544 = tpu.memref_squeeze %dma_start3A_543 : memref<1x64x128xf32, #tpu.memory_space<vmem>> -> memref<64x128xf32, #tpu.memory_space<vmem>>
      %dma_start3A_545 = arith.constant 0 : i32
      %dma_start3A_546 = tpu.memref_slice %arg7[%add3A_537, %dma_start3A_539, %dma_start3A_545] : memref<10x2x64xi32, #tpu.memory_space<vmem>> -> memref<1x1x64xi32, #tpu.memory_space<vmem>>
      %dma_start3A_547 = tpu.memref_squeeze %dma_start3A_546 : memref<1x1x64xi32, #tpu.memory_space<vmem>> -> memref<64xi32, #tpu.memory_space<vmem>>
      %dma_start3A_548 = arith.constant 0 : i32
      %dma_start3A_549 = arith.constant 0 : i32
      %dma_start3A_550 = tpu.memref_slice %arg9[%dma_start3A_548, %dma_start3A_549] : memref<10112x128xf32, #tpu.memory_space<vmem_shared>> -> memref<10112x128xf32, #tpu.memory_space<vmem_shared>>
      %dma_start3A_551 = tpu.memref_slice %arg12[%dma_start3A_540] : memref<5x!tpu.dma_semaphore, #tpu.memory_space<semaphore_mem>> -> memref<1x!tpu.dma_semaphore, #tpu.memory_space<semaphore_mem>>
      %dma_start3A_552 = tpu.memref_squeeze %dma_start3A_551 : memref<1x!tpu.dma_semaphore, #tpu.memory_space<semaphore_mem>> -> memref<!tpu.dma_semaphore, #tpu.memory_space<semaphore_mem>>
      tpu.enqueue_indirect_dma source(%dma_start3A_544 : memref<64x128xf32, #tpu.memory_space<vmem>>) target(%dma_start3A_550 : memref<10112x128xf32, #tpu.memory_space<vmem_shared>>) offsets(%dma_start3A_547 : memref<64xi32, #tpu.memory_space<vmem>>) semaphore(%dma_start3A_552 : memref<!tpu.dma_semaphore, #tpu.memory_space<semaphore_mem>>) {add = true}
      %add3A_553 = arith.constant 4 : i32
      %add3A_554 = arith.addi %add3A_311, %add3A_553 : i32
      %add3A_555 = arith.constant 5 : i32
      %add3A_556 = arith.addi %add3A_554, %add3A_555 : i32
      %lt3A_557 = arith.constant 160 : i32
      %lt3A_558 = arith.cmpi slt, %add3A_556, %lt3A_557 : i32
      %convert_element_type3A_559 = arith.extui %lt3A_558 : i1 to i32
      %cond3A_560 = arith.constant 0 : i32
      %cond3A_561 = arith.cmpi ne, %convert_element_type3A_559, %cond3A_560 : i32
      scf.if %cond3A_561 {
        %add3A_692 = arith.constant 4 : i32
        %add3A_693 = arith.addi %sub3A_346, %add3A_692 : i32
        %add3A_694 = arith.constant 4 : i32
        %add3A_695 = arith.addi %add3A_311, %add3A_694 : i32
        %add3A_696 = arith.constant 5 : i32
        %add3A_697 = arith.addi %add3A_695, %add3A_696 : i32
        %dma_start3A_698 = arith.constant 0 : i32
        %dma_start3A_699 = arith.constant 0 : i32
        %dma_start3A_700 = tpu.memref_slice %arg7[%add3A_693, %dma_start3A_698, %dma_start3A_699] : memref<10x2x64xi32, #tpu.memory_space<vmem>> -> memref<1x2x64xi32, #tpu.memory_space<vmem>>
        %dma_start3A_701 = tpu.memref_squeeze %dma_start3A_700 : memref<1x2x64xi32, #tpu.memory_space<vmem>> -> memref<2x64xi32, #tpu.memory_space<vmem>>
        %dma_start3A_702 = arith.constant 0 : i32
        %dma_start3A_703 = arith.constant 0 : i32
        %dma_start3A_704 = tpu.memref_slice %arg3[%add3A, %add3A_697, %dma_start3A_702, %dma_start3A_703] : memref<32x160x2x64xi32, #tpu.memory_space<hbm>> -> memref<1x1x2x64xi32, #tpu.memory_space<hbm>>
        %dma_start3A_705 = tpu.memref_squeeze %dma_start3A_704 : memref<1x1x2x64xi32, #tpu.memory_space<hbm>> -> memref<2x64xi32, #tpu.memory_space<hbm>>
        %dma_start3A_706 = tpu.memref_slice %arg10[%add3A_693] : memref<10x!tpu.dma_semaphore, #tpu.memory_space<semaphore_mem>> -> memref<1x!tpu.dma_semaphore, #tpu.memory_space<semaphore_mem>>
        %dma_start3A_707 = tpu.memref_squeeze %dma_start3A_706 : memref<1x!tpu.dma_semaphore, #tpu.memory_space<semaphore_mem>> -> memref<!tpu.dma_semaphore, #tpu.memory_space<semaphore_mem>>
        %dma_start3A_708 = arith.constant 0 : i32
        %dma_start3A_709 = arith.constant 0 : i32
        %dma_start3A_710 = tpu.memref_slice %arg7[%add3A_693, %dma_start3A_708, %dma_start3A_709] : memref<10x2x64xi32, #tpu.memory_space<vmem>> -> memref<1x2x64xi32, #tpu.memory_space<vmem>>
        %dma_start3A_711 = tpu.memref_squeeze %dma_start3A_710 : memref<1x2x64xi32, #tpu.memory_space<vmem>> -> memref<2x64xi32, #tpu.memory_space<vmem>>
        %dma_start3A_712 = arith.constant 0 : i32
        %dma_start3A_713 = arith.constant 0 : i32
        %dma_start3A_714 = tpu.memref_slice %arg3[%add3A, %add3A_697, %dma_start3A_712, %dma_start3A_713] : memref<32x160x2x64xi32, #tpu.memory_space<hbm>> -> memref<1x1x2x64xi32, #tpu.memory_space<hbm>>
        %dma_start3A_715 = tpu.memref_squeeze %dma_start3A_714 : memref<1x1x2x64xi32, #tpu.memory_space<hbm>> -> memref<2x64xi32, #tpu.memory_space<hbm>>
        tpu.enqueue_dma source(%dma_start3A_715 : memref<2x64xi32, #tpu.memory_space<hbm>>) target(%dma_start3A_711 : memref<2x64xi32, #tpu.memory_space<vmem>>) target_semaphore(%dma_start3A_707 : memref<!tpu.dma_semaphore, #tpu.memory_space<semaphore_mem>>)
      } else {
      }
      %add3A_562 = arith.constant 0 : i32
      %add3A_563 = arith.addi %mul3A_344, %add3A_562 : i32
      %dma_wait3A_564 = arith.constant 0 : i32
      %dma_wait3A_565 = arith.constant 1 : i32
      %dma_wait3A_566 = arith.constant 0 : i32
      %dma_wait3A_567 = arith.constant 0 : i32
      %dma_wait3A_568 = arith.constant 0 : i32
      %dma_wait3A_569 = tpu.memref_slice %arg8[%dma_wait3A_564, %dma_wait3A_567, %dma_wait3A_568] : memref<5x64x128xf32, #tpu.memory_space<vmem>> -> memref<1x64x128xf32, #tpu.memory_space<vmem>>
      %dma_wait3A_570 = tpu.memref_squeeze %dma_wait3A_569 : memref<1x64x128xf32, #tpu.memory_space<vmem>> -> memref<64x128xf32, #tpu.memory_space<vmem>>
      %dma_wait3A_571 = arith.constant 0 : i32
      %dma_wait3A_572 = tpu.memref_slice %arg7[%add3A_563, %dma_wait3A_565, %dma_wait3A_571] : memref<10x2x64xi32, #tpu.memory_space<vmem>> -> memref<1x1x64xi32, #tpu.memory_space<vmem>>
      %dma_wait3A_573 = tpu.memref_squeeze %dma_wait3A_572 : memref<1x1x64xi32, #tpu.memory_space<vmem>> -> memref<64xi32, #tpu.memory_space<vmem>>
      %dma_wait3A_574 = arith.constant 0 : i32
      %dma_wait3A_575 = arith.constant 0 : i32
      %dma_wait3A_576 = tpu.memref_slice %arg9[%dma_wait3A_574, %dma_wait3A_575] : memref<10112x128xf32, #tpu.memory_space<vmem_shared>> -> memref<10112x128xf32, #tpu.memory_space<vmem_shared>>
      %dma_wait3A_577 = tpu.memref_slice %arg12[%dma_wait3A_566] : memref<5x!tpu.dma_semaphore, #tpu.memory_space<semaphore_mem>> -> memref<1x!tpu.dma_semaphore, #tpu.memory_space<semaphore_mem>>
      %dma_wait3A_578 = tpu.memref_squeeze %dma_wait3A_577 : memref<1x!tpu.dma_semaphore, #tpu.memory_space<semaphore_mem>> -> memref<!tpu.dma_semaphore, #tpu.memory_space<semaphore_mem>>
      tpu.wait_indirect_dma semaphore(%dma_wait3A_578 : memref<!tpu.dma_semaphore, #tpu.memory_space<semaphore_mem>>) src(%dma_wait3A_570 : memref<64x128xf32, #tpu.memory_space<vmem>>) dst(%dma_wait3A_576 : memref<10112x128xf32, #tpu.memory_space<vmem_shared>>)
      %add3A_579 = arith.constant 0 : i32
      %add3A_580 = arith.addi %add3A_311, %add3A_579 : i32
      %add3A_581 = arith.constant 5 : i32
      %add3A_582 = arith.addi %add3A_580, %add3A_581 : i32
      %lt3A_583 = arith.constant 160 : i32
      %lt3A_584 = arith.cmpi slt, %add3A_582, %lt3A_583 : i32
      %convert_element_type3A_585 = arith.extui %lt3A_584 : i1 to i32
      %cond3A_586 = arith.constant 0 : i32
      %cond3A_587 = arith.cmpi ne, %convert_element_type3A_585, %cond3A_586 : i32
      scf.if %cond3A_587 {
        %add3A_692 = arith.constant 0 : i32
        %add3A_693 = arith.addi %sub3A_346, %add3A_692 : i32
        %add3A_694 = arith.constant 0 : i32
        %add3A_695 = arith.addi %add3A_311, %add3A_694 : i32
        %add3A_696 = arith.constant 5 : i32
        %add3A_697 = arith.addi %add3A_695, %add3A_696 : i32
        %dma_wait3A_698 = arith.constant 0 : i32
        %dma_wait3A_699 = arith.constant 0 : i32
        %dma_wait3A_700 = tpu.memref_slice %arg7[%add3A_693, %dma_wait3A_698, %dma_wait3A_699] : memref<10x2x64xi32, #tpu.memory_space<vmem>> -> memref<1x2x64xi32, #tpu.memory_space<vmem>>
        %dma_wait3A_701 = tpu.memref_squeeze %dma_wait3A_700 : memref<1x2x64xi32, #tpu.memory_space<vmem>> -> memref<2x64xi32, #tpu.memory_space<vmem>>
        %dma_wait3A_702 = arith.constant 0 : i32
        %dma_wait3A_703 = arith.constant 0 : i32
        %dma_wait3A_704 = tpu.memref_slice %arg3[%add3A, %add3A_697, %dma_wait3A_702, %dma_wait3A_703] : memref<32x160x2x64xi32, #tpu.memory_space<hbm>> -> memref<1x1x2x64xi32, #tpu.memory_space<hbm>>
        %dma_wait3A_705 = tpu.memref_squeeze %dma_wait3A_704 : memref<1x1x2x64xi32, #tpu.memory_space<hbm>> -> memref<2x64xi32, #tpu.memory_space<hbm>>
        %dma_wait3A_706 = tpu.memref_slice %arg10[%add3A_693] : memref<10x!tpu.dma_semaphore, #tpu.memory_space<semaphore_mem>> -> memref<1x!tpu.dma_semaphore, #tpu.memory_space<semaphore_mem>>
        %dma_wait3A_707 = tpu.memref_squeeze %dma_wait3A_706 : memref<1x!tpu.dma_semaphore, #tpu.memory_space<semaphore_mem>> -> memref<!tpu.dma_semaphore, #tpu.memory_space<semaphore_mem>>
        %dma_wait3A_708 = arith.constant 0 : i32
        %dma_wait3A_709 = arith.constant 0 : i32
        %dma_wait3A_710 = tpu.memref_slice %arg7[%add3A_693, %dma_wait3A_708, %dma_wait3A_709] : memref<10x2x64xi32, #tpu.memory_space<vmem>> -> memref<1x2x64xi32, #tpu.memory_space<vmem>>
        %dma_wait3A_711 = tpu.memref_squeeze %dma_wait3A_710 : memref<1x2x64xi32, #tpu.memory_space<vmem>> -> memref<2x64xi32, #tpu.memory_space<vmem>>
        %dma_wait3A_712 = arith.constant 0 : i32
        %dma_wait3A_713 = arith.constant 0 : i32
        %dma_wait3A_714 = tpu.memref_slice %arg3[%add3A, %add3A_697, %dma_wait3A_712, %dma_wait3A_713] : memref<32x160x2x64xi32, #tpu.memory_space<hbm>> -> memref<1x1x2x64xi32, #tpu.memory_space<hbm>>
        %dma_wait3A_715 = tpu.memref_squeeze %dma_wait3A_714 : memref<1x1x2x64xi32, #tpu.memory_space<hbm>> -> memref<2x64xi32, #tpu.memory_space<hbm>>
        tpu.wait_dma2 semaphore(%dma_wait3A_707 : memref<!tpu.dma_semaphore, #tpu.memory_space<semaphore_mem>>) src(%dma_wait3A_715 : memref<2x64xi32, #tpu.memory_space<hbm>>) dst(%dma_wait3A_711 : memref<2x64xi32, #tpu.memory_space<vmem>>)
        %add3A_716 = arith.constant 0 : i32
        %add3A_717 = arith.addi %sub3A_346, %add3A_716 : i32
        %dma_start3A_718 = arith.constant 0 : i32
        %dma_start3A_719 = arith.constant 0 : i32
        %dma_start3A_720 = arith.constant 0 : i32
        %dma_start3A_721 = arith.constant 0 : i32
        %dma_start3A_722 = arith.constant 0 : i32
        %dma_start3A_723 = tpu.memref_slice %arg8[%dma_start3A_719, %dma_start3A_721, %dma_start3A_722] : memref<5x64x128xf32, #tpu.memory_space<vmem>> -> memref<1x64x128xf32, #tpu.memory_space<vmem>>
        %dma_start3A_724 = tpu.memref_squeeze %dma_start3A_723 : memref<1x64x128xf32, #tpu.memory_space<vmem>> -> memref<64x128xf32, #tpu.memory_space<vmem>>
        %dma_start3A_725 = arith.constant 0 : i32
        %dma_start3A_726 = tpu.memref_slice %arg7[%add3A_717, %dma_start3A_718, %dma_start3A_725] : memref<10x2x64xi32, #tpu.memory_space<vmem>> -> memref<1x1x64xi32, #tpu.memory_space<vmem>>
        %dma_start3A_727 = tpu.memref_squeeze %dma_start3A_726 : memref<1x1x64xi32, #tpu.memory_space<vmem>> -> memref<64xi32, #tpu.memory_space<vmem>>
        %dma_start3A_728 = arith.constant 0 : i32
        %dma_start3A_729 = arith.constant 0 : i32
        %dma_start3A_730 = tpu.memref_slice %arg2[%dma_start3A_728, %dma_start3A_729] : memref<10000x128xf32, #tpu.memory_space<hbm>> -> memref<10000x128xf32, #tpu.memory_space<hbm>>
        %dma_start3A_731 = tpu.memref_slice %arg11[%dma_start3A_720] : memref<5x!tpu.dma_semaphore, #tpu.memory_space<semaphore_mem>> -> memref<1x!tpu.dma_semaphore, #tpu.memory_space<semaphore_mem>>
        %dma_start3A_732 = tpu.memref_squeeze %dma_start3A_731 : memref<1x!tpu.dma_semaphore, #tpu.memory_space<semaphore_mem>> -> memref<!tpu.dma_semaphore, #tpu.memory_space<semaphore_mem>>
        tpu.enqueue_indirect_dma source(%dma_start3A_730 : memref<10000x128xf32, #tpu.memory_space<hbm>>) target(%dma_start3A_724 : memref<64x128xf32, #tpu.memory_space<vmem>>) offsets(%dma_start3A_727 : memref<64xi32, #tpu.memory_space<vmem>>) semaphore(%dma_start3A_732 : memref<!tpu.dma_semaphore, #tpu.memory_space<semaphore_mem>>)
      } else {
      }
      %add3A_588 = arith.constant 1 : i32
      %add3A_589 = arith.addi %mul3A_344, %add3A_588 : i32
      %dma_wait3A_590 = arith.constant 1 : i32
      %dma_wait3A_591 = arith.constant 1 : i32
      %dma_wait3A_592 = arith.constant 1 : i32
      %dma_wait3A_593 = arith.constant 0 : i32
      %dma_wait3A_594 = arith.constant 0 : i32
      %dma_wait3A_595 = tpu.memref_slice %arg8[%dma_wait3A_590, %dma_wait3A_593, %dma_wait3A_594] : memref<5x64x128xf32, #tpu.memory_space<vmem>> -> memref<1x64x128xf32, #tpu.memory_space<vmem>>
      %dma_wait3A_596 = tpu.memref_squeeze %dma_wait3A_595 : memref<1x64x128xf32, #tpu.memory_space<vmem>> -> memref<64x128xf32, #tpu.memory_space<vmem>>
      %dma_wait3A_597 = arith.constant 0 : i32
      %dma_wait3A_598 = tpu.memref_slice %arg7[%add3A_589, %dma_wait3A_591, %dma_wait3A_597] : memref<10x2x64xi32, #tpu.memory_space<vmem>> -> memref<1x1x64xi32, #tpu.memory_space<vmem>>
      %dma_wait3A_599 = tpu.memref_squeeze %dma_wait3A_598 : memref<1x1x64xi32, #tpu.memory_space<vmem>> -> memref<64xi32, #tpu.memory_space<vmem>>
      %dma_wait3A_600 = arith.constant 0 : i32
      %dma_wait3A_601 = arith.constant 0 : i32
      %dma_wait3A_602 = tpu.memref_slice %arg9[%dma_wait3A_600, %dma_wait3A_601] : memref<10112x128xf32, #tpu.memory_space<vmem_shared>> -> memref<10112x128xf32, #tpu.memory_space<vmem_shared>>
      %dma_wait3A_603 = tpu.memref_slice %arg12[%dma_wait3A_592] : memref<5x!tpu.dma_semaphore, #tpu.memory_space<semaphore_mem>> -> memref<1x!tpu.dma_semaphore, #tpu.memory_space<semaphore_mem>>
      %dma_wait3A_604 = tpu.memref_squeeze %dma_wait3A_603 : memref<1x!tpu.dma_semaphore, #tpu.memory_space<semaphore_mem>> -> memref<!tpu.dma_semaphore, #tpu.memory_space<semaphore_mem>>
      tpu.wait_indirect_dma semaphore(%dma_wait3A_604 : memref<!tpu.dma_semaphore, #tpu.memory_space<semaphore_mem>>) src(%dma_wait3A_596 : memref<64x128xf32, #tpu.memory_space<vmem>>) dst(%dma_wait3A_602 : memref<10112x128xf32, #tpu.memory_space<vmem_shared>>)
      %add3A_605 = arith.constant 1 : i32
      %add3A_606 = arith.addi %add3A_311, %add3A_605 : i32
      %add3A_607 = arith.constant 5 : i32
      %add3A_608 = arith.addi %add3A_606, %add3A_607 : i32
      %lt3A_609 = arith.constant 160 : i32
      %lt3A_610 = arith.cmpi slt, %add3A_608, %lt3A_609 : i32
      %convert_element_type3A_611 = arith.extui %lt3A_610 : i1 to i32
      %cond3A_612 = arith.constant 0 : i32
      %cond3A_613 = arith.cmpi ne, %convert_element_type3A_611, %cond3A_612 : i32
      scf.if %cond3A_613 {
        %add3A_692 = arith.constant 1 : i32
        %add3A_693 = arith.addi %sub3A_346, %add3A_692 : i32
        %add3A_694 = arith.constant 1 : i32
        %add3A_695 = arith.addi %add3A_311, %add3A_694 : i32
        %add3A_696 = arith.constant 5 : i32
        %add3A_697 = arith.addi %add3A_695, %add3A_696 : i32
        %dma_wait3A_698 = arith.constant 0 : i32
        %dma_wait3A_699 = arith.constant 0 : i32
        %dma_wait3A_700 = tpu.memref_slice %arg7[%add3A_693, %dma_wait3A_698, %dma_wait3A_699] : memref<10x2x64xi32, #tpu.memory_space<vmem>> -> memref<1x2x64xi32, #tpu.memory_space<vmem>>
        %dma_wait3A_701 = tpu.memref_squeeze %dma_wait3A_700 : memref<1x2x64xi32, #tpu.memory_space<vmem>> -> memref<2x64xi32, #tpu.memory_space<vmem>>
        %dma_wait3A_702 = arith.constant 0 : i32
        %dma_wait3A_703 = arith.constant 0 : i32
        %dma_wait3A_704 = tpu.memref_slice %arg3[%add3A, %add3A_697, %dma_wait3A_702, %dma_wait3A_703] : memref<32x160x2x64xi32, #tpu.memory_space<hbm>> -> memref<1x1x2x64xi32, #tpu.memory_space<hbm>>
        %dma_wait3A_705 = tpu.memref_squeeze %dma_wait3A_704 : memref<1x1x2x64xi32, #tpu.memory_space<hbm>> -> memref<2x64xi32, #tpu.memory_space<hbm>>
        %dma_wait3A_706 = tpu.memref_slice %arg10[%add3A_693] : memref<10x!tpu.dma_semaphore, #tpu.memory_space<semaphore_mem>> -> memref<1x!tpu.dma_semaphore, #tpu.memory_space<semaphore_mem>>
        %dma_wait3A_707 = tpu.memref_squeeze %dma_wait3A_706 : memref<1x!tpu.dma_semaphore, #tpu.memory_space<semaphore_mem>> -> memref<!tpu.dma_semaphore, #tpu.memory_space<semaphore_mem>>
        %dma_wait3A_708 = arith.constant 0 : i32
        %dma_wait3A_709 = arith.constant 0 : i32
        %dma_wait3A_710 = tpu.memref_slice %arg7[%add3A_693, %dma_wait3A_708, %dma_wait3A_709] : memref<10x2x64xi32, #tpu.memory_space<vmem>> -> memref<1x2x64xi32, #tpu.memory_space<vmem>>
        %dma_wait3A_711 = tpu.memref_squeeze %dma_wait3A_710 : memref<1x2x64xi32, #tpu.memory_space<vmem>> -> memref<2x64xi32, #tpu.memory_space<vmem>>
        %dma_wait3A_712 = arith.constant 0 : i32
        %dma_wait3A_713 = arith.constant 0 : i32
        %dma_wait3A_714 = tpu.memref_slice %arg3[%add3A, %add3A_697, %dma_wait3A_712, %dma_wait3A_713] : memref<32x160x2x64xi32, #tpu.memory_space<hbm>> -> memref<1x1x2x64xi32, #tpu.memory_space<hbm>>
        %dma_wait3A_715 = tpu.memref_squeeze %dma_wait3A_714 : memref<1x1x2x64xi32, #tpu.memory_space<hbm>> -> memref<2x64xi32, #tpu.memory_space<hbm>>
        tpu.wait_dma2 semaphore(%dma_wait3A_707 : memref<!tpu.dma_semaphore, #tpu.memory_space<semaphore_mem>>) src(%dma_wait3A_715 : memref<2x64xi32, #tpu.memory_space<hbm>>) dst(%dma_wait3A_711 : memref<2x64xi32, #tpu.memory_space<vmem>>)
        %add3A_716 = arith.constant 1 : i32
        %add3A_717 = arith.addi %sub3A_346, %add3A_716 : i32
        %dma_start3A_718 = arith.constant 0 : i32
        %dma_start3A_719 = arith.constant 1 : i32
        %dma_start3A_720 = arith.constant 1 : i32
        %dma_start3A_721 = arith.constant 0 : i32
        %dma_start3A_722 = arith.constant 0 : i32
        %dma_start3A_723 = tpu.memref_slice %arg8[%dma_start3A_719, %dma_start3A_721, %dma_start3A_722] : memref<5x64x128xf32, #tpu.memory_space<vmem>> -> memref<1x64x128xf32, #tpu.memory_space<vmem>>
        %dma_start3A_724 = tpu.memref_squeeze %dma_start3A_723 : memref<1x64x128xf32, #tpu.memory_space<vmem>> -> memref<64x128xf32, #tpu.memory_space<vmem>>
        %dma_start3A_725 = arith.constant 0 : i32
        %dma_start3A_726 = tpu.memref_slice %arg7[%add3A_717, %dma_start3A_718, %dma_start3A_725] : memref<10x2x64xi32, #tpu.memory_space<vmem>> -> memref<1x1x64xi32, #tpu.memory_space<vmem>>
        %dma_start3A_727 = tpu.memref_squeeze %dma_start3A_726 : memref<1x1x64xi32, #tpu.memory_space<vmem>> -> memref<64xi32, #tpu.memory_space<vmem>>
        %dma_start3A_728 = arith.constant 0 : i32
        %dma_start3A_729 = arith.constant 0 : i32
        %dma_start3A_730 = tpu.memref_slice %arg2[%dma_start3A_728, %dma_start3A_729] : memref<10000x128xf32, #tpu.memory_space<hbm>> -> memref<10000x128xf32, #tpu.memory_space<hbm>>
        %dma_start3A_731 = tpu.memref_slice %arg11[%dma_start3A_720] : memref<5x!tpu.dma_semaphore, #tpu.memory_space<semaphore_mem>> -> memref<1x!tpu.dma_semaphore, #tpu.memory_space<semaphore_mem>>
        %dma_start3A_732 = tpu.memref_squeeze %dma_start3A_731 : memref<1x!tpu.dma_semaphore, #tpu.memory_space<semaphore_mem>> -> memref<!tpu.dma_semaphore, #tpu.memory_space<semaphore_mem>>
        tpu.enqueue_indirect_dma source(%dma_start3A_730 : memref<10000x128xf32, #tpu.memory_space<hbm>>) target(%dma_start3A_724 : memref<64x128xf32, #tpu.memory_space<vmem>>) offsets(%dma_start3A_727 : memref<64xi32, #tpu.memory_space<vmem>>) semaphore(%dma_start3A_732 : memref<!tpu.dma_semaphore, #tpu.memory_space<semaphore_mem>>)
      } else {
      }
      %add3A_614 = arith.constant 2 : i32
      %add3A_615 = arith.addi %mul3A_344, %add3A_614 : i32
      %dma_wait3A_616 = arith.constant 2 : i32
      %dma_wait3A_617 = arith.constant 1 : i32
      %dma_wait3A_618 = arith.constant 2 : i32
      %dma_wait3A_619 = arith.constant 0 : i32
      %dma_wait3A_620 = arith.constant 0 : i32
      %dma_wait3A_621 = tpu.memref_slice %arg8[%dma_wait3A_616, %dma_wait3A_619, %dma_wait3A_620] : memref<5x64x128xf32, #tpu.memory_space<vmem>> -> memref<1x64x128xf32, #tpu.memory_space<vmem>>
      %dma_wait3A_622 = tpu.memref_squeeze %dma_wait3A_621 : memref<1x64x128xf32, #tpu.memory_space<vmem>> -> memref<64x128xf32, #tpu.memory_space<vmem>>
      %dma_wait3A_623 = arith.constant 0 : i32
      %dma_wait3A_624 = tpu.memref_slice %arg7[%add3A_615, %dma_wait3A_617, %dma_wait3A_623] : memref<10x2x64xi32, #tpu.memory_space<vmem>> -> memref<1x1x64xi32, #tpu.memory_space<vmem>>
      %dma_wait3A_625 = tpu.memref_squeeze %dma_wait3A_624 : memref<1x1x64xi32, #tpu.memory_space<vmem>> -> memref<64xi32, #tpu.memory_space<vmem>>
      %dma_wait3A_626 = arith.constant 0 : i32
      %dma_wait3A_627 = arith.constant 0 : i32
      %dma_wait3A_628 = tpu.memref_slice %arg9[%dma_wait3A_626, %dma_wait3A_627] : memref<10112x128xf32, #tpu.memory_space<vmem_shared>> -> memref<10112x128xf32, #tpu.memory_space<vmem_shared>>
      %dma_wait3A_629 = tpu.memref_slice %arg12[%dma_wait3A_618] : memref<5x!tpu.dma_semaphore, #tpu.memory_space<semaphore_mem>> -> memref<1x!tpu.dma_semaphore, #tpu.memory_space<semaphore_mem>>
      %dma_wait3A_630 = tpu.memref_squeeze %dma_wait3A_629 : memref<1x!tpu.dma_semaphore, #tpu.memory_space<semaphore_mem>> -> memref<!tpu.dma_semaphore, #tpu.memory_space<semaphore_mem>>
      tpu.wait_indirect_dma semaphore(%dma_wait3A_630 : memref<!tpu.dma_semaphore, #tpu.memory_space<semaphore_mem>>) src(%dma_wait3A_622 : memref<64x128xf32, #tpu.memory_space<vmem>>) dst(%dma_wait3A_628 : memref<10112x128xf32, #tpu.memory_space<vmem_shared>>)
      %add3A_631 = arith.constant 2 : i32
      %add3A_632 = arith.addi %add3A_311, %add3A_631 : i32
      %add3A_633 = arith.constant 5 : i32
      %add3A_634 = arith.addi %add3A_632, %add3A_633 : i32
      %lt3A_635 = arith.constant 160 : i32
      %lt3A_636 = arith.cmpi slt, %add3A_634, %lt3A_635 : i32
      %convert_element_type3A_637 = arith.extui %lt3A_636 : i1 to i32
      %cond3A_638 = arith.constant 0 : i32
      %cond3A_639 = arith.cmpi ne, %convert_element_type3A_637, %cond3A_638 : i32
      scf.if %cond3A_639 {
        %add3A_692 = arith.constant 2 : i32
        %add3A_693 = arith.addi %sub3A_346, %add3A_692 : i32
        %add3A_694 = arith.constant 2 : i32
        %add3A_695 = arith.addi %add3A_311, %add3A_694 : i32
        %add3A_696 = arith.constant 5 : i32
        %add3A_697 = arith.addi %add3A_695, %add3A_696 : i32
        %dma_wait3A_698 = arith.constant 0 : i32
        %dma_wait3A_699 = arith.constant 0 : i32
        %dma_wait3A_700 = tpu.memref_slice %arg7[%add3A_693, %dma_wait3A_698, %dma_wait3A_699] : memref<10x2x64xi32, #tpu.memory_space<vmem>> -> memref<1x2x64xi32, #tpu.memory_space<vmem>>
        %dma_wait3A_701 = tpu.memref_squeeze %dma_wait3A_700 : memref<1x2x64xi32, #tpu.memory_space<vmem>> -> memref<2x64xi32, #tpu.memory_space<vmem>>
        %dma_wait3A_702 = arith.constant 0 : i32
        %dma_wait3A_703 = arith.constant 0 : i32
        %dma_wait3A_704 = tpu.memref_slice %arg3[%add3A, %add3A_697, %dma_wait3A_702, %dma_wait3A_703] : memref<32x160x2x64xi32, #tpu.memory_space<hbm>> -> memref<1x1x2x64xi32, #tpu.memory_space<hbm>>
        %dma_wait3A_705 = tpu.memref_squeeze %dma_wait3A_704 : memref<1x1x2x64xi32, #tpu.memory_space<hbm>> -> memref<2x64xi32, #tpu.memory_space<hbm>>
        %dma_wait3A_706 = tpu.memref_slice %arg10[%add3A_693] : memref<10x!tpu.dma_semaphore, #tpu.memory_space<semaphore_mem>> -> memref<1x!tpu.dma_semaphore, #tpu.memory_space<semaphore_mem>>
        %dma_wait3A_707 = tpu.memref_squeeze %dma_wait3A_706 : memref<1x!tpu.dma_semaphore, #tpu.memory_space<semaphore_mem>> -> memref<!tpu.dma_semaphore, #tpu.memory_space<semaphore_mem>>
        %dma_wait3A_708 = arith.constant 0 : i32
        %dma_wait3A_709 = arith.constant 0 : i32
        %dma_wait3A_710 = tpu.memref_slice %arg7[%add3A_693, %dma_wait3A_708, %dma_wait3A_709] : memref<10x2x64xi32, #tpu.memory_space<vmem>> -> memref<1x2x64xi32, #tpu.memory_space<vmem>>
        %dma_wait3A_711 = tpu.memref_squeeze %dma_wait3A_710 : memref<1x2x64xi32, #tpu.memory_space<vmem>> -> memref<2x64xi32, #tpu.memory_space<vmem>>
        %dma_wait3A_712 = arith.constant 0 : i32
        %dma_wait3A_713 = arith.constant 0 : i32
        %dma_wait3A_714 = tpu.memref_slice %arg3[%add3A, %add3A_697, %dma_wait3A_712, %dma_wait3A_713] : memref<32x160x2x64xi32, #tpu.memory_space<hbm>> -> memref<1x1x2x64xi32, #tpu.memory_space<hbm>>
        %dma_wait3A_715 = tpu.memref_squeeze %dma_wait3A_714 : memref<1x1x2x64xi32, #tpu.memory_space<hbm>> -> memref<2x64xi32, #tpu.memory_space<hbm>>
        tpu.wait_dma2 semaphore(%dma_wait3A_707 : memref<!tpu.dma_semaphore, #tpu.memory_space<semaphore_mem>>) src(%dma_wait3A_715 : memref<2x64xi32, #tpu.memory_space<hbm>>) dst(%dma_wait3A_711 : memref<2x64xi32, #tpu.memory_space<vmem>>)
        %add3A_716 = arith.constant 2 : i32
        %add3A_717 = arith.addi %sub3A_346, %add3A_716 : i32
        %dma_start3A_718 = arith.constant 0 : i32
        %dma_start3A_719 = arith.constant 2 : i32
        %dma_start3A_720 = arith.constant 2 : i32
        %dma_start3A_721 = arith.constant 0 : i32
        %dma_start3A_722 = arith.constant 0 : i32
        %dma_start3A_723 = tpu.memref_slice %arg8[%dma_start3A_719, %dma_start3A_721, %dma_start3A_722] : memref<5x64x128xf32, #tpu.memory_space<vmem>> -> memref<1x64x128xf32, #tpu.memory_space<vmem>>
        %dma_start3A_724 = tpu.memref_squeeze %dma_start3A_723 : memref<1x64x128xf32, #tpu.memory_space<vmem>> -> memref<64x128xf32, #tpu.memory_space<vmem>>
        %dma_start3A_725 = arith.constant 0 : i32
        %dma_start3A_726 = tpu.memref_slice %arg7[%add3A_717, %dma_start3A_718, %dma_start3A_725] : memref<10x2x64xi32, #tpu.memory_space<vmem>> -> memref<1x1x64xi32, #tpu.memory_space<vmem>>
        %dma_start3A_727 = tpu.memref_squeeze %dma_start3A_726 : memref<1x1x64xi32, #tpu.memory_space<vmem>> -> memref<64xi32, #tpu.memory_space<vmem>>
        %dma_start3A_728 = arith.constant 0 : i32
        %dma_start3A_729 = arith.constant 0 : i32
        %dma_start3A_730 = tpu.memref_slice %arg2[%dma_start3A_728, %dma_start3A_729] : memref<10000x128xf32, #tpu.memory_space<hbm>> -> memref<10000x128xf32, #tpu.memory_space<hbm>>
        %dma_start3A_731 = tpu.memref_slice %arg11[%dma_start3A_720] : memref<5x!tpu.dma_semaphore, #tpu.memory_space<semaphore_mem>> -> memref<1x!tpu.dma_semaphore, #tpu.memory_space<semaphore_mem>>
        %dma_start3A_732 = tpu.memref_squeeze %dma_start3A_731 : memref<1x!tpu.dma_semaphore, #tpu.memory_space<semaphore_mem>> -> memref<!tpu.dma_semaphore, #tpu.memory_space<semaphore_mem>>
        tpu.enqueue_indirect_dma source(%dma_start3A_730 : memref<10000x128xf32, #tpu.memory_space<hbm>>) target(%dma_start3A_724 : memref<64x128xf32, #tpu.memory_space<vmem>>) offsets(%dma_start3A_727 : memref<64xi32, #tpu.memory_space<vmem>>) semaphore(%dma_start3A_732 : memref<!tpu.dma_semaphore, #tpu.memory_space<semaphore_mem>>)
      } else {
      }
      %add3A_640 = arith.constant 3 : i32
      %add3A_641 = arith.addi %mul3A_344, %add3A_640 : i32
      %dma_wait3A_642 = arith.constant 3 : i32
      %dma_wait3A_643 = arith.constant 1 : i32
      %dma_wait3A_644 = arith.constant 3 : i32
      %dma_wait3A_645 = arith.constant 0 : i32
      %dma_wait3A_646 = arith.constant 0 : i32
      %dma_wait3A_647 = tpu.memref_slice %arg8[%dma_wait3A_642, %dma_wait3A_645, %dma_wait3A_646] : memref<5x64x128xf32, #tpu.memory_space<vmem>> -> memref<1x64x128xf32, #tpu.memory_space<vmem>>
      %dma_wait3A_648 = tpu.memref_squeeze %dma_wait3A_647 : memref<1x64x128xf32, #tpu.memory_space<vmem>> -> memref<64x128xf32, #tpu.memory_space<vmem>>
      %dma_wait3A_649 = arith.constant 0 : i32
      %dma_wait3A_650 = tpu.memref_slice %arg7[%add3A_641, %dma_wait3A_643, %dma_wait3A_649] : memref<10x2x64xi32, #tpu.memory_space<vmem>> -> memref<1x1x64xi32, #tpu.memory_space<vmem>>
      %dma_wait3A_651 = tpu.memref_squeeze %dma_wait3A_650 : memref<1x1x64xi32, #tpu.memory_space<vmem>> -> memref<64xi32, #tpu.memory_space<vmem>>
      %dma_wait3A_652 = arith.constant 0 : i32
      %dma_wait3A_653 = arith.constant 0 : i32
      %dma_wait3A_654 = tpu.memref_slice %arg9[%dma_wait3A_652, %dma_wait3A_653] : memref<10112x128xf32, #tpu.memory_space<vmem_shared>> -> memref<10112x128xf32, #tpu.memory_space<vmem_shared>>
      %dma_wait3A_655 = tpu.memref_slice %arg12[%dma_wait3A_644] : memref<5x!tpu.dma_semaphore, #tpu.memory_space<semaphore_mem>> -> memref<1x!tpu.dma_semaphore, #tpu.memory_space<semaphore_mem>>
      %dma_wait3A_656 = tpu.memref_squeeze %dma_wait3A_655 : memref<1x!tpu.dma_semaphore, #tpu.memory_space<semaphore_mem>> -> memref<!tpu.dma_semaphore, #tpu.memory_space<semaphore_mem>>
      tpu.wait_indirect_dma semaphore(%dma_wait3A_656 : memref<!tpu.dma_semaphore, #tpu.memory_space<semaphore_mem>>) src(%dma_wait3A_648 : memref<64x128xf32, #tpu.memory_space<vmem>>) dst(%dma_wait3A_654 : memref<10112x128xf32, #tpu.memory_space<vmem_shared>>)
      %add3A_657 = arith.constant 3 : i32
      %add3A_658 = arith.addi %add3A_311, %add3A_657 : i32
      %add3A_659 = arith.constant 5 : i32
      %add3A_660 = arith.addi %add3A_658, %add3A_659 : i32
      %lt3A_661 = arith.constant 160 : i32
      %lt3A_662 = arith.cmpi slt, %add3A_660, %lt3A_661 : i32
      %convert_element_type3A_663 = arith.extui %lt3A_662 : i1 to i32
      %cond3A_664 = arith.constant 0 : i32
      %cond3A_665 = arith.cmpi ne, %convert_element_type3A_663, %cond3A_664 : i32
      scf.if %cond3A_665 {
        %add3A_692 = arith.constant 3 : i32
        %add3A_693 = arith.addi %sub3A_346, %add3A_692 : i32
        %add3A_694 = arith.constant 3 : i32
        %add3A_695 = arith.addi %add3A_311, %add3A_694 : i32
        %add3A_696 = arith.constant 5 : i32
        %add3A_697 = arith.addi %add3A_695, %add3A_696 : i32
        %dma_wait3A_698 = arith.constant 0 : i32
        %dma_wait3A_699 = arith.constant 0 : i32
        %dma_wait3A_700 = tpu.memref_slice %arg7[%add3A_693, %dma_wait3A_698, %dma_wait3A_699] : memref<10x2x64xi32, #tpu.memory_space<vmem>> -> memref<1x2x64xi32, #tpu.memory_space<vmem>>
        %dma_wait3A_701 = tpu.memref_squeeze %dma_wait3A_700 : memref<1x2x64xi32, #tpu.memory_space<vmem>> -> memref<2x64xi32, #tpu.memory_space<vmem>>
        %dma_wait3A_702 = arith.constant 0 : i32
        %dma_wait3A_703 = arith.constant 0 : i32
        %dma_wait3A_704 = tpu.memref_slice %arg3[%add3A, %add3A_697, %dma_wait3A_702, %dma_wait3A_703] : memref<32x160x2x64xi32, #tpu.memory_space<hbm>> -> memref<1x1x2x64xi32, #tpu.memory_space<hbm>>
        %dma_wait3A_705 = tpu.memref_squeeze %dma_wait3A_704 : memref<1x1x2x64xi32, #tpu.memory_space<hbm>> -> memref<2x64xi32, #tpu.memory_space<hbm>>
        %dma_wait3A_706 = tpu.memref_slice %arg10[%add3A_693] : memref<10x!tpu.dma_semaphore, #tpu.memory_space<semaphore_mem>> -> memref<1x!tpu.dma_semaphore, #tpu.memory_space<semaphore_mem>>
        %dma_wait3A_707 = tpu.memref_squeeze %dma_wait3A_706 : memref<1x!tpu.dma_semaphore, #tpu.memory_space<semaphore_mem>> -> memref<!tpu.dma_semaphore, #tpu.memory_space<semaphore_mem>>
        %dma_wait3A_708 = arith.constant 0 : i32
        %dma_wait3A_709 = arith.constant 0 : i32
        %dma_wait3A_710 = tpu.memref_slice %arg7[%add3A_693, %dma_wait3A_708, %dma_wait3A_709] : memref<10x2x64xi32, #tpu.memory_space<vmem>> -> memref<1x2x64xi32, #tpu.memory_space<vmem>>
        %dma_wait3A_711 = tpu.memref_squeeze %dma_wait3A_710 : memref<1x2x64xi32, #tpu.memory_space<vmem>> -> memref<2x64xi32, #tpu.memory_space<vmem>>
        %dma_wait3A_712 = arith.constant 0 : i32
        %dma_wait3A_713 = arith.constant 0 : i32
        %dma_wait3A_714 = tpu.memref_slice %arg3[%add3A, %add3A_697, %dma_wait3A_712, %dma_wait3A_713] : memref<32x160x2x64xi32, #tpu.memory_space<hbm>> -> memref<1x1x2x64xi32, #tpu.memory_space<hbm>>
        %dma_wait3A_715 = tpu.memref_squeeze %dma_wait3A_714 : memref<1x1x2x64xi32, #tpu.memory_space<hbm>> -> memref<2x64xi32, #tpu.memory_space<hbm>>
        tpu.wait_dma2 semaphore(%dma_wait3A_707 : memref<!tpu.dma_semaphore, #tpu.memory_space<semaphore_mem>>) src(%dma_wait3A_715 : memref<2x64xi32, #tpu.memory_space<hbm>>) dst(%dma_wait3A_711 : memref<2x64xi32, #tpu.memory_space<vmem>>)
        %add3A_716 = arith.constant 3 : i32
        %add3A_717 = arith.addi %sub3A_346, %add3A_716 : i32
        %dma_start3A_718 = arith.constant 0 : i32
        %dma_start3A_719 = arith.constant 3 : i32
        %dma_start3A_720 = arith.constant 3 : i32
        %dma_start3A_721 = arith.constant 0 : i32
        %dma_start3A_722 = arith.constant 0 : i32
        %dma_start3A_723 = tpu.memref_slice %arg8[%dma_start3A_719, %dma_start3A_721, %dma_start3A_722] : memref<5x64x128xf32, #tpu.memory_space<vmem>> -> memref<1x64x128xf32, #tpu.memory_space<vmem>>
        %dma_start3A_724 = tpu.memref_squeeze %dma_start3A_723 : memref<1x64x128xf32, #tpu.memory_space<vmem>> -> memref<64x128xf32, #tpu.memory_space<vmem>>
        %dma_start3A_725 = arith.constant 0 : i32
        %dma_start3A_726 = tpu.memref_slice %arg7[%add3A_717, %dma_start3A_718, %dma_start3A_725] : memref<10x2x64xi32, #tpu.memory_space<vmem>> -> memref<1x1x64xi32, #tpu.memory_space<vmem>>
        %dma_start3A_727 = tpu.memref_squeeze %dma_start3A_726 : memref<1x1x64xi32, #tpu.memory_space<vmem>> -> memref<64xi32, #tpu.memory_space<vmem>>
        %dma_start3A_728 = arith.constant 0 : i32
        %dma_start3A_729 = arith.constant 0 : i32
        %dma_start3A_730 = tpu.memref_slice %arg2[%dma_start3A_728, %dma_start3A_729] : memref<10000x128xf32, #tpu.memory_space<hbm>> -> memref<10000x128xf32, #tpu.memory_space<hbm>>
        %dma_start3A_731 = tpu.memref_slice %arg11[%dma_start3A_720] : memref<5x!tpu.dma_semaphore, #tpu.memory_space<semaphore_mem>> -> memref<1x!tpu.dma_semaphore, #tpu.memory_space<semaphore_mem>>
        %dma_start3A_732 = tpu.memref_squeeze %dma_start3A_731 : memref<1x!tpu.dma_semaphore, #tpu.memory_space<semaphore_mem>> -> memref<!tpu.dma_semaphore, #tpu.memory_space<semaphore_mem>>
        tpu.enqueue_indirect_dma source(%dma_start3A_730 : memref<10000x128xf32, #tpu.memory_space<hbm>>) target(%dma_start3A_724 : memref<64x128xf32, #tpu.memory_space<vmem>>) offsets(%dma_start3A_727 : memref<64xi32, #tpu.memory_space<vmem>>) semaphore(%dma_start3A_732 : memref<!tpu.dma_semaphore, #tpu.memory_space<semaphore_mem>>)
      } else {
      }
      %add3A_666 = arith.constant 4 : i32
      %add3A_667 = arith.addi %mul3A_344, %add3A_666 : i32
      %dma_wait3A_668 = arith.constant 4 : i32
      %dma_wait3A_669 = arith.constant 1 : i32
      %dma_wait3A_670 = arith.constant 4 : i32
      %dma_wait3A_671 = arith.constant 0 : i32
      %dma_wait3A_672 = arith.constant 0 : i32
      %dma_wait3A_673 = tpu.memref_slice %arg8[%dma_wait3A_668, %dma_wait3A_671, %dma_wait3A_672] : memref<5x64x128xf32, #tpu.memory_space<vmem>> -> memref<1x64x128xf32, #tpu.memory_space<vmem>>
      %dma_wait3A_674 = tpu.memref_squeeze %dma_wait3A_673 : memref<1x64x128xf32, #tpu.memory_space<vmem>> -> memref<64x128xf32, #tpu.memory_space<vmem>>
      %dma_wait3A_675 = arith.constant 0 : i32
      %dma_wait3A_676 = tpu.memref_slice %arg7[%add3A_667, %dma_wait3A_669, %dma_wait3A_675] : memref<10x2x64xi32, #tpu.memory_space<vmem>> -> memref<1x1x64xi32, #tpu.memory_space<vmem>>
      %dma_wait3A_677 = tpu.memref_squeeze %dma_wait3A_676 : memref<1x1x64xi32, #tpu.memory_space<vmem>> -> memref<64xi32, #tpu.memory_space<vmem>>
      %dma_wait3A_678 = arith.constant 0 : i32
      %dma_wait3A_679 = arith.constant 0 : i32
      %dma_wait3A_680 = tpu.memref_slice %arg9[%dma_wait3A_678, %dma_wait3A_679] : memref<10112x128xf32, #tpu.memory_space<vmem_shared>> -> memref<10112x128xf32, #tpu.memory_space<vmem_shared>>
      %dma_wait3A_681 = tpu.memref_slice %arg12[%dma_wait3A_670] : memref<5x!tpu.dma_semaphore, #tpu.memory_space<semaphore_mem>> -> memref<1x!tpu.dma_semaphore, #tpu.memory_space<semaphore_mem>>
      %dma_wait3A_682 = tpu.memref_squeeze %dma_wait3A_681 : memref<1x!tpu.dma_semaphore, #tpu.memory_space<semaphore_mem>> -> memref<!tpu.dma_semaphore, #tpu.memory_space<semaphore_mem>>
      tpu.wait_indirect_dma semaphore(%dma_wait3A_682 : memref<!tpu.dma_semaphore, #tpu.memory_space<semaphore_mem>>) src(%dma_wait3A_674 : memref<64x128xf32, #tpu.memory_space<vmem>>) dst(%dma_wait3A_680 : memref<10112x128xf32, #tpu.memory_space<vmem_shared>>)
      %add3A_683 = arith.constant 4 : i32
      %add3A_684 = arith.addi %add3A_311, %add3A_683 : i32
      %add3A_685 = arith.constant 5 : i32
      %add3A_686 = arith.addi %add3A_684, %add3A_685 : i32
      %lt3A_687 = arith.constant 160 : i32
      %lt3A_688 = arith.cmpi slt, %add3A_686, %lt3A_687 : i32
      %convert_element_type3A_689 = arith.extui %lt3A_688 : i1 to i32
      %cond3A_690 = arith.constant 0 : i32
      %cond3A_691 = arith.cmpi ne, %convert_element_type3A_689, %cond3A_690 : i32
      scf.if %cond3A_691 {
        %add3A_692 = arith.constant 4 : i32
        %add3A_693 = arith.addi %sub3A_346, %add3A_692 : i32
        %add3A_694 = arith.constant 4 : i32
        %add3A_695 = arith.addi %add3A_311, %add3A_694 : i32
        %add3A_696 = arith.constant 5 : i32
        %add3A_697 = arith.addi %add3A_695, %add3A_696 : i32
        %dma_wait3A_698 = arith.constant 0 : i32
        %dma_wait3A_699 = arith.constant 0 : i32
        %dma_wait3A_700 = tpu.memref_slice %arg7[%add3A_693, %dma_wait3A_698, %dma_wait3A_699] : memref<10x2x64xi32, #tpu.memory_space<vmem>> -> memref<1x2x64xi32, #tpu.memory_space<vmem>>
        %dma_wait3A_701 = tpu.memref_squeeze %dma_wait3A_700 : memref<1x2x64xi32, #tpu.memory_space<vmem>> -> memref<2x64xi32, #tpu.memory_space<vmem>>
        %dma_wait3A_702 = arith.constant 0 : i32
        %dma_wait3A_703 = arith.constant 0 : i32
        %dma_wait3A_704 = tpu.memref_slice %arg3[%add3A, %add3A_697, %dma_wait3A_702, %dma_wait3A_703] : memref<32x160x2x64xi32, #tpu.memory_space<hbm>> -> memref<1x1x2x64xi32, #tpu.memory_space<hbm>>
        %dma_wait3A_705 = tpu.memref_squeeze %dma_wait3A_704 : memref<1x1x2x64xi32, #tpu.memory_space<hbm>> -> memref<2x64xi32, #tpu.memory_space<hbm>>
        %dma_wait3A_706 = tpu.memref_slice %arg10[%add3A_693] : memref<10x!tpu.dma_semaphore, #tpu.memory_space<semaphore_mem>> -> memref<1x!tpu.dma_semaphore, #tpu.memory_space<semaphore_mem>>
        %dma_wait3A_707 = tpu.memref_squeeze %dma_wait3A_706 : memref<1x!tpu.dma_semaphore, #tpu.memory_space<semaphore_mem>> -> memref<!tpu.dma_semaphore, #tpu.memory_space<semaphore_mem>>
        %dma_wait3A_708 = arith.constant 0 : i32
        %dma_wait3A_709 = arith.constant 0 : i32
        %dma_wait3A_710 = tpu.memref_slice %arg7[%add3A_693, %dma_wait3A_708, %dma_wait3A_709] : memref<10x2x64xi32, #tpu.memory_space<vmem>> -> memref<1x2x64xi32, #tpu.memory_space<vmem>>
        %dma_wait3A_711 = tpu.memref_squeeze %dma_wait3A_710 : memref<1x2x64xi32, #tpu.memory_space<vmem>> -> memref<2x64xi32, #tpu.memory_space<vmem>>
        %dma_wait3A_712 = arith.constant 0 : i32
        %dma_wait3A_713 = arith.constant 0 : i32
        %dma_wait3A_714 = tpu.memref_slice %arg3[%add3A, %add3A_697, %dma_wait3A_712, %dma_wait3A_713] : memref<32x160x2x64xi32, #tpu.memory_space<hbm>> -> memref<1x1x2x64xi32, #tpu.memory_space<hbm>>
        %dma_wait3A_715 = tpu.memref_squeeze %dma_wait3A_714 : memref<1x1x2x64xi32, #tpu.memory_space<hbm>> -> memref<2x64xi32, #tpu.memory_space<hbm>>
        tpu.wait_dma2 semaphore(%dma_wait3A_707 : memref<!tpu.dma_semaphore, #tpu.memory_space<semaphore_mem>>) src(%dma_wait3A_715 : memref<2x64xi32, #tpu.memory_space<hbm>>) dst(%dma_wait3A_711 : memref<2x64xi32, #tpu.memory_space<vmem>>)
        %add3A_716 = arith.constant 4 : i32
        %add3A_717 = arith.addi %sub3A_346, %add3A_716 : i32
        %dma_start3A_718 = arith.constant 0 : i32
        %dma_start3A_719 = arith.constant 4 : i32
        %dma_start3A_720 = arith.constant 4 : i32
        %dma_start3A_721 = arith.constant 0 : i32
        %dma_start3A_722 = arith.constant 0 : i32
        %dma_start3A_723 = tpu.memref_slice %arg8[%dma_start3A_719, %dma_start3A_721, %dma_start3A_722] : memref<5x64x128xf32, #tpu.memory_space<vmem>> -> memref<1x64x128xf32, #tpu.memory_space<vmem>>
        %dma_start3A_724 = tpu.memref_squeeze %dma_start3A_723 : memref<1x64x128xf32, #tpu.memory_space<vmem>> -> memref<64x128xf32, #tpu.memory_space<vmem>>
        %dma_start3A_725 = arith.constant 0 : i32
        %dma_start3A_726 = tpu.memref_slice %arg7[%add3A_717, %dma_start3A_718, %dma_start3A_725] : memref<10x2x64xi32, #tpu.memory_space<vmem>> -> memref<1x1x64xi32, #tpu.memory_space<vmem>>
        %dma_start3A_727 = tpu.memref_squeeze %dma_start3A_726 : memref<1x1x64xi32, #tpu.memory_space<vmem>> -> memref<64xi32, #tpu.memory_space<vmem>>
        %dma_start3A_728 = arith.constant 0 : i32
        %dma_start3A_729 = arith.constant 0 : i32
        %dma_start3A_730 = tpu.memref_slice %arg2[%dma_start3A_728, %dma_start3A_729] : memref<10000x128xf32, #tpu.memory_space<hbm>> -> memref<10000x128xf32, #tpu.memory_space<hbm>>
        %dma_start3A_731 = tpu.memref_slice %arg11[%dma_start3A_720] : memref<5x!tpu.dma_semaphore, #tpu.memory_space<semaphore_mem>> -> memref<1x!tpu.dma_semaphore, #tpu.memory_space<semaphore_mem>>
        %dma_start3A_732 = tpu.memref_squeeze %dma_start3A_731 : memref<1x!tpu.dma_semaphore, #tpu.memory_space<semaphore_mem>> -> memref<!tpu.dma_semaphore, #tpu.memory_space<semaphore_mem>>
        tpu.enqueue_indirect_dma source(%dma_start3A_730 : memref<10000x128xf32, #tpu.memory_space<hbm>>) target(%dma_start3A_724 : memref<64x128xf32, #tpu.memory_space<vmem>>) offsets(%dma_start3A_727 : memref<64xi32, #tpu.memory_space<vmem>>) semaphore(%dma_start3A_732 : memref<!tpu.dma_semaphore, #tpu.memory_space<semaphore_mem>>)
      } else {
      }
    }
    %scan3A_296 = arith.constant 32 : i32
    %barrier3A_297 = arith.constant 0 : index
    tpu.barrier barrier_id(%barrier3A_297)
    %mul3A_298 = arith.constant 632 : i32
    %mul3A_299 = arith.muli %arg1, %mul3A_298 : i32
    %eq3A = arith.constant 0 : i32
    %eq3A_300 = arith.cmpi eq, %arg0, %eq3A : i32
    %convert_element_type3A = arith.extui %eq3A_300 : i1 to i32
    %cond3A = arith.constant 0 : i32
    %cond3A_301 = arith.cmpi ne, %convert_element_type3A, %cond3A : i32
    scf.if %cond3A_301 {
      "tpu.region"() ({
        %run_scoped3A = tpu.sem_alloc : memref<!tpu.dma_semaphore, #tpu.memory_space<semaphore_mem>>
        %dma_start3A_307 = arith.constant 0 : i32
        %dma_start3A_308 = tpu.memref_slice %arg5[%mul3A_299, %dma_start3A_307] : memref<10112x128xf32, #tpu.memory_space<hbm>> -> memref<632x128xf32, #tpu.memory_space<hbm>>
        %dma_start3A_309 = arith.constant 0 : i32
        %dma_start3A_310 = tpu.memref_slice %arg9[%mul3A_299, %dma_start3A_309] : memref<10112x128xf32, #tpu.memory_space<vmem_shared>> -> memref<632x128xf32, #tpu.memory_space<vmem_shared>>
        tpu.enqueue_dma source(%dma_start3A_310 : memref<632x128xf32, #tpu.memory_space<vmem_shared>>) target(%dma_start3A_308 : memref<632x128xf32, #tpu.memory_space<hbm>>) target_semaphore(%run_scoped3A : memref<!tpu.dma_semaphore, #tpu.memory_space<semaphore_mem>>)
        %dma_wait3A_311 = arith.constant 0 : i32
        %dma_wait3A_312 = tpu.memref_slice %arg5[%mul3A_299, %dma_wait3A_311] : memref<10112x128xf32, #tpu.memory_space<hbm>> -> memref<632x128xf32, #tpu.memory_space<hbm>>
        %dma_wait3A_313 = arith.constant 0 : i32
        %dma_wait3A_314 = tpu.memref_slice %arg9[%mul3A_299, %dma_wait3A_313] : memref<10112x128xf32, #tpu.memory_space<vmem_shared>> -> memref<632x128xf32, #tpu.memory_space<vmem_shared>>
        tpu.wait_dma2 semaphore(%run_scoped3A : memref<!tpu.dma_semaphore, #tpu.memory_space<semaphore_mem>>) src(%dma_wait3A_314 : memref<632x128xf32, #tpu.memory_space<vmem_shared>>) dst(%dma_wait3A_312 : memref<632x128xf32, #tpu.memory_space<hbm>>)
        tpu.yield
      }) : () -> ()
    } else {
    }
    %eq3A_302 = arith.constant 1 : i32
    %eq3A_303 = arith.cmpi eq, %arg0, %eq3A_302 : i32
    %convert_element_type3A_304 = arith.extui %eq3A_303 : i1 to i32
    %cond3A_305 = arith.constant 0 : i32
    %cond3A_306 = arith.cmpi ne, %convert_element_type3A_304, %cond3A_305 : i32
    scf.if %cond3A_306 {
      "tpu.region"() ({
        %run_scoped3A = tpu.sem_alloc : memref<!tpu.dma_semaphore, #tpu.memory_space<semaphore_mem>>
        %dma_start3A_307 = arith.constant 0 : i32
        %dma_start3A_308 = tpu.memref_slice %arg6[%mul3A_299, %dma_start3A_307] : memref<10112x128xf32, #tpu.memory_space<hbm>> -> memref<632x128xf32, #tpu.memory_space<hbm>>
        %dma_start3A_309 = arith.constant 0 : i32
        %dma_start3A_310 = tpu.memref_slice %arg9[%mul3A_299, %dma_start3A_309] : memref<10112x128xf32, #tpu.memory_space<vmem_shared>> -> memref<632x128xf32, #tpu.memory_space<vmem_shared>>
        tpu.enqueue_dma source(%dma_start3A_310 : memref<632x128xf32, #tpu.memory_space<vmem_shared>>) target(%dma_start3A_308 : memref<632x128xf32, #tpu.memory_space<hbm>>) target_semaphore(%run_scoped3A : memref<!tpu.dma_semaphore, #tpu.memory_space<semaphore_mem>>)
        %dma_wait3A_311 = arith.constant 0 : i32
        %dma_wait3A_312 = tpu.memref_slice %arg6[%mul3A_299, %dma_wait3A_311] : memref<10112x128xf32, #tpu.memory_space<hbm>> -> memref<632x128xf32, #tpu.memory_space<hbm>>
        %dma_wait3A_313 = arith.constant 0 : i32
        %dma_wait3A_314 = tpu.memref_slice %arg9[%mul3A_299, %dma_wait3A_313] : memref<10112x128xf32, #tpu.memory_space<vmem_shared>> -> memref<632x128xf32, #tpu.memory_space<vmem_shared>>
        tpu.wait_dma2 semaphore(%run_scoped3A : memref<!tpu.dma_semaphore, #tpu.memory_space<semaphore_mem>>) src(%dma_wait3A_314 : memref<632x128xf32, #tpu.memory_space<vmem_shared>>) dst(%dma_wait3A_312 : memref<632x128xf32, #tpu.memory_space<hbm>>)
        tpu.yield
      }) : () -> ()
    } else {
    }
    return
  }
}

#map = affine_map<(d0, d1) -> (0, 0, 0)>
#map1 = affine_map<(d0, d1) -> (0)>
#map2 = affine_map<(d0, d1) -> (0, 0)>
module attributes {stable_mosaic.version = 14 : i64} {
  func.func @_deg_kernel(%arg0: i32, %arg1: i32, %arg2: memref<32x640x16xi32, #tpu.memory_space<hbm>>, %arg3: memref<10240xf32, #tpu.memory_space<hbm>>, %arg4: memref<32x10240xf32, #tpu.memory_space<hbm>>, %arg5: memref<640x16xi32, #tpu.memory_space<vmem>>, %arg6: memref<10240xf32, #tpu.memory_space<vmem>>) attributes {dimension_semantics = [#tpu.dimension_semantics<core_parallel>, #tpu.dimension_semantics<subcore_parallel>], iteration_bounds = array<i64: 2, 16>, scalar_prefetch = 0 : i64, scratch_operands = 2 : i64, tpu.core_type = #tpu.core_type<sc_vector_subcore>, window_params = [{transform_indices = #map}, {transform_indices = #map1}, {transform_indices = #map2}]} {
    %mul3A = arith.constant 16 : i32
    %mul3A_0 = arith.muli %arg0, %mul3A : i32
    %add3A = arith.addi %mul3A_0, %arg1 : i32
    "tpu.region"() ({
      %run_scoped3A = tpu.sem_alloc : memref<!tpu.dma_semaphore, #tpu.memory_space<semaphore_mem>>
      tpu.enqueue_dma source(%arg3 : memref<10240xf32, #tpu.memory_space<hbm>>) target(%arg6 : memref<10240xf32, #tpu.memory_space<vmem>>) target_semaphore(%run_scoped3A : memref<!tpu.dma_semaphore, #tpu.memory_space<semaphore_mem>>)
      tpu.wait_dma2 semaphore(%run_scoped3A : memref<!tpu.dma_semaphore, #tpu.memory_space<semaphore_mem>>) src(%arg3 : memref<10240xf32, #tpu.memory_space<hbm>>) dst(%arg6 : memref<10240xf32, #tpu.memory_space<vmem>>)
      tpu.yield
    }) : () -> ()
    "tpu.region"() ({
      %run_scoped3A = tpu.sem_alloc : memref<!tpu.dma_semaphore, #tpu.memory_space<semaphore_mem>>
      %dma_start3A = arith.constant 0 : i32
      %dma_start3A_7 = arith.constant 0 : i32
      %dma_start3A_8 = tpu.memref_slice %arg2[%add3A, %dma_start3A, %dma_start3A_7] : memref<32x640x16xi32, #tpu.memory_space<hbm>> -> memref<1x640x16xi32, #tpu.memory_space<hbm>>
      %dma_start3A_9 = tpu.memref_squeeze %dma_start3A_8 : memref<1x640x16xi32, #tpu.memory_space<hbm>> -> memref<640x16xi32, #tpu.memory_space<hbm>>
      %dma_start3A_10 = arith.constant 0 : i32
      %dma_start3A_11 = arith.constant 0 : i32
      %dma_start3A_12 = tpu.memref_slice %arg2[%add3A, %dma_start3A_10, %dma_start3A_11] : memref<32x640x16xi32, #tpu.memory_space<hbm>> -> memref<1x640x16xi32, #tpu.memory_space<hbm>>
      %dma_start3A_13 = tpu.memref_squeeze %dma_start3A_12 : memref<1x640x16xi32, #tpu.memory_space<hbm>> -> memref<640x16xi32, #tpu.memory_space<hbm>>
      tpu.enqueue_dma source(%dma_start3A_13 : memref<640x16xi32, #tpu.memory_space<hbm>>) target(%arg5 : memref<640x16xi32, #tpu.memory_space<vmem>>) target_semaphore(%run_scoped3A : memref<!tpu.dma_semaphore, #tpu.memory_space<semaphore_mem>>)
      %dma_wait3A = arith.constant 0 : i32
      %dma_wait3A_14 = arith.constant 0 : i32
      %dma_wait3A_15 = tpu.memref_slice %arg2[%add3A, %dma_wait3A, %dma_wait3A_14] : memref<32x640x16xi32, #tpu.memory_space<hbm>> -> memref<1x640x16xi32, #tpu.memory_space<hbm>>
      %dma_wait3A_16 = tpu.memref_squeeze %dma_wait3A_15 : memref<1x640x16xi32, #tpu.memory_space<hbm>> -> memref<640x16xi32, #tpu.memory_space<hbm>>
      %dma_wait3A_17 = arith.constant 0 : i32
      %dma_wait3A_18 = arith.constant 0 : i32
      %dma_wait3A_19 = tpu.memref_slice %arg2[%add3A, %dma_wait3A_17, %dma_wait3A_18] : memref<32x640x16xi32, #tpu.memory_space<hbm>> -> memref<1x640x16xi32, #tpu.memory_space<hbm>>
      %dma_wait3A_20 = tpu.memref_squeeze %dma_wait3A_19 : memref<1x640x16xi32, #tpu.memory_space<hbm>> -> memref<640x16xi32, #tpu.memory_space<hbm>>
      tpu.wait_dma2 semaphore(%run_scoped3A : memref<!tpu.dma_semaphore, #tpu.memory_space<semaphore_mem>>) src(%dma_wait3A_20 : memref<640x16xi32, #tpu.memory_space<hbm>>) dst(%arg5 : memref<640x16xi32, #tpu.memory_space<vmem>>)
      tpu.yield
    }) : () -> ()
    %broadcast_in_dim3A = arith.constant 1.000000e+00 : f32
    %broadcast_in_dim3A_1 = vector.broadcast %broadcast_in_dim3A : f32 to vector<16xf32>
    %scan3A = arith.constant 0 : i32
    %scan3A_2 = arith.constant 0 : i32
    %scan3A_3 = arith.constant 640 : i32
    %scan3A_4 = arith.addi %scan3A_2, %scan3A_3 : i32
    %scan3A_5 = arith.constant 1 : i32
    scf.for %scan3A_7 = %scan3A_2 to %scan3A_4 step %scan3A_5  : i32 {
      %get3A = arith.index_cast %scan3A_7 : i32 to index
      %get3A_8 = arith.constant 0 : index
      %get3A_9 = tpu.vector_load %arg5[%get3A, %get3A_8] {strides = array<i32>} : memref<640x16xi32, #tpu.memory_space<vmem>>, vector<16xi32>,
      tpu.vector_store_idx %arg6[%get3A_9], %broadcast_in_dim3A_1 {add = true} : memref<10240xf32, #tpu.memory_space<vmem>>[vector<16xi32>], vector<16xf32>,
    }
    %scan3A_6 = arith.constant 640 : i32
    "tpu.region"() ({
      %run_scoped3A = tpu.sem_alloc : memref<!tpu.dma_semaphore, #tpu.memory_space<semaphore_mem>>
      %dma_start3A = arith.constant 0 : i32
      %dma_start3A_7 = tpu.memref_slice %arg4[%add3A, %dma_start3A] : memref<32x10240xf32, #tpu.memory_space<hbm>> -> memref<1x10240xf32, #tpu.memory_space<hbm>>
      %dma_start3A_8 = tpu.memref_squeeze %dma_start3A_7 : memref<1x10240xf32, #tpu.memory_space<hbm>> -> memref<10240xf32, #tpu.memory_space<hbm>>
      %dma_start3A_9 = arith.constant 0 : i32
      %dma_start3A_10 = tpu.memref_slice %arg4[%add3A, %dma_start3A_9] : memref<32x10240xf32, #tpu.memory_space<hbm>> -> memref<1x10240xf32, #tpu.memory_space<hbm>>
      %dma_start3A_11 = tpu.memref_squeeze %dma_start3A_10 : memref<1x10240xf32, #tpu.memory_space<hbm>> -> memref<10240xf32, #tpu.memory_space<hbm>>
      tpu.enqueue_dma source(%arg6 : memref<10240xf32, #tpu.memory_space<vmem>>) target(%dma_start3A_11 : memref<10240xf32, #tpu.memory_space<hbm>>) target_semaphore(%run_scoped3A : memref<!tpu.dma_semaphore, #tpu.memory_space<semaphore_mem>>)
      %dma_wait3A = arith.constant 0 : i32
      %dma_wait3A_12 = tpu.memref_slice %arg4[%add3A, %dma_wait3A] : memref<32x10240xf32, #tpu.memory_space<hbm>> -> memref<1x10240xf32, #tpu.memory_space<hbm>>
      %dma_wait3A_13 = tpu.memref_squeeze %dma_wait3A_12 : memref<1x10240xf32, #tpu.memory_space<hbm>> -> memref<10240xf32, #tpu.memory_space<hbm>>
      %dma_wait3A_14 = arith.constant 0 : i32
      %dma_wait3A_15 = tpu.memref_slice %arg4[%add3A, %dma_wait3A_14] : memref<32x10240xf32, #tpu.memory_space<hbm>> -> memref<1x10240xf32, #tpu.memory_space<hbm>>
      %dma_wait3A_16 = tpu.memref_squeeze %dma_wait3A_15 : memref<1x10240xf32, #tpu.memory_space<hbm>> -> memref<10240xf32, #tpu.memory_space<hbm>>
      tpu.wait_dma2 semaphore(%run_scoped3A : memref<!tpu.dma_semaphore, #tpu.memory_space<semaphore_mem>>) src(%arg6 : memref<10240xf32, #tpu.memory_space<vmem>>) dst(%dma_wait3A_16 : memref<10240xf32, #tpu.memory_space<hbm>>)
      tpu.yield
    }) : () -> ()
    return
  }
}

#map = affine_map<(d0, d1) -> (0, 0)>
#map1 = affine_map<(d0, d1) -> (0, 0, 0, 0)>
module attributes {stable_mosaic.version = 14 : i64} {
  func.func @_agg_kernel(%arg0: i32, %arg1: i32, %arg2: memref<10000x128xf32, #tpu.memory_space<hbm>>, %arg3: memref<32x160x2x64xi32, #tpu.memory_space<hbm>>, %arg4: memref<10112x128xf32, #tpu.memory_space<hbm>>, %arg5: memref<10112x128xf32, #tpu.memory_space<hbm>>, %arg6: memref<10112x128xf32, #tpu.memory_space<hbm>>, %arg7: memref<10x2x64xi32, #tpu.memory_space<vmem>>, %arg8: memref<5x64x128xf32, #tpu.memory_space<vmem>>, %arg9: memref<10112x128xf32, #tpu.memory_space<vmem_shared>>, %arg10: memref<10x!tpu.dma_semaphore, #tpu.memory_space<semaphore_mem>>, %arg11: memref<5x!tpu.dma_semaphore, #tpu.memory_space<semaphore_mem>>, %arg12: memref<5x!tpu.dma_semaphore, #tpu.memory_space<semaphore_mem>>) attributes {dimension_semantics = [#tpu.dimension_semantics<core_parallel>, #tpu.dimension_semantics<subcore_parallel>], iteration_bounds = array<i64: 2, 16>, scalar_prefetch = 0 : i64, scratch_operands = 6 : i64, tpu.core_type = #tpu.core_type<sc_vector_subcore>, window_params = [{transform_indices = #map}, {transform_indices = #map1}, {transform_indices = #map}, {transform_indices = #map}, {transform_indices = #map}]} {
    %mul3A = arith.constant 16 : i32
    %mul3A_0 = arith.muli %arg0, %mul3A : i32
    %add3A = arith.addi %mul3A_0, %arg1 : i32
    %mul3A_1 = arith.constant 632 : i32
    %mul3A_2 = arith.muli %arg1, %mul3A_1 : i32
    %mul3A_3 = arith.constant 632 : i32
    %mul3A_4 = arith.muli %arg1, %mul3A_3 : i32
    "tpu.region"() ({
      %run_scoped3A = tpu.sem_alloc : memref<!tpu.dma_semaphore, #tpu.memory_space<semaphore_mem>>
      %dma_start3A_307 = arith.constant 0 : i32
      %dma_start3A_308 = tpu.memref_slice %arg9[%mul3A_4, %dma_start3A_307] : memref<10112x128xf32, #tpu.memory_space<vmem_shared>> -> memref<632x128xf32, #tpu.memory_space<vmem_shared>>
      %dma_start3A_309 = arith.constant 0 : i32
      %dma_start3A_310 = tpu.memref_slice %arg4[%mul3A_2, %dma_start3A_309] : memref<10112x128xf32, #tpu.memory_space<hbm>> -> memref<632x128xf32, #tpu.memory_space<hbm>>
      tpu.enqueue_dma source(%dma_start3A_310 : memref<632x128xf32, #tpu.memory_space<hbm>>) target(%dma_start3A_308 : memref<632x128xf32, #tpu.memory_space<vmem_shared>>) target_semaphore(%run_scoped3A : memref<!tpu.dma_semaphore, #tpu.memory_space<semaphore_mem>>)
      %dma_wait3A_311 = arith.constant 0 : i32
      %dma_wait3A_312 = tpu.memref_slice %arg9[%mul3A_4, %dma_wait3A_311] : memref<10112x128xf32, #tpu.memory_space<vmem_shared>> -> memref<632x128xf32, #tpu.memory_space<vmem_shared>>
      %dma_wait3A_313 = arith.constant 0 : i32
      %dma_wait3A_314 = tpu.memref_slice %arg4[%mul3A_2, %dma_wait3A_313] : memref<10112x128xf32, #tpu.memory_space<hbm>> -> memref<632x128xf32, #tpu.memory_space<hbm>>
      tpu.wait_dma2 semaphore(%run_scoped3A : memref<!tpu.dma_semaphore, #tpu.memory_space<semaphore_mem>>) src(%dma_wait3A_314 : memref<632x128xf32, #tpu.memory_space<hbm>>) dst(%dma_wait3A_312 : memref<632x128xf32, #tpu.memory_space<vmem_shared>>)
      tpu.yield
    }) : () -> ()
    %barrier3A = arith.constant 0 : index
    tpu.barrier barrier_id(%barrier3A)
    %dma_start3A = arith.constant 0 : i32
    %dma_start3A_5 = arith.constant 0 : i32
    %dma_start3A_6 = arith.constant 0 : i32
    %dma_start3A_7 = arith.constant 0 : i32
    %dma_start3A_8 = arith.constant 0 : i32
    %dma_start3A_9 = tpu.memref_slice %arg7[%dma_start3A_5, %dma_start3A_7, %dma_start3A_8] : memref<10x2x64xi32, #tpu.memory_space<vmem>> -> memref<1x2x64xi32, #tpu.memory_space<vmem>>
    %dma_start3A_10 = tpu.memref_squeeze %dma_start3A_9 : memref<1x2x64xi32, #tpu.memory_space<vmem>> -> memref<2x64xi32, #tpu.memory_space<vmem>>
    %dma_start3A_11 = arith.constant 0 : i32
    %dma_start3A_12 = arith.constant 0 : i32
    %dma_start3A_13 = tpu.memref_slice %arg3[%add3A, %dma_start3A, %dma_start3A_11, %dma_start3A_12] : memref<32x160x2x64xi32, #tpu.memory_space<hbm>> -> memref<1x1x2x64xi32, #tpu.memory_space<hbm>>
    %dma_start3A_14 = tpu.memref_squeeze %dma_start3A_13 : memref<1x1x2x64xi32, #tpu.memory_space<hbm>> -> memref<2x64xi32, #tpu.memory_space<hbm>>
    %dma_start3A_15 = tpu.memref_slice %arg10[%dma_start3A_6] : memref<10x!tpu.dma_semaphore, #tpu.memory_space<semaphore_mem>> -> memref<1x!tpu.dma_semaphore, #tpu.memory_space<semaphore_mem>>
    %dma_start3A_16 = tpu.memref_squeeze %dma_start3A_15 : memref<1x!tpu.dma_semaphore, #tpu.memory_space<semaphore_mem>> -> memref<!tpu.dma_semaphore, #tpu.memory_space<semaphore_mem>>
    %dma_start3A_17 = arith.constant 0 : i32
    %dma_start3A_18 = arith.constant 0 : i32
    %dma_start3A_19 = tpu.memref_slice %arg7[%dma_start3A_5, %dma_start3A_17, %dma_start3A_18] : memref<10x2x64xi32, #tpu.memory_space<vmem>> -> memref<1x2x64xi32, #tpu.memory_space<vmem>>
    %dma_start3A_20 = tpu.memref_squeeze %dma_start3A_19 : memref<1x2x64xi32, #tpu.memory_space<vmem>> -> memref<2x64xi32, #tpu.memory_space<vmem>>
    %dma_start3A_21 = arith.constant 0 : i32
    %dma_start3A_22 = arith.constant 0 : i32
    %dma_start3A_23 = tpu.memref_slice %arg3[%add3A, %dma_start3A, %dma_start3A_21, %dma_start3A_22] : memref<32x160x2x64xi32, #tpu.memory_space<hbm>> -> memref<1x1x2x64xi32, #tpu.memory_space<hbm>>
    %dma_start3A_24 = tpu.memref_squeeze %dma_start3A_23 : memref<1x1x2x64xi32, #tpu.memory_space<hbm>> -> memref<2x64xi32, #tpu.memory_space<hbm>>
    tpu.enqueue_dma source(%dma_start3A_24 : memref<2x64xi32, #tpu.memory_space<hbm>>) target(%dma_start3A_20 : memref<2x64xi32, #tpu.memory_space<vmem>>) target_semaphore(%dma_start3A_16 : memref<!tpu.dma_semaphore, #tpu.memory_space<semaphore_mem>>)
    %dma_start3A_25 = arith.constant 1 : i32
    %dma_start3A_26 = arith.constant 1 : i32
    %dma_start3A_27 = arith.constant 1 : i32
    %dma_start3A_28 = arith.constant 0 : i32
    %dma_start3A_29 = arith.constant 0 : i32
    %dma_start3A_30 = tpu.memref_slice %arg7[%dma_start3A_26, %dma_start3A_28, %dma_start3A_29] : memref<10x2x64xi32, #tpu.memory_space<vmem>> -> memref<1x2x64xi32, #tpu.memory_space<vmem>>
    %dma_start3A_31 = tpu.memref_squeeze %dma_start3A_30 : memref<1x2x64xi32, #tpu.memory_space<vmem>> -> memref<2x64xi32, #tpu.memory_space<vmem>>
    %dma_start3A_32 = arith.constant 0 : i32
    %dma_start3A_33 = arith.constant 0 : i32
    %dma_start3A_34 = tpu.memref_slice %arg3[%add3A, %dma_start3A_25, %dma_start3A_32, %dma_start3A_33] : memref<32x160x2x64xi32, #tpu.memory_space<hbm>> -> memref<1x1x2x64xi32, #tpu.memory_space<hbm>>
    %dma_start3A_35 = tpu.memref_squeeze %dma_start3A_34 : memref<1x1x2x64xi32, #tpu.memory_space<hbm>> -> memref<2x64xi32, #tpu.memory_space<hbm>>
    %dma_start3A_36 = tpu.memref_slice %arg10[%dma_start3A_27] : memref<10x!tpu.dma_semaphore, #tpu.memory_space<semaphore_mem>> -> memref<1x!tpu.dma_semaphore, #tpu.memory_space<semaphore_mem>>
    %dma_start3A_37 = tpu.memref_squeeze %dma_start3A_36 : memref<1x!tpu.dma_semaphore, #tpu.memory_space<semaphore_mem>> -> memref<!tpu.dma_semaphore, #tpu.memory_space<semaphore_mem>>
    %dma_start3A_38 = arith.constant 0 : i32
    %dma_start3A_39 = arith.constant 0 : i32
    %dma_start3A_40 = tpu.memref_slice %arg7[%dma_start3A_26, %dma_start3A_38, %dma_start3A_39] : memref<10x2x64xi32, #tpu.memory_space<vmem>> -> memref<1x2x64xi32, #tpu.memory_space<vmem>>
    %dma_start3A_41 = tpu.memref_squeeze %dma_start3A_40 : memref<1x2x64xi32, #tpu.memory_space<vmem>> -> memref<2x64xi32, #tpu.memory_space<vmem>>
    %dma_start3A_42 = arith.constant 0 : i32
    %dma_start3A_43 = arith.constant 0 : i32
    %dma_start3A_44 = tpu.memref_slice %arg3[%add3A, %dma_start3A_25, %dma_start3A_42, %dma_start3A_43] : memref<32x160x2x64xi32, #tpu.memory_space<hbm>> -> memref<1x1x2x64xi32, #tpu.memory_space<hbm>>
    %dma_start3A_45 = tpu.memref_squeeze %dma_start3A_44 : memref<1x1x2x64xi32, #tpu.memory_space<hbm>> -> memref<2x64xi32, #tpu.memory_space<hbm>>
    tpu.enqueue_dma source(%dma_start3A_45 : memref<2x64xi32, #tpu.memory_space<hbm>>) target(%dma_start3A_41 : memref<2x64xi32, #tpu.memory_space<vmem>>) target_semaphore(%dma_start3A_37 : memref<!tpu.dma_semaphore, #tpu.memory_space<semaphore_mem>>)
    %dma_start3A_46 = arith.constant 2 : i32
    %dma_start3A_47 = arith.constant 2 : i32
    %dma_start3A_48 = arith.constant 2 : i32
    %dma_start3A_49 = arith.constant 0 : i32
    %dma_start3A_50 = arith.constant 0 : i32
    %dma_start3A_51 = tpu.memref_slice %arg7[%dma_start3A_47, %dma_start3A_49, %dma_start3A_50] : memref<10x2x64xi32, #tpu.memory_space<vmem>> -> memref<1x2x64xi32, #tpu.memory_space<vmem>>
    %dma_start3A_52 = tpu.memref_squeeze %dma_start3A_51 : memref<1x2x64xi32, #tpu.memory_space<vmem>> -> memref<2x64xi32, #tpu.memory_space<vmem>>
    %dma_start3A_53 = arith.constant 0 : i32
    %dma_start3A_54 = arith.constant 0 : i32
    %dma_start3A_55 = tpu.memref_slice %arg3[%add3A, %dma_start3A_46, %dma_start3A_53, %dma_start3A_54] : memref<32x160x2x64xi32, #tpu.memory_space<hbm>> -> memref<1x1x2x64xi32, #tpu.memory_space<hbm>>
    %dma_start3A_56 = tpu.memref_squeeze %dma_start3A_55 : memref<1x1x2x64xi32, #tpu.memory_space<hbm>> -> memref<2x64xi32, #tpu.memory_space<hbm>>
    %dma_start3A_57 = tpu.memref_slice %arg10[%dma_start3A_48] : memref<10x!tpu.dma_semaphore, #tpu.memory_space<semaphore_mem>> -> memref<1x!tpu.dma_semaphore, #tpu.memory_space<semaphore_mem>>
    %dma_start3A_58 = tpu.memref_squeeze %dma_start3A_57 : memref<1x!tpu.dma_semaphore, #tpu.memory_space<semaphore_mem>> -> memref<!tpu.dma_semaphore, #tpu.memory_space<semaphore_mem>>
    %dma_start3A_59 = arith.constant 0 : i32
    %dma_start3A_60 = arith.constant 0 : i32
    %dma_start3A_61 = tpu.memref_slice %arg7[%dma_start3A_47, %dma_start3A_59, %dma_start3A_60] : memref<10x2x64xi32, #tpu.memory_space<vmem>> -> memref<1x2x64xi32, #tpu.memory_space<vmem>>
    %dma_start3A_62 = tpu.memref_squeeze %dma_start3A_61 : memref<1x2x64xi32, #tpu.memory_space<vmem>> -> memref<2x64xi32, #tpu.memory_space<vmem>>
    %dma_start3A_63 = arith.constant 0 : i32
    %dma_start3A_64 = arith.constant 0 : i32
    %dma_start3A_65 = tpu.memref_slice %arg3[%add3A, %dma_start3A_46, %dma_start3A_63, %dma_start3A_64] : memref<32x160x2x64xi32, #tpu.memory_space<hbm>> -> memref<1x1x2x64xi32, #tpu.memory_space<hbm>>
    %dma_start3A_66 = tpu.memref_squeeze %dma_start3A_65 : memref<1x1x2x64xi32, #tpu.memory_space<hbm>> -> memref<2x64xi32, #tpu.memory_space<hbm>>
    tpu.enqueue_dma source(%dma_start3A_66 : memref<2x64xi32, #tpu.memory_space<hbm>>) target(%dma_start3A_62 : memref<2x64xi32, #tpu.memory_space<vmem>>) target_semaphore(%dma_start3A_58 : memref<!tpu.dma_semaphore, #tpu.memory_space<semaphore_mem>>)
    %dma_start3A_67 = arith.constant 3 : i32
    %dma_start3A_68 = arith.constant 3 : i32
    %dma_start3A_69 = arith.constant 3 : i32
    %dma_start3A_70 = arith.constant 0 : i32
    %dma_start3A_71 = arith.constant 0 : i32
    %dma_start3A_72 = tpu.memref_slice %arg7[%dma_start3A_68, %dma_start3A_70, %dma_start3A_71] : memref<10x2x64xi32, #tpu.memory_space<vmem>> -> memref<1x2x64xi32, #tpu.memory_space<vmem>>
    %dma_start3A_73 = tpu.memref_squeeze %dma_start3A_72 : memref<1x2x64xi32, #tpu.memory_space<vmem>> -> memref<2x64xi32, #tpu.memory_space<vmem>>
    %dma_start3A_74 = arith.constant 0 : i32
    %dma_start3A_75 = arith.constant 0 : i32
    %dma_start3A_76 = tpu.memref_slice %arg3[%add3A, %dma_start3A_67, %dma_start3A_74, %dma_start3A_75] : memref<32x160x2x64xi32, #tpu.memory_space<hbm>> -> memref<1x1x2x64xi32, #tpu.memory_space<hbm>>
    %dma_start3A_77 = tpu.memref_squeeze %dma_start3A_76 : memref<1x1x2x64xi32, #tpu.memory_space<hbm>> -> memref<2x64xi32, #tpu.memory_space<hbm>>
    %dma_start3A_78 = tpu.memref_slice %arg10[%dma_start3A_69] : memref<10x!tpu.dma_semaphore, #tpu.memory_space<semaphore_mem>> -> memref<1x!tpu.dma_semaphore, #tpu.memory_space<semaphore_mem>>
    %dma_start3A_79 = tpu.memref_squeeze %dma_start3A_78 : memref<1x!tpu.dma_semaphore, #tpu.memory_space<semaphore_mem>> -> memref<!tpu.dma_semaphore, #tpu.memory_space<semaphore_mem>>
    %dma_start3A_80 = arith.constant 0 : i32
    %dma_start3A_81 = arith.constant 0 : i32
    %dma_start3A_82 = tpu.memref_slice %arg7[%dma_start3A_68, %dma_start3A_80, %dma_start3A_81] : memref<10x2x64xi32, #tpu.memory_space<vmem>> -> memref<1x2x64xi32, #tpu.memory_space<vmem>>
    %dma_start3A_83 = tpu.memref_squeeze %dma_start3A_82 : memref<1x2x64xi32, #tpu.memory_space<vmem>> -> memref<2x64xi32, #tpu.memory_space<vmem>>
    %dma_start3A_84 = arith.constant 0 : i32
    %dma_start3A_85 = arith.constant 0 : i32
    %dma_start3A_86 = tpu.memref_slice %arg3[%add3A, %dma_start3A_67, %dma_start3A_84, %dma_start3A_85] : memref<32x160x2x64xi32, #tpu.memory_space<hbm>> -> memref<1x1x2x64xi32, #tpu.memory_space<hbm>>
    %dma_start3A_87 = tpu.memref_squeeze %dma_start3A_86 : memref<1x1x2x64xi32, #tpu.memory_space<hbm>> -> memref<2x64xi32, #tpu.memory_space<hbm>>
    tpu.enqueue_dma source(%dma_start3A_87 : memref<2x64xi32, #tpu.memory_space<hbm>>) target(%dma_start3A_83 : memref<2x64xi32, #tpu.memory_space<vmem>>) target_semaphore(%dma_start3A_79 : memref<!tpu.dma_semaphore, #tpu.memory_space<semaphore_mem>>)
    %dma_start3A_88 = arith.constant 4 : i32
    %dma_start3A_89 = arith.constant 4 : i32
    %dma_start3A_90 = arith.constant 4 : i32
    %dma_start3A_91 = arith.constant 0 : i32
    %dma_start3A_92 = arith.constant 0 : i32
    %dma_start3A_93 = tpu.memref_slice %arg7[%dma_start3A_89, %dma_start3A_91, %dma_start3A_92] : memref<10x2x64xi32, #tpu.memory_space<vmem>> -> memref<1x2x64xi32, #tpu.memory_space<vmem>>
    %dma_start3A_94 = tpu.memref_squeeze %dma_start3A_93 : memref<1x2x64xi32, #tpu.memory_space<vmem>> -> memref<2x64xi32, #tpu.memory_space<vmem>>
    %dma_start3A_95 = arith.constant 0 : i32
    %dma_start3A_96 = arith.constant 0 : i32
    %dma_start3A_97 = tpu.memref_slice %arg3[%add3A, %dma_start3A_88, %dma_start3A_95, %dma_start3A_96] : memref<32x160x2x64xi32, #tpu.memory_space<hbm>> -> memref<1x1x2x64xi32, #tpu.memory_space<hbm>>
    %dma_start3A_98 = tpu.memref_squeeze %dma_start3A_97 : memref<1x1x2x64xi32, #tpu.memory_space<hbm>> -> memref<2x64xi32, #tpu.memory_space<hbm>>
    %dma_start3A_99 = tpu.memref_slice %arg10[%dma_start3A_90] : memref<10x!tpu.dma_semaphore, #tpu.memory_space<semaphore_mem>> -> memref<1x!tpu.dma_semaphore, #tpu.memory_space<semaphore_mem>>
    %dma_start3A_100 = tpu.memref_squeeze %dma_start3A_99 : memref<1x!tpu.dma_semaphore, #tpu.memory_space<semaphore_mem>> -> memref<!tpu.dma_semaphore, #tpu.memory_space<semaphore_mem>>
    %dma_start3A_101 = arith.constant 0 : i32
    %dma_start3A_102 = arith.constant 0 : i32
    %dma_start3A_103 = tpu.memref_slice %arg7[%dma_start3A_89, %dma_start3A_101, %dma_start3A_102] : memref<10x2x64xi32, #tpu.memory_space<vmem>> -> memref<1x2x64xi32, #tpu.memory_space<vmem>>
    %dma_start3A_104 = tpu.memref_squeeze %dma_start3A_103 : memref<1x2x64xi32, #tpu.memory_space<vmem>> -> memref<2x64xi32, #tpu.memory_space<vmem>>
    %dma_start3A_105 = arith.constant 0 : i32
    %dma_start3A_106 = arith.constant 0 : i32
    %dma_start3A_107 = tpu.memref_slice %arg3[%add3A, %dma_start3A_88, %dma_start3A_105, %dma_start3A_106] : memref<32x160x2x64xi32, #tpu.memory_space<hbm>> -> memref<1x1x2x64xi32, #tpu.memory_space<hbm>>
    %dma_start3A_108 = tpu.memref_squeeze %dma_start3A_107 : memref<1x1x2x64xi32, #tpu.memory_space<hbm>> -> memref<2x64xi32, #tpu.memory_space<hbm>>
    tpu.enqueue_dma source(%dma_start3A_108 : memref<2x64xi32, #tpu.memory_space<hbm>>) target(%dma_start3A_104 : memref<2x64xi32, #tpu.memory_space<vmem>>) target_semaphore(%dma_start3A_100 : memref<!tpu.dma_semaphore, #tpu.memory_space<semaphore_mem>>)
    %dma_wait3A = arith.constant 0 : i32
    %dma_wait3A_109 = arith.constant 0 : i32
    %dma_wait3A_110 = arith.constant 0 : i32
    %dma_wait3A_111 = arith.constant 0 : i32
    %dma_wait3A_112 = arith.constant 0 : i32
    %dma_wait3A_113 = tpu.memref_slice %arg7[%dma_wait3A_109, %dma_wait3A_111, %dma_wait3A_112] : memref<10x2x64xi32, #tpu.memory_space<vmem>> -> memref<1x2x64xi32, #tpu.memory_space<vmem>>
    %dma_wait3A_114 = tpu.memref_squeeze %dma_wait3A_113 : memref<1x2x64xi32, #tpu.memory_space<vmem>> -> memref<2x64xi32, #tpu.memory_space<vmem>>
    %dma_wait3A_115 = arith.constant 0 : i32
    %dma_wait3A_116 = arith.constant 0 : i32
    %dma_wait3A_117 = tpu.memref_slice %arg3[%add3A, %dma_wait3A, %dma_wait3A_115, %dma_wait3A_116] : memref<32x160x2x64xi32, #tpu.memory_space<hbm>> -> memref<1x1x2x64xi32, #tpu.memory_space<hbm>>
    %dma_wait3A_118 = tpu.memref_squeeze %dma_wait3A_117 : memref<1x1x2x64xi32, #tpu.memory_space<hbm>> -> memref<2x64xi32, #tpu.memory_space<hbm>>
    %dma_wait3A_119 = tpu.memref_slice %arg10[%dma_wait3A_110] : memref<10x!tpu.dma_semaphore, #tpu.memory_space<semaphore_mem>> -> memref<1x!tpu.dma_semaphore, #tpu.memory_space<semaphore_mem>>
    %dma_wait3A_120 = tpu.memref_squeeze %dma_wait3A_119 : memref<1x!tpu.dma_semaphore, #tpu.memory_space<semaphore_mem>> -> memref<!tpu.dma_semaphore, #tpu.memory_space<semaphore_mem>>
    %dma_wait3A_121 = arith.constant 0 : i32
    %dma_wait3A_122 = arith.constant 0 : i32
    %dma_wait3A_123 = tpu.memref_slice %arg7[%dma_wait3A_109, %dma_wait3A_121, %dma_wait3A_122] : memref<10x2x64xi32, #tpu.memory_space<vmem>> -> memref<1x2x64xi32, #tpu.memory_space<vmem>>
    %dma_wait3A_124 = tpu.memref_squeeze %dma_wait3A_123 : memref<1x2x64xi32, #tpu.memory_space<vmem>> -> memref<2x64xi32, #tpu.memory_space<vmem>>
    %dma_wait3A_125 = arith.constant 0 : i32
    %dma_wait3A_126 = arith.constant 0 : i32
    %dma_wait3A_127 = tpu.memref_slice %arg3[%add3A, %dma_wait3A, %dma_wait3A_125, %dma_wait3A_126] : memref<32x160x2x64xi32, #tpu.memory_space<hbm>> -> memref<1x1x2x64xi32, #tpu.memory_space<hbm>>
    %dma_wait3A_128 = tpu.memref_squeeze %dma_wait3A_127 : memref<1x1x2x64xi32, #tpu.memory_space<hbm>> -> memref<2x64xi32, #tpu.memory_space<hbm>>
    tpu.wait_dma2 semaphore(%dma_wait3A_120 : memref<!tpu.dma_semaphore, #tpu.memory_space<semaphore_mem>>) src(%dma_wait3A_128 : memref<2x64xi32, #tpu.memory_space<hbm>>) dst(%dma_wait3A_124 : memref<2x64xi32, #tpu.memory_space<vmem>>)
    %dma_start3A_129 = arith.constant 0 : i32
    %dma_start3A_130 = arith.constant 0 : i32
    %dma_start3A_131 = arith.constant 0 : i32
    %dma_start3A_132 = arith.constant 0 : i32
    %dma_start3A_133 = arith.constant 0 : i32
    %dma_start3A_134 = arith.constant 0 : i32
    %dma_start3A_135 = tpu.memref_slice %arg8[%dma_start3A_131, %dma_start3A_133, %dma_start3A_134] : memref<5x64x128xf32, #tpu.memory_space<vmem>> -> memref<1x64x128xf32, #tpu.memory_space<vmem>>
    %dma_start3A_136 = tpu.memref_squeeze %dma_start3A_135 : memref<1x64x128xf32, #tpu.memory_space<vmem>> -> memref<64x128xf32, #tpu.memory_space<vmem>>
    %dma_start3A_137 = arith.constant 0 : i32
    %dma_start3A_138 = tpu.memref_slice %arg7[%dma_start3A_129, %dma_start3A_130, %dma_start3A_137] : memref<10x2x64xi32, #tpu.memory_space<vmem>> -> memref<1x1x64xi32, #tpu.memory_space<vmem>>
    %dma_start3A_139 = tpu.memref_squeeze %dma_start3A_138 : memref<1x1x64xi32, #tpu.memory_space<vmem>> -> memref<64xi32, #tpu.memory_space<vmem>>
    %dma_start3A_140 = arith.constant 0 : i32
    %dma_start3A_141 = arith.constant 0 : i32
    %dma_start3A_142 = tpu.memref_slice %arg2[%dma_start3A_140, %dma_start3A_141] : memref<10000x128xf32, #tpu.memory_space<hbm>> -> memref<10000x128xf32, #tpu.memory_space<hbm>>
    %dma_start3A_143 = tpu.memref_slice %arg11[%dma_start3A_132] : memref<5x!tpu.dma_semaphore, #tpu.memory_space<semaphore_mem>> -> memref<1x!tpu.dma_semaphore, #tpu.memory_space<semaphore_mem>>
    %dma_start3A_144 = tpu.memref_squeeze %dma_start3A_143 : memref<1x!tpu.dma_semaphore, #tpu.memory_space<semaphore_mem>> -> memref<!tpu.dma_semaphore, #tpu.memory_space<semaphore_mem>>
    tpu.enqueue_indirect_dma source(%dma_start3A_142 : memref<10000x128xf32, #tpu.memory_space<hbm>>) target(%dma_start3A_136 : memref<64x128xf32, #tpu.memory_space<vmem>>) offsets(%dma_start3A_139 : memref<64xi32, #tpu.memory_space<vmem>>) semaphore(%dma_start3A_144 : memref<!tpu.dma_semaphore, #tpu.memory_space<semaphore_mem>>)
    %dma_wait3A_145 = arith.constant 1 : i32
    %dma_wait3A_146 = arith.constant 1 : i32
    %dma_wait3A_147 = arith.constant 1 : i32
    %dma_wait3A_148 = arith.constant 0 : i32
    %dma_wait3A_149 = arith.constant 0 : i32
    %dma_wait3A_150 = tpu.memref_slice %arg7[%dma_wait3A_146, %dma_wait3A_148, %dma_wait3A_149] : memref<10x2x64xi32, #tpu.memory_space<vmem>> -> memref<1x2x64xi32, #tpu.memory_space<vmem>>
    %dma_wait3A_151 = tpu.memref_squeeze %dma_wait3A_150 : memref<1x2x64xi32, #tpu.memory_space<vmem>> -> memref<2x64xi32, #tpu.memory_space<vmem>>
    %dma_wait3A_152 = arith.constant 0 : i32
    %dma_wait3A_153 = arith.constant 0 : i32
    %dma_wait3A_154 = tpu.memref_slice %arg3[%add3A, %dma_wait3A_145, %dma_wait3A_152, %dma_wait3A_153] : memref<32x160x2x64xi32, #tpu.memory_space<hbm>> -> memref<1x1x2x64xi32, #tpu.memory_space<hbm>>
    %dma_wait3A_155 = tpu.memref_squeeze %dma_wait3A_154 : memref<1x1x2x64xi32, #tpu.memory_space<hbm>> -> memref<2x64xi32, #tpu.memory_space<hbm>>
    %dma_wait3A_156 = tpu.memref_slice %arg10[%dma_wait3A_147] : memref<10x!tpu.dma_semaphore, #tpu.memory_space<semaphore_mem>> -> memref<1x!tpu.dma_semaphore, #tpu.memory_space<semaphore_mem>>
    %dma_wait3A_157 = tpu.memref_squeeze %dma_wait3A_156 : memref<1x!tpu.dma_semaphore, #tpu.memory_space<semaphore_mem>> -> memref<!tpu.dma_semaphore, #tpu.memory_space<semaphore_mem>>
    %dma_wait3A_158 = arith.constant 0 : i32
    %dma_wait3A_159 = arith.constant 0 : i32
    %dma_wait3A_160 = tpu.memref_slice %arg7[%dma_wait3A_146, %dma_wait3A_158, %dma_wait3A_159] : memref<10x2x64xi32, #tpu.memory_space<vmem>> -> memref<1x2x64xi32, #tpu.memory_space<vmem>>
    %dma_wait3A_161 = tpu.memref_squeeze %dma_wait3A_160 : memref<1x2x64xi32, #tpu.memory_space<vmem>> -> memref<2x64xi32, #tpu.memory_space<vmem>>
    %dma_wait3A_162 = arith.constant 0 : i32
    %dma_wait3A_163 = arith.constant 0 : i32
    %dma_wait3A_164 = tpu.memref_slice %arg3[%add3A, %dma_wait3A_145, %dma_wait3A_162, %dma_wait3A_163] : memref<32x160x2x64xi32, #tpu.memory_space<hbm>> -> memref<1x1x2x64xi32, #tpu.memory_space<hbm>>
    %dma_wait3A_165 = tpu.memref_squeeze %dma_wait3A_164 : memref<1x1x2x64xi32, #tpu.memory_space<hbm>> -> memref<2x64xi32, #tpu.memory_space<hbm>>
    tpu.wait_dma2 semaphore(%dma_wait3A_157 : memref<!tpu.dma_semaphore, #tpu.memory_space<semaphore_mem>>) src(%dma_wait3A_165 : memref<2x64xi32, #tpu.memory_space<hbm>>) dst(%dma_wait3A_161 : memref<2x64xi32, #tpu.memory_space<vmem>>)
    %dma_start3A_166 = arith.constant 1 : i32
    %dma_start3A_167 = arith.constant 0 : i32
    %dma_start3A_168 = arith.constant 1 : i32
    %dma_start3A_169 = arith.constant 1 : i32
    %dma_start3A_170 = arith.constant 0 : i32
    %dma_start3A_171 = arith.constant 0 : i32
    %dma_start3A_172 = tpu.memref_slice %arg8[%dma_start3A_168, %dma_start3A_170, %dma_start3A_171] : memref<5x64x128xf32, #tpu.memory_space<vmem>> -> memref<1x64x128xf32, #tpu.memory_space<vmem>>
    %dma_start3A_173 = tpu.memref_squeeze %dma_start3A_172 : memref<1x64x128xf32, #tpu.memory_space<vmem>> -> memref<64x128xf32, #tpu.memory_space<vmem>>
    %dma_start3A_174 = arith.constant 0 : i32
    %dma_start3A_175 = tpu.memref_slice %arg7[%dma_start3A_166, %dma_start3A_167, %dma_start3A_174] : memref<10x2x64xi32, #tpu.memory_space<vmem>> -> memref<1x1x64xi32, #tpu.memory_space<vmem>>
    %dma_start3A_176 = tpu.memref_squeeze %dma_start3A_175 : memref<1x1x64xi32, #tpu.memory_space<vmem>> -> memref<64xi32, #tpu.memory_space<vmem>>
    %dma_start3A_177 = arith.constant 0 : i32
    %dma_start3A_178 = arith.constant 0 : i32
    %dma_start3A_179 = tpu.memref_slice %arg2[%dma_start3A_177, %dma_start3A_178] : memref<10000x128xf32, #tpu.memory_space<hbm>> -> memref<10000x128xf32, #tpu.memory_space<hbm>>
    %dma_start3A_180 = tpu.memref_slice %arg11[%dma_start3A_169] : memref<5x!tpu.dma_semaphore, #tpu.memory_space<semaphore_mem>> -> memref<1x!tpu.dma_semaphore, #tpu.memory_space<semaphore_mem>>
    %dma_start3A_181 = tpu.memref_squeeze %dma_start3A_180 : memref<1x!tpu.dma_semaphore, #tpu.memory_space<semaphore_mem>> -> memref<!tpu.dma_semaphore, #tpu.memory_space<semaphore_mem>>
    tpu.enqueue_indirect_dma source(%dma_start3A_179 : memref<10000x128xf32, #tpu.memory_space<hbm>>) target(%dma_start3A_173 : memref<64x128xf32, #tpu.memory_space<vmem>>) offsets(%dma_start3A_176 : memref<64xi32, #tpu.memory_space<vmem>>) semaphore(%dma_start3A_181 : memref<!tpu.dma_semaphore, #tpu.memory_space<semaphore_mem>>)
    %dma_wait3A_182 = arith.constant 2 : i32
    %dma_wait3A_183 = arith.constant 2 : i32
    %dma_wait3A_184 = arith.constant 2 : i32
    %dma_wait3A_185 = arith.constant 0 : i32
    %dma_wait3A_186 = arith.constant 0 : i32
    %dma_wait3A_187 = tpu.memref_slice %arg7[%dma_wait3A_183, %dma_wait3A_185, %dma_wait3A_186] : memref<10x2x64xi32, #tpu.memory_space<vmem>> -> memref<1x2x64xi32, #tpu.memory_space<vmem>>
    %dma_wait3A_188 = tpu.memref_squeeze %dma_wait3A_187 : memref<1x2x64xi32, #tpu.memory_space<vmem>> -> memref<2x64xi32, #tpu.memory_space<vmem>>
    %dma_wait3A_189 = arith.constant 0 : i32
    %dma_wait3A_190 = arith.constant 0 : i32
    %dma_wait3A_191 = tpu.memref_slice %arg3[%add3A, %dma_wait3A_182, %dma_wait3A_189, %dma_wait3A_190] : memref<32x160x2x64xi32, #tpu.memory_space<hbm>> -> memref<1x1x2x64xi32, #tpu.memory_space<hbm>>
    %dma_wait3A_192 = tpu.memref_squeeze %dma_wait3A_191 : memref<1x1x2x64xi32, #tpu.memory_space<hbm>> -> memref<2x64xi32, #tpu.memory_space<hbm>>
    %dma_wait3A_193 = tpu.memref_slice %arg10[%dma_wait3A_184] : memref<10x!tpu.dma_semaphore, #tpu.memory_space<semaphore_mem>> -> memref<1x!tpu.dma_semaphore, #tpu.memory_space<semaphore_mem>>
    %dma_wait3A_194 = tpu.memref_squeeze %dma_wait3A_193 : memref<1x!tpu.dma_semaphore, #tpu.memory_space<semaphore_mem>> -> memref<!tpu.dma_semaphore, #tpu.memory_space<semaphore_mem>>
    %dma_wait3A_195 = arith.constant 0 : i32
    %dma_wait3A_196 = arith.constant 0 : i32
    %dma_wait3A_197 = tpu.memref_slice %arg7[%dma_wait3A_183, %dma_wait3A_195, %dma_wait3A_196] : memref<10x2x64xi32, #tpu.memory_space<vmem>> -> memref<1x2x64xi32, #tpu.memory_space<vmem>>
    %dma_wait3A_198 = tpu.memref_squeeze %dma_wait3A_197 : memref<1x2x64xi32, #tpu.memory_space<vmem>> -> memref<2x64xi32, #tpu.memory_space<vmem>>
    %dma_wait3A_199 = arith.constant 0 : i32
    %dma_wait3A_200 = arith.constant 0 : i32
    %dma_wait3A_201 = tpu.memref_slice %arg3[%add3A, %dma_wait3A_182, %dma_wait3A_199, %dma_wait3A_200] : memref<32x160x2x64xi32, #tpu.memory_space<hbm>> -> memref<1x1x2x64xi32, #tpu.memory_space<hbm>>
    %dma_wait3A_202 = tpu.memref_squeeze %dma_wait3A_201 : memref<1x1x2x64xi32, #tpu.memory_space<hbm>> -> memref<2x64xi32, #tpu.memory_space<hbm>>
    tpu.wait_dma2 semaphore(%dma_wait3A_194 : memref<!tpu.dma_semaphore, #tpu.memory_space<semaphore_mem>>) src(%dma_wait3A_202 : memref<2x64xi32, #tpu.memory_space<hbm>>) dst(%dma_wait3A_198 : memref<2x64xi32, #tpu.memory_space<vmem>>)
    %dma_start3A_203 = arith.constant 2 : i32
    %dma_start3A_204 = arith.constant 0 : i32
    %dma_start3A_205 = arith.constant 2 : i32
    %dma_start3A_206 = arith.constant 2 : i32
    %dma_start3A_207 = arith.constant 0 : i32
    %dma_start3A_208 = arith.constant 0 : i32
    %dma_start3A_209 = tpu.memref_slice %arg8[%dma_start3A_205, %dma_start3A_207, %dma_start3A_208] : memref<5x64x128xf32, #tpu.memory_space<vmem>> -> memref<1x64x128xf32, #tpu.memory_space<vmem>>
    %dma_start3A_210 = tpu.memref_squeeze %dma_start3A_209 : memref<1x64x128xf32, #tpu.memory_space<vmem>> -> memref<64x128xf32, #tpu.memory_space<vmem>>
    %dma_start3A_211 = arith.constant 0 : i32
    %dma_start3A_212 = tpu.memref_slice %arg7[%dma_start3A_203, %dma_start3A_204, %dma_start3A_211] : memref<10x2x64xi32, #tpu.memory_space<vmem>> -> memref<1x1x64xi32, #tpu.memory_space<vmem>>
    %dma_start3A_213 = tpu.memref_squeeze %dma_start3A_212 : memref<1x1x64xi32, #tpu.memory_space<vmem>> -> memref<64xi32, #tpu.memory_space<vmem>>
    %dma_start3A_214 = arith.constant 0 : i32
    %dma_start3A_215 = arith.constant 0 : i32
    %dma_start3A_216 = tpu.memref_slice %arg2[%dma_start3A_214, %dma_start3A_215] : memref<10000x128xf32, #tpu.memory_space<hbm>> -> memref<10000x128xf32, #tpu.memory_space<hbm>>
    %dma_start3A_217 = tpu.memref_slice %arg11[%dma_start3A_206] : memref<5x!tpu.dma_semaphore, #tpu.memory_space<semaphore_mem>> -> memref<1x!tpu.dma_semaphore, #tpu.memory_space<semaphore_mem>>
    %dma_start3A_218 = tpu.memref_squeeze %dma_start3A_217 : memref<1x!tpu.dma_semaphore, #tpu.memory_space<semaphore_mem>> -> memref<!tpu.dma_semaphore, #tpu.memory_space<semaphore_mem>>
    tpu.enqueue_indirect_dma source(%dma_start3A_216 : memref<10000x128xf32, #tpu.memory_space<hbm>>) target(%dma_start3A_210 : memref<64x128xf32, #tpu.memory_space<vmem>>) offsets(%dma_start3A_213 : memref<64xi32, #tpu.memory_space<vmem>>) semaphore(%dma_start3A_218 : memref<!tpu.dma_semaphore, #tpu.memory_space<semaphore_mem>>)
    %dma_wait3A_219 = arith.constant 3 : i32
    %dma_wait3A_220 = arith.constant 3 : i32
    %dma_wait3A_221 = arith.constant 3 : i32
    %dma_wait3A_222 = arith.constant 0 : i32
    %dma_wait3A_223 = arith.constant 0 : i32
    %dma_wait3A_224 = tpu.memref_slice %arg7[%dma_wait3A_220, %dma_wait3A_222, %dma_wait3A_223] : memref<10x2x64xi32, #tpu.memory_space<vmem>> -> memref<1x2x64xi32, #tpu.memory_space<vmem>>
    %dma_wait3A_225 = tpu.memref_squeeze %dma_wait3A_224 : memref<1x2x64xi32, #tpu.memory_space<vmem>> -> memref<2x64xi32, #tpu.memory_space<vmem>>
    %dma_wait3A_226 = arith.constant 0 : i32
    %dma_wait3A_227 = arith.constant 0 : i32
    %dma_wait3A_228 = tpu.memref_slice %arg3[%add3A, %dma_wait3A_219, %dma_wait3A_226, %dma_wait3A_227] : memref<32x160x2x64xi32, #tpu.memory_space<hbm>> -> memref<1x1x2x64xi32, #tpu.memory_space<hbm>>
    %dma_wait3A_229 = tpu.memref_squeeze %dma_wait3A_228 : memref<1x1x2x64xi32, #tpu.memory_space<hbm>> -> memref<2x64xi32, #tpu.memory_space<hbm>>
    %dma_wait3A_230 = tpu.memref_slice %arg10[%dma_wait3A_221] : memref<10x!tpu.dma_semaphore, #tpu.memory_space<semaphore_mem>> -> memref<1x!tpu.dma_semaphore, #tpu.memory_space<semaphore_mem>>
    %dma_wait3A_231 = tpu.memref_squeeze %dma_wait3A_230 : memref<1x!tpu.dma_semaphore, #tpu.memory_space<semaphore_mem>> -> memref<!tpu.dma_semaphore, #tpu.memory_space<semaphore_mem>>
    %dma_wait3A_232 = arith.constant 0 : i32
    %dma_wait3A_233 = arith.constant 0 : i32
    %dma_wait3A_234 = tpu.memref_slice %arg7[%dma_wait3A_220, %dma_wait3A_232, %dma_wait3A_233] : memref<10x2x64xi32, #tpu.memory_space<vmem>> -> memref<1x2x64xi32, #tpu.memory_space<vmem>>
    %dma_wait3A_235 = tpu.memref_squeeze %dma_wait3A_234 : memref<1x2x64xi32, #tpu.memory_space<vmem>> -> memref<2x64xi32, #tpu.memory_space<vmem>>
    %dma_wait3A_236 = arith.constant 0 : i32
    %dma_wait3A_237 = arith.constant 0 : i32
    %dma_wait3A_238 = tpu.memref_slice %arg3[%add3A, %dma_wait3A_219, %dma_wait3A_236, %dma_wait3A_237] : memref<32x160x2x64xi32, #tpu.memory_space<hbm>> -> memref<1x1x2x64xi32, #tpu.memory_space<hbm>>
    %dma_wait3A_239 = tpu.memref_squeeze %dma_wait3A_238 : memref<1x1x2x64xi32, #tpu.memory_space<hbm>> -> memref<2x64xi32, #tpu.memory_space<hbm>>
    tpu.wait_dma2 semaphore(%dma_wait3A_231 : memref<!tpu.dma_semaphore, #tpu.memory_space<semaphore_mem>>) src(%dma_wait3A_239 : memref<2x64xi32, #tpu.memory_space<hbm>>) dst(%dma_wait3A_235 : memref<2x64xi32, #tpu.memory_space<vmem>>)
    %dma_start3A_240 = arith.constant 3 : i32
    %dma_start3A_241 = arith.constant 0 : i32
    %dma_start3A_242 = arith.constant 3 : i32
    %dma_start3A_243 = arith.constant 3 : i32
    %dma_start3A_244 = arith.constant 0 : i32
    %dma_start3A_245 = arith.constant 0 : i32
    %dma_start3A_246 = tpu.memref_slice %arg8[%dma_start3A_242, %dma_start3A_244, %dma_start3A_245] : memref<5x64x128xf32, #tpu.memory_space<vmem>> -> memref<1x64x128xf32, #tpu.memory_space<vmem>>
    %dma_start3A_247 = tpu.memref_squeeze %dma_start3A_246 : memref<1x64x128xf32, #tpu.memory_space<vmem>> -> memref<64x128xf32, #tpu.memory_space<vmem>>
    %dma_start3A_248 = arith.constant 0 : i32
    %dma_start3A_249 = tpu.memref_slice %arg7[%dma_start3A_240, %dma_start3A_241, %dma_start3A_248] : memref<10x2x64xi32, #tpu.memory_space<vmem>> -> memref<1x1x64xi32, #tpu.memory_space<vmem>>
    %dma_start3A_250 = tpu.memref_squeeze %dma_start3A_249 : memref<1x1x64xi32, #tpu.memory_space<vmem>> -> memref<64xi32, #tpu.memory_space<vmem>>
    %dma_start3A_251 = arith.constant 0 : i32
    %dma_start3A_252 = arith.constant 0 : i32
    %dma_start3A_253 = tpu.memref_slice %arg2[%dma_start3A_251, %dma_start3A_252] : memref<10000x128xf32, #tpu.memory_space<hbm>> -> memref<10000x128xf32, #tpu.memory_space<hbm>>
    %dma_start3A_254 = tpu.memref_slice %arg11[%dma_start3A_243] : memref<5x!tpu.dma_semaphore, #tpu.memory_space<semaphore_mem>> -> memref<1x!tpu.dma_semaphore, #tpu.memory_space<semaphore_mem>>
    %dma_start3A_255 = tpu.memref_squeeze %dma_start3A_254 : memref<1x!tpu.dma_semaphore, #tpu.memory_space<semaphore_mem>> -> memref<!tpu.dma_semaphore, #tpu.memory_space<semaphore_mem>>
    tpu.enqueue_indirect_dma source(%dma_start3A_253 : memref<10000x128xf32, #tpu.memory_space<hbm>>) target(%dma_start3A_247 : memref<64x128xf32, #tpu.memory_space<vmem>>) offsets(%dma_start3A_250 : memref<64xi32, #tpu.memory_space<vmem>>) semaphore(%dma_start3A_255 : memref<!tpu.dma_semaphore, #tpu.memory_space<semaphore_mem>>)
    %dma_wait3A_256 = arith.constant 4 : i32
    %dma_wait3A_257 = arith.constant 4 : i32
    %dma_wait3A_258 = arith.constant 4 : i32
    %dma_wait3A_259 = arith.constant 0 : i32
    %dma_wait3A_260 = arith.constant 0 : i32
    %dma_wait3A_261 = tpu.memref_slice %arg7[%dma_wait3A_257, %dma_wait3A_259, %dma_wait3A_260] : memref<10x2x64xi32, #tpu.memory_space<vmem>> -> memref<1x2x64xi32, #tpu.memory_space<vmem>>
    %dma_wait3A_262 = tpu.memref_squeeze %dma_wait3A_261 : memref<1x2x64xi32, #tpu.memory_space<vmem>> -> memref<2x64xi32, #tpu.memory_space<vmem>>
    %dma_wait3A_263 = arith.constant 0 : i32
    %dma_wait3A_264 = arith.constant 0 : i32
    %dma_wait3A_265 = tpu.memref_slice %arg3[%add3A, %dma_wait3A_256, %dma_wait3A_263, %dma_wait3A_264] : memref<32x160x2x64xi32, #tpu.memory_space<hbm>> -> memref<1x1x2x64xi32, #tpu.memory_space<hbm>>
    %dma_wait3A_266 = tpu.memref_squeeze %dma_wait3A_265 : memref<1x1x2x64xi32, #tpu.memory_space<hbm>> -> memref<2x64xi32, #tpu.memory_space<hbm>>
    %dma_wait3A_267 = tpu.memref_slice %arg10[%dma_wait3A_258] : memref<10x!tpu.dma_semaphore, #tpu.memory_space<semaphore_mem>> -> memref<1x!tpu.dma_semaphore, #tpu.memory_space<semaphore_mem>>
    %dma_wait3A_268 = tpu.memref_squeeze %dma_wait3A_267 : memref<1x!tpu.dma_semaphore, #tpu.memory_space<semaphore_mem>> -> memref<!tpu.dma_semaphore, #tpu.memory_space<semaphore_mem>>
    %dma_wait3A_269 = arith.constant 0 : i32
    %dma_wait3A_270 = arith.constant 0 : i32
    %dma_wait3A_271 = tpu.memref_slice %arg7[%dma_wait3A_257, %dma_wait3A_269, %dma_wait3A_270] : memref<10x2x64xi32, #tpu.memory_space<vmem>> -> memref<1x2x64xi32, #tpu.memory_space<vmem>>
    %dma_wait3A_272 = tpu.memref_squeeze %dma_wait3A_271 : memref<1x2x64xi32, #tpu.memory_space<vmem>> -> memref<2x64xi32, #tpu.memory_space<vmem>>
    %dma_wait3A_273 = arith.constant 0 : i32
    %dma_wait3A_274 = arith.constant 0 : i32
    %dma_wait3A_275 = tpu.memref_slice %arg3[%add3A, %dma_wait3A_256, %dma_wait3A_273, %dma_wait3A_274] : memref<32x160x2x64xi32, #tpu.memory_space<hbm>> -> memref<1x1x2x64xi32, #tpu.memory_space<hbm>>
    %dma_wait3A_276 = tpu.memref_squeeze %dma_wait3A_275 : memref<1x1x2x64xi32, #tpu.memory_space<hbm>> -> memref<2x64xi32, #tpu.memory_space<hbm>>
    tpu.wait_dma2 semaphore(%dma_wait3A_268 : memref<!tpu.dma_semaphore, #tpu.memory_space<semaphore_mem>>) src(%dma_wait3A_276 : memref<2x64xi32, #tpu.memory_space<hbm>>) dst(%dma_wait3A_272 : memref<2x64xi32, #tpu.memory_space<vmem>>)
    %dma_start3A_277 = arith.constant 4 : i32
    %dma_start3A_278 = arith.constant 0 : i32
    %dma_start3A_279 = arith.constant 4 : i32
    %dma_start3A_280 = arith.constant 4 : i32
    %dma_start3A_281 = arith.constant 0 : i32
    %dma_start3A_282 = arith.constant 0 : i32
    %dma_start3A_283 = tpu.memref_slice %arg8[%dma_start3A_279, %dma_start3A_281, %dma_start3A_282] : memref<5x64x128xf32, #tpu.memory_space<vmem>> -> memref<1x64x128xf32, #tpu.memory_space<vmem>>
    %dma_start3A_284 = tpu.memref_squeeze %dma_start3A_283 : memref<1x64x128xf32, #tpu.memory_space<vmem>> -> memref<64x128xf32, #tpu.memory_space<vmem>>
    %dma_start3A_285 = arith.constant 0 : i32
    %dma_start3A_286 = tpu.memref_slice %arg7[%dma_start3A_277, %dma_start3A_278, %dma_start3A_285] : memref<10x2x64xi32, #tpu.memory_space<vmem>> -> memref<1x1x64xi32, #tpu.memory_space<vmem>>
    %dma_start3A_287 = tpu.memref_squeeze %dma_start3A_286 : memref<1x1x64xi32, #tpu.memory_space<vmem>> -> memref<64xi32, #tpu.memory_space<vmem>>
    %dma_start3A_288 = arith.constant 0 : i32
    %dma_start3A_289 = arith.constant 0 : i32
    %dma_start3A_290 = tpu.memref_slice %arg2[%dma_start3A_288, %dma_start3A_289] : memref<10000x128xf32, #tpu.memory_space<hbm>> -> memref<10000x128xf32, #tpu.memory_space<hbm>>
    %dma_start3A_291 = tpu.memref_slice %arg11[%dma_start3A_280] : memref<5x!tpu.dma_semaphore, #tpu.memory_space<semaphore_mem>> -> memref<1x!tpu.dma_semaphore, #tpu.memory_space<semaphore_mem>>
    %dma_start3A_292 = tpu.memref_squeeze %dma_start3A_291 : memref<1x!tpu.dma_semaphore, #tpu.memory_space<semaphore_mem>> -> memref<!tpu.dma_semaphore, #tpu.memory_space<semaphore_mem>>
    tpu.enqueue_indirect_dma source(%dma_start3A_290 : memref<10000x128xf32, #tpu.memory_space<hbm>>) target(%dma_start3A_284 : memref<64x128xf32, #tpu.memory_space<vmem>>) offsets(%dma_start3A_287 : memref<64xi32, #tpu.memory_space<vmem>>) semaphore(%dma_start3A_292 : memref<!tpu.dma_semaphore, #tpu.memory_space<semaphore_mem>>)
    %scan3A = arith.constant 0 : i32
    %scan3A_293 = arith.constant 32 : i32
    %scan3A_294 = arith.addi %scan3A, %scan3A_293 : i32
    %scan3A_295 = arith.constant 1 : i32
    scf.for %scan3A_307 = %scan3A to %scan3A_294 step %scan3A_295  : i32 {
      %mul3A_308 = arith.constant 5 : i32
      %mul3A_309 = arith.muli %scan3A_307, %mul3A_308 : i32
      %add3A_310 = arith.constant 0 : i32
      %add3A_311 = arith.addi %add3A_310, %mul3A_309 : i32
      %jit3A = arith.constant 5 : i32
      %div3A = arith.divsi %add3A_311, %jit3A : i32
      %sign3A = arith.constant 0 : i32
      %sign3A_312 = arith.cmpi sgt, %add3A_311, %sign3A : i32
      %sign3A_313 = arith.extui %sign3A_312 : i1 to i32
      %sign3A_314 = arith.constant 0 : i32
      %sign3A_315 = arith.cmpi slt, %add3A_311, %sign3A_314 : i32
      %sign3A_316 = arith.extui %sign3A_315 : i1 to i32
      %sign3A_317 = arith.subi %sign3A_313, %sign3A_316 : i32
      %sign3A_318 = arith.constant 0 : i32
      %sign3A_319 = arith.cmpi sgt, %jit3A, %sign3A_318 : i32
      %sign3A_320 = arith.extui %sign3A_319 : i1 to i32
      %sign3A_321 = arith.constant 0 : i32
      %sign3A_322 = arith.cmpi slt, %jit3A, %sign3A_321 : i32
      %sign3A_323 = arith.extui %sign3A_322 : i1 to i32
      %sign3A_324 = arith.subi %sign3A_320, %sign3A_323 : i32
      %ne3A = arith.cmpi ne, %sign3A_317, %sign3A_324 : i32
      %rem3A = arith.remsi %add3A_311, %jit3A : i32
      %ne3A_325 = arith.constant 0 : i32
      %ne3A_326 = arith.cmpi ne, %rem3A, %ne3A_325 : i32
      %and3A = arith.andi %ne3A, %ne3A_326 : i1
      %sub3A = arith.constant 1 : i32
      %sub3A_327 = arith.subi %div3A, %sub3A : i32
      %select_n3A = arith.select %and3A, %sub3A_327, %div3A : i32
      %jit3A_328 = arith.constant 2 : i32
      %eq3A_329 = arith.constant 0 : i32
      %eq3A_330 = arith.cmpi eq, %jit3A_328, %eq3A_329 : i32
      %jit3A_331 = arith.constant 1 : i32
      %select_n3A_332 = arith.select %eq3A_330, %jit3A_331, %jit3A_328 : i32
      %rem3A_333 = arith.remsi %select_n3A, %select_n3A_332 : i32
      %ne3A_334 = arith.constant 0 : i32
      %ne3A_335 = arith.cmpi ne, %rem3A_333, %ne3A_334 : i32
      %lt3A = arith.constant 0 : i32
      %lt3A_336 = arith.cmpi slt, %rem3A_333, %lt3A : i32
      %lt3A_337 = arith.constant 0 : i32
      %lt3A_338 = arith.cmpi slt, %select_n3A_332, %lt3A_337 : i32
      %ne3A_339 = arith.xori %lt3A_336, %lt3A_338 : i1
      %and3A_340 = arith.andi %ne3A_339, %ne3A_335 : i1
      %add3A_341 = arith.addi %rem3A_333, %select_n3A_332 : i32
      %select_n3A_342 = arith.select %and3A_340, %add3A_341, %rem3A_333 : i32
      %mul3A_343 = arith.constant 5 : i32
      %mul3A_344 = arith.muli %mul3A_343, %select_n3A_342 : i32
      %sub3A_345 = arith.constant 5 : i32
      %sub3A_346 = arith.subi %sub3A_345, %mul3A_344 : i32
      %add3A_347 = arith.constant 0 : i32
      %add3A_348 = arith.addi %mul3A_344, %add3A_347 : i32
      %dma_wait3A_349 = arith.constant 0 : i32
      %dma_wait3A_350 = arith.constant 0 : i32
      %dma_wait3A_351 = arith.constant 0 : i32
      %dma_wait3A_352 = arith.constant 0 : i32
      %dma_wait3A_353 = arith.constant 0 : i32
      %dma_wait3A_354 = tpu.memref_slice %arg8[%dma_wait3A_350, %dma_wait3A_352, %dma_wait3A_353] : memref<5x64x128xf32, #tpu.memory_space<vmem>> -> memref<1x64x128xf32, #tpu.memory_space<vmem>>
      %dma_wait3A_355 = tpu.memref_squeeze %dma_wait3A_354 : memref<1x64x128xf32, #tpu.memory_space<vmem>> -> memref<64x128xf32, #tpu.memory_space<vmem>>
      %dma_wait3A_356 = arith.constant 0 : i32
      %dma_wait3A_357 = tpu.memref_slice %arg7[%add3A_348, %dma_wait3A_349, %dma_wait3A_356] : memref<10x2x64xi32, #tpu.memory_space<vmem>> -> memref<1x1x64xi32, #tpu.memory_space<vmem>>
      %dma_wait3A_358 = tpu.memref_squeeze %dma_wait3A_357 : memref<1x1x64xi32, #tpu.memory_space<vmem>> -> memref<64xi32, #tpu.memory_space<vmem>>
      %dma_wait3A_359 = arith.constant 0 : i32
      %dma_wait3A_360 = arith.constant 0 : i32
      %dma_wait3A_361 = tpu.memref_slice %arg2[%dma_wait3A_359, %dma_wait3A_360] : memref<10000x128xf32, #tpu.memory_space<hbm>> -> memref<10000x128xf32, #tpu.memory_space<hbm>>
      %dma_wait3A_362 = tpu.memref_slice %arg11[%dma_wait3A_351] : memref<5x!tpu.dma_semaphore, #tpu.memory_space<semaphore_mem>> -> memref<1x!tpu.dma_semaphore, #tpu.memory_space<semaphore_mem>>
      %dma_wait3A_363 = tpu.memref_squeeze %dma_wait3A_362 : memref<1x!tpu.dma_semaphore, #tpu.memory_space<semaphore_mem>> -> memref<!tpu.dma_semaphore, #tpu.memory_space<semaphore_mem>>
      tpu.wait_indirect_dma semaphore(%dma_wait3A_363 : memref<!tpu.dma_semaphore, #tpu.memory_space<semaphore_mem>>) src(%dma_wait3A_361 : memref<10000x128xf32, #tpu.memory_space<hbm>>) dst(%dma_wait3A_355 : memref<64x128xf32, #tpu.memory_space<vmem>>)
      %add3A_364 = arith.constant 0 : i32
      %add3A_365 = arith.addi %mul3A_344, %add3A_364 : i32
      %dma_start3A_366 = arith.constant 0 : i32
      %dma_start3A_367 = arith.constant 1 : i32
      %dma_start3A_368 = arith.constant 0 : i32
      %dma_start3A_369 = arith.constant 0 : i32
      %dma_start3A_370 = arith.constant 0 : i32
      %dma_start3A_371 = tpu.memref_slice %arg8[%dma_start3A_366, %dma_start3A_369, %dma_start3A_370] : memref<5x64x128xf32, #tpu.memory_space<vmem>> -> memref<1x64x128xf32, #tpu.memory_space<vmem>>
      %dma_start3A_372 = tpu.memref_squeeze %dma_start3A_371 : memref<1x64x128xf32, #tpu.memory_space<vmem>> -> memref<64x128xf32, #tpu.memory_space<vmem>>
      %dma_start3A_373 = arith.constant 0 : i32
      %dma_start3A_374 = tpu.memref_slice %arg7[%add3A_365, %dma_start3A_367, %dma_start3A_373] : memref<10x2x64xi32, #tpu.memory_space<vmem>> -> memref<1x1x64xi32, #tpu.memory_space<vmem>>
      %dma_start3A_375 = tpu.memref_squeeze %dma_start3A_374 : memref<1x1x64xi32, #tpu.memory_space<vmem>> -> memref<64xi32, #tpu.memory_space<vmem>>
      %dma_start3A_376 = arith.constant 0 : i32
      %dma_start3A_377 = arith.constant 0 : i32
      %dma_start3A_378 = tpu.memref_slice %arg9[%dma_start3A_376, %dma_start3A_377] : memref<10112x128xf32, #tpu.memory_space<vmem_shared>> -> memref<10112x128xf32, #tpu.memory_space<vmem_shared>>
      %dma_start3A_379 = tpu.memref_slice %arg12[%dma_start3A_368] : memref<5x!tpu.dma_semaphore, #tpu.memory_space<semaphore_mem>> -> memref<1x!tpu.dma_semaphore, #tpu.memory_space<semaphore_mem>>
      %dma_start3A_380 = tpu.memref_squeeze %dma_start3A_379 : memref<1x!tpu.dma_semaphore, #tpu.memory_space<semaphore_mem>> -> memref<!tpu.dma_semaphore, #tpu.memory_space<semaphore_mem>>
      tpu.enqueue_indirect_dma source(%dma_start3A_372 : memref<64x128xf32, #tpu.memory_space<vmem>>) target(%dma_start3A_378 : memref<10112x128xf32, #tpu.memory_space<vmem_shared>>) offsets(%dma_start3A_375 : memref<64xi32, #tpu.memory_space<vmem>>) semaphore(%dma_start3A_380 : memref<!tpu.dma_semaphore, #tpu.memory_space<semaphore_mem>>) {add = true}
      %add3A_381 = arith.constant 0 : i32
      %add3A_382 = arith.addi %add3A_311, %add3A_381 : i32
      %add3A_383 = arith.constant 5 : i32
      %add3A_384 = arith.addi %add3A_382, %add3A_383 : i32
      %lt3A_385 = arith.constant 160 : i32
      %lt3A_386 = arith.cmpi slt, %add3A_384, %lt3A_385 : i32
      %convert_element_type3A_387 = arith.extui %lt3A_386 : i1 to i32
      %cond3A_388 = arith.constant 0 : i32
      %cond3A_389 = arith.cmpi ne, %convert_element_type3A_387, %cond3A_388 : i32
      scf.if %cond3A_389 {
        %add3A_692 = arith.constant 0 : i32
        %add3A_693 = arith.addi %sub3A_346, %add3A_692 : i32
        %add3A_694 = arith.constant 0 : i32
        %add3A_695 = arith.addi %add3A_311, %add3A_694 : i32
        %add3A_696 = arith.constant 5 : i32
        %add3A_697 = arith.addi %add3A_695, %add3A_696 : i32
        %dma_start3A_698 = arith.constant 0 : i32
        %dma_start3A_699 = arith.constant 0 : i32
        %dma_start3A_700 = tpu.memref_slice %arg7[%add3A_693, %dma_start3A_698, %dma_start3A_699] : memref<10x2x64xi32, #tpu.memory_space<vmem>> -> memref<1x2x64xi32, #tpu.memory_space<vmem>>
        %dma_start3A_701 = tpu.memref_squeeze %dma_start3A_700 : memref<1x2x64xi32, #tpu.memory_space<vmem>> -> memref<2x64xi32, #tpu.memory_space<vmem>>
        %dma_start3A_702 = arith.constant 0 : i32
        %dma_start3A_703 = arith.constant 0 : i32
        %dma_start3A_704 = tpu.memref_slice %arg3[%add3A, %add3A_697, %dma_start3A_702, %dma_start3A_703] : memref<32x160x2x64xi32, #tpu.memory_space<hbm>> -> memref<1x1x2x64xi32, #tpu.memory_space<hbm>>
        %dma_start3A_705 = tpu.memref_squeeze %dma_start3A_704 : memref<1x1x2x64xi32, #tpu.memory_space<hbm>> -> memref<2x64xi32, #tpu.memory_space<hbm>>
        %dma_start3A_706 = tpu.memref_slice %arg10[%add3A_693] : memref<10x!tpu.dma_semaphore, #tpu.memory_space<semaphore_mem>> -> memref<1x!tpu.dma_semaphore, #tpu.memory_space<semaphore_mem>>
        %dma_start3A_707 = tpu.memref_squeeze %dma_start3A_706 : memref<1x!tpu.dma_semaphore, #tpu.memory_space<semaphore_mem>> -> memref<!tpu.dma_semaphore, #tpu.memory_space<semaphore_mem>>
        %dma_start3A_708 = arith.constant 0 : i32
        %dma_start3A_709 = arith.constant 0 : i32
        %dma_start3A_710 = tpu.memref_slice %arg7[%add3A_693, %dma_start3A_708, %dma_start3A_709] : memref<10x2x64xi32, #tpu.memory_space<vmem>> -> memref<1x2x64xi32, #tpu.memory_space<vmem>>
        %dma_start3A_711 = tpu.memref_squeeze %dma_start3A_710 : memref<1x2x64xi32, #tpu.memory_space<vmem>> -> memref<2x64xi32, #tpu.memory_space<vmem>>
        %dma_start3A_712 = arith.constant 0 : i32
        %dma_start3A_713 = arith.constant 0 : i32
        %dma_start3A_714 = tpu.memref_slice %arg3[%add3A, %add3A_697, %dma_start3A_712, %dma_start3A_713] : memref<32x160x2x64xi32, #tpu.memory_space<hbm>> -> memref<1x1x2x64xi32, #tpu.memory_space<hbm>>
        %dma_start3A_715 = tpu.memref_squeeze %dma_start3A_714 : memref<1x1x2x64xi32, #tpu.memory_space<hbm>> -> memref<2x64xi32, #tpu.memory_space<hbm>>
        tpu.enqueue_dma source(%dma_start3A_715 : memref<2x64xi32, #tpu.memory_space<hbm>>) target(%dma_start3A_711 : memref<2x64xi32, #tpu.memory_space<vmem>>) target_semaphore(%dma_start3A_707 : memref<!tpu.dma_semaphore, #tpu.memory_space<semaphore_mem>>)
      } else {
      }
      %add3A_390 = arith.constant 1 : i32
      %add3A_391 = arith.addi %mul3A_344, %add3A_390 : i32
      %dma_wait3A_392 = arith.constant 0 : i32
      %dma_wait3A_393 = arith.constant 1 : i32
      %dma_wait3A_394 = arith.constant 1 : i32
      %dma_wait3A_395 = arith.constant 0 : i32
      %dma_wait3A_396 = arith.constant 0 : i32
      %dma_wait3A_397 = tpu.memref_slice %arg8[%dma_wait3A_393, %dma_wait3A_395, %dma_wait3A_396] : memref<5x64x128xf32, #tpu.memory_space<vmem>> -> memref<1x64x128xf32, #tpu.memory_space<vmem>>
      %dma_wait3A_398 = tpu.memref_squeeze %dma_wait3A_397 : memref<1x64x128xf32, #tpu.memory_space<vmem>> -> memref<64x128xf32, #tpu.memory_space<vmem>>
      %dma_wait3A_399 = arith.constant 0 : i32
      %dma_wait3A_400 = tpu.memref_slice %arg7[%add3A_391, %dma_wait3A_392, %dma_wait3A_399] : memref<10x2x64xi32, #tpu.memory_space<vmem>> -> memref<1x1x64xi32, #tpu.memory_space<vmem>>
      %dma_wait3A_401 = tpu.memref_squeeze %dma_wait3A_400 : memref<1x1x64xi32, #tpu.memory_space<vmem>> -> memref<64xi32, #tpu.memory_space<vmem>>
      %dma_wait3A_402 = arith.constant 0 : i32
      %dma_wait3A_403 = arith.constant 0 : i32
      %dma_wait3A_404 = tpu.memref_slice %arg2[%dma_wait3A_402, %dma_wait3A_403] : memref<10000x128xf32, #tpu.memory_space<hbm>> -> memref<10000x128xf32, #tpu.memory_space<hbm>>
      %dma_wait3A_405 = tpu.memref_slice %arg11[%dma_wait3A_394] : memref<5x!tpu.dma_semaphore, #tpu.memory_space<semaphore_mem>> -> memref<1x!tpu.dma_semaphore, #tpu.memory_space<semaphore_mem>>
      %dma_wait3A_406 = tpu.memref_squeeze %dma_wait3A_405 : memref<1x!tpu.dma_semaphore, #tpu.memory_space<semaphore_mem>> -> memref<!tpu.dma_semaphore, #tpu.memory_space<semaphore_mem>>
      tpu.wait_indirect_dma semaphore(%dma_wait3A_406 : memref<!tpu.dma_semaphore, #tpu.memory_space<semaphore_mem>>) src(%dma_wait3A_404 : memref<10000x128xf32, #tpu.memory_space<hbm>>) dst(%dma_wait3A_398 : memref<64x128xf32, #tpu.memory_space<vmem>>)
      %add3A_407 = arith.constant 1 : i32
      %add3A_408 = arith.addi %mul3A_344, %add3A_407 : i32
      %dma_start3A_409 = arith.constant 1 : i32
      %dma_start3A_410 = arith.constant 1 : i32
      %dma_start3A_411 = arith.constant 1 : i32
      %dma_start3A_412 = arith.constant 0 : i32
      %dma_start3A_413 = arith.constant 0 : i32
      %dma_start3A_414 = tpu.memref_slice %arg8[%dma_start3A_409, %dma_start3A_412, %dma_start3A_413] : memref<5x64x128xf32, #tpu.memory_space<vmem>> -> memref<1x64x128xf32, #tpu.memory_space<vmem>>
      %dma_start3A_415 = tpu.memref_squeeze %dma_start3A_414 : memref<1x64x128xf32, #tpu.memory_space<vmem>> -> memref<64x128xf32, #tpu.memory_space<vmem>>
      %dma_start3A_416 = arith.constant 0 : i32
      %dma_start3A_417 = tpu.memref_slice %arg7[%add3A_408, %dma_start3A_410, %dma_start3A_416] : memref<10x2x64xi32, #tpu.memory_space<vmem>> -> memref<1x1x64xi32, #tpu.memory_space<vmem>>
      %dma_start3A_418 = tpu.memref_squeeze %dma_start3A_417 : memref<1x1x64xi32, #tpu.memory_space<vmem>> -> memref<64xi32, #tpu.memory_space<vmem>>
      %dma_start3A_419 = arith.constant 0 : i32
      %dma_start3A_420 = arith.constant 0 : i32
      %dma_start3A_421 = tpu.memref_slice %arg9[%dma_start3A_419, %dma_start3A_420] : memref<10112x128xf32, #tpu.memory_space<vmem_shared>> -> memref<10112x128xf32, #tpu.memory_space<vmem_shared>>
      %dma_start3A_422 = tpu.memref_slice %arg12[%dma_start3A_411] : memref<5x!tpu.dma_semaphore, #tpu.memory_space<semaphore_mem>> -> memref<1x!tpu.dma_semaphore, #tpu.memory_space<semaphore_mem>>
      %dma_start3A_423 = tpu.memref_squeeze %dma_start3A_422 : memref<1x!tpu.dma_semaphore, #tpu.memory_space<semaphore_mem>> -> memref<!tpu.dma_semaphore, #tpu.memory_space<semaphore_mem>>
      tpu.enqueue_indirect_dma source(%dma_start3A_415 : memref<64x128xf32, #tpu.memory_space<vmem>>) target(%dma_start3A_421 : memref<10112x128xf32, #tpu.memory_space<vmem_shared>>) offsets(%dma_start3A_418 : memref<64xi32, #tpu.memory_space<vmem>>) semaphore(%dma_start3A_423 : memref<!tpu.dma_semaphore, #tpu.memory_space<semaphore_mem>>) {add = true}
      %add3A_424 = arith.constant 1 : i32
      %add3A_425 = arith.addi %add3A_311, %add3A_424 : i32
      %add3A_426 = arith.constant 5 : i32
      %add3A_427 = arith.addi %add3A_425, %add3A_426 : i32
      %lt3A_428 = arith.constant 160 : i32
      %lt3A_429 = arith.cmpi slt, %add3A_427, %lt3A_428 : i32
      %convert_element_type3A_430 = arith.extui %lt3A_429 : i1 to i32
      %cond3A_431 = arith.constant 0 : i32
      %cond3A_432 = arith.cmpi ne, %convert_element_type3A_430, %cond3A_431 : i32
      scf.if %cond3A_432 {
        %add3A_692 = arith.constant 1 : i32
        %add3A_693 = arith.addi %sub3A_346, %add3A_692 : i32
        %add3A_694 = arith.constant 1 : i32
        %add3A_695 = arith.addi %add3A_311, %add3A_694 : i32
        %add3A_696 = arith.constant 5 : i32
        %add3A_697 = arith.addi %add3A_695, %add3A_696 : i32
        %dma_start3A_698 = arith.constant 0 : i32
        %dma_start3A_699 = arith.constant 0 : i32
        %dma_start3A_700 = tpu.memref_slice %arg7[%add3A_693, %dma_start3A_698, %dma_start3A_699] : memref<10x2x64xi32, #tpu.memory_space<vmem>> -> memref<1x2x64xi32, #tpu.memory_space<vmem>>
        %dma_start3A_701 = tpu.memref_squeeze %dma_start3A_700 : memref<1x2x64xi32, #tpu.memory_space<vmem>> -> memref<2x64xi32, #tpu.memory_space<vmem>>
        %dma_start3A_702 = arith.constant 0 : i32
        %dma_start3A_703 = arith.constant 0 : i32
        %dma_start3A_704 = tpu.memref_slice %arg3[%add3A, %add3A_697, %dma_start3A_702, %dma_start3A_703] : memref<32x160x2x64xi32, #tpu.memory_space<hbm>> -> memref<1x1x2x64xi32, #tpu.memory_space<hbm>>
        %dma_start3A_705 = tpu.memref_squeeze %dma_start3A_704 : memref<1x1x2x64xi32, #tpu.memory_space<hbm>> -> memref<2x64xi32, #tpu.memory_space<hbm>>
        %dma_start3A_706 = tpu.memref_slice %arg10[%add3A_693] : memref<10x!tpu.dma_semaphore, #tpu.memory_space<semaphore_mem>> -> memref<1x!tpu.dma_semaphore, #tpu.memory_space<semaphore_mem>>
        %dma_start3A_707 = tpu.memref_squeeze %dma_start3A_706 : memref<1x!tpu.dma_semaphore, #tpu.memory_space<semaphore_mem>> -> memref<!tpu.dma_semaphore, #tpu.memory_space<semaphore_mem>>
        %dma_start3A_708 = arith.constant 0 : i32
        %dma_start3A_709 = arith.constant 0 : i32
        %dma_start3A_710 = tpu.memref_slice %arg7[%add3A_693, %dma_start3A_708, %dma_start3A_709] : memref<10x2x64xi32, #tpu.memory_space<vmem>> -> memref<1x2x64xi32, #tpu.memory_space<vmem>>
        %dma_start3A_711 = tpu.memref_squeeze %dma_start3A_710 : memref<1x2x64xi32, #tpu.memory_space<vmem>> -> memref<2x64xi32, #tpu.memory_space<vmem>>
        %dma_start3A_712 = arith.constant 0 : i32
        %dma_start3A_713 = arith.constant 0 : i32
        %dma_start3A_714 = tpu.memref_slice %arg3[%add3A, %add3A_697, %dma_start3A_712, %dma_start3A_713] : memref<32x160x2x64xi32, #tpu.memory_space<hbm>> -> memref<1x1x2x64xi32, #tpu.memory_space<hbm>>
        %dma_start3A_715 = tpu.memref_squeeze %dma_start3A_714 : memref<1x1x2x64xi32, #tpu.memory_space<hbm>> -> memref<2x64xi32, #tpu.memory_space<hbm>>
        tpu.enqueue_dma source(%dma_start3A_715 : memref<2x64xi32, #tpu.memory_space<hbm>>) target(%dma_start3A_711 : memref<2x64xi32, #tpu.memory_space<vmem>>) target_semaphore(%dma_start3A_707 : memref<!tpu.dma_semaphore, #tpu.memory_space<semaphore_mem>>)
      } else {
      }
      %add3A_433 = arith.constant 2 : i32
      %add3A_434 = arith.addi %mul3A_344, %add3A_433 : i32
      %dma_wait3A_435 = arith.constant 0 : i32
      %dma_wait3A_436 = arith.constant 2 : i32
      %dma_wait3A_437 = arith.constant 2 : i32
      %dma_wait3A_438 = arith.constant 0 : i32
      %dma_wait3A_439 = arith.constant 0 : i32
      %dma_wait3A_440 = tpu.memref_slice %arg8[%dma_wait3A_436, %dma_wait3A_438, %dma_wait3A_439] : memref<5x64x128xf32, #tpu.memory_space<vmem>> -> memref<1x64x128xf32, #tpu.memory_space<vmem>>
      %dma_wait3A_441 = tpu.memref_squeeze %dma_wait3A_440 : memref<1x64x128xf32, #tpu.memory_space<vmem>> -> memref<64x128xf32, #tpu.memory_space<vmem>>
      %dma_wait3A_442 = arith.constant 0 : i32
      %dma_wait3A_443 = tpu.memref_slice %arg7[%add3A_434, %dma_wait3A_435, %dma_wait3A_442] : memref<10x2x64xi32, #tpu.memory_space<vmem>> -> memref<1x1x64xi32, #tpu.memory_space<vmem>>
      %dma_wait3A_444 = tpu.memref_squeeze %dma_wait3A_443 : memref<1x1x64xi32, #tpu.memory_space<vmem>> -> memref<64xi32, #tpu.memory_space<vmem>>
      %dma_wait3A_445 = arith.constant 0 : i32
      %dma_wait3A_446 = arith.constant 0 : i32
      %dma_wait3A_447 = tpu.memref_slice %arg2[%dma_wait3A_445, %dma_wait3A_446] : memref<10000x128xf32, #tpu.memory_space<hbm>> -> memref<10000x128xf32, #tpu.memory_space<hbm>>
      %dma_wait3A_448 = tpu.memref_slice %arg11[%dma_wait3A_437] : memref<5x!tpu.dma_semaphore, #tpu.memory_space<semaphore_mem>> -> memref<1x!tpu.dma_semaphore, #tpu.memory_space<semaphore_mem>>
      %dma_wait3A_449 = tpu.memref_squeeze %dma_wait3A_448 : memref<1x!tpu.dma_semaphore, #tpu.memory_space<semaphore_mem>> -> memref<!tpu.dma_semaphore, #tpu.memory_space<semaphore_mem>>
      tpu.wait_indirect_dma semaphore(%dma_wait3A_449 : memref<!tpu.dma_semaphore, #tpu.memory_space<semaphore_mem>>) src(%dma_wait3A_447 : memref<10000x128xf32, #tpu.memory_space<hbm>>) dst(%dma_wait3A_441 : memref<64x128xf32, #tpu.memory_space<vmem>>)
      %add3A_450 = arith.constant 2 : i32
      %add3A_451 = arith.addi %mul3A_344, %add3A_450 : i32
      %dma_start3A_452 = arith.constant 2 : i32
      %dma_start3A_453 = arith.constant 1 : i32
      %dma_start3A_454 = arith.constant 2 : i32
      %dma_start3A_455 = arith.constant 0 : i32
      %dma_start3A_456 = arith.constant 0 : i32
      %dma_start3A_457 = tpu.memref_slice %arg8[%dma_start3A_452, %dma_start3A_455, %dma_start3A_456] : memref<5x64x128xf32, #tpu.memory_space<vmem>> -> memref<1x64x128xf32, #tpu.memory_space<vmem>>
      %dma_start3A_458 = tpu.memref_squeeze %dma_start3A_457 : memref<1x64x128xf32, #tpu.memory_space<vmem>> -> memref<64x128xf32, #tpu.memory_space<vmem>>
      %dma_start3A_459 = arith.constant 0 : i32
      %dma_start3A_460 = tpu.memref_slice %arg7[%add3A_451, %dma_start3A_453, %dma_start3A_459] : memref<10x2x64xi32, #tpu.memory_space<vmem>> -> memref<1x1x64xi32, #tpu.memory_space<vmem>>
      %dma_start3A_461 = tpu.memref_squeeze %dma_start3A_460 : memref<1x1x64xi32, #tpu.memory_space<vmem>> -> memref<64xi32, #tpu.memory_space<vmem>>
      %dma_start3A_462 = arith.constant 0 : i32
      %dma_start3A_463 = arith.constant 0 : i32
      %dma_start3A_464 = tpu.memref_slice %arg9[%dma_start3A_462, %dma_start3A_463] : memref<10112x128xf32, #tpu.memory_space<vmem_shared>> -> memref<10112x128xf32, #tpu.memory_space<vmem_shared>>
      %dma_start3A_465 = tpu.memref_slice %arg12[%dma_start3A_454] : memref<5x!tpu.dma_semaphore, #tpu.memory_space<semaphore_mem>> -> memref<1x!tpu.dma_semaphore, #tpu.memory_space<semaphore_mem>>
      %dma_start3A_466 = tpu.memref_squeeze %dma_start3A_465 : memref<1x!tpu.dma_semaphore, #tpu.memory_space<semaphore_mem>> -> memref<!tpu.dma_semaphore, #tpu.memory_space<semaphore_mem>>
      tpu.enqueue_indirect_dma source(%dma_start3A_458 : memref<64x128xf32, #tpu.memory_space<vmem>>) target(%dma_start3A_464 : memref<10112x128xf32, #tpu.memory_space<vmem_shared>>) offsets(%dma_start3A_461 : memref<64xi32, #tpu.memory_space<vmem>>) semaphore(%dma_start3A_466 : memref<!tpu.dma_semaphore, #tpu.memory_space<semaphore_mem>>) {add = true}
      %add3A_467 = arith.constant 2 : i32
      %add3A_468 = arith.addi %add3A_311, %add3A_467 : i32
      %add3A_469 = arith.constant 5 : i32
      %add3A_470 = arith.addi %add3A_468, %add3A_469 : i32
      %lt3A_471 = arith.constant 160 : i32
      %lt3A_472 = arith.cmpi slt, %add3A_470, %lt3A_471 : i32
      %convert_element_type3A_473 = arith.extui %lt3A_472 : i1 to i32
      %cond3A_474 = arith.constant 0 : i32
      %cond3A_475 = arith.cmpi ne, %convert_element_type3A_473, %cond3A_474 : i32
      scf.if %cond3A_475 {
        %add3A_692 = arith.constant 2 : i32
        %add3A_693 = arith.addi %sub3A_346, %add3A_692 : i32
        %add3A_694 = arith.constant 2 : i32
        %add3A_695 = arith.addi %add3A_311, %add3A_694 : i32
        %add3A_696 = arith.constant 5 : i32
        %add3A_697 = arith.addi %add3A_695, %add3A_696 : i32
        %dma_start3A_698 = arith.constant 0 : i32
        %dma_start3A_699 = arith.constant 0 : i32
        %dma_start3A_700 = tpu.memref_slice %arg7[%add3A_693, %dma_start3A_698, %dma_start3A_699] : memref<10x2x64xi32, #tpu.memory_space<vmem>> -> memref<1x2x64xi32, #tpu.memory_space<vmem>>
        %dma_start3A_701 = tpu.memref_squeeze %dma_start3A_700 : memref<1x2x64xi32, #tpu.memory_space<vmem>> -> memref<2x64xi32, #tpu.memory_space<vmem>>
        %dma_start3A_702 = arith.constant 0 : i32
        %dma_start3A_703 = arith.constant 0 : i32
        %dma_start3A_704 = tpu.memref_slice %arg3[%add3A, %add3A_697, %dma_start3A_702, %dma_start3A_703] : memref<32x160x2x64xi32, #tpu.memory_space<hbm>> -> memref<1x1x2x64xi32, #tpu.memory_space<hbm>>
        %dma_start3A_705 = tpu.memref_squeeze %dma_start3A_704 : memref<1x1x2x64xi32, #tpu.memory_space<hbm>> -> memref<2x64xi32, #tpu.memory_space<hbm>>
        %dma_start3A_706 = tpu.memref_slice %arg10[%add3A_693] : memref<10x!tpu.dma_semaphore, #tpu.memory_space<semaphore_mem>> -> memref<1x!tpu.dma_semaphore, #tpu.memory_space<semaphore_mem>>
        %dma_start3A_707 = tpu.memref_squeeze %dma_start3A_706 : memref<1x!tpu.dma_semaphore, #tpu.memory_space<semaphore_mem>> -> memref<!tpu.dma_semaphore, #tpu.memory_space<semaphore_mem>>
        %dma_start3A_708 = arith.constant 0 : i32
        %dma_start3A_709 = arith.constant 0 : i32
        %dma_start3A_710 = tpu.memref_slice %arg7[%add3A_693, %dma_start3A_708, %dma_start3A_709] : memref<10x2x64xi32, #tpu.memory_space<vmem>> -> memref<1x2x64xi32, #tpu.memory_space<vmem>>
        %dma_start3A_711 = tpu.memref_squeeze %dma_start3A_710 : memref<1x2x64xi32, #tpu.memory_space<vmem>> -> memref<2x64xi32, #tpu.memory_space<vmem>>
        %dma_start3A_712 = arith.constant 0 : i32
        %dma_start3A_713 = arith.constant 0 : i32
        %dma_start3A_714 = tpu.memref_slice %arg3[%add3A, %add3A_697, %dma_start3A_712, %dma_start3A_713] : memref<32x160x2x64xi32, #tpu.memory_space<hbm>> -> memref<1x1x2x64xi32, #tpu.memory_space<hbm>>
        %dma_start3A_715 = tpu.memref_squeeze %dma_start3A_714 : memref<1x1x2x64xi32, #tpu.memory_space<hbm>> -> memref<2x64xi32, #tpu.memory_space<hbm>>
        tpu.enqueue_dma source(%dma_start3A_715 : memref<2x64xi32, #tpu.memory_space<hbm>>) target(%dma_start3A_711 : memref<2x64xi32, #tpu.memory_space<vmem>>) target_semaphore(%dma_start3A_707 : memref<!tpu.dma_semaphore, #tpu.memory_space<semaphore_mem>>)
      } else {
      }
      %add3A_476 = arith.constant 3 : i32
      %add3A_477 = arith.addi %mul3A_344, %add3A_476 : i32
      %dma_wait3A_478 = arith.constant 0 : i32
      %dma_wait3A_479 = arith.constant 3 : i32
      %dma_wait3A_480 = arith.constant 3 : i32
      %dma_wait3A_481 = arith.constant 0 : i32
      %dma_wait3A_482 = arith.constant 0 : i32
      %dma_wait3A_483 = tpu.memref_slice %arg8[%dma_wait3A_479, %dma_wait3A_481, %dma_wait3A_482] : memref<5x64x128xf32, #tpu.memory_space<vmem>> -> memref<1x64x128xf32, #tpu.memory_space<vmem>>
      %dma_wait3A_484 = tpu.memref_squeeze %dma_wait3A_483 : memref<1x64x128xf32, #tpu.memory_space<vmem>> -> memref<64x128xf32, #tpu.memory_space<vmem>>
      %dma_wait3A_485 = arith.constant 0 : i32
      %dma_wait3A_486 = tpu.memref_slice %arg7[%add3A_477, %dma_wait3A_478, %dma_wait3A_485] : memref<10x2x64xi32, #tpu.memory_space<vmem>> -> memref<1x1x64xi32, #tpu.memory_space<vmem>>
      %dma_wait3A_487 = tpu.memref_squeeze %dma_wait3A_486 : memref<1x1x64xi32, #tpu.memory_space<vmem>> -> memref<64xi32, #tpu.memory_space<vmem>>
      %dma_wait3A_488 = arith.constant 0 : i32
      %dma_wait3A_489 = arith.constant 0 : i32
      %dma_wait3A_490 = tpu.memref_slice %arg2[%dma_wait3A_488, %dma_wait3A_489] : memref<10000x128xf32, #tpu.memory_space<hbm>> -> memref<10000x128xf32, #tpu.memory_space<hbm>>
      %dma_wait3A_491 = tpu.memref_slice %arg11[%dma_wait3A_480] : memref<5x!tpu.dma_semaphore, #tpu.memory_space<semaphore_mem>> -> memref<1x!tpu.dma_semaphore, #tpu.memory_space<semaphore_mem>>
      %dma_wait3A_492 = tpu.memref_squeeze %dma_wait3A_491 : memref<1x!tpu.dma_semaphore, #tpu.memory_space<semaphore_mem>> -> memref<!tpu.dma_semaphore, #tpu.memory_space<semaphore_mem>>
      tpu.wait_indirect_dma semaphore(%dma_wait3A_492 : memref<!tpu.dma_semaphore, #tpu.memory_space<semaphore_mem>>) src(%dma_wait3A_490 : memref<10000x128xf32, #tpu.memory_space<hbm>>) dst(%dma_wait3A_484 : memref<64x128xf32, #tpu.memory_space<vmem>>)
      %add3A_493 = arith.constant 3 : i32
      %add3A_494 = arith.addi %mul3A_344, %add3A_493 : i32
      %dma_start3A_495 = arith.constant 3 : i32
      %dma_start3A_496 = arith.constant 1 : i32
      %dma_start3A_497 = arith.constant 3 : i32
      %dma_start3A_498 = arith.constant 0 : i32
      %dma_start3A_499 = arith.constant 0 : i32
      %dma_start3A_500 = tpu.memref_slice %arg8[%dma_start3A_495, %dma_start3A_498, %dma_start3A_499] : memref<5x64x128xf32, #tpu.memory_space<vmem>> -> memref<1x64x128xf32, #tpu.memory_space<vmem>>
      %dma_start3A_501 = tpu.memref_squeeze %dma_start3A_500 : memref<1x64x128xf32, #tpu.memory_space<vmem>> -> memref<64x128xf32, #tpu.memory_space<vmem>>
      %dma_start3A_502 = arith.constant 0 : i32
      %dma_start3A_503 = tpu.memref_slice %arg7[%add3A_494, %dma_start3A_496, %dma_start3A_502] : memref<10x2x64xi32, #tpu.memory_space<vmem>> -> memref<1x1x64xi32, #tpu.memory_space<vmem>>
      %dma_start3A_504 = tpu.memref_squeeze %dma_start3A_503 : memref<1x1x64xi32, #tpu.memory_space<vmem>> -> memref<64xi32, #tpu.memory_space<vmem>>
      %dma_start3A_505 = arith.constant 0 : i32
      %dma_start3A_506 = arith.constant 0 : i32
      %dma_start3A_507 = tpu.memref_slice %arg9[%dma_start3A_505, %dma_start3A_506] : memref<10112x128xf32, #tpu.memory_space<vmem_shared>> -> memref<10112x128xf32, #tpu.memory_space<vmem_shared>>
      %dma_start3A_508 = tpu.memref_slice %arg12[%dma_start3A_497] : memref<5x!tpu.dma_semaphore, #tpu.memory_space<semaphore_mem>> -> memref<1x!tpu.dma_semaphore, #tpu.memory_space<semaphore_mem>>
      %dma_start3A_509 = tpu.memref_squeeze %dma_start3A_508 : memref<1x!tpu.dma_semaphore, #tpu.memory_space<semaphore_mem>> -> memref<!tpu.dma_semaphore, #tpu.memory_space<semaphore_mem>>
      tpu.enqueue_indirect_dma source(%dma_start3A_501 : memref<64x128xf32, #tpu.memory_space<vmem>>) target(%dma_start3A_507 : memref<10112x128xf32, #tpu.memory_space<vmem_shared>>) offsets(%dma_start3A_504 : memref<64xi32, #tpu.memory_space<vmem>>) semaphore(%dma_start3A_509 : memref<!tpu.dma_semaphore, #tpu.memory_space<semaphore_mem>>) {add = true}
      %add3A_510 = arith.constant 3 : i32
      %add3A_511 = arith.addi %add3A_311, %add3A_510 : i32
      %add3A_512 = arith.constant 5 : i32
      %add3A_513 = arith.addi %add3A_511, %add3A_512 : i32
      %lt3A_514 = arith.constant 160 : i32
      %lt3A_515 = arith.cmpi slt, %add3A_513, %lt3A_514 : i32
      %convert_element_type3A_516 = arith.extui %lt3A_515 : i1 to i32
      %cond3A_517 = arith.constant 0 : i32
      %cond3A_518 = arith.cmpi ne, %convert_element_type3A_516, %cond3A_517 : i32
      scf.if %cond3A_518 {
        %add3A_692 = arith.constant 3 : i32
        %add3A_693 = arith.addi %sub3A_346, %add3A_692 : i32
        %add3A_694 = arith.constant 3 : i32
        %add3A_695 = arith.addi %add3A_311, %add3A_694 : i32
        %add3A_696 = arith.constant 5 : i32
        %add3A_697 = arith.addi %add3A_695, %add3A_696 : i32
        %dma_start3A_698 = arith.constant 0 : i32
        %dma_start3A_699 = arith.constant 0 : i32
        %dma_start3A_700 = tpu.memref_slice %arg7[%add3A_693, %dma_start3A_698, %dma_start3A_699] : memref<10x2x64xi32, #tpu.memory_space<vmem>> -> memref<1x2x64xi32, #tpu.memory_space<vmem>>
        %dma_start3A_701 = tpu.memref_squeeze %dma_start3A_700 : memref<1x2x64xi32, #tpu.memory_space<vmem>> -> memref<2x64xi32, #tpu.memory_space<vmem>>
        %dma_start3A_702 = arith.constant 0 : i32
        %dma_start3A_703 = arith.constant 0 : i32
        %dma_start3A_704 = tpu.memref_slice %arg3[%add3A, %add3A_697, %dma_start3A_702, %dma_start3A_703] : memref<32x160x2x64xi32, #tpu.memory_space<hbm>> -> memref<1x1x2x64xi32, #tpu.memory_space<hbm>>
        %dma_start3A_705 = tpu.memref_squeeze %dma_start3A_704 : memref<1x1x2x64xi32, #tpu.memory_space<hbm>> -> memref<2x64xi32, #tpu.memory_space<hbm>>
        %dma_start3A_706 = tpu.memref_slice %arg10[%add3A_693] : memref<10x!tpu.dma_semaphore, #tpu.memory_space<semaphore_mem>> -> memref<1x!tpu.dma_semaphore, #tpu.memory_space<semaphore_mem>>
        %dma_start3A_707 = tpu.memref_squeeze %dma_start3A_706 : memref<1x!tpu.dma_semaphore, #tpu.memory_space<semaphore_mem>> -> memref<!tpu.dma_semaphore, #tpu.memory_space<semaphore_mem>>
        %dma_start3A_708 = arith.constant 0 : i32
        %dma_start3A_709 = arith.constant 0 : i32
        %dma_start3A_710 = tpu.memref_slice %arg7[%add3A_693, %dma_start3A_708, %dma_start3A_709] : memref<10x2x64xi32, #tpu.memory_space<vmem>> -> memref<1x2x64xi32, #tpu.memory_space<vmem>>
        %dma_start3A_711 = tpu.memref_squeeze %dma_start3A_710 : memref<1x2x64xi32, #tpu.memory_space<vmem>> -> memref<2x64xi32, #tpu.memory_space<vmem>>
        %dma_start3A_712 = arith.constant 0 : i32
        %dma_start3A_713 = arith.constant 0 : i32
        %dma_start3A_714 = tpu.memref_slice %arg3[%add3A, %add3A_697, %dma_start3A_712, %dma_start3A_713] : memref<32x160x2x64xi32, #tpu.memory_space<hbm>> -> memref<1x1x2x64xi32, #tpu.memory_space<hbm>>
        %dma_start3A_715 = tpu.memref_squeeze %dma_start3A_714 : memref<1x1x2x64xi32, #tpu.memory_space<hbm>> -> memref<2x64xi32, #tpu.memory_space<hbm>>
        tpu.enqueue_dma source(%dma_start3A_715 : memref<2x64xi32, #tpu.memory_space<hbm>>) target(%dma_start3A_711 : memref<2x64xi32, #tpu.memory_space<vmem>>) target_semaphore(%dma_start3A_707 : memref<!tpu.dma_semaphore, #tpu.memory_space<semaphore_mem>>)
      } else {
      }
      %add3A_519 = arith.constant 4 : i32
      %add3A_520 = arith.addi %mul3A_344, %add3A_519 : i32
      %dma_wait3A_521 = arith.constant 0 : i32
      %dma_wait3A_522 = arith.constant 4 : i32
      %dma_wait3A_523 = arith.constant 4 : i32
      %dma_wait3A_524 = arith.constant 0 : i32
      %dma_wait3A_525 = arith.constant 0 : i32
      %dma_wait3A_526 = tpu.memref_slice %arg8[%dma_wait3A_522, %dma_wait3A_524, %dma_wait3A_525] : memref<5x64x128xf32, #tpu.memory_space<vmem>> -> memref<1x64x128xf32, #tpu.memory_space<vmem>>
      %dma_wait3A_527 = tpu.memref_squeeze %dma_wait3A_526 : memref<1x64x128xf32, #tpu.memory_space<vmem>> -> memref<64x128xf32, #tpu.memory_space<vmem>>
      %dma_wait3A_528 = arith.constant 0 : i32
      %dma_wait3A_529 = tpu.memref_slice %arg7[%add3A_520, %dma_wait3A_521, %dma_wait3A_528] : memref<10x2x64xi32, #tpu.memory_space<vmem>> -> memref<1x1x64xi32, #tpu.memory_space<vmem>>
      %dma_wait3A_530 = tpu.memref_squeeze %dma_wait3A_529 : memref<1x1x64xi32, #tpu.memory_space<vmem>> -> memref<64xi32, #tpu.memory_space<vmem>>
      %dma_wait3A_531 = arith.constant 0 : i32
      %dma_wait3A_532 = arith.constant 0 : i32
      %dma_wait3A_533 = tpu.memref_slice %arg2[%dma_wait3A_531, %dma_wait3A_532] : memref<10000x128xf32, #tpu.memory_space<hbm>> -> memref<10000x128xf32, #tpu.memory_space<hbm>>
      %dma_wait3A_534 = tpu.memref_slice %arg11[%dma_wait3A_523] : memref<5x!tpu.dma_semaphore, #tpu.memory_space<semaphore_mem>> -> memref<1x!tpu.dma_semaphore, #tpu.memory_space<semaphore_mem>>
      %dma_wait3A_535 = tpu.memref_squeeze %dma_wait3A_534 : memref<1x!tpu.dma_semaphore, #tpu.memory_space<semaphore_mem>> -> memref<!tpu.dma_semaphore, #tpu.memory_space<semaphore_mem>>
      tpu.wait_indirect_dma semaphore(%dma_wait3A_535 : memref<!tpu.dma_semaphore, #tpu.memory_space<semaphore_mem>>) src(%dma_wait3A_533 : memref<10000x128xf32, #tpu.memory_space<hbm>>) dst(%dma_wait3A_527 : memref<64x128xf32, #tpu.memory_space<vmem>>)
      %add3A_536 = arith.constant 4 : i32
      %add3A_537 = arith.addi %mul3A_344, %add3A_536 : i32
      %dma_start3A_538 = arith.constant 4 : i32
      %dma_start3A_539 = arith.constant 1 : i32
      %dma_start3A_540 = arith.constant 4 : i32
      %dma_start3A_541 = arith.constant 0 : i32
      %dma_start3A_542 = arith.constant 0 : i32
      %dma_start3A_543 = tpu.memref_slice %arg8[%dma_start3A_538, %dma_start3A_541, %dma_start3A_542] : memref<5x64x128xf32, #tpu.memory_space<vmem>> -> memref<1x64x128xf32, #tpu.memory_space<vmem>>
      %dma_start3A_544 = tpu.memref_squeeze %dma_start3A_543 : memref<1x64x128xf32, #tpu.memory_space<vmem>> -> memref<64x128xf32, #tpu.memory_space<vmem>>
      %dma_start3A_545 = arith.constant 0 : i32
      %dma_start3A_546 = tpu.memref_slice %arg7[%add3A_537, %dma_start3A_539, %dma_start3A_545] : memref<10x2x64xi32, #tpu.memory_space<vmem>> -> memref<1x1x64xi32, #tpu.memory_space<vmem>>
      %dma_start3A_547 = tpu.memref_squeeze %dma_start3A_546 : memref<1x1x64xi32, #tpu.memory_space<vmem>> -> memref<64xi32, #tpu.memory_space<vmem>>
      %dma_start3A_548 = arith.constant 0 : i32
      %dma_start3A_549 = arith.constant 0 : i32
      %dma_start3A_550 = tpu.memref_slice %arg9[%dma_start3A_548, %dma_start3A_549] : memref<10112x128xf32, #tpu.memory_space<vmem_shared>> -> memref<10112x128xf32, #tpu.memory_space<vmem_shared>>
      %dma_start3A_551 = tpu.memref_slice %arg12[%dma_start3A_540] : memref<5x!tpu.dma_semaphore, #tpu.memory_space<semaphore_mem>> -> memref<1x!tpu.dma_semaphore, #tpu.memory_space<semaphore_mem>>
      %dma_start3A_552 = tpu.memref_squeeze %dma_start3A_551 : memref<1x!tpu.dma_semaphore, #tpu.memory_space<semaphore_mem>> -> memref<!tpu.dma_semaphore, #tpu.memory_space<semaphore_mem>>
      tpu.enqueue_indirect_dma source(%dma_start3A_544 : memref<64x128xf32, #tpu.memory_space<vmem>>) target(%dma_start3A_550 : memref<10112x128xf32, #tpu.memory_space<vmem_shared>>) offsets(%dma_start3A_547 : memref<64xi32, #tpu.memory_space<vmem>>) semaphore(%dma_start3A_552 : memref<!tpu.dma_semaphore, #tpu.memory_space<semaphore_mem>>) {add = true}
      %add3A_553 = arith.constant 4 : i32
      %add3A_554 = arith.addi %add3A_311, %add3A_553 : i32
      %add3A_555 = arith.constant 5 : i32
      %add3A_556 = arith.addi %add3A_554, %add3A_555 : i32
      %lt3A_557 = arith.constant 160 : i32
      %lt3A_558 = arith.cmpi slt, %add3A_556, %lt3A_557 : i32
      %convert_element_type3A_559 = arith.extui %lt3A_558 : i1 to i32
      %cond3A_560 = arith.constant 0 : i32
      %cond3A_561 = arith.cmpi ne, %convert_element_type3A_559, %cond3A_560 : i32
      scf.if %cond3A_561 {
        %add3A_692 = arith.constant 4 : i32
        %add3A_693 = arith.addi %sub3A_346, %add3A_692 : i32
        %add3A_694 = arith.constant 4 : i32
        %add3A_695 = arith.addi %add3A_311, %add3A_694 : i32
        %add3A_696 = arith.constant 5 : i32
        %add3A_697 = arith.addi %add3A_695, %add3A_696 : i32
        %dma_start3A_698 = arith.constant 0 : i32
        %dma_start3A_699 = arith.constant 0 : i32
        %dma_start3A_700 = tpu.memref_slice %arg7[%add3A_693, %dma_start3A_698, %dma_start3A_699] : memref<10x2x64xi32, #tpu.memory_space<vmem>> -> memref<1x2x64xi32, #tpu.memory_space<vmem>>
        %dma_start3A_701 = tpu.memref_squeeze %dma_start3A_700 : memref<1x2x64xi32, #tpu.memory_space<vmem>> -> memref<2x64xi32, #tpu.memory_space<vmem>>
        %dma_start3A_702 = arith.constant 0 : i32
        %dma_start3A_703 = arith.constant 0 : i32
        %dma_start3A_704 = tpu.memref_slice %arg3[%add3A, %add3A_697, %dma_start3A_702, %dma_start3A_703] : memref<32x160x2x64xi32, #tpu.memory_space<hbm>> -> memref<1x1x2x64xi32, #tpu.memory_space<hbm>>
        %dma_start3A_705 = tpu.memref_squeeze %dma_start3A_704 : memref<1x1x2x64xi32, #tpu.memory_space<hbm>> -> memref<2x64xi32, #tpu.memory_space<hbm>>
        %dma_start3A_706 = tpu.memref_slice %arg10[%add3A_693] : memref<10x!tpu.dma_semaphore, #tpu.memory_space<semaphore_mem>> -> memref<1x!tpu.dma_semaphore, #tpu.memory_space<semaphore_mem>>
        %dma_start3A_707 = tpu.memref_squeeze %dma_start3A_706 : memref<1x!tpu.dma_semaphore, #tpu.memory_space<semaphore_mem>> -> memref<!tpu.dma_semaphore, #tpu.memory_space<semaphore_mem>>
        %dma_start3A_708 = arith.constant 0 : i32
        %dma_start3A_709 = arith.constant 0 : i32
        %dma_start3A_710 = tpu.memref_slice %arg7[%add3A_693, %dma_start3A_708, %dma_start3A_709] : memref<10x2x64xi32, #tpu.memory_space<vmem>> -> memref<1x2x64xi32, #tpu.memory_space<vmem>>
        %dma_start3A_711 = tpu.memref_squeeze %dma_start3A_710 : memref<1x2x64xi32, #tpu.memory_space<vmem>> -> memref<2x64xi32, #tpu.memory_space<vmem>>
        %dma_start3A_712 = arith.constant 0 : i32
        %dma_start3A_713 = arith.constant 0 : i32
        %dma_start3A_714 = tpu.memref_slice %arg3[%add3A, %add3A_697, %dma_start3A_712, %dma_start3A_713] : memref<32x160x2x64xi32, #tpu.memory_space<hbm>> -> memref<1x1x2x64xi32, #tpu.memory_space<hbm>>
        %dma_start3A_715 = tpu.memref_squeeze %dma_start3A_714 : memref<1x1x2x64xi32, #tpu.memory_space<hbm>> -> memref<2x64xi32, #tpu.memory_space<hbm>>
        tpu.enqueue_dma source(%dma_start3A_715 : memref<2x64xi32, #tpu.memory_space<hbm>>) target(%dma_start3A_711 : memref<2x64xi32, #tpu.memory_space<vmem>>) target_semaphore(%dma_start3A_707 : memref<!tpu.dma_semaphore, #tpu.memory_space<semaphore_mem>>)
      } else {
      }
      %add3A_562 = arith.constant 0 : i32
      %add3A_563 = arith.addi %mul3A_344, %add3A_562 : i32
      %dma_wait3A_564 = arith.constant 0 : i32
      %dma_wait3A_565 = arith.constant 1 : i32
      %dma_wait3A_566 = arith.constant 0 : i32
      %dma_wait3A_567 = arith.constant 0 : i32
      %dma_wait3A_568 = arith.constant 0 : i32
      %dma_wait3A_569 = tpu.memref_slice %arg8[%dma_wait3A_564, %dma_wait3A_567, %dma_wait3A_568] : memref<5x64x128xf32, #tpu.memory_space<vmem>> -> memref<1x64x128xf32, #tpu.memory_space<vmem>>
      %dma_wait3A_570 = tpu.memref_squeeze %dma_wait3A_569 : memref<1x64x128xf32, #tpu.memory_space<vmem>> -> memref<64x128xf32, #tpu.memory_space<vmem>>
      %dma_wait3A_571 = arith.constant 0 : i32
      %dma_wait3A_572 = tpu.memref_slice %arg7[%add3A_563, %dma_wait3A_565, %dma_wait3A_571] : memref<10x2x64xi32, #tpu.memory_space<vmem>> -> memref<1x1x64xi32, #tpu.memory_space<vmem>>
      %dma_wait3A_573 = tpu.memref_squeeze %dma_wait3A_572 : memref<1x1x64xi32, #tpu.memory_space<vmem>> -> memref<64xi32, #tpu.memory_space<vmem>>
      %dma_wait3A_574 = arith.constant 0 : i32
      %dma_wait3A_575 = arith.constant 0 : i32
      %dma_wait3A_576 = tpu.memref_slice %arg9[%dma_wait3A_574, %dma_wait3A_575] : memref<10112x128xf32, #tpu.memory_space<vmem_shared>> -> memref<10112x128xf32, #tpu.memory_space<vmem_shared>>
      %dma_wait3A_577 = tpu.memref_slice %arg12[%dma_wait3A_566] : memref<5x!tpu.dma_semaphore, #tpu.memory_space<semaphore_mem>> -> memref<1x!tpu.dma_semaphore, #tpu.memory_space<semaphore_mem>>
      %dma_wait3A_578 = tpu.memref_squeeze %dma_wait3A_577 : memref<1x!tpu.dma_semaphore, #tpu.memory_space<semaphore_mem>> -> memref<!tpu.dma_semaphore, #tpu.memory_space<semaphore_mem>>
      tpu.wait_indirect_dma semaphore(%dma_wait3A_578 : memref<!tpu.dma_semaphore, #tpu.memory_space<semaphore_mem>>) src(%dma_wait3A_570 : memref<64x128xf32, #tpu.memory_space<vmem>>) dst(%dma_wait3A_576 : memref<10112x128xf32, #tpu.memory_space<vmem_shared>>)
      %add3A_579 = arith.constant 0 : i32
      %add3A_580 = arith.addi %add3A_311, %add3A_579 : i32
      %add3A_581 = arith.constant 5 : i32
      %add3A_582 = arith.addi %add3A_580, %add3A_581 : i32
      %lt3A_583 = arith.constant 160 : i32
      %lt3A_584 = arith.cmpi slt, %add3A_582, %lt3A_583 : i32
      %convert_element_type3A_585 = arith.extui %lt3A_584 : i1 to i32
      %cond3A_586 = arith.constant 0 : i32
      %cond3A_587 = arith.cmpi ne, %convert_element_type3A_585, %cond3A_586 : i32
      scf.if %cond3A_587 {
        %add3A_692 = arith.constant 0 : i32
        %add3A_693 = arith.addi %sub3A_346, %add3A_692 : i32
        %add3A_694 = arith.constant 0 : i32
        %add3A_695 = arith.addi %add3A_311, %add3A_694 : i32
        %add3A_696 = arith.constant 5 : i32
        %add3A_697 = arith.addi %add3A_695, %add3A_696 : i32
        %dma_wait3A_698 = arith.constant 0 : i32
        %dma_wait3A_699 = arith.constant 0 : i32
        %dma_wait3A_700 = tpu.memref_slice %arg7[%add3A_693, %dma_wait3A_698, %dma_wait3A_699] : memref<10x2x64xi32, #tpu.memory_space<vmem>> -> memref<1x2x64xi32, #tpu.memory_space<vmem>>
        %dma_wait3A_701 = tpu.memref_squeeze %dma_wait3A_700 : memref<1x2x64xi32, #tpu.memory_space<vmem>> -> memref<2x64xi32, #tpu.memory_space<vmem>>
        %dma_wait3A_702 = arith.constant 0 : i32
        %dma_wait3A_703 = arith.constant 0 : i32
        %dma_wait3A_704 = tpu.memref_slice %arg3[%add3A, %add3A_697, %dma_wait3A_702, %dma_wait3A_703] : memref<32x160x2x64xi32, #tpu.memory_space<hbm>> -> memref<1x1x2x64xi32, #tpu.memory_space<hbm>>
        %dma_wait3A_705 = tpu.memref_squeeze %dma_wait3A_704 : memref<1x1x2x64xi32, #tpu.memory_space<hbm>> -> memref<2x64xi32, #tpu.memory_space<hbm>>
        %dma_wait3A_706 = tpu.memref_slice %arg10[%add3A_693] : memref<10x!tpu.dma_semaphore, #tpu.memory_space<semaphore_mem>> -> memref<1x!tpu.dma_semaphore, #tpu.memory_space<semaphore_mem>>
        %dma_wait3A_707 = tpu.memref_squeeze %dma_wait3A_706 : memref<1x!tpu.dma_semaphore, #tpu.memory_space<semaphore_mem>> -> memref<!tpu.dma_semaphore, #tpu.memory_space<semaphore_mem>>
        %dma_wait3A_708 = arith.constant 0 : i32
        %dma_wait3A_709 = arith.constant 0 : i32
        %dma_wait3A_710 = tpu.memref_slice %arg7[%add3A_693, %dma_wait3A_708, %dma_wait3A_709] : memref<10x2x64xi32, #tpu.memory_space<vmem>> -> memref<1x2x64xi32, #tpu.memory_space<vmem>>
        %dma_wait3A_711 = tpu.memref_squeeze %dma_wait3A_710 : memref<1x2x64xi32, #tpu.memory_space<vmem>> -> memref<2x64xi32, #tpu.memory_space<vmem>>
        %dma_wait3A_712 = arith.constant 0 : i32
        %dma_wait3A_713 = arith.constant 0 : i32
        %dma_wait3A_714 = tpu.memref_slice %arg3[%add3A, %add3A_697, %dma_wait3A_712, %dma_wait3A_713] : memref<32x160x2x64xi32, #tpu.memory_space<hbm>> -> memref<1x1x2x64xi32, #tpu.memory_space<hbm>>
        %dma_wait3A_715 = tpu.memref_squeeze %dma_wait3A_714 : memref<1x1x2x64xi32, #tpu.memory_space<hbm>> -> memref<2x64xi32, #tpu.memory_space<hbm>>
        tpu.wait_dma2 semaphore(%dma_wait3A_707 : memref<!tpu.dma_semaphore, #tpu.memory_space<semaphore_mem>>) src(%dma_wait3A_715 : memref<2x64xi32, #tpu.memory_space<hbm>>) dst(%dma_wait3A_711 : memref<2x64xi32, #tpu.memory_space<vmem>>)
        %add3A_716 = arith.constant 0 : i32
        %add3A_717 = arith.addi %sub3A_346, %add3A_716 : i32
        %dma_start3A_718 = arith.constant 0 : i32
        %dma_start3A_719 = arith.constant 0 : i32
        %dma_start3A_720 = arith.constant 0 : i32
        %dma_start3A_721 = arith.constant 0 : i32
        %dma_start3A_722 = arith.constant 0 : i32
        %dma_start3A_723 = tpu.memref_slice %arg8[%dma_start3A_719, %dma_start3A_721, %dma_start3A_722] : memref<5x64x128xf32, #tpu.memory_space<vmem>> -> memref<1x64x128xf32, #tpu.memory_space<vmem>>
        %dma_start3A_724 = tpu.memref_squeeze %dma_start3A_723 : memref<1x64x128xf32, #tpu.memory_space<vmem>> -> memref<64x128xf32, #tpu.memory_space<vmem>>
        %dma_start3A_725 = arith.constant 0 : i32
        %dma_start3A_726 = tpu.memref_slice %arg7[%add3A_717, %dma_start3A_718, %dma_start3A_725] : memref<10x2x64xi32, #tpu.memory_space<vmem>> -> memref<1x1x64xi32, #tpu.memory_space<vmem>>
        %dma_start3A_727 = tpu.memref_squeeze %dma_start3A_726 : memref<1x1x64xi32, #tpu.memory_space<vmem>> -> memref<64xi32, #tpu.memory_space<vmem>>
        %dma_start3A_728 = arith.constant 0 : i32
        %dma_start3A_729 = arith.constant 0 : i32
        %dma_start3A_730 = tpu.memref_slice %arg2[%dma_start3A_728, %dma_start3A_729] : memref<10000x128xf32, #tpu.memory_space<hbm>> -> memref<10000x128xf32, #tpu.memory_space<hbm>>
        %dma_start3A_731 = tpu.memref_slice %arg11[%dma_start3A_720] : memref<5x!tpu.dma_semaphore, #tpu.memory_space<semaphore_mem>> -> memref<1x!tpu.dma_semaphore, #tpu.memory_space<semaphore_mem>>
        %dma_start3A_732 = tpu.memref_squeeze %dma_start3A_731 : memref<1x!tpu.dma_semaphore, #tpu.memory_space<semaphore_mem>> -> memref<!tpu.dma_semaphore, #tpu.memory_space<semaphore_mem>>
        tpu.enqueue_indirect_dma source(%dma_start3A_730 : memref<10000x128xf32, #tpu.memory_space<hbm>>) target(%dma_start3A_724 : memref<64x128xf32, #tpu.memory_space<vmem>>) offsets(%dma_start3A_727 : memref<64xi32, #tpu.memory_space<vmem>>) semaphore(%dma_start3A_732 : memref<!tpu.dma_semaphore, #tpu.memory_space<semaphore_mem>>)
      } else {
      }
      %add3A_588 = arith.constant 1 : i32
      %add3A_589 = arith.addi %mul3A_344, %add3A_588 : i32
      %dma_wait3A_590 = arith.constant 1 : i32
      %dma_wait3A_591 = arith.constant 1 : i32
      %dma_wait3A_592 = arith.constant 1 : i32
      %dma_wait3A_593 = arith.constant 0 : i32
      %dma_wait3A_594 = arith.constant 0 : i32
      %dma_wait3A_595 = tpu.memref_slice %arg8[%dma_wait3A_590, %dma_wait3A_593, %dma_wait3A_594] : memref<5x64x128xf32, #tpu.memory_space<vmem>> -> memref<1x64x128xf32, #tpu.memory_space<vmem>>
      %dma_wait3A_596 = tpu.memref_squeeze %dma_wait3A_595 : memref<1x64x128xf32, #tpu.memory_space<vmem>> -> memref<64x128xf32, #tpu.memory_space<vmem>>
      %dma_wait3A_597 = arith.constant 0 : i32
      %dma_wait3A_598 = tpu.memref_slice %arg7[%add3A_589, %dma_wait3A_591, %dma_wait3A_597] : memref<10x2x64xi32, #tpu.memory_space<vmem>> -> memref<1x1x64xi32, #tpu.memory_space<vmem>>
      %dma_wait3A_599 = tpu.memref_squeeze %dma_wait3A_598 : memref<1x1x64xi32, #tpu.memory_space<vmem>> -> memref<64xi32, #tpu.memory_space<vmem>>
      %dma_wait3A_600 = arith.constant 0 : i32
      %dma_wait3A_601 = arith.constant 0 : i32
      %dma_wait3A_602 = tpu.memref_slice %arg9[%dma_wait3A_600, %dma_wait3A_601] : memref<10112x128xf32, #tpu.memory_space<vmem_shared>> -> memref<10112x128xf32, #tpu.memory_space<vmem_shared>>
      %dma_wait3A_603 = tpu.memref_slice %arg12[%dma_wait3A_592] : memref<5x!tpu.dma_semaphore, #tpu.memory_space<semaphore_mem>> -> memref<1x!tpu.dma_semaphore, #tpu.memory_space<semaphore_mem>>
      %dma_wait3A_604 = tpu.memref_squeeze %dma_wait3A_603 : memref<1x!tpu.dma_semaphore, #tpu.memory_space<semaphore_mem>> -> memref<!tpu.dma_semaphore, #tpu.memory_space<semaphore_mem>>
      tpu.wait_indirect_dma semaphore(%dma_wait3A_604 : memref<!tpu.dma_semaphore, #tpu.memory_space<semaphore_mem>>) src(%dma_wait3A_596 : memref<64x128xf32, #tpu.memory_space<vmem>>) dst(%dma_wait3A_602 : memref<10112x128xf32, #tpu.memory_space<vmem_shared>>)
      %add3A_605 = arith.constant 1 : i32
      %add3A_606 = arith.addi %add3A_311, %add3A_605 : i32
      %add3A_607 = arith.constant 5 : i32
      %add3A_608 = arith.addi %add3A_606, %add3A_607 : i32
      %lt3A_609 = arith.constant 160 : i32
      %lt3A_610 = arith.cmpi slt, %add3A_608, %lt3A_609 : i32
      %convert_element_type3A_611 = arith.extui %lt3A_610 : i1 to i32
      %cond3A_612 = arith.constant 0 : i32
      %cond3A_613 = arith.cmpi ne, %convert_element_type3A_611, %cond3A_612 : i32
      scf.if %cond3A_613 {
        %add3A_692 = arith.constant 1 : i32
        %add3A_693 = arith.addi %sub3A_346, %add3A_692 : i32
        %add3A_694 = arith.constant 1 : i32
        %add3A_695 = arith.addi %add3A_311, %add3A_694 : i32
        %add3A_696 = arith.constant 5 : i32
        %add3A_697 = arith.addi %add3A_695, %add3A_696 : i32
        %dma_wait3A_698 = arith.constant 0 : i32
        %dma_wait3A_699 = arith.constant 0 : i32
        %dma_wait3A_700 = tpu.memref_slice %arg7[%add3A_693, %dma_wait3A_698, %dma_wait3A_699] : memref<10x2x64xi32, #tpu.memory_space<vmem>> -> memref<1x2x64xi32, #tpu.memory_space<vmem>>
        %dma_wait3A_701 = tpu.memref_squeeze %dma_wait3A_700 : memref<1x2x64xi32, #tpu.memory_space<vmem>> -> memref<2x64xi32, #tpu.memory_space<vmem>>
        %dma_wait3A_702 = arith.constant 0 : i32
        %dma_wait3A_703 = arith.constant 0 : i32
        %dma_wait3A_704 = tpu.memref_slice %arg3[%add3A, %add3A_697, %dma_wait3A_702, %dma_wait3A_703] : memref<32x160x2x64xi32, #tpu.memory_space<hbm>> -> memref<1x1x2x64xi32, #tpu.memory_space<hbm>>
        %dma_wait3A_705 = tpu.memref_squeeze %dma_wait3A_704 : memref<1x1x2x64xi32, #tpu.memory_space<hbm>> -> memref<2x64xi32, #tpu.memory_space<hbm>>
        %dma_wait3A_706 = tpu.memref_slice %arg10[%add3A_693] : memref<10x!tpu.dma_semaphore, #tpu.memory_space<semaphore_mem>> -> memref<1x!tpu.dma_semaphore, #tpu.memory_space<semaphore_mem>>
        %dma_wait3A_707 = tpu.memref_squeeze %dma_wait3A_706 : memref<1x!tpu.dma_semaphore, #tpu.memory_space<semaphore_mem>> -> memref<!tpu.dma_semaphore, #tpu.memory_space<semaphore_mem>>
        %dma_wait3A_708 = arith.constant 0 : i32
        %dma_wait3A_709 = arith.constant 0 : i32
        %dma_wait3A_710 = tpu.memref_slice %arg7[%add3A_693, %dma_wait3A_708, %dma_wait3A_709] : memref<10x2x64xi32, #tpu.memory_space<vmem>> -> memref<1x2x64xi32, #tpu.memory_space<vmem>>
        %dma_wait3A_711 = tpu.memref_squeeze %dma_wait3A_710 : memref<1x2x64xi32, #tpu.memory_space<vmem>> -> memref<2x64xi32, #tpu.memory_space<vmem>>
        %dma_wait3A_712 = arith.constant 0 : i32
        %dma_wait3A_713 = arith.constant 0 : i32
        %dma_wait3A_714 = tpu.memref_slice %arg3[%add3A, %add3A_697, %dma_wait3A_712, %dma_wait3A_713] : memref<32x160x2x64xi32, #tpu.memory_space<hbm>> -> memref<1x1x2x64xi32, #tpu.memory_space<hbm>>
        %dma_wait3A_715 = tpu.memref_squeeze %dma_wait3A_714 : memref<1x1x2x64xi32, #tpu.memory_space<hbm>> -> memref<2x64xi32, #tpu.memory_space<hbm>>
        tpu.wait_dma2 semaphore(%dma_wait3A_707 : memref<!tpu.dma_semaphore, #tpu.memory_space<semaphore_mem>>) src(%dma_wait3A_715 : memref<2x64xi32, #tpu.memory_space<hbm>>) dst(%dma_wait3A_711 : memref<2x64xi32, #tpu.memory_space<vmem>>)
        %add3A_716 = arith.constant 1 : i32
        %add3A_717 = arith.addi %sub3A_346, %add3A_716 : i32
        %dma_start3A_718 = arith.constant 0 : i32
        %dma_start3A_719 = arith.constant 1 : i32
        %dma_start3A_720 = arith.constant 1 : i32
        %dma_start3A_721 = arith.constant 0 : i32
        %dma_start3A_722 = arith.constant 0 : i32
        %dma_start3A_723 = tpu.memref_slice %arg8[%dma_start3A_719, %dma_start3A_721, %dma_start3A_722] : memref<5x64x128xf32, #tpu.memory_space<vmem>> -> memref<1x64x128xf32, #tpu.memory_space<vmem>>
        %dma_start3A_724 = tpu.memref_squeeze %dma_start3A_723 : memref<1x64x128xf32, #tpu.memory_space<vmem>> -> memref<64x128xf32, #tpu.memory_space<vmem>>
        %dma_start3A_725 = arith.constant 0 : i32
        %dma_start3A_726 = tpu.memref_slice %arg7[%add3A_717, %dma_start3A_718, %dma_start3A_725] : memref<10x2x64xi32, #tpu.memory_space<vmem>> -> memref<1x1x64xi32, #tpu.memory_space<vmem>>
        %dma_start3A_727 = tpu.memref_squeeze %dma_start3A_726 : memref<1x1x64xi32, #tpu.memory_space<vmem>> -> memref<64xi32, #tpu.memory_space<vmem>>
        %dma_start3A_728 = arith.constant 0 : i32
        %dma_start3A_729 = arith.constant 0 : i32
        %dma_start3A_730 = tpu.memref_slice %arg2[%dma_start3A_728, %dma_start3A_729] : memref<10000x128xf32, #tpu.memory_space<hbm>> -> memref<10000x128xf32, #tpu.memory_space<hbm>>
        %dma_start3A_731 = tpu.memref_slice %arg11[%dma_start3A_720] : memref<5x!tpu.dma_semaphore, #tpu.memory_space<semaphore_mem>> -> memref<1x!tpu.dma_semaphore, #tpu.memory_space<semaphore_mem>>
        %dma_start3A_732 = tpu.memref_squeeze %dma_start3A_731 : memref<1x!tpu.dma_semaphore, #tpu.memory_space<semaphore_mem>> -> memref<!tpu.dma_semaphore, #tpu.memory_space<semaphore_mem>>
        tpu.enqueue_indirect_dma source(%dma_start3A_730 : memref<10000x128xf32, #tpu.memory_space<hbm>>) target(%dma_start3A_724 : memref<64x128xf32, #tpu.memory_space<vmem>>) offsets(%dma_start3A_727 : memref<64xi32, #tpu.memory_space<vmem>>) semaphore(%dma_start3A_732 : memref<!tpu.dma_semaphore, #tpu.memory_space<semaphore_mem>>)
      } else {
      }
      %add3A_614 = arith.constant 2 : i32
      %add3A_615 = arith.addi %mul3A_344, %add3A_614 : i32
      %dma_wait3A_616 = arith.constant 2 : i32
      %dma_wait3A_617 = arith.constant 1 : i32
      %dma_wait3A_618 = arith.constant 2 : i32
      %dma_wait3A_619 = arith.constant 0 : i32
      %dma_wait3A_620 = arith.constant 0 : i32
      %dma_wait3A_621 = tpu.memref_slice %arg8[%dma_wait3A_616, %dma_wait3A_619, %dma_wait3A_620] : memref<5x64x128xf32, #tpu.memory_space<vmem>> -> memref<1x64x128xf32, #tpu.memory_space<vmem>>
      %dma_wait3A_622 = tpu.memref_squeeze %dma_wait3A_621 : memref<1x64x128xf32, #tpu.memory_space<vmem>> -> memref<64x128xf32, #tpu.memory_space<vmem>>
      %dma_wait3A_623 = arith.constant 0 : i32
      %dma_wait3A_624 = tpu.memref_slice %arg7[%add3A_615, %dma_wait3A_617, %dma_wait3A_623] : memref<10x2x64xi32, #tpu.memory_space<vmem>> -> memref<1x1x64xi32, #tpu.memory_space<vmem>>
      %dma_wait3A_625 = tpu.memref_squeeze %dma_wait3A_624 : memref<1x1x64xi32, #tpu.memory_space<vmem>> -> memref<64xi32, #tpu.memory_space<vmem>>
      %dma_wait3A_626 = arith.constant 0 : i32
      %dma_wait3A_627 = arith.constant 0 : i32
      %dma_wait3A_628 = tpu.memref_slice %arg9[%dma_wait3A_626, %dma_wait3A_627] : memref<10112x128xf32, #tpu.memory_space<vmem_shared>> -> memref<10112x128xf32, #tpu.memory_space<vmem_shared>>
      %dma_wait3A_629 = tpu.memref_slice %arg12[%dma_wait3A_618] : memref<5x!tpu.dma_semaphore, #tpu.memory_space<semaphore_mem>> -> memref<1x!tpu.dma_semaphore, #tpu.memory_space<semaphore_mem>>
      %dma_wait3A_630 = tpu.memref_squeeze %dma_wait3A_629 : memref<1x!tpu.dma_semaphore, #tpu.memory_space<semaphore_mem>> -> memref<!tpu.dma_semaphore, #tpu.memory_space<semaphore_mem>>
      tpu.wait_indirect_dma semaphore(%dma_wait3A_630 : memref<!tpu.dma_semaphore, #tpu.memory_space<semaphore_mem>>) src(%dma_wait3A_622 : memref<64x128xf32, #tpu.memory_space<vmem>>) dst(%dma_wait3A_628 : memref<10112x128xf32, #tpu.memory_space<vmem_shared>>)
      %add3A_631 = arith.constant 2 : i32
      %add3A_632 = arith.addi %add3A_311, %add3A_631 : i32
      %add3A_633 = arith.constant 5 : i32
      %add3A_634 = arith.addi %add3A_632, %add3A_633 : i32
      %lt3A_635 = arith.constant 160 : i32
      %lt3A_636 = arith.cmpi slt, %add3A_634, %lt3A_635 : i32
      %convert_element_type3A_637 = arith.extui %lt3A_636 : i1 to i32
      %cond3A_638 = arith.constant 0 : i32
      %cond3A_639 = arith.cmpi ne, %convert_element_type3A_637, %cond3A_638 : i32
      scf.if %cond3A_639 {
        %add3A_692 = arith.constant 2 : i32
        %add3A_693 = arith.addi %sub3A_346, %add3A_692 : i32
        %add3A_694 = arith.constant 2 : i32
        %add3A_695 = arith.addi %add3A_311, %add3A_694 : i32
        %add3A_696 = arith.constant 5 : i32
        %add3A_697 = arith.addi %add3A_695, %add3A_696 : i32
        %dma_wait3A_698 = arith.constant 0 : i32
        %dma_wait3A_699 = arith.constant 0 : i32
        %dma_wait3A_700 = tpu.memref_slice %arg7[%add3A_693, %dma_wait3A_698, %dma_wait3A_699] : memref<10x2x64xi32, #tpu.memory_space<vmem>> -> memref<1x2x64xi32, #tpu.memory_space<vmem>>
        %dma_wait3A_701 = tpu.memref_squeeze %dma_wait3A_700 : memref<1x2x64xi32, #tpu.memory_space<vmem>> -> memref<2x64xi32, #tpu.memory_space<vmem>>
        %dma_wait3A_702 = arith.constant 0 : i32
        %dma_wait3A_703 = arith.constant 0 : i32
        %dma_wait3A_704 = tpu.memref_slice %arg3[%add3A, %add3A_697, %dma_wait3A_702, %dma_wait3A_703] : memref<32x160x2x64xi32, #tpu.memory_space<hbm>> -> memref<1x1x2x64xi32, #tpu.memory_space<hbm>>
        %dma_wait3A_705 = tpu.memref_squeeze %dma_wait3A_704 : memref<1x1x2x64xi32, #tpu.memory_space<hbm>> -> memref<2x64xi32, #tpu.memory_space<hbm>>
        %dma_wait3A_706 = tpu.memref_slice %arg10[%add3A_693] : memref<10x!tpu.dma_semaphore, #tpu.memory_space<semaphore_mem>> -> memref<1x!tpu.dma_semaphore, #tpu.memory_space<semaphore_mem>>
        %dma_wait3A_707 = tpu.memref_squeeze %dma_wait3A_706 : memref<1x!tpu.dma_semaphore, #tpu.memory_space<semaphore_mem>> -> memref<!tpu.dma_semaphore, #tpu.memory_space<semaphore_mem>>
        %dma_wait3A_708 = arith.constant 0 : i32
        %dma_wait3A_709 = arith.constant 0 : i32
        %dma_wait3A_710 = tpu.memref_slice %arg7[%add3A_693, %dma_wait3A_708, %dma_wait3A_709] : memref<10x2x64xi32, #tpu.memory_space<vmem>> -> memref<1x2x64xi32, #tpu.memory_space<vmem>>
        %dma_wait3A_711 = tpu.memref_squeeze %dma_wait3A_710 : memref<1x2x64xi32, #tpu.memory_space<vmem>> -> memref<2x64xi32, #tpu.memory_space<vmem>>
        %dma_wait3A_712 = arith.constant 0 : i32
        %dma_wait3A_713 = arith.constant 0 : i32
        %dma_wait3A_714 = tpu.memref_slice %arg3[%add3A, %add3A_697, %dma_wait3A_712, %dma_wait3A_713] : memref<32x160x2x64xi32, #tpu.memory_space<hbm>> -> memref<1x1x2x64xi32, #tpu.memory_space<hbm>>
        %dma_wait3A_715 = tpu.memref_squeeze %dma_wait3A_714 : memref<1x1x2x64xi32, #tpu.memory_space<hbm>> -> memref<2x64xi32, #tpu.memory_space<hbm>>
        tpu.wait_dma2 semaphore(%dma_wait3A_707 : memref<!tpu.dma_semaphore, #tpu.memory_space<semaphore_mem>>) src(%dma_wait3A_715 : memref<2x64xi32, #tpu.memory_space<hbm>>) dst(%dma_wait3A_711 : memref<2x64xi32, #tpu.memory_space<vmem>>)
        %add3A_716 = arith.constant 2 : i32
        %add3A_717 = arith.addi %sub3A_346, %add3A_716 : i32
        %dma_start3A_718 = arith.constant 0 : i32
        %dma_start3A_719 = arith.constant 2 : i32
        %dma_start3A_720 = arith.constant 2 : i32
        %dma_start3A_721 = arith.constant 0 : i32
        %dma_start3A_722 = arith.constant 0 : i32
        %dma_start3A_723 = tpu.memref_slice %arg8[%dma_start3A_719, %dma_start3A_721, %dma_start3A_722] : memref<5x64x128xf32, #tpu.memory_space<vmem>> -> memref<1x64x128xf32, #tpu.memory_space<vmem>>
        %dma_start3A_724 = tpu.memref_squeeze %dma_start3A_723 : memref<1x64x128xf32, #tpu.memory_space<vmem>> -> memref<64x128xf32, #tpu.memory_space<vmem>>
        %dma_start3A_725 = arith.constant 0 : i32
        %dma_start3A_726 = tpu.memref_slice %arg7[%add3A_717, %dma_start3A_718, %dma_start3A_725] : memref<10x2x64xi32, #tpu.memory_space<vmem>> -> memref<1x1x64xi32, #tpu.memory_space<vmem>>
        %dma_start3A_727 = tpu.memref_squeeze %dma_start3A_726 : memref<1x1x64xi32, #tpu.memory_space<vmem>> -> memref<64xi32, #tpu.memory_space<vmem>>
        %dma_start3A_728 = arith.constant 0 : i32
        %dma_start3A_729 = arith.constant 0 : i32
        %dma_start3A_730 = tpu.memref_slice %arg2[%dma_start3A_728, %dma_start3A_729] : memref<10000x128xf32, #tpu.memory_space<hbm>> -> memref<10000x128xf32, #tpu.memory_space<hbm>>
        %dma_start3A_731 = tpu.memref_slice %arg11[%dma_start3A_720] : memref<5x!tpu.dma_semaphore, #tpu.memory_space<semaphore_mem>> -> memref<1x!tpu.dma_semaphore, #tpu.memory_space<semaphore_mem>>
        %dma_start3A_732 = tpu.memref_squeeze %dma_start3A_731 : memref<1x!tpu.dma_semaphore, #tpu.memory_space<semaphore_mem>> -> memref<!tpu.dma_semaphore, #tpu.memory_space<semaphore_mem>>
        tpu.enqueue_indirect_dma source(%dma_start3A_730 : memref<10000x128xf32, #tpu.memory_space<hbm>>) target(%dma_start3A_724 : memref<64x128xf32, #tpu.memory_space<vmem>>) offsets(%dma_start3A_727 : memref<64xi32, #tpu.memory_space<vmem>>) semaphore(%dma_start3A_732 : memref<!tpu.dma_semaphore, #tpu.memory_space<semaphore_mem>>)
      } else {
      }
      %add3A_640 = arith.constant 3 : i32
      %add3A_641 = arith.addi %mul3A_344, %add3A_640 : i32
      %dma_wait3A_642 = arith.constant 3 : i32
      %dma_wait3A_643 = arith.constant 1 : i32
      %dma_wait3A_644 = arith.constant 3 : i32
      %dma_wait3A_645 = arith.constant 0 : i32
      %dma_wait3A_646 = arith.constant 0 : i32
      %dma_wait3A_647 = tpu.memref_slice %arg8[%dma_wait3A_642, %dma_wait3A_645, %dma_wait3A_646] : memref<5x64x128xf32, #tpu.memory_space<vmem>> -> memref<1x64x128xf32, #tpu.memory_space<vmem>>
      %dma_wait3A_648 = tpu.memref_squeeze %dma_wait3A_647 : memref<1x64x128xf32, #tpu.memory_space<vmem>> -> memref<64x128xf32, #tpu.memory_space<vmem>>
      %dma_wait3A_649 = arith.constant 0 : i32
      %dma_wait3A_650 = tpu.memref_slice %arg7[%add3A_641, %dma_wait3A_643, %dma_wait3A_649] : memref<10x2x64xi32, #tpu.memory_space<vmem>> -> memref<1x1x64xi32, #tpu.memory_space<vmem>>
      %dma_wait3A_651 = tpu.memref_squeeze %dma_wait3A_650 : memref<1x1x64xi32, #tpu.memory_space<vmem>> -> memref<64xi32, #tpu.memory_space<vmem>>
      %dma_wait3A_652 = arith.constant 0 : i32
      %dma_wait3A_653 = arith.constant 0 : i32
      %dma_wait3A_654 = tpu.memref_slice %arg9[%dma_wait3A_652, %dma_wait3A_653] : memref<10112x128xf32, #tpu.memory_space<vmem_shared>> -> memref<10112x128xf32, #tpu.memory_space<vmem_shared>>
      %dma_wait3A_655 = tpu.memref_slice %arg12[%dma_wait3A_644] : memref<5x!tpu.dma_semaphore, #tpu.memory_space<semaphore_mem>> -> memref<1x!tpu.dma_semaphore, #tpu.memory_space<semaphore_mem>>
      %dma_wait3A_656 = tpu.memref_squeeze %dma_wait3A_655 : memref<1x!tpu.dma_semaphore, #tpu.memory_space<semaphore_mem>> -> memref<!tpu.dma_semaphore, #tpu.memory_space<semaphore_mem>>
      tpu.wait_indirect_dma semaphore(%dma_wait3A_656 : memref<!tpu.dma_semaphore, #tpu.memory_space<semaphore_mem>>) src(%dma_wait3A_648 : memref<64x128xf32, #tpu.memory_space<vmem>>) dst(%dma_wait3A_654 : memref<10112x128xf32, #tpu.memory_space<vmem_shared>>)
      %add3A_657 = arith.constant 3 : i32
      %add3A_658 = arith.addi %add3A_311, %add3A_657 : i32
      %add3A_659 = arith.constant 5 : i32
      %add3A_660 = arith.addi %add3A_658, %add3A_659 : i32
      %lt3A_661 = arith.constant 160 : i32
      %lt3A_662 = arith.cmpi slt, %add3A_660, %lt3A_661 : i32
      %convert_element_type3A_663 = arith.extui %lt3A_662 : i1 to i32
      %cond3A_664 = arith.constant 0 : i32
      %cond3A_665 = arith.cmpi ne, %convert_element_type3A_663, %cond3A_664 : i32
      scf.if %cond3A_665 {
        %add3A_692 = arith.constant 3 : i32
        %add3A_693 = arith.addi %sub3A_346, %add3A_692 : i32
        %add3A_694 = arith.constant 3 : i32
        %add3A_695 = arith.addi %add3A_311, %add3A_694 : i32
        %add3A_696 = arith.constant 5 : i32
        %add3A_697 = arith.addi %add3A_695, %add3A_696 : i32
        %dma_wait3A_698 = arith.constant 0 : i32
        %dma_wait3A_699 = arith.constant 0 : i32
        %dma_wait3A_700 = tpu.memref_slice %arg7[%add3A_693, %dma_wait3A_698, %dma_wait3A_699] : memref<10x2x64xi32, #tpu.memory_space<vmem>> -> memref<1x2x64xi32, #tpu.memory_space<vmem>>
        %dma_wait3A_701 = tpu.memref_squeeze %dma_wait3A_700 : memref<1x2x64xi32, #tpu.memory_space<vmem>> -> memref<2x64xi32, #tpu.memory_space<vmem>>
        %dma_wait3A_702 = arith.constant 0 : i32
        %dma_wait3A_703 = arith.constant 0 : i32
        %dma_wait3A_704 = tpu.memref_slice %arg3[%add3A, %add3A_697, %dma_wait3A_702, %dma_wait3A_703] : memref<32x160x2x64xi32, #tpu.memory_space<hbm>> -> memref<1x1x2x64xi32, #tpu.memory_space<hbm>>
        %dma_wait3A_705 = tpu.memref_squeeze %dma_wait3A_704 : memref<1x1x2x64xi32, #tpu.memory_space<hbm>> -> memref<2x64xi32, #tpu.memory_space<hbm>>
        %dma_wait3A_706 = tpu.memref_slice %arg10[%add3A_693] : memref<10x!tpu.dma_semaphore, #tpu.memory_space<semaphore_mem>> -> memref<1x!tpu.dma_semaphore, #tpu.memory_space<semaphore_mem>>
        %dma_wait3A_707 = tpu.memref_squeeze %dma_wait3A_706 : memref<1x!tpu.dma_semaphore, #tpu.memory_space<semaphore_mem>> -> memref<!tpu.dma_semaphore, #tpu.memory_space<semaphore_mem>>
        %dma_wait3A_708 = arith.constant 0 : i32
        %dma_wait3A_709 = arith.constant 0 : i32
        %dma_wait3A_710 = tpu.memref_slice %arg7[%add3A_693, %dma_wait3A_708, %dma_wait3A_709] : memref<10x2x64xi32, #tpu.memory_space<vmem>> -> memref<1x2x64xi32, #tpu.memory_space<vmem>>
        %dma_wait3A_711 = tpu.memref_squeeze %dma_wait3A_710 : memref<1x2x64xi32, #tpu.memory_space<vmem>> -> memref<2x64xi32, #tpu.memory_space<vmem>>
        %dma_wait3A_712 = arith.constant 0 : i32
        %dma_wait3A_713 = arith.constant 0 : i32
        %dma_wait3A_714 = tpu.memref_slice %arg3[%add3A, %add3A_697, %dma_wait3A_712, %dma_wait3A_713] : memref<32x160x2x64xi32, #tpu.memory_space<hbm>> -> memref<1x1x2x64xi32, #tpu.memory_space<hbm>>
        %dma_wait3A_715 = tpu.memref_squeeze %dma_wait3A_714 : memref<1x1x2x64xi32, #tpu.memory_space<hbm>> -> memref<2x64xi32, #tpu.memory_space<hbm>>
        tpu.wait_dma2 semaphore(%dma_wait3A_707 : memref<!tpu.dma_semaphore, #tpu.memory_space<semaphore_mem>>) src(%dma_wait3A_715 : memref<2x64xi32, #tpu.memory_space<hbm>>) dst(%dma_wait3A_711 : memref<2x64xi32, #tpu.memory_space<vmem>>)
        %add3A_716 = arith.constant 3 : i32
        %add3A_717 = arith.addi %sub3A_346, %add3A_716 : i32
        %dma_start3A_718 = arith.constant 0 : i32
        %dma_start3A_719 = arith.constant 3 : i32
        %dma_start3A_720 = arith.constant 3 : i32
        %dma_start3A_721 = arith.constant 0 : i32
        %dma_start3A_722 = arith.constant 0 : i32
        %dma_start3A_723 = tpu.memref_slice %arg8[%dma_start3A_719, %dma_start3A_721, %dma_start3A_722] : memref<5x64x128xf32, #tpu.memory_space<vmem>> -> memref<1x64x128xf32, #tpu.memory_space<vmem>>
        %dma_start3A_724 = tpu.memref_squeeze %dma_start3A_723 : memref<1x64x128xf32, #tpu.memory_space<vmem>> -> memref<64x128xf32, #tpu.memory_space<vmem>>
        %dma_start3A_725 = arith.constant 0 : i32
        %dma_start3A_726 = tpu.memref_slice %arg7[%add3A_717, %dma_start3A_718, %dma_start3A_725] : memref<10x2x64xi32, #tpu.memory_space<vmem>> -> memref<1x1x64xi32, #tpu.memory_space<vmem>>
        %dma_start3A_727 = tpu.memref_squeeze %dma_start3A_726 : memref<1x1x64xi32, #tpu.memory_space<vmem>> -> memref<64xi32, #tpu.memory_space<vmem>>
        %dma_start3A_728 = arith.constant 0 : i32
        %dma_start3A_729 = arith.constant 0 : i32
        %dma_start3A_730 = tpu.memref_slice %arg2[%dma_start3A_728, %dma_start3A_729] : memref<10000x128xf32, #tpu.memory_space<hbm>> -> memref<10000x128xf32, #tpu.memory_space<hbm>>
        %dma_start3A_731 = tpu.memref_slice %arg11[%dma_start3A_720] : memref<5x!tpu.dma_semaphore, #tpu.memory_space<semaphore_mem>> -> memref<1x!tpu.dma_semaphore, #tpu.memory_space<semaphore_mem>>
        %dma_start3A_732 = tpu.memref_squeeze %dma_start3A_731 : memref<1x!tpu.dma_semaphore, #tpu.memory_space<semaphore_mem>> -> memref<!tpu.dma_semaphore, #tpu.memory_space<semaphore_mem>>
        tpu.enqueue_indirect_dma source(%dma_start3A_730 : memref<10000x128xf32, #tpu.memory_space<hbm>>) target(%dma_start3A_724 : memref<64x128xf32, #tpu.memory_space<vmem>>) offsets(%dma_start3A_727 : memref<64xi32, #tpu.memory_space<vmem>>) semaphore(%dma_start3A_732 : memref<!tpu.dma_semaphore, #tpu.memory_space<semaphore_mem>>)
      } else {
      }
      %add3A_666 = arith.constant 4 : i32
      %add3A_667 = arith.addi %mul3A_344, %add3A_666 : i32
      %dma_wait3A_668 = arith.constant 4 : i32
      %dma_wait3A_669 = arith.constant 1 : i32
      %dma_wait3A_670 = arith.constant 4 : i32
      %dma_wait3A_671 = arith.constant 0 : i32
      %dma_wait3A_672 = arith.constant 0 : i32
      %dma_wait3A_673 = tpu.memref_slice %arg8[%dma_wait3A_668, %dma_wait3A_671, %dma_wait3A_672] : memref<5x64x128xf32, #tpu.memory_space<vmem>> -> memref<1x64x128xf32, #tpu.memory_space<vmem>>
      %dma_wait3A_674 = tpu.memref_squeeze %dma_wait3A_673 : memref<1x64x128xf32, #tpu.memory_space<vmem>> -> memref<64x128xf32, #tpu.memory_space<vmem>>
      %dma_wait3A_675 = arith.constant 0 : i32
      %dma_wait3A_676 = tpu.memref_slice %arg7[%add3A_667, %dma_wait3A_669, %dma_wait3A_675] : memref<10x2x64xi32, #tpu.memory_space<vmem>> -> memref<1x1x64xi32, #tpu.memory_space<vmem>>
      %dma_wait3A_677 = tpu.memref_squeeze %dma_wait3A_676 : memref<1x1x64xi32, #tpu.memory_space<vmem>> -> memref<64xi32, #tpu.memory_space<vmem>>
      %dma_wait3A_678 = arith.constant 0 : i32
      %dma_wait3A_679 = arith.constant 0 : i32
      %dma_wait3A_680 = tpu.memref_slice %arg9[%dma_wait3A_678, %dma_wait3A_679] : memref<10112x128xf32, #tpu.memory_space<vmem_shared>> -> memref<10112x128xf32, #tpu.memory_space<vmem_shared>>
      %dma_wait3A_681 = tpu.memref_slice %arg12[%dma_wait3A_670] : memref<5x!tpu.dma_semaphore, #tpu.memory_space<semaphore_mem>> -> memref<1x!tpu.dma_semaphore, #tpu.memory_space<semaphore_mem>>
      %dma_wait3A_682 = tpu.memref_squeeze %dma_wait3A_681 : memref<1x!tpu.dma_semaphore, #tpu.memory_space<semaphore_mem>> -> memref<!tpu.dma_semaphore, #tpu.memory_space<semaphore_mem>>
      tpu.wait_indirect_dma semaphore(%dma_wait3A_682 : memref<!tpu.dma_semaphore, #tpu.memory_space<semaphore_mem>>) src(%dma_wait3A_674 : memref<64x128xf32, #tpu.memory_space<vmem>>) dst(%dma_wait3A_680 : memref<10112x128xf32, #tpu.memory_space<vmem_shared>>)
      %add3A_683 = arith.constant 4 : i32
      %add3A_684 = arith.addi %add3A_311, %add3A_683 : i32
      %add3A_685 = arith.constant 5 : i32
      %add3A_686 = arith.addi %add3A_684, %add3A_685 : i32
      %lt3A_687 = arith.constant 160 : i32
      %lt3A_688 = arith.cmpi slt, %add3A_686, %lt3A_687 : i32
      %convert_element_type3A_689 = arith.extui %lt3A_688 : i1 to i32
      %cond3A_690 = arith.constant 0 : i32
      %cond3A_691 = arith.cmpi ne, %convert_element_type3A_689, %cond3A_690 : i32
      scf.if %cond3A_691 {
        %add3A_692 = arith.constant 4 : i32
        %add3A_693 = arith.addi %sub3A_346, %add3A_692 : i32
        %add3A_694 = arith.constant 4 : i32
        %add3A_695 = arith.addi %add3A_311, %add3A_694 : i32
        %add3A_696 = arith.constant 5 : i32
        %add3A_697 = arith.addi %add3A_695, %add3A_696 : i32
        %dma_wait3A_698 = arith.constant 0 : i32
        %dma_wait3A_699 = arith.constant 0 : i32
        %dma_wait3A_700 = tpu.memref_slice %arg7[%add3A_693, %dma_wait3A_698, %dma_wait3A_699] : memref<10x2x64xi32, #tpu.memory_space<vmem>> -> memref<1x2x64xi32, #tpu.memory_space<vmem>>
        %dma_wait3A_701 = tpu.memref_squeeze %dma_wait3A_700 : memref<1x2x64xi32, #tpu.memory_space<vmem>> -> memref<2x64xi32, #tpu.memory_space<vmem>>
        %dma_wait3A_702 = arith.constant 0 : i32
        %dma_wait3A_703 = arith.constant 0 : i32
        %dma_wait3A_704 = tpu.memref_slice %arg3[%add3A, %add3A_697, %dma_wait3A_702, %dma_wait3A_703] : memref<32x160x2x64xi32, #tpu.memory_space<hbm>> -> memref<1x1x2x64xi32, #tpu.memory_space<hbm>>
        %dma_wait3A_705 = tpu.memref_squeeze %dma_wait3A_704 : memref<1x1x2x64xi32, #tpu.memory_space<hbm>> -> memref<2x64xi32, #tpu.memory_space<hbm>>
        %dma_wait3A_706 = tpu.memref_slice %arg10[%add3A_693] : memref<10x!tpu.dma_semaphore, #tpu.memory_space<semaphore_mem>> -> memref<1x!tpu.dma_semaphore, #tpu.memory_space<semaphore_mem>>
        %dma_wait3A_707 = tpu.memref_squeeze %dma_wait3A_706 : memref<1x!tpu.dma_semaphore, #tpu.memory_space<semaphore_mem>> -> memref<!tpu.dma_semaphore, #tpu.memory_space<semaphore_mem>>
        %dma_wait3A_708 = arith.constant 0 : i32
        %dma_wait3A_709 = arith.constant 0 : i32
        %dma_wait3A_710 = tpu.memref_slice %arg7[%add3A_693, %dma_wait3A_708, %dma_wait3A_709] : memref<10x2x64xi32, #tpu.memory_space<vmem>> -> memref<1x2x64xi32, #tpu.memory_space<vmem>>
        %dma_wait3A_711 = tpu.memref_squeeze %dma_wait3A_710 : memref<1x2x64xi32, #tpu.memory_space<vmem>> -> memref<2x64xi32, #tpu.memory_space<vmem>>
        %dma_wait3A_712 = arith.constant 0 : i32
        %dma_wait3A_713 = arith.constant 0 : i32
        %dma_wait3A_714 = tpu.memref_slice %arg3[%add3A, %add3A_697, %dma_wait3A_712, %dma_wait3A_713] : memref<32x160x2x64xi32, #tpu.memory_space<hbm>> -> memref<1x1x2x64xi32, #tpu.memory_space<hbm>>
        %dma_wait3A_715 = tpu.memref_squeeze %dma_wait3A_714 : memref<1x1x2x64xi32, #tpu.memory_space<hbm>> -> memref<2x64xi32, #tpu.memory_space<hbm>>
        tpu.wait_dma2 semaphore(%dma_wait3A_707 : memref<!tpu.dma_semaphore, #tpu.memory_space<semaphore_mem>>) src(%dma_wait3A_715 : memref<2x64xi32, #tpu.memory_space<hbm>>) dst(%dma_wait3A_711 : memref<2x64xi32, #tpu.memory_space<vmem>>)
        %add3A_716 = arith.constant 4 : i32
        %add3A_717 = arith.addi %sub3A_346, %add3A_716 : i32
        %dma_start3A_718 = arith.constant 0 : i32
        %dma_start3A_719 = arith.constant 4 : i32
        %dma_start3A_720 = arith.constant 4 : i32
        %dma_start3A_721 = arith.constant 0 : i32
        %dma_start3A_722 = arith.constant 0 : i32
        %dma_start3A_723 = tpu.memref_slice %arg8[%dma_start3A_719, %dma_start3A_721, %dma_start3A_722] : memref<5x64x128xf32, #tpu.memory_space<vmem>> -> memref<1x64x128xf32, #tpu.memory_space<vmem>>
        %dma_start3A_724 = tpu.memref_squeeze %dma_start3A_723 : memref<1x64x128xf32, #tpu.memory_space<vmem>> -> memref<64x128xf32, #tpu.memory_space<vmem>>
        %dma_start3A_725 = arith.constant 0 : i32
        %dma_start3A_726 = tpu.memref_slice %arg7[%add3A_717, %dma_start3A_718, %dma_start3A_725] : memref<10x2x64xi32, #tpu.memory_space<vmem>> -> memref<1x1x64xi32, #tpu.memory_space<vmem>>
        %dma_start3A_727 = tpu.memref_squeeze %dma_start3A_726 : memref<1x1x64xi32, #tpu.memory_space<vmem>> -> memref<64xi32, #tpu.memory_space<vmem>>
        %dma_start3A_728 = arith.constant 0 : i32
        %dma_start3A_729 = arith.constant 0 : i32
        %dma_start3A_730 = tpu.memref_slice %arg2[%dma_start3A_728, %dma_start3A_729] : memref<10000x128xf32, #tpu.memory_space<hbm>> -> memref<10000x128xf32, #tpu.memory_space<hbm>>
        %dma_start3A_731 = tpu.memref_slice %arg11[%dma_start3A_720] : memref<5x!tpu.dma_semaphore, #tpu.memory_space<semaphore_mem>> -> memref<1x!tpu.dma_semaphore, #tpu.memory_space<semaphore_mem>>
        %dma_start3A_732 = tpu.memref_squeeze %dma_start3A_731 : memref<1x!tpu.dma_semaphore, #tpu.memory_space<semaphore_mem>> -> memref<!tpu.dma_semaphore, #tpu.memory_space<semaphore_mem>>
        tpu.enqueue_indirect_dma source(%dma_start3A_730 : memref<10000x128xf32, #tpu.memory_space<hbm>>) target(%dma_start3A_724 : memref<64x128xf32, #tpu.memory_space<vmem>>) offsets(%dma_start3A_727 : memref<64xi32, #tpu.memory_space<vmem>>) semaphore(%dma_start3A_732 : memref<!tpu.dma_semaphore, #tpu.memory_space<semaphore_mem>>)
      } else {
      }
    }
    %scan3A_296 = arith.constant 32 : i32
    %barrier3A_297 = arith.constant 0 : index
    tpu.barrier barrier_id(%barrier3A_297)
    %mul3A_298 = arith.constant 632 : i32
    %mul3A_299 = arith.muli %arg1, %mul3A_298 : i32
    %eq3A = arith.constant 0 : i32
    %eq3A_300 = arith.cmpi eq, %arg0, %eq3A : i32
    %convert_element_type3A = arith.extui %eq3A_300 : i1 to i32
    %cond3A = arith.constant 0 : i32
    %cond3A_301 = arith.cmpi ne, %convert_element_type3A, %cond3A : i32
    scf.if %cond3A_301 {
      "tpu.region"() ({
        %run_scoped3A = tpu.sem_alloc : memref<!tpu.dma_semaphore, #tpu.memory_space<semaphore_mem>>
        %dma_start3A_307 = arith.constant 0 : i32
        %dma_start3A_308 = tpu.memref_slice %arg5[%mul3A_299, %dma_start3A_307] : memref<10112x128xf32, #tpu.memory_space<hbm>> -> memref<632x128xf32, #tpu.memory_space<hbm>>
        %dma_start3A_309 = arith.constant 0 : i32
        %dma_start3A_310 = tpu.memref_slice %arg9[%mul3A_299, %dma_start3A_309] : memref<10112x128xf32, #tpu.memory_space<vmem_shared>> -> memref<632x128xf32, #tpu.memory_space<vmem_shared>>
        tpu.enqueue_dma source(%dma_start3A_310 : memref<632x128xf32, #tpu.memory_space<vmem_shared>>) target(%dma_start3A_308 : memref<632x128xf32, #tpu.memory_space<hbm>>) target_semaphore(%run_scoped3A : memref<!tpu.dma_semaphore, #tpu.memory_space<semaphore_mem>>)
        %dma_wait3A_311 = arith.constant 0 : i32
        %dma_wait3A_312 = tpu.memref_slice %arg5[%mul3A_299, %dma_wait3A_311] : memref<10112x128xf32, #tpu.memory_space<hbm>> -> memref<632x128xf32, #tpu.memory_space<hbm>>
        %dma_wait3A_313 = arith.constant 0 : i32
        %dma_wait3A_314 = tpu.memref_slice %arg9[%mul3A_299, %dma_wait3A_313] : memref<10112x128xf32, #tpu.memory_space<vmem_shared>> -> memref<632x128xf32, #tpu.memory_space<vmem_shared>>
        tpu.wait_dma2 semaphore(%run_scoped3A : memref<!tpu.dma_semaphore, #tpu.memory_space<semaphore_mem>>) src(%dma_wait3A_314 : memref<632x128xf32, #tpu.memory_space<vmem_shared>>) dst(%dma_wait3A_312 : memref<632x128xf32, #tpu.memory_space<hbm>>)
        tpu.yield
      }) : () -> ()
    } else {
    }
    %eq3A_302 = arith.constant 1 : i32
    %eq3A_303 = arith.cmpi eq, %arg0, %eq3A_302 : i32
    %convert_element_type3A_304 = arith.extui %eq3A_303 : i1 to i32
    %cond3A_305 = arith.constant 0 : i32
    %cond3A_306 = arith.cmpi ne, %convert_element_type3A_304, %cond3A_305 : i32
    scf.if %cond3A_306 {
      "tpu.region"() ({
        %run_scoped3A = tpu.sem_alloc : memref<!tpu.dma_semaphore, #tpu.memory_space<semaphore_mem>>
        %dma_start3A_307 = arith.constant 0 : i32
        %dma_start3A_308 = tpu.memref_slice %arg6[%mul3A_299, %dma_start3A_307] : memref<10112x128xf32, #tpu.memory_space<hbm>> -> memref<632x128xf32, #tpu.memory_space<hbm>>
        %dma_start3A_309 = arith.constant 0 : i32
        %dma_start3A_310 = tpu.memref_slice %arg9[%mul3A_299, %dma_start3A_309] : memref<10112x128xf32, #tpu.memory_space<vmem_shared>> -> memref<632x128xf32, #tpu.memory_space<vmem_shared>>
        tpu.enqueue_dma source(%dma_start3A_310 : memref<632x128xf32, #tpu.memory_space<vmem_shared>>) target(%dma_start3A_308 : memref<632x128xf32, #tpu.memory_space<hbm>>) target_semaphore(%run_scoped3A : memref<!tpu.dma_semaphore, #tpu.memory_space<semaphore_mem>>)
        %dma_wait3A_311 = arith.constant 0 : i32
        %dma_wait3A_312 = tpu.memref_slice %arg6[%mul3A_299, %dma_wait3A_311] : memref<10112x128xf32, #tpu.memory_space<hbm>> -> memref<632x128xf32, #tpu.memory_space<hbm>>
        %dma_wait3A_313 = arith.constant 0 : i32
        %dma_wait3A_314 = tpu.memref_slice %arg9[%mul3A_299, %dma_wait3A_313] : memref<10112x128xf32, #tpu.memory_space<vmem_shared>> -> memref<632x128xf32, #tpu.memory_space<vmem_shared>>
        tpu.wait_dma2 semaphore(%run_scoped3A : memref<!tpu.dma_semaphore, #tpu.memory_space<semaphore_mem>>) src(%dma_wait3A_314 : memref<632x128xf32, #tpu.memory_space<vmem_shared>>) dst(%dma_wait3A_312 : memref<632x128xf32, #tpu.memory_space<hbm>>)
        tpu.yield
      }) : () -> ()
    } else {
    }
    return
  }
}

module attributes {stable_mosaic.version = 14 : i64} {
  func.func @_prep_body(%arg0: memref<10000x128xf32, #tpu.memory_space<vmem>>, %arg1: memref<128x128xf32, #tpu.memory_space<vmem>>, %arg2: memref<128xf32, #tpu.memory_space<vmem>>, %arg3: memref<128xf32, #tpu.memory_space<vmem>>, %arg4: memref<128xf32, #tpu.memory_space<vmem>>, %arg5: memref<128x128xf32, #tpu.memory_space<vmem>>, %arg6: memref<32x10240xf32, #tpu.memory_space<vmem>>, %arg7: memref<10000x128xf32, #tpu.memory_space<vmem>>, %arg8: memref<10000x128xf32, #tpu.memory_space<vmem>>, %arg9: memref<10000xf32, #tpu.memory_space<vmem>>) attributes {dimension_semantics = [], scalar_prefetch = 0 : i64, scratch_operands = 0 : i64, tpu.core_type = #tpu.core_type<tc>} {
    %get3A = arith.constant 0 : index
    %get3A_0 = arith.constant 0 : index
    %get3A_1 = vector.load %arg0[%get3A, %get3A_0] : memref<10000x128xf32, #tpu.memory_space<vmem>>, vector<10000x128xf32>
    %get3A_2 = arith.constant 0 : index
    %get3A_3 = arith.constant 0 : index
    %get3A_4 = vector.load %arg1[%get3A_2, %get3A_3] : memref<128x128xf32, #tpu.memory_space<vmem>>, vector<128x128xf32>
    %dot_general3A = arith.constant dense<0.000000e+00> : vector<10000x128xf32>
    %dot_general3A_5 = tpu.matmul %get3A_1, %get3A_4, %dot_general3A {dimension_numbers = #tpu.dot_dimension_numbers<[1], [0], [0], [1], [0, 0, 1, 1], [], []>, transpose_lhs_hint = false} : vector<10000x128xf32>, vector<128x128xf32>, vector<10000x128xf32> -> vector<10000x128xf32>
    %get3A_6 = arith.constant 0 : index
    %get3A_7 = vector.load %arg2[%get3A_6] : memref<128xf32, #tpu.memory_space<vmem>>, vector<128xf32>
    %broadcast_in_dim3A = vector.shape_cast %get3A_7 : vector<128xf32> to vector<1x128xf32>
    %add3A = vector.broadcast %broadcast_in_dim3A : vector<1x128xf32> to vector<10000x128xf32>
    %add3A_8 = arith.addf %dot_general3A_5, %add3A : vector<10000x128xf32>
    %reduce_sum3A = arith.constant dense<0.000000e+00> : vector<128xf32>
    %reduce_sum3A_9 = vector.multi_reduction <add>, %add3A_8, %reduce_sum3A [0] : vector<10000x128xf32> to vector<128xf32>
    %div3A = arith.constant 1.000000e+04 : f32
    %div3A_10 = vector.broadcast %div3A : f32 to vector<128xf32>
    %div3A_11 = arith.divf %reduce_sum3A_9, %div3A_10 : vector<128xf32>
    %broadcast_in_dim3A_12 = vector.shape_cast %div3A_11 : vector<128xf32> to vector<1x128xf32>
    %sub3A = vector.broadcast %broadcast_in_dim3A_12 : vector<1x128xf32> to vector<10000x128xf32>
    %sub3A_13 = arith.subf %add3A_8, %sub3A : vector<10000x128xf32>
    %mul3A = arith.mulf %sub3A_13, %sub3A_13 : vector<10000x128xf32>
    %reduce_sum3A_14 = arith.constant dense<0.000000e+00> : vector<128xf32>
    %reduce_sum3A_15 = vector.multi_reduction <add>, %mul3A, %reduce_sum3A_14 [0] : vector<10000x128xf32> to vector<128xf32>
    %div3A_16 = arith.constant 1.000000e+04 : f32
    %div3A_17 = vector.broadcast %div3A_16 : f32 to vector<128xf32>
    %div3A_18 = arith.divf %reduce_sum3A_15, %div3A_17 : vector<128xf32>
    %get3A_19 = arith.constant 0 : index
    %get3A_20 = vector.load %arg3[%get3A_19] : memref<128xf32, #tpu.memory_space<vmem>>, vector<128xf32>
    %broadcast_in_dim3A_21 = vector.shape_cast %get3A_20 : vector<128xf32> to vector<1x128xf32>
    %mul3A_22 = vector.broadcast %broadcast_in_dim3A_21 : vector<1x128xf32> to vector<10000x128xf32>
    %mul3A_23 = arith.mulf %mul3A_22, %sub3A_13 : vector<10000x128xf32>
    %add3A_24 = arith.constant 9.99999974E-6 : f32
    %add3A_25 = vector.broadcast %add3A_24 : f32 to vector<128xf32>
    %add3A_26 = arith.addf %div3A_18, %add3A_25 : vector<128xf32>
    %rsqrt3A = math.rsqrt %add3A_26 : vector<128xf32>
    %broadcast_in_dim3A_27 = vector.shape_cast %rsqrt3A : vector<128xf32> to vector<1x128xf32>
    %mul3A_28 = vector.broadcast %broadcast_in_dim3A_27 : vector<1x128xf32> to vector<10000x128xf32>
    %mul3A_29 = arith.mulf %mul3A_23, %mul3A_28 : vector<10000x128xf32>
    %get3A_30 = arith.constant 0 : index
    %get3A_31 = vector.load %arg4[%get3A_30] : memref<128xf32, #tpu.memory_space<vmem>>, vector<128xf32>
    %broadcast_in_dim3A_32 = vector.shape_cast %get3A_31 : vector<128xf32> to vector<1x128xf32>
    %add3A_33 = vector.broadcast %broadcast_in_dim3A_32 : vector<1x128xf32> to vector<10000x128xf32>
    %add3A_34 = arith.addf %mul3A_29, %add3A_33 : vector<10000x128xf32>
    %max3A = arith.constant 0.000000e+00 : f32
    %max3A_35 = vector.broadcast %max3A : f32 to vector<10000x128xf32>
    %max3A_36 = arith.maximumf %add3A_34, %max3A_35 : vector<10000x128xf32>
    %swap3A = arith.constant 0 : index
    %swap3A_37 = arith.constant 0 : index
    %swap3A_38 = vector.load %arg7[%swap3A, %swap3A_37] : memref<10000x128xf32, #tpu.memory_space<vmem>>, vector<10000x128xf32>
    tpu.vector_store %arg7[%swap3A, %swap3A_37], %max3A_36 {strides = array<i32>} : memref<10000x128xf32, #tpu.memory_space<vmem>>, vector<10000x128xf32>,
    %get3A_39 = arith.constant 0 : index
    %get3A_40 = arith.constant 0 : index
    %get3A_41 = vector.load %arg6[%get3A_39, %get3A_40] : memref<32x10240xf32, #tpu.memory_space<vmem>>, vector<32x10240xf32>
    %reduce_sum3A_42 = arith.constant dense<0.000000e+00> : vector<10240xf32>
    %reduce_sum3A_43 = vector.multi_reduction <add>, %get3A_41, %reduce_sum3A_42 [0] : vector<32x10240xf32> to vector<10240xf32>
    %slice3A = vector.extract_strided_slice %reduce_sum3A_43 {offsets = [0], sizes = [10000], strides = [1]} : vector<10240xf32> to vector<10000xf32>
    %add3A_44 = arith.constant 1.000000e+00 : f32
    %add3A_45 = vector.broadcast %add3A_44 : f32 to vector<10000xf32>
    %add3A_46 = arith.addf %slice3A, %add3A_45 : vector<10000xf32>
    %rsqrt3A_47 = math.rsqrt %add3A_46 : vector<10000xf32>
    %swap3A_48 = arith.constant 0 : index
    %swap3A_49 = vector.load %arg9[%swap3A_48] : memref<10000xf32, #tpu.memory_space<vmem>>, vector<10000xf32>
    tpu.vector_store %arg9[%swap3A_48], %rsqrt3A_47 {strides = array<i32>} : memref<10000xf32, #tpu.memory_space<vmem>>, vector<10000xf32>,
    %get3A_50 = arith.constant 0 : index
    %get3A_51 = arith.constant 0 : index
    %get3A_52 = vector.load %arg5[%get3A_50, %get3A_51] : memref<128x128xf32, #tpu.memory_space<vmem>>, vector<128x128xf32>
    %dot_general3A_53 = arith.constant dense<0.000000e+00> : vector<10000x128xf32>
    %dot_general3A_54 = tpu.matmul %max3A_36, %get3A_52, %dot_general3A_53 {dimension_numbers = #tpu.dot_dimension_numbers<[1], [0], [0], [1], [0, 0, 1, 1], [], []>, transpose_lhs_hint = false} : vector<10000x128xf32>, vector<128x128xf32>, vector<10000x128xf32> -> vector<10000x128xf32>
    %broadcast_in_dim3A_55 = vector.shape_cast %rsqrt3A_47 : vector<10000xf32> to vector<10000x1xf32>
    %mul3A_56 = vector.broadcast %broadcast_in_dim3A_55 : vector<10000x1xf32> to vector<10000x128xf32>
    %mul3A_57 = arith.mulf %dot_general3A_54, %mul3A_56 : vector<10000x128xf32>
    %swap3A_58 = arith.constant 0 : index
    %swap3A_59 = arith.constant 0 : index
    %swap3A_60 = vector.load %arg8[%swap3A_58, %swap3A_59] : memref<10000x128xf32, #tpu.memory_space<vmem>>, vector<10000x128xf32>
    tpu.vector_store %arg8[%swap3A_58, %swap3A_59], %mul3A_57 {strides = array<i32>} : memref<10000x128xf32, #tpu.memory_space<vmem>>, vector<10000x128xf32>,
    return
  }
}

module attributes {stable_mosaic.version = 14 : i64} {
  func.func @_conv_out_body(%arg0: memref<10112x128xf32, #tpu.memory_space<vmem>>, %arg1: memref<10112x128xf32, #tpu.memory_space<vmem>>, %arg2: memref<10000x128xf32, #tpu.memory_space<vmem>>, %arg3: memref<10000xf32, #tpu.memory_space<vmem>>, %arg4: memref<128xf32, #tpu.memory_space<vmem>>, %arg5: memref<128xf32, #tpu.memory_space<vmem>>, %arg6: memref<128xf32, #tpu.memory_space<vmem>>, %arg7: memref<10000x128xf32, #tpu.memory_space<vmem>>, %arg8: memref<128x128xf32, #tpu.memory_space<vmem>>, %arg9: memref<10000x128xf32, #tpu.memory_space<vmem>>, %arg10: memref<10000x128xf32, #tpu.memory_space<vmem>>) attributes {dimension_semantics = [], scalar_prefetch = 0 : i64, scratch_operands = 0 : i64, tpu.core_type = #tpu.core_type<tc>} {
    %get3A = arith.constant 0 : index
    %get3A_0 = vector.load %arg3[%get3A] : memref<10000xf32, #tpu.memory_space<vmem>>, vector<10000xf32>
    %get3A_1 = arith.constant 0 : index
    %get3A_2 = arith.constant 0 : index
    %get3A_3 = vector.load %arg0[%get3A_1, %get3A_2] : memref<10112x128xf32, #tpu.memory_space<vmem>>, vector<10112x128xf32>
    %slice3A = vector.extract_strided_slice %get3A_3 {offsets = [0, 0], sizes = [10000, 128], strides = [1, 1]} : vector<10112x128xf32> to vector<10000x128xf32>
    %get3A_4 = arith.constant 0 : index
    %get3A_5 = arith.constant 0 : index
    %get3A_6 = vector.load %arg1[%get3A_4, %get3A_5] : memref<10112x128xf32, #tpu.memory_space<vmem>>, vector<10112x128xf32>
    %slice3A_7 = vector.extract_strided_slice %get3A_6 {offsets = [0, 0], sizes = [10000, 128], strides = [1, 1]} : vector<10112x128xf32> to vector<10000x128xf32>
    %add3A = arith.addf %slice3A, %slice3A_7 : vector<10000x128xf32>
    %get3A_8 = arith.constant 0 : index
    %get3A_9 = arith.constant 0 : index
    %get3A_10 = vector.load %arg2[%get3A_8, %get3A_9] : memref<10000x128xf32, #tpu.memory_space<vmem>>, vector<10000x128xf32>
    %add3A_11 = arith.addf %add3A, %get3A_10 : vector<10000x128xf32>
    %broadcast_in_dim3A = vector.shape_cast %get3A_0 : vector<10000xf32> to vector<10000x1xf32>
    %mul3A = vector.broadcast %broadcast_in_dim3A : vector<10000x1xf32> to vector<10000x128xf32>
    %mul3A_12 = arith.mulf %add3A_11, %mul3A : vector<10000x128xf32>
    %get3A_13 = arith.constant 0 : index
    %get3A_14 = vector.load %arg4[%get3A_13] : memref<128xf32, #tpu.memory_space<vmem>>, vector<128xf32>
    %broadcast_in_dim3A_15 = vector.shape_cast %get3A_14 : vector<128xf32> to vector<1x128xf32>
    %add3A_16 = vector.broadcast %broadcast_in_dim3A_15 : vector<1x128xf32> to vector<10000x128xf32>
    %add3A_17 = arith.addf %mul3A_12, %add3A_16 : vector<10000x128xf32>
    %reduce_sum3A = arith.constant dense<0.000000e+00> : vector<128xf32>
    %reduce_sum3A_18 = vector.multi_reduction <add>, %add3A_17, %reduce_sum3A [0] : vector<10000x128xf32> to vector<128xf32>
    %div3A = arith.constant 1.000000e+04 : f32
    %div3A_19 = vector.broadcast %div3A : f32 to vector<128xf32>
    %div3A_20 = arith.divf %reduce_sum3A_18, %div3A_19 : vector<128xf32>
    %broadcast_in_dim3A_21 = vector.shape_cast %div3A_20 : vector<128xf32> to vector<1x128xf32>
    %sub3A = vector.broadcast %broadcast_in_dim3A_21 : vector<1x128xf32> to vector<10000x128xf32>
    %sub3A_22 = arith.subf %add3A_17, %sub3A : vector<10000x128xf32>
    %mul3A_23 = arith.mulf %sub3A_22, %sub3A_22 : vector<10000x128xf32>
    %reduce_sum3A_24 = arith.constant dense<0.000000e+00> : vector<128xf32>
    %reduce_sum3A_25 = vector.multi_reduction <add>, %mul3A_23, %reduce_sum3A_24 [0] : vector<10000x128xf32> to vector<128xf32>
    %div3A_26 = arith.constant 1.000000e+04 : f32
    %div3A_27 = vector.broadcast %div3A_26 : f32 to vector<128xf32>
    %div3A_28 = arith.divf %reduce_sum3A_25, %div3A_27 : vector<128xf32>
    %get3A_29 = arith.constant 0 : index
    %get3A_30 = vector.load %arg5[%get3A_29] : memref<128xf32, #tpu.memory_space<vmem>>, vector<128xf32>
    %broadcast_in_dim3A_31 = vector.shape_cast %get3A_30 : vector<128xf32> to vector<1x128xf32>
    %mul3A_32 = vector.broadcast %broadcast_in_dim3A_31 : vector<1x128xf32> to vector<10000x128xf32>
    %mul3A_33 = arith.mulf %mul3A_32, %sub3A_22 : vector<10000x128xf32>
    %add3A_34 = arith.constant 9.99999974E-6 : f32
    %add3A_35 = vector.broadcast %add3A_34 : f32 to vector<128xf32>
    %add3A_36 = arith.addf %div3A_28, %add3A_35 : vector<128xf32>
    %rsqrt3A = math.rsqrt %add3A_36 : vector<128xf32>
    %broadcast_in_dim3A_37 = vector.shape_cast %rsqrt3A : vector<128xf32> to vector<1x128xf32>
    %mul3A_38 = vector.broadcast %broadcast_in_dim3A_37 : vector<1x128xf32> to vector<10000x128xf32>
    %mul3A_39 = arith.mulf %mul3A_33, %mul3A_38 : vector<10000x128xf32>
    %get3A_40 = arith.constant 0 : index
    %get3A_41 = vector.load %arg6[%get3A_40] : memref<128xf32, #tpu.memory_space<vmem>>, vector<128xf32>
    %broadcast_in_dim3A_42 = vector.shape_cast %get3A_41 : vector<128xf32> to vector<1x128xf32>
    %add3A_43 = vector.broadcast %broadcast_in_dim3A_42 : vector<1x128xf32> to vector<10000x128xf32>
    %add3A_44 = arith.addf %mul3A_39, %add3A_43 : vector<10000x128xf32>
    %max3A = arith.constant 0.000000e+00 : f32
    %max3A_45 = vector.broadcast %max3A : f32 to vector<10000x128xf32>
    %max3A_46 = arith.maximumf %add3A_44, %max3A_45 : vector<10000x128xf32>
    %get3A_47 = arith.constant 0 : index
    %get3A_48 = arith.constant 0 : index
    %get3A_49 = vector.load %arg7[%get3A_47, %get3A_48] : memref<10000x128xf32, #tpu.memory_space<vmem>>, vector<10000x128xf32>
    %add3A_50 = arith.addf %max3A_46, %get3A_49 : vector<10000x128xf32>
    %swap3A = arith.constant 0 : index
    %swap3A_51 = arith.constant 0 : index
    %swap3A_52 = vector.load %arg9[%swap3A, %swap3A_51] : memref<10000x128xf32, #tpu.memory_space<vmem>>, vector<10000x128xf32>
    tpu.vector_store %arg9[%swap3A, %swap3A_51], %add3A_50 {strides = array<i32>} : memref<10000x128xf32, #tpu.memory_space<vmem>>, vector<10000x128xf32>,
    %get3A_53 = arith.constant 0 : index
    %get3A_54 = arith.constant 0 : index
    %get3A_55 = vector.load %arg8[%get3A_53, %get3A_54] : memref<128x128xf32, #tpu.memory_space<vmem>>, vector<128x128xf32>
    %dot_general3A = arith.constant dense<0.000000e+00> : vector<10000x128xf32>
    %dot_general3A_56 = tpu.matmul %add3A_50, %get3A_55, %dot_general3A {dimension_numbers = #tpu.dot_dimension_numbers<[1], [0], [0], [1], [0, 0, 1, 1], [], []>, transpose_lhs_hint = false} : vector<10000x128xf32>, vector<128x128xf32>, vector<10000x128xf32> -> vector<10000x128xf32>
    %broadcast_in_dim3A_57 = vector.shape_cast %get3A_0 : vector<10000xf32> to vector<10000x1xf32>
    %mul3A_58 = vector.broadcast %broadcast_in_dim3A_57 : vector<10000x1xf32> to vector<10000x128xf32>
    %mul3A_59 = arith.mulf %dot_general3A_56, %mul3A_58 : vector<10000x128xf32>
    %swap3A_60 = arith.constant 0 : index
    %swap3A_61 = arith.constant 0 : index
    %swap3A_62 = vector.load %arg10[%swap3A_60, %swap3A_61] : memref<10000x128xf32, #tpu.memory_space<vmem>>, vector<10000x128xf32>
    tpu.vector_store %arg10[%swap3A_60, %swap3A_61], %mul3A_59 {strides = array<i32>} : memref<10000x128xf32, #tpu.memory_space<vmem>>, vector<10000x128xf32>,
    return
  }
}

module attributes {stable_mosaic.version = 14 : i64} {
  func.func @_final_body(%arg0: memref<10112x128xf32, #tpu.memory_space<vmem>>, %arg1: memref<10112x128xf32, #tpu.memory_space<vmem>>, %arg2: memref<10000x128xf32, #tpu.memory_space<vmem>>, %arg3: memref<10000xf32, #tpu.memory_space<vmem>>, %arg4: memref<128xf32, #tpu.memory_space<vmem>>, %arg5: memref<128xf32, #tpu.memory_space<vmem>>, %arg6: memref<128xf32, #tpu.memory_space<vmem>>, %arg7: memref<10000x128xf32, #tpu.memory_space<vmem>>, %arg8: memref<10000x128xf32, #tpu.memory_space<vmem>>) attributes {dimension_semantics = [], scalar_prefetch = 0 : i64, scratch_operands = 0 : i64, tpu.core_type = #tpu.core_type<tc>} {
    %get3A = arith.constant 0 : index
    %get3A_0 = vector.load %arg3[%get3A] : memref<10000xf32, #tpu.memory_space<vmem>>, vector<10000xf32>
    %get3A_1 = arith.constant 0 : index
    %get3A_2 = arith.constant 0 : index
    %get3A_3 = vector.load %arg0[%get3A_1, %get3A_2] : memref<10112x128xf32, #tpu.memory_space<vmem>>, vector<10112x128xf32>
    %slice3A = vector.extract_strided_slice %get3A_3 {offsets = [0, 0], sizes = [10000, 128], strides = [1, 1]} : vector<10112x128xf32> to vector<10000x128xf32>
    %get3A_4 = arith.constant 0 : index
    %get3A_5 = arith.constant 0 : index
    %get3A_6 = vector.load %arg1[%get3A_4, %get3A_5] : memref<10112x128xf32, #tpu.memory_space<vmem>>, vector<10112x128xf32>
    %slice3A_7 = vector.extract_strided_slice %get3A_6 {offsets = [0, 0], sizes = [10000, 128], strides = [1, 1]} : vector<10112x128xf32> to vector<10000x128xf32>
    %add3A = arith.addf %slice3A, %slice3A_7 : vector<10000x128xf32>
    %get3A_8 = arith.constant 0 : index
    %get3A_9 = arith.constant 0 : index
    %get3A_10 = vector.load %arg2[%get3A_8, %get3A_9] : memref<10000x128xf32, #tpu.memory_space<vmem>>, vector<10000x128xf32>
    %add3A_11 = arith.addf %add3A, %get3A_10 : vector<10000x128xf32>
    %broadcast_in_dim3A = vector.shape_cast %get3A_0 : vector<10000xf32> to vector<10000x1xf32>
    %mul3A = vector.broadcast %broadcast_in_dim3A : vector<10000x1xf32> to vector<10000x128xf32>
    %mul3A_12 = arith.mulf %add3A_11, %mul3A : vector<10000x128xf32>
    %get3A_13 = arith.constant 0 : index
    %get3A_14 = vector.load %arg4[%get3A_13] : memref<128xf32, #tpu.memory_space<vmem>>, vector<128xf32>
    %broadcast_in_dim3A_15 = vector.shape_cast %get3A_14 : vector<128xf32> to vector<1x128xf32>
    %add3A_16 = vector.broadcast %broadcast_in_dim3A_15 : vector<1x128xf32> to vector<10000x128xf32>
    %add3A_17 = arith.addf %mul3A_12, %add3A_16 : vector<10000x128xf32>
    %reduce_sum3A = arith.constant dense<0.000000e+00> : vector<128xf32>
    %reduce_sum3A_18 = vector.multi_reduction <add>, %add3A_17, %reduce_sum3A [0] : vector<10000x128xf32> to vector<128xf32>
    %div3A = arith.constant 1.000000e+04 : f32
    %div3A_19 = vector.broadcast %div3A : f32 to vector<128xf32>
    %div3A_20 = arith.divf %reduce_sum3A_18, %div3A_19 : vector<128xf32>
    %broadcast_in_dim3A_21 = vector.shape_cast %div3A_20 : vector<128xf32> to vector<1x128xf32>
    %sub3A = vector.broadcast %broadcast_in_dim3A_21 : vector<1x128xf32> to vector<10000x128xf32>
    %sub3A_22 = arith.subf %add3A_17, %sub3A : vector<10000x128xf32>
    %mul3A_23 = arith.mulf %sub3A_22, %sub3A_22 : vector<10000x128xf32>
    %reduce_sum3A_24 = arith.constant dense<0.000000e+00> : vector<128xf32>
    %reduce_sum3A_25 = vector.multi_reduction <add>, %mul3A_23, %reduce_sum3A_24 [0] : vector<10000x128xf32> to vector<128xf32>
    %div3A_26 = arith.constant 1.000000e+04 : f32
    %div3A_27 = vector.broadcast %div3A_26 : f32 to vector<128xf32>
    %div3A_28 = arith.divf %reduce_sum3A_25, %div3A_27 : vector<128xf32>
    %get3A_29 = arith.constant 0 : index
    %get3A_30 = vector.load %arg5[%get3A_29] : memref<128xf32, #tpu.memory_space<vmem>>, vector<128xf32>
    %broadcast_in_dim3A_31 = vector.shape_cast %get3A_30 : vector<128xf32> to vector<1x128xf32>
    %mul3A_32 = vector.broadcast %broadcast_in_dim3A_31 : vector<1x128xf32> to vector<10000x128xf32>
    %mul3A_33 = arith.mulf %mul3A_32, %sub3A_22 : vector<10000x128xf32>
    %add3A_34 = arith.constant 9.99999974E-6 : f32
    %add3A_35 = vector.broadcast %add3A_34 : f32 to vector<128xf32>
    %add3A_36 = arith.addf %div3A_28, %add3A_35 : vector<128xf32>
    %rsqrt3A = math.rsqrt %add3A_36 : vector<128xf32>
    %broadcast_in_dim3A_37 = vector.shape_cast %rsqrt3A : vector<128xf32> to vector<1x128xf32>
    %mul3A_38 = vector.broadcast %broadcast_in_dim3A_37 : vector<1x128xf32> to vector<10000x128xf32>
    %mul3A_39 = arith.mulf %mul3A_33, %mul3A_38 : vector<10000x128xf32>
    %get3A_40 = arith.constant 0 : index
    %get3A_41 = vector.load %arg6[%get3A_40] : memref<128xf32, #tpu.memory_space<vmem>>, vector<128xf32>
    %broadcast_in_dim3A_42 = vector.shape_cast %get3A_41 : vector<128xf32> to vector<1x128xf32>
    %add3A_43 = vector.broadcast %broadcast_in_dim3A_42 : vector<1x128xf32> to vector<10000x128xf32>
    %add3A_44 = arith.addf %mul3A_39, %add3A_43 : vector<10000x128xf32>
    %max3A = arith.constant 0.000000e+00 : f32
    %max3A_45 = vector.broadcast %max3A : f32 to vector<10000x128xf32>
    %max3A_46 = arith.maximumf %add3A_44, %max3A_45 : vector<10000x128xf32>
    %get3A_47 = arith.constant 0 : index
    %get3A_48 = arith.constant 0 : index
    %get3A_49 = vector.load %arg7[%get3A_47, %get3A_48] : memref<10000x128xf32, #tpu.memory_space<vmem>>, vector<10000x128xf32>
    %add3A_50 = arith.addf %max3A_46, %get3A_49 : vector<10000x128xf32>
    %swap3A = arith.constant 0 : index
    %swap3A_51 = arith.constant 0 : index
    %swap3A_52 = vector.load %arg8[%swap3A, %swap3A_51] : memref<10000x128xf32, #tpu.memory_space<vmem>>, vector<10000x128xf32>
    tpu.vector_store %arg8[%swap3A, %swap3A_51], %add3A_50 {strides = array<i32>} : memref<10000x128xf32, #tpu.memory_space<vmem>>, vector<10000x128xf32>,
    return
  }
}

</mosaic_0001>

<sc_bundles>
// kernel: kernel.11.cloned.1.call-start
scs
__scs_entry_jumppad:
0x0: {  	(pc) =	sbr.rel $0x88, $3  }
0x1: {  	(tag) =	ssettag $0x0;
	lr =	simm.s32 $0x1  }
0x2: {  	[smem:$0x3F93] =	sst lr;
	_ =	strace $0xD0000000  }
0x3: {  	_ = 	snop  }
0x4: {  	_ = 	snop  }
0x5: {  	_ = 	snop  }
0x6: {  	_ = 	snop  }
0x7: {  	_ = 	snop  }
__scs_overlays_trampoline_lowered:
0x8: {  	[smem:$0x3FA2] =	sst s0  }
0x9: {  	[smem:$0x3FA3] =	sst s1  }
0xa: {  	[smem:$0x3FA4] =	sst s2  }
0xb: {  	[smem:$0x3FA5] =	sst s3  }
0xc: {  	[smem:$0x3FA6] =	sst s4  }
0xd: {  	[smem:$0x3FA7] =	sst s5  }
0xe: {  	[smem:$0x3FA8] =	sst s6  }
0xf: {  	[smem:$0x3FA9] =	sst s7  }
0x10: {  	[smem:$0x3FAA] =	sst s8  }
0x11: {  	[smem:$0x3FAB] =	sst s9;
	s0 =	simm.s32 @!p0 $0x0  }
0x12: {  	s1 =	sld [smem:$0x3F91];
	s0 =	simm.s32 @p0 $0x1  }
0x13: {  	[smem:$0x3FAC] =	sst s0;
	s0 =	simm.s32 @!p1 $0x0  }
0x14: {  	s2 =	sld [smem:$0x3F90];
	s0 =	simm.s32 @p1 $0x1  }
0x15: {  	[smem:$0x3FAD] =	sst s0;
	s0 =	simm.s32 @!p2 $0x0  }
0x16: {  	s3 =	sld [smem:$0x3FDB];
	s0 =	simm.s32 @p2 $0x1  }
0x17: {  	s4 =	simm.s32 $0x1BF5;
	[smem:$0x3FAF] =	sst s0  }
0x18: {  	s0 =	sld [smem:$0x3F92];
	_ =	swait.ge [sflag:s4], $0x0  }
0x19: {  	s7 =	sld [smem:$0x3F93]  }
0x1a: {  	s8 =	sadd.s32 $0xFFFFE003, lr  }
0x1b: {  	s9 =	sadd.s32 $0xFFFFFEF7, lr;
	s5 =	simm.s32 $0xFFFFFFFF;
	p2 =	slt.u32 s8, $0xFFFFF086  }
0x1c: {  	p1 =	slt.u32 s9, $0xF7A;
	s5 =	simm.s32 @!p2 $0x0  }
0x1d: {  	s5 =	simm.s32 @p1 $0x1;
	p0 =	seq.s32 s7, s2  }
0x1e: {  	s7 =	smul.u32 @!p0 $0xF7A, s2;
	p2 =	seq.s32 @!p0 s5, $0x0  }
0x1f: {  	s9 =	smul.u32 $0xF7A, s1;
	s8 =	simm.s32 @!p0 $0x1BF5;
	p2 =	por !p2, p0  }
0x20: {  	[sflag:s8] =	ssyncset.s32 @!p0 $0xFFFFF086;
	s6 =	sadd.s32 @!p0 s3, s7;
	s7 =	simm.s32 @!p0 $0x108  }
0x21: {  	s3 =	sadd.s32 s3, s9;
	s6 =	sadd.s32 @!p0 $0x88, s6;
	s7 =	simm.s32 @p2 $0x1082  }
0x22: {  	[simem:s7], [sflag:s8] =	dma.local @!p0 [hbm:s6], $0xF7A  }
0x23: {  	s9 =	sor.u32 $0xD0000000, s2;
	s6 =	simm.s32 $0x108;
	_ =	swait.ge @!p0 [sflag:s8], $0x0  }
0x24: {  	s3 =	sadd.s32 $0x88, s3;
	s6 =	simm.s32 @!p1 $0x1082;
	[sflag:s4] =	ssyncset.s32 $0xFFFFF086  }
0x25: {  	[simem:s6], [sflag:s4] =	dma.local [hbm:s3], $0xF7A  }
0x26: {  	[smem:$0x3F93] =	sst s1;
	(tag) =	ssettag s2;
	_ =	strace s9  }
0x27: {  	s1 =	sld [smem:$0x3FA3]  }
0x28: {  	s2 =	sld [smem:$0x3FA4]  }
0x29: {  	s4 =	sld [smem:$0x3FA6]  }
0x2a: {  	p0 =	seq.s32 s5, $0x0;
	s5 =	sld [smem:$0x3FA7]  }
0x2b: {  	s6 =	sld [smem:$0x3FA8]  }
0x2c: {  	s7 =	sld [smem:$0x3FA9]  }
0x2d: {  	s3 =	simm.s32 $0x108;
	s8 =	sld [smem:$0x3FAA]  }
0x2e: {  	s3 =	simm.s32 @!p0 $0x1082;
	s9 =	sld [smem:$0x3FAB]  }
0x2f: {  	lr =	sadd.s32 s0, s3;
	s0 =	sld [smem:$0x3FA2]  }
0x30: {  	s3 =	sld [smem:$0x3FA5]  }
0x31: {  	[smem:$0x3FAE] =	sst s10  }
0x32: {  	s10 =	sld [smem:$0x3FAC];
	_ =	sdelay $0x3  }
0x33: {  	p0 =	seq.s32 s10, $0x1;
	s10 =	sld [smem:$0x3FAE];
	_ =	sdelay $0x3  }
0x34: {  	[smem:$0x3FAE] =	sst s10  }
0x35: {  	s10 =	sld [smem:$0x3FAD];
	_ =	sdelay $0x3  }
0x36: {  	p1 =	seq.s32 s10, $0x1;
	s10 =	sld [smem:$0x3FAE];
	_ =	sdelay $0x3  }
0x37: {  	[smem:$0x3FAE] =	sst s10  }
0x38: {  	s10 =	sld [smem:$0x3FAF]  }
0x39: {  	_ = 	snop;
	(pc) =	sbr.ind lr, $3  }
0x3a: {  	_ = 	snop  }
0x3b: {  	_ = 	snop  }
0x3c: {  	p2 =	seq.s32 s10, $0x1;
	s10 =	sld [smem:$0x3FAE]  }
0x3d: {  	_ =	shalt  }
0x3e: {  	_ =	shalt  }
0x3f: {  	_ =	shalt  }
0x40: {  	_ =	shalt  }
0x41: {  	_ =	shalt  }
0x42: {  	_ =	shalt  }
0x43: {  	_ =	shalt  }
0x44: {  	_ =	shalt  }
0x45: {  	_ =	shalt  }
0x46: {  	_ =	shalt  }
0x47: {  	_ =	shalt  }
0x48: {  	_ =	shalt  }
0x49: {  	_ =	shalt  }
0x4a: {  	_ =	shalt  }
0x4b: {  	_ =	shalt  }
0x4c: {  	_ =	shalt  }
0x4d: {  	_ =	shalt  }
0x4e: {  	_ =	shalt  }
0x4f: {  	_ =	shalt  }
0x50: {  	_ =	shalt  }
0x51: {  	_ =	shalt  }
0x52: {  	_ =	shalt  }
0x53: {  	_ =	shalt  }
0x54: {  	_ =	shalt  }
0x55: {  	_ =	shalt  }
0x56: {  	_ =	shalt  }
0x57: {  	_ =	shalt  }
0x58: {  	_ =	shalt  }
0x59: {  	_ =	shalt  }
0x5a: {  	_ =	shalt  }
0x5b: {  	_ =	shalt  }
0x5c: {  	_ =	shalt  }
0x5d: {  	_ =	shalt  }
0x5e: {  	_ =	shalt  }
0x5f: {  	_ =	shalt  }
0x60: {  	_ =	shalt  }
0x61: {  	_ =	shalt  }
0x62: {  	_ =	shalt  }
0x63: {  	_ =	shalt  }
0x64: {  	_ =	shalt  }
0x65: {  	_ =	shalt  }
0x66: {  	_ =	shalt  }
0x67: {  	_ =	shalt  }
0x68: {  	_ =	shalt  }
0x69: {  	_ =	shalt  }
0x6a: {  	_ =	shalt  }
0x6b: {  	_ =	shalt  }
0x6c: {  	_ =	shalt  }
0x6d: {  	_ =	shalt  }
0x6e: {  	_ =	shalt  }
0x6f: {  	_ =	shalt  }
0x70: {  	_ =	shalt  }
0x71: {  	_ =	shalt  }
0x72: {  	_ =	shalt  }
0x73: {  	_ =	shalt  }
0x74: {  	_ =	shalt  }
0x75: {  	_ =	shalt  }
0x76: {  	_ =	shalt  }
0x77: {  	_ =	shalt  }
0x78: {  	_ =	shalt  }
0x79: {  	_ =	shalt  }
0x7a: {  	_ =	shalt  }
0x7b: {  	_ =	shalt  }
0x7c: {  	_ =	shalt  }
0x7d: {  	_ =	shalt  }
0x7e: {  	_ =	shalt  }
0x7f: {  	_ =	shalt  }
0x80: {  	_ =	shalt  }
0x81: {  	_ =	shalt  }
0x82: {  	_ =	shalt  }
0x83: {  	_ =	shalt  }
0x84: {  	_ =	shalt  }
0x85: {  	_ =	shalt  }
0x86: {  	_ =	shalt  }
0x87: {  	_ =	shalt  }
.Lfunc_end0:
.L_simem_size_0:
called_computation.1_lowered:
.L_overlay_start_0:
0x88: {  	s2 =	sld [smem:$0x3FD9]  }
0x89: {  	s3 =	sld [smem:$0x3FFE];
	_ =	sdelay $0x1  }
0x8a: {  	s1 =	srdreg.scid  }
0x8b: {  	s0 =	sand.u32 $0x1, s1  }
0x8c: {  	s17 =	sshll.u32 s0, $0xA;
	s2 =	sadd.s32 s3, s2  }
0x8d: {  	s2 =	sadd.s32 s2, s17  }
0x8e: {  	[smem:$0x3FBA] =	sst s2  }
0x8f: {  	_ = 	snop  }
0x90: {  	s2 =	sld [smem:$0x3FD0];
	(tm) =	ssettm $0x1  }
0x91: {  	s18 =	sld [smem:$0x3FFB];
	_ =	sdelay $0x3  }
0x92: {  	_ =	strace s18  }
0x93: {  	s3 =	sld [smem:$0x3FFC];
	_ =	sdelay $0x3  }
0x94: {  	_ =	strace s3  }
0x95: {  	s3 =	sld [smem:$0x3FFD];
	_ =	sdelay $0x3  }
0x96: {  	_ =	strace s3  }
0x97: {  	_ =	strace $0x8FFFFFFF  }
0x98: {  	s19 =	sld [smem:$0x3FDB];
	_ =	sdelay $0x1  }
0x99: {  	s4 =	simm.s32 $_scs_section_size  }
0x9a: {  	s5 =	simm.s32 $_size__tile_overlayer_lowered;
	s6 =	simm.s32 $_tile_overlayer_lowered  }
0x9b: {  	s22 =	simm.s32 $0x1BFF;
	s21 =	sshll.u32 s6, $0x1;
	s3 =	sadd.s32 s4, s19  }
0x9c: {  	s7 =	simm.s32 $0x0;
	s20 =	sshll.u32 s5, $0x1;
	s5 =	sadd.s32 s21, s3  }
0x9d: {  	[timem:s7], [sflag:s22] =	dma.local [hbm:s5], s20  }
0x9e: {  	_ =	swait.ge [sflag:s22], s20  }
0x9f: {  	s4 =	ssub.s32 $0x0, s20;
	[sflag:s22] =	ssyncset.done $0x0  }
0xa0: {  	[sflag:s22] =	ssyncadd.s32 s4;
	_ =	sdelay $0x1  }
0xa1: {  	s23 =	simm.s32 $0x1B8B  }
0xa2: {  	_ =	swait.ge [sflag:s23], $0x1  }
0xa3: {  	[sflag:s23] =	ssyncset.done $0x0  }
0xa4: {  	s25 =	simm.s32 $0x1B8E;
	s24 =	sld [smem:$0x3FFE];
	[sflag:s23] =	ssyncadd.s32 $0xFFFFFFFF  }
0xa5: {  	s26 =	simm.s32 $execute0_lowered;
	[smem:$0x3FD2] =	sst s25  }
0xa6: {  	s5 =	sshll.u32 s26, $0x1;
	_ =	strace $0x80000049;
	[dreg:$0x1] =	wrdreg $0xFFFFFFFF  }
0xa7: {  	s28 =	simm.s32 $_size_execute0_lowered;
	s3 =	sadd.s32 s3, s5;
	[dreg:$0x0] =	wrdreg $0x0  }
0xa8: {  	s5 =	sshll.u32 s28, $0x1;
	[dreg:$0x2] =	wrdreg s3  }
0xa9: {  	[dreg:$0x3] =	wrdreg s5  }
0xaa: {  	[dreg:$0x4] =	wrdreg $0xC0  }
0xab: {  	_ =	task [dreg:s7], $0x5FFFF  }
0xac: {  	[dreg:$0x1] =	wrdreg $0xFFFFFFFF  }
0xad: {  	[dreg:$0x0] =	wrdreg $0x60  }
0xae: {  	[dreg:$0x2] =	wrdreg s2  }
0xaf: {  	[dreg:$0x3] =	wrdreg s24  }
0xb0: {  	[dreg:$0x4] =	wrdreg $0xAA000  }
0xb1: {  	[dreg:$0x5] =	wrdreg $0x9  }
0xb2: {  	_ =	task.clear_ibuf [dreg:s7], $0x6FFFF;
	_ =	strace $0x90000049  }
0xb3: {  	s29 =	simm.s32 $0x9;
	_ =	strace $0x8000004B  }
0xb4: {  	_ =	swait.ge [sflag:s29], $0x1  }
0xb5: {  	[sflag:s29] =	ssyncadd.s32 $0xFFFFFFFF  }
0xb6: {  	_ =	strace $0x9000004B  }
0xb7: {  	_ =	sfence  }
0xb8: {  	s30 =	sld [smem:$0x0];
	_ =	sdelay $0x2  }
0xb9: {  	s31 =	sshll.u32 s1, $0xD;
	s1 =	sshrl.u32 s1, $0x2  }
0xba: {  	s3 =	sand.u32 $0x4000, s31;
	s1 =	sadd.s32 s1, s30  }
0xbb: {  	s0 =	sor.u32 s3, s0;
	s1 =	sshll.u32 s1, $0x11  }
0xbc: {  	s0 =	sor.u32 s1, s0  }
0xbd: {  	s0 =	sadd.s32 $0x8F2B, s0  }
0xbe: {  	[sflag:s0] =	ssyncadd.remote.s32 $0x1  }
0xbf: {  	_ =	sfence.sel $0xFFFF  }
0xc0: {  	[dreg:$0x0] =	wrdreg $0xFFFFFFFF;
	(pc) =	sbr.abs _section_cstart, $3  }
0xc1: {  	[dreg:$0x1] =	wrdreg $0xFFFFFFFF  }
0xc2: {  	_ =	task.clear_ibuf [dreg:s7], $0x2FFFF;
	_ =	strace $0x9FFFFFFF  }
0xc3: {  	(tm) =	ssettm $0x7FFFFFFF  }
tec
execute0_lowered:
.L_overlay_start_1:
0x0: {  	(tag) =	ssettag $0x1  }
0x1: {  	s1 =	rddreg [dreg:$0x0]  }
0x2: {  	s0 =	rddreg [dreg:$0x1]  }
0x3: {  	s3 =	rddreg [dreg:$0x2];
	s2 =	simm.s32 $0x0;
	s4 =	stileid.u32  }
0x4: {  	s11 =	srdreg.scid;
	s28 =	simm.s32 $0xA00;
	s30 =	simm.s32 $0x0  }
0x5: {  	[smem:$0x7FF] =	sst s2;
	s5 =	smul.u32 $0x2780, s4;
	s2 =	sand.u32 $0x1, s11  }
0x6: {  	s7 =	sadd.s32 $0x54A00, s0;
	s6 =	smul.u32 $0x4F000, s4;
	s15 =	sshll.u32 s4, $0x6  }
0x7: {  	s16 =	smul.u32 $0xA000, s4;
	_ =	strace $0x8000004A;
	s8 =	sshll.u32 s2, $0x4  }
0x8: {  	s12 =	ssub.s32 $0x2, s2;
	s10 =	smul.u32 $0xA0000, s2;
	p0 =	seq.s32 s2, $0x1  }
0x9: {  	s0 =	sadd.s32 s5, s0;
	s8 =	sor.u32 s4, s8;
	s9 =	sshrl.u32 s12, $0x1  }
0xa: {  	s6 =	sshrl.u32 s6, $0x2;
	s8 =	smul.u32 $0xA000, s8;
	s5 =	ssub.s32 s12, s9  }
0xb: {  	s13 =	sadd.s32 s6, s3;
	s14 =	sadd.s32 $0x4400, s0;
	s6 =	sor.u32 $0x1C15, s15  }
0xc: {  	s21 =	sadd.s32 s16, s10;
	s9 =	simm.s32 $0x8A00;
	s12 =	simm.s32 $0xF  }
0xd: {  	s15 =	simm.s32 $0x12;
	s16 =	simm.s32 $0x14;
	[dreg:$0x4] =	wrdreg s14  }
0xe: {  	s22 =	smax.u32 s5, $0x1;
	s5 =	simm.s32 $0x7CA00;
	s10 =	sor.u32 $0x800, s21  }
0xf: {  	s25 =	sor.u32 $0x700, s21;
	s26 =	sor.u32 $0x600, s21;
	s2 =	sor.u32 $0x500, s21  }
0x10: {  	s4 =	sshrl.u32 s13, $0x3;
	s13 =	simm.s32 $0x10;
	[dreg:$0x5] =	wrdreg s6  }
0x11: {  	s14 =	simm.s32 $0x11;
	s8 =	sshrl.u32 s8, $0x3;
	[dreg:$0xb] =	wrdreg s22  }
0x12: {  	s5 =	simm.s32 @!p0 $0x2BC00;
	s24 =	sshrl.u32 s10, $0x3;
	s31 =	sshrl.u32 s2, $0x3  }
0x13: {  	s10 =	simm.s32 $0xB;
	[dreg:$0x12] =	wrdreg s4;
	s11 =	sadd.s32 s7, s8  }
0x14: {  	s8 =	sor.u32 $0x900, s21;
	s0 =	sadd.s32 s5, s0;
	[dreg:$0x6] =	wrdreg s11  }
0x15: {  	s5 =	sshrl.u32 s26, $0x3;
	s17 =	sadd.s32 $0x20, s11;
	[dreg:$0xc] =	wrdreg s0  }
0x16: {  	s26 =	simm.s32 $0x40;
	s18 =	sadd.s32 $0x40, s11;
	[dreg:$0x7] =	wrdreg s17  }
0x17: {  	s21 =	simm.s32 $0x13;
	s19 =	sadd.s32 $0x60, s11;
	[dreg:$0x8] =	wrdreg s18  }
0x18: {  	s20 =	sadd.s32 $0x80, s11;
	s8 =	sshrl.u32 s8, $0x3;
	[dreg:$0x9] =	wrdreg s19  }
0x19: {  	s0 =	sadd.s32 s24, s7;
	s29 =	sadd.s32 s5, s7;
	[dreg:$0xa] =	wrdreg s20  }
.Ltmp0:
0x1a: {  	s5 =	simm.s32 $0x6A00;
	[dreg:$0xe] =	wrdreg s0;
	(pc) =	sbr.rel .LBB2_1-.Ltmp0, $4  }
0x1b: {  	s23 =	sadd.s32 s8, s7;
	s0 =	sshrl.u32 s25, $0x3;
	[dreg:$0x10] =	wrdreg s29  }
0x1c: {  	s11 =	simm.s32 $0xD;
	[dreg:$0xd] =	wrdreg s23;
	s0 =	sadd.s32 s0, s7  }
0x1d: {  	s8 =	simm.s32 $0x0;
	[dreg:$0xf] =	wrdreg s0;
	s0 =	sadd.s32 s31, s7  }
0x1e: {  	s7 =	simm.s32 $0x15;
	[dreg:$0x11] =	wrdreg s0;
	s0 =	simm.s32 $0x4A00  }
.LBB2_4:
0x1f: {  	_ =	swait.ge [sflag:s13], $0x2000  }
0x20: {  	[sflag:s13] =	ssyncset.done $0x0  }
0x21: {  	[sflag:s13] =	ssyncadd.s32 $0xFFFFE000  }
0x22: {  	_ =	swait.ge [sflag:s14], $0x2000  }
0x23: {  	[sflag:s14] =	ssyncset.done $0x0  }
0x24: {  	[sflag:s14] =	ssyncadd.s32 $0xFFFFE000  }
0x25: {  	_ =	swait.ge [sflag:s15], $0x2000  }
0x26: {  	[sflag:s15] =	ssyncset.done $0x0  }
0x27: {  	[sflag:s15] =	ssyncadd.s32 $0xFFFFE000  }
0x28: {  	_ =	swait.ge [sflag:s21], $0x2000  }
0x29: {  	[sflag:s21] =	ssyncset.done $0x0  }
0x2a: {  	[sflag:s21] =	ssyncadd.s32 $0xFFFFE000  }
0x2b: {  	_ =	swait.ge [sflag:s16], $0x2000  }
0x2c: {  	[sflag:s16] =	ssyncset.done $0x0  }
0x2d: {  	[sflag:s16] =	ssyncadd.s32 $0xFFFFE000  }
0x2e: {  	[bflag:$0x0] =	sbarrier.arrive $0xFFFF  }
0x2f: {  	s6 =	rddreg [dreg:$0x5]  }
0x30: {  	s2 =	rddreg [dreg:$0xc]  }
0x31: {  	s7 =	simm.s32 $0x15;
	s4 =	rddreg [dreg:$0x12]  }
0x32: {  	[hbm:s2], [sflag:s6] =	dma.local [spmem:s4], $0x2780  }
0x33: {  	_ =	swait.ge [sflag:s7], $0x2780  }
0x34: {  	s8 =	rddreg [dreg:$0x13]  }
0x35: {  	s31 =	rddreg [dreg:$0xb];
	s8 =	sadd.s32 $0x1, s8  }
0x36: {  	p0 =	sne.s32 s8, s31  }
.Ltmp1:
0x37: {  	_ = 	snop;
	(pc) =	sbr.rel @!p0 .LBB2_5-.Ltmp1, $3  }
0x38: {  	_ =	sdelay $0x1  }
0x39: {  	[sflag:s7] =	ssyncset.done $0x0  }
0x3a: {  	[sflag:s7] =	ssyncadd.s32 $0xFFFFD880  }
.LBB2_1:
0x3b: {  	[dreg:$0x13] =	wrdreg s8  }
0x3c: {  	s2 =	rddreg [dreg:$0x4]  }
0x3d: {  	[spmem:s4], [sflag:s6] =	dma.local [hbm:s2], $0x2780  }
0x3e: {  	_ =	swait.ge [sflag:s7], $0x2780  }
0x3f: {  	[sflag:s7] =	ssyncset.done $0x0  }
0x40: {  	[sflag:s7] =	ssyncadd.s32 $0xFFFFD880  }
0x41: {  	[bflag:$0x0] =	sbarrier.arrive $0xFFFF  }
0x42: {  	s24 =	simm.s32 $0x0;
	s25 =	rddreg [dreg:$0x6]  }
0x43: {  	[tilespmem:s24], [sflag:$0x1] =	stream.linear.gather [hbm4b:s25+s24], $0x100, $0x38;
	[tilespmem:$0x1E600] =	vst v63  }
0x44: {  	s31 =	simm.s32 $0x100;
	s29 =	rddreg [dreg:$0x7]  }
0x45: {  	[tilespmem:s31], [sflag:$0x2] =	stream.linear.gather [hbm4b:s29+s24], $0x100, $0x38;
	[tilespmem:$0x1E600] =	vst v63  }
0x46: {  	s8 =	simm.s32 $0x200;
	s7 =	rddreg [dreg:$0x8]  }
0x47: {  	[tilespmem:s8], [sflag:$0x3] =	stream.linear.gather [hbm4b:s7+s24], $0x100, $0x38;
	[tilespmem:$0x1E600] =	vst v63  }
0x48: {  	s19 =	simm.s32 $0x300;
	s18 =	rddreg [dreg:$0x9]  }
0x49: {  	[tilespmem:s19], [sflag:$0x4] =	stream.linear.gather [hbm4b:s18+s24], $0x100, $0x38;
	[tilespmem:$0x1E600] =	vst v63  }
0x4a: {  	s17 =	simm.s32 $0x400;
	s22 =	simm.s32 $0x1;
	s20 =	rddreg [dreg:$0xa]  }
0x4b: {  	[tilespmem:s17], [sflag:$0x5] =	stream.linear.gather [hbm4b:s20+s24], $0x100, $0x38;
	[tilespmem:$0x1E600] =	vst v63  }
0x4c: {  	_ =	swait.ge [sflag:s22], $0x100  }
0x4d: {  	[sflag:s22] =	ssyncset.done $0x0  }
0x4e: {  	s23 =	simm.s32 $0x2;
	[sflag:s22] =	ssyncadd.s32 $0xFFFFFF00  }
0x4f: {  	[tilespmem:s28], [sflag:$0xB] =	stream.indirect.gather [hbm4b:s1+s26], $0x80, s24, s26, $0xb8;
	[tilespmem:$0x1E600] =	vst v63  }
0x50: {  	_ =	swait.ge [sflag:s23], $0x100  }
0x51: {  	[sflag:s23] =	ssyncset.done $0x0  }
0x52: {  	s25 =	simm.s32 $0x3;
	s24 =	simm.s32 $0x2A00;
	[sflag:s23] =	ssyncadd.s32 $0xFFFFFF00  }
0x53: {  	[tilespmem:s24], [sflag:$0xC] =	stream.indirect.gather [hbm4b:s1+s26], $0x80, s31, s26, $0xb8;
	[tilespmem:$0x1E600] =	vst v63  }
0x54: {  	_ =	swait.ge [sflag:s25], $0x100  }
0x55: {  	[sflag:s25] =	ssyncset.done $0x0  }
0x56: {  	s29 =	simm.s32 $0x4;
	[sflag:s25] =	ssyncadd.s32 $0xFFFFFF00  }
0x57: {  	[tilespmem:s0], [sflag:$0xD] =	stream.indirect.gather [hbm4b:s1+s26], $0x80, s8, s26, $0xb8;
	[tilespmem:$0x1E600] =	vst v63  }
0x58: {  	_ =	swait.ge [sflag:s29], $0x100  }
0x59: {  	[sflag:s29] =	ssyncset.done $0x0  }
0x5a: {  	s31 =	simm.s32 $0x5;
	[sflag:s29] =	ssyncadd.s32 $0xFFFFFF00  }
0x5b: {  	[tilespmem:s5], [sflag:$0xE] =	stream.indirect.gather [hbm4b:s1+s26], $0x80, s19, s26, $0xb8;
	[tilespmem:$0x1E600] =	vst v63  }
0x5c: {  	_ =	swait.ge [sflag:s31], $0x100  }
0x5d: {  	s18 =	rddreg [dreg:$0x11]  }
0x5e: {  	s23 =	rddreg [dreg:$0x10]  }
0x5f: {  	[sflag:s31] =	ssyncset.done $0x0;
	s24 =	rddreg [dreg:$0xe]  }
0x60: {  	s7 =	rddreg [dreg:$0xd];
	[sflag:s31] =	ssyncadd.s32 $0xFFFFFF00  }
0x61: {  	[tilespmem:s9], [sflag:$0xF] =	stream.indirect.gather [hbm4b:s1+s26], $0x80, s17, s26, $0xb8;
	[tilespmem:$0x1E600] =	vst v63  }
0x62: {  	s25 =	simm.s32 $0x0;
	s17 =	rddreg [dreg:$0xf]  }
.LBB2_2:
0x63: {  	s29 =	sand.u32 $0x1, s25  }
0x64: {  	p0 =	seq.s32 s29, $0x1;
	s29 =	simm.s32 $0x5  }
0x65: {  	_ =	swait.ge [sflag:s10], $0x2000;
	s29 =	simm.s32 @!p0 $0x0  }
0x66: {  	[sflag:s10] =	ssyncset.done $0x0;
	p0 =	seq.s32 s25, $0x1F;
	s2 =	sshll.u32 s29, $0x8  }
0x67: {  	[sflag:s10] =	ssyncadd.s32 $0xFFFFE000;
	s8 =	simm.s32 @p0 $0xC;
	s31 =	sor.u32 $0x80, s2  }
0x68: {  	[spmem:s3] =	stream.indirect.scatter.add.f32 [tilespmem:s28], [sflag:$0x10], $0x80, s31, s26, $0xb8;
	[tilespmem:$0x1E600] =	vst v63  }
0x69: {  	_ =	swait.ge @p0 [sflag:s8], $0x2000  }
0x6a: {  	s6 =	simm.s32 @p0 $0x40;
	s19 =	simm.s32 @p0 $0x2A00;
	[sflag:s8] =	ssyncset.done @p0 $0x0  }
0x6b: {  	s31 =	sxor.u32 $0x5, s29;
	[sflag:s8] =	ssyncadd.s32 @p0 $0xFFFFE000;
	s8 =	sadd.s32 @p0 $0x180, s2  }
0x6c: {  	[spmem:s3] =	stream.indirect.scatter.add.f32 @p0 [tilespmem:s19], [sflag:$0x11], $0x80, s8, s6, $0xb8;
	[tilespmem:$0x1E600] =	vst v63  }
0x6d: {  	s20 =	simm.s32 @!p0 $0x0;
	s8 =	sshll.u32 @!p0 s31, $0x8;
	s19 =	sadd.s32 @!p0 $0x1, s31  }
0x6e: {  	[tilespmem:s8], [sflag:s19] =	stream.linear.gather @!p0 [hbm4b:s18+s20], $0x100, $0x38;
	[tilespmem:$0x1E600] =	vst v63  }
0x6f: {  	s8 =	simm.s32 @!p0 $0xC  }
0x70: {  	_ =	swait.ge @!p0 [sflag:s8], $0x2000  }
0x71: {  	s22 =	simm.s32 @!p0 $0x2A00;
	[sflag:s8] =	ssyncset.done @!p0 $0x0  }
0x72: {  	s19 =	simm.s32 @!p0 $0x40;
	[sflag:s8] =	ssyncadd.s32 @!p0 $0xFFFFE000;
	s8 =	sadd.s32 @!p0 $0x180, s2  }
0x73: {  	[spmem:s3] =	stream.indirect.scatter.add.f32 @!p0 [tilespmem:s22], [sflag:$0x11], $0x80, s8, s19, $0xb8;
	[tilespmem:$0x1E600] =	vst v63  }
0x74: {  	s8 =	ssub.s32 @!p0 $0x6, s29  }
0x75: {  	s22 =	sxor.u32 @!p0 $0x7, s29;
	s8 =	sshll.u32 @!p0 s8, $0x8  }
0x76: {  	[tilespmem:s8], [sflag:s22] =	stream.linear.gather @!p0 [hbm4b:s23+s20], $0x100, $0x38;
	[tilespmem:$0x1E600] =	vst v63  }
0x77: {  	_ =	swait.ge [sflag:s11], $0x2000  }
0x78: {  	[sflag:s11] =	ssyncset.done $0x0  }
0x79: {  	s4 =	sadd.s32 $0x280, s2;
	s8 =	simm.s32 @p0 $0xE;
	[sflag:s11] =	ssyncadd.s32 $0xFFFFE000  }
0x7a: {  	[spmem:s3] =	stream.indirect.scatter.add.f32 [tilespmem:s0], [sflag:$0x12], $0x80, s4, s26, $0xb8;
	[tilespmem:$0x1E600] =	vst v63  }
0x7b: {  	_ =	swait.ge @p0 [sflag:s8], $0x2000  }
0x7c: {  	[sflag:s8] =	ssyncset.done @p0 $0x0  }
0x7d: {  	s4 =	simm.s32 @p0 $0x6A00;
	[sflag:s8] =	ssyncadd.s32 @p0 $0xFFFFE000;
	s8 =	sadd.s32 @p0 $0x380, s2  }
0x7e: {  	[spmem:s3] =	stream.indirect.scatter.add.f32 @p0 [tilespmem:s4], [sflag:$0x13], $0x80, s8, s6, $0xb8;
	[tilespmem:$0x1E600] =	vst v63  }
0x7f: {  	s4 =	sshll.u32 @!p0 s22, $0x8;
	s6 =	sadd.s32 @!p0 $0x1, s22  }
0x80: {  	[tilespmem:s4], [sflag:s6] =	stream.linear.gather @!p0 [hbm4b:s17+s20], $0x100, $0x38;
	[tilespmem:$0x1E600] =	vst v63  }
0x81: {  	s4 =	simm.s32 @!p0 $0xE  }
0x82: {  	_ =	swait.ge @!p0 [sflag:s4], $0x2000  }
0x83: {  	[sflag:s4] =	ssyncset.done @!p0 $0x0  }
0x84: {  	s6 =	simm.s32 @!p0 $0x6A00;
	[sflag:s4] =	ssyncadd.s32 @!p0 $0xFFFFE000;
	s4 =	sadd.s32 @!p0 $0x380, s2  }
0x85: {  	[spmem:s3] =	stream.indirect.scatter.add.f32 @!p0 [tilespmem:s6], [sflag:$0x13], $0x80, s4, s19, $0xb8;
	[tilespmem:$0x1E600] =	vst v63  }
0x86: {  	s4 =	ssub.s32 @!p0 $0x8, s29  }
0x87: {  	s6 =	ssub.s32 @!p0 $0x9, s29;
	s4 =	sshll.u32 @!p0 s4, $0x8  }
0x88: {  	[tilespmem:s4], [sflag:s6] =	stream.linear.gather @!p0 [hbm4b:s24+s20], $0x100, $0x38;
	[tilespmem:$0x1E600] =	vst v63  }
.Ltmp2:
0x89: {  	_ = 	snop;
	(pc) =	sbr.rel @p0 .LBB2_4-.Ltmp2, $4  }
0x8a: {  	_ =	swait.ge [sflag:s12], $0x2000  }
0x8b: {  	[sflag:s12] =	ssyncset.done $0x0  }
0x8c: {  	s2 =	sadd.s32 $0x480, s2;
	[sflag:s12] =	ssyncadd.s32 $0xFFFFE000  }
0x8d: {  	[spmem:s3] =	stream.indirect.scatter.add.f32 [tilespmem:s9], [sflag:$0x14], $0x80, s2, s26, $0xb8;
	[tilespmem:$0x1E600] =	vst v63  }
0x8e: {  	s2 =	ssub.s32 $0x9, s29  }
0x8f: {  	s6 =	ssub.s32 $0xA, s29;
	s4 =	sshll.u32 s2, $0x8  }
0x90: {  	[tilespmem:s4], [sflag:s6] =	stream.linear.gather [hbm4b:s7+s30], $0x100, $0x38;
	[tilespmem:$0x1E600] =	vst v63  }
0x91: {  	_ =	swait.ge [sflag:s13], $0x2000  }
0x92: {  	[sflag:s13] =	ssyncset.done $0x0  }
0x93: {  	s8 =	sadd.s32 $0x1, s31;
	[sflag:s13] =	ssyncadd.s32 $0xFFFFE000  }
0x94: {  	_ =	swait.ge [sflag:s8], $0x100  }
0x95: {  	[sflag:s8] =	ssyncset.done $0x0  }
0x96: {  	s22 =	sshll.u32 s31, $0x8;
	[sflag:s8] =	ssyncadd.s32 $0xFFFFFF00  }
0x97: {  	[tilespmem:s28], [sflag:$0xB] =	stream.indirect.gather [hbm4b:s1+s26], $0x80, s22, s26, $0xb8;
	[tilespmem:$0x1E600] =	vst v63  }
0x98: {  	_ =	swait.ge [sflag:s14], $0x2000  }
0x99: {  	[sflag:s14] =	ssyncset.done $0x0  }
0x9a: {  	s31 =	sxor.u32 $0x7, s29;
	[sflag:s14] =	ssyncadd.s32 $0xFFFFE000  }
0x9b: {  	_ =	swait.ge [sflag:s31], $0x100  }
0x9c: {  	s19 =	ssub.s32 $0x6, s29;
	[sflag:s31] =	ssyncset.done $0x0  }
0x9d: {  	s20 =	simm.s32 $0x2A00;
	s19 =	sshll.u32 s19, $0x8;
	[sflag:s31] =	ssyncadd.s32 $0xFFFFFF00  }
0x9e: {  	[tilespmem:s20], [sflag:$0xC] =	stream.indirect.gather [hbm4b:s1+s26], $0x80, s19, s26, $0xb8;
	[tilespmem:$0x1E600] =	vst v63  }
0x9f: {  	_ =	swait.ge [sflag:s15], $0x2000  }
0xa0: {  	[sflag:s15] =	ssyncset.done $0x0  }
0xa1: {  	s22 =	sadd.s32 $0x1, s31;
	[sflag:s15] =	ssyncadd.s32 $0xFFFFE000  }
0xa2: {  	_ =	swait.ge [sflag:s22], $0x100  }
0xa3: {  	[sflag:s22] =	ssyncset.done $0x0  }
0xa4: {  	s8 =	sshll.u32 s31, $0x8;
	[sflag:s22] =	ssyncadd.s32 $0xFFFFFF00  }
0xa5: {  	[tilespmem:s0], [sflag:$0xD] =	stream.indirect.gather [hbm4b:s1+s26], $0x80, s8, s26, $0xb8;
	[tilespmem:$0x1E600] =	vst v63  }
0xa6: {  	_ =	swait.ge [sflag:s21], $0x2000  }
0xa7: {  	[sflag:s21] =	ssyncset.done $0x0  }
0xa8: {  	[sflag:s21] =	ssyncadd.s32 $0xFFFFE000  }
0xa9: {  	_ =	swait.ge [sflag:s2], $0x100  }
0xaa: {  	s29 =	ssub.s32 $0x8, s29;
	[sflag:s2] =	ssyncset.done $0x0  }
0xab: {  	s31 =	sshll.u32 s29, $0x8;
	[sflag:s2] =	ssyncadd.s32 $0xFFFFFF00  }
0xac: {  	[tilespmem:s5], [sflag:$0xE] =	stream.indirect.gather [hbm4b:s1+s26], $0x80, s31, s26, $0xb8;
	[tilespmem:$0x1E600] =	vst v63  }
0xad: {  	_ =	swait.ge [sflag:s16], $0x2000  }
0xae: {  	[sflag:s16] =	ssyncset.done $0x0  }
.Ltmp3:
0xaf: {  	[sflag:s16] =	ssyncadd.s32 $0xFFFFE000;
	(pc) =	sbr.rel .LBB2_2-.Ltmp3, $4  }
0xb0: {  	s25 =	sadd.s32 $0x1, s25;
	s24 =	sadd.s32 $0xA0, s24;
	_ =	swait.ge [sflag:s6], $0x100  }
0xb1: {  	s17 =	sadd.s32 $0xA0, s17;
	s23 =	sadd.s32 $0xA0, s23;
	[sflag:s6] =	ssyncset.done $0x0  }
0xb2: {  	s18 =	sadd.s32 $0xA0, s18;
	s7 =	sadd.s32 $0xA0, s7;
	[sflag:s6] =	ssyncadd.s32 $0xFFFFFF00  }
0xb3: {  	[tilespmem:s9], [sflag:$0xF] =	stream.indirect.gather [hbm4b:s1+s26], $0x80, s4, s26, $0xb8;
	[tilespmem:$0x1E600] =	vst v63  }
.LBB2_5:
0xb4: {  	_ =	sfence.sel $0x180000  }
0xb5: {  	[bflag:$0x0] =	sbarrier.arrive $0xFFFF  }
0xb6: {  	_ =	strace $0x9000004A  }
0xb7: {  	s0 =	stileid.u32;
	[bflag:$0x2] =	sbarrier.arrive $0xFFFF  }
0xb8: {  	p0 =	sne.s32 s0, $0x0;
	s0 =	rddreg [dreg:$0x3]  }
0xb9: {  	s0 =	sadd.s32 @!p0 $0x100000, s0  }
0xba: {  	[sflag:s0] =	ssyncadd.tile.s32 @!p0 $0x1;
	_ =	shalt  }
.Lfunc_end2:
_tile_overlayer_lowered:
.L_overlay_start_2:
0xbb: {  	(tag) =	ssettag $0x2  }
0xbc: {  	s0 =	rddreg [dreg:$0x0];
	s2 =	stileid.u32  }
0xbd: {  	s1 =	rddreg [dreg:$0x1];
	p0 =	sne.s32 s2, $0x0  }
0xbe: {  	s3 =	rddreg [dreg:$0x2];
	[bflag:$0x3] =	sbarrier.arrive $0xFFFF;
	s2 =	simm.s32 @!p0 $0x1C15  }
0xbf: {  	[timem:s3], [sflag:s2] =	dma.local @!p0 [hbm:s0], s1  }
0xc0: {  	s0 =	simm.s32 @!p0 $0x15  }
0xc1: {  	_ =	swait.ge @!p0 [sflag:s0], s1  }
0xc2: {  	s1 =	ssub.s32 @!p0 $0x0, s1;
	[sflag:s0] =	ssyncset.done @!p0 $0x0  }
0xc3: {  	[sflag:s0] =	ssyncadd.s32 @!p0 s1  }
0xc4: {  	[bflag:$0x3] =	sbarrier.arrive $0xFFFF  }
0xc5: {  	_ =	shalt  }

// kernel: kernel.14.cloned.1.call-start
scs
__scs_entry_jumppad:
0x0: {  	(pc) =	sbr.rel $0x88, $3  }
0x1: {  	(tag) =	ssettag $0x0;
	lr =	simm.s32 $0x1  }
0x2: {  	[smem:$0x3F93] =	sst lr;
	_ =	strace $0xD0000000  }
0x3: {  	_ = 	snop  }
0x4: {  	_ = 	snop  }
0x5: {  	_ = 	snop  }
0x6: {  	_ = 	snop  }
0x7: {  	_ = 	snop  }
__scs_overlays_trampoline_lowered:
0x8: {  	[smem:$0x3FA2] =	sst s0  }
0x9: {  	[smem:$0x3FA3] =	sst s1  }
0xa: {  	[smem:$0x3FA4] =	sst s2  }
0xb: {  	[smem:$0x3FA5] =	sst s3  }
0xc: {  	[smem:$0x3FA6] =	sst s4  }
0xd: {  	[smem:$0x3FA7] =	sst s5  }
0xe: {  	[smem:$0x3FA8] =	sst s6  }
0xf: {  	[smem:$0x3FA9] =	sst s7  }
0x10: {  	[smem:$0x3FAA] =	sst s8  }
0x11: {  	[smem:$0x3FAB] =	sst s9;
	s0 =	simm.s32 @!p0 $0x0  }
0x12: {  	s1 =	sld [smem:$0x3F91];
	s0 =	simm.s32 @p0 $0x1  }
0x13: {  	[smem:$0x3FAC] =	sst s0;
	s0 =	simm.s32 @!p1 $0x0  }
0x14: {  	s2 =	sld [smem:$0x3F90];
	s0 =	simm.s32 @p1 $0x1  }
0x15: {  	[smem:$0x3FAD] =	sst s0;
	s0 =	simm.s32 @!p2 $0x0  }
0x16: {  	s3 =	sld [smem:$0x3FDB];
	s0 =	simm.s32 @p2 $0x1  }
0x17: {  	s4 =	simm.s32 $0x1BF5;
	[smem:$0x3FAF] =	sst s0  }
0x18: {  	s0 =	sld [smem:$0x3F92];
	_ =	swait.ge [sflag:s4], $0x0  }
0x19: {  	s7 =	sld [smem:$0x3F93]  }
0x1a: {  	s8 =	sadd.s32 $0xFFFFE003, lr  }
0x1b: {  	s9 =	sadd.s32 $0xFFFFFEF7, lr;
	s5 =	simm.s32 $0xFFFFFFFF;
	p2 =	slt.u32 s8, $0xFFFFF086  }
0x1c: {  	p1 =	slt.u32 s9, $0xF7A;
	s5 =	simm.s32 @!p2 $0x0  }
0x1d: {  	s5 =	simm.s32 @p1 $0x1;
	p0 =	seq.s32 s7, s2  }
0x1e: {  	s7 =	smul.u32 @!p0 $0xF7A, s2;
	p2 =	seq.s32 @!p0 s5, $0x0  }
0x1f: {  	s9 =	smul.u32 $0xF7A, s1;
	s8 =	simm.s32 @!p0 $0x1BF5;
	p2 =	por !p2, p0  }
0x20: {  	[sflag:s8] =	ssyncset.s32 @!p0 $0xFFFFF086;
	s6 =	sadd.s32 @!p0 s3, s7;
	s7 =	simm.s32 @!p0 $0x108  }
0x21: {  	s3 =	sadd.s32 s3, s9;
	s6 =	sadd.s32 @!p0 $0x88, s6;
	s7 =	simm.s32 @p2 $0x1082  }
0x22: {  	[simem:s7], [sflag:s8] =	dma.local @!p0 [hbm:s6], $0xF7A  }
0x23: {  	s9 =	sor.u32 $0xD0000000, s2;
	s6 =	simm.s32 $0x108;
	_ =	swait.ge @!p0 [sflag:s8], $0x0  }
0x24: {  	s3 =	sadd.s32 $0x88, s3;
	s6 =	simm.s32 @!p1 $0x1082;
	[sflag:s4] =	ssyncset.s32 $0xFFFFF086  }
0x25: {  	[simem:s6], [sflag:s4] =	dma.local [hbm:s3], $0xF7A  }
0x26: {  	[smem:$0x3F93] =	sst s1;
	(tag) =	ssettag s2;
	_ =	strace s9  }
0x27: {  	s1 =	sld [smem:$0x3FA3]  }
0x28: {  	s2 =	sld [smem:$0x3FA4]  }
0x29: {  	s4 =	sld [smem:$0x3FA6]  }
0x2a: {  	p0 =	seq.s32 s5, $0x0;
	s5 =	sld [smem:$0x3FA7]  }
0x2b: {  	s6 =	sld [smem:$0x3FA8]  }
0x2c: {  	s7 =	sld [smem:$0x3FA9]  }
0x2d: {  	s3 =	simm.s32 $0x108;
	s8 =	sld [smem:$0x3FAA]  }
0x2e: {  	s3 =	simm.s32 @!p0 $0x1082;
	s9 =	sld [smem:$0x3FAB]  }
0x2f: {  	lr =	sadd.s32 s0, s3;
	s0 =	sld [smem:$0x3FA2]  }
0x30: {  	s3 =	sld [smem:$0x3FA5]  }
0x31: {  	[smem:$0x3FAE] =	sst s10  }
0x32: {  	s10 =	sld [smem:$0x3FAC];
	_ =	sdelay $0x3  }
0x33: {  	p0 =	seq.s32 s10, $0x1;
	s10 =	sld [smem:$0x3FAE];
	_ =	sdelay $0x3  }
0x34: {  	[smem:$0x3FAE] =	sst s10  }
0x35: {  	s10 =	sld [smem:$0x3FAD];
	_ =	sdelay $0x3  }
0x36: {  	p1 =	seq.s32 s10, $0x1;
	s10 =	sld [smem:$0x3FAE];
	_ =	sdelay $0x3  }
0x37: {  	[smem:$0x3FAE] =	sst s10  }
0x38: {  	s10 =	sld [smem:$0x3FAF]  }
0x39: {  	_ = 	snop;
	(pc) =	sbr.ind lr, $3  }
0x3a: {  	_ = 	snop  }
0x3b: {  	_ = 	snop  }
0x3c: {  	p2 =	seq.s32 s10, $0x1;
	s10 =	sld [smem:$0x3FAE]  }
0x3d: {  	_ =	shalt  }
0x3e: {  	_ =	shalt  }
0x3f: {  	_ =	shalt  }
0x40: {  	_ =	shalt  }
0x41: {  	_ =	shalt  }
0x42: {  	_ =	shalt  }
0x43: {  	_ =	shalt  }
0x44: {  	_ =	shalt  }
0x45: {  	_ =	shalt  }
0x46: {  	_ =	shalt  }
0x47: {  	_ =	shalt  }
0x48: {  	_ =	shalt  }
0x49: {  	_ =	shalt  }
0x4a: {  	_ =	shalt  }
0x4b: {  	_ =	shalt  }
0x4c: {  	_ =	shalt  }
0x4d: {  	_ =	shalt  }
0x4e: {  	_ =	shalt  }
0x4f: {  	_ =	shalt  }
0x50: {  	_ =	shalt  }
0x51: {  	_ =	shalt  }
0x52: {  	_ =	shalt  }
0x53: {  	_ =	shalt  }
0x54: {  	_ =	shalt  }
0x55: {  	_ =	shalt  }
0x56: {  	_ =	shalt  }
0x57: {  	_ =	shalt  }
0x58: {  	_ =	shalt  }
0x59: {  	_ =	shalt  }
0x5a: {  	_ =	shalt  }
0x5b: {  	_ =	shalt  }
0x5c: {  	_ =	shalt  }
0x5d: {  	_ =	shalt  }
0x5e: {  	_ =	shalt  }
0x5f: {  	_ =	shalt  }
0x60: {  	_ =	shalt  }
0x61: {  	_ =	shalt  }
0x62: {  	_ =	shalt  }
0x63: {  	_ =	shalt  }
0x64: {  	_ =	shalt  }
0x65: {  	_ =	shalt  }
0x66: {  	_ =	shalt  }
0x67: {  	_ =	shalt  }
0x68: {  	_ =	shalt  }
0x69: {  	_ =	shalt  }
0x6a: {  	_ =	shalt  }
0x6b: {  	_ =	shalt  }
0x6c: {  	_ =	shalt  }
0x6d: {  	_ =	shalt  }
0x6e: {  	_ =	shalt  }
0x6f: {  	_ =	shalt  }
0x70: {  	_ =	shalt  }
0x71: {  	_ =	shalt  }
0x72: {  	_ =	shalt  }
0x73: {  	_ =	shalt  }
0x74: {  	_ =	shalt  }
0x75: {  	_ =	shalt  }
0x76: {  	_ =	shalt  }
0x77: {  	_ =	shalt  }
0x78: {  	_ =	shalt  }
0x79: {  	_ =	shalt  }
0x7a: {  	_ =	shalt  }
0x7b: {  	_ =	shalt  }
0x7c: {  	_ =	shalt  }
0x7d: {  	_ =	shalt  }
0x7e: {  	_ =	shalt  }
0x7f: {  	_ =	shalt  }
0x80: {  	_ =	shalt  }
0x81: {  	_ =	shalt  }
0x82: {  	_ =	shalt  }
0x83: {  	_ =	shalt  }
0x84: {  	_ =	shalt  }
0x85: {  	_ =	shalt  }
0x86: {  	_ =	shalt  }
0x87: {  	_ =	shalt  }
.Lfunc_end0:
.L_simem_size_0:
called_computation.2_lowered:
.L_overlay_start_0:
0x88: {  	s2 =	sld [smem:$0x3FD9]  }
0x89: {  	s3 =	sld [smem:$0x3FFE];
	_ =	sdelay $0x1  }
0x8a: {  	s1 =	srdreg.scid  }
0x8b: {  	s0 =	sand.u32 $0x1, s1  }
0x8c: {  	s17 =	sshll.u32 s0, $0xA;
	s2 =	sadd.s32 s3, s2  }
0x8d: {  	s2 =	sadd.s32 s2, s17  }
0x8e: {  	[smem:$0x3FBA] =	sst s2  }
0x8f: {  	_ = 	snop  }
0x90: {  	s2 =	sld [smem:$0x3FD0];
	(tm) =	ssettm $0x1  }
0x91: {  	s18 =	sld [smem:$0x3FFB];
	_ =	sdelay $0x3  }
0x92: {  	_ =	strace s18  }
0x93: {  	s3 =	sld [smem:$0x3FFC];
	_ =	sdelay $0x3  }
0x94: {  	_ =	strace s3  }
0x95: {  	s3 =	sld [smem:$0x3FFD];
	_ =	sdelay $0x3  }
0x96: {  	_ =	strace s3  }
0x97: {  	_ =	strace $0x8FFFFFFF  }
0x98: {  	s19 =	sld [smem:$0x3FDB];
	_ =	sdelay $0x1  }
0x99: {  	s4 =	simm.s32 $_scs_section_size  }
0x9a: {  	s5 =	simm.s32 $_size__tile_overlayer_lowered;
	s6 =	simm.s32 $_tile_overlayer_lowered  }
0x9b: {  	s22 =	simm.s32 $0x1BFF;
	s21 =	sshll.u32 s6, $0x1;
	s3 =	sadd.s32 s4, s19  }
0x9c: {  	s7 =	simm.s32 $0x0;
	s20 =	sshll.u32 s5, $0x1;
	s5 =	sadd.s32 s21, s3  }
0x9d: {  	[timem:s7], [sflag:s22] =	dma.local [hbm:s5], s20  }
0x9e: {  	_ =	swait.ge [sflag:s22], s20  }
0x9f: {  	s4 =	ssub.s32 $0x0, s20;
	[sflag:s22] =	ssyncset.done $0x0  }
0xa0: {  	[sflag:s22] =	ssyncadd.s32 s4;
	_ =	sdelay $0x1  }
0xa1: {  	s23 =	simm.s32 $0x1B8B  }
0xa2: {  	_ =	swait.ge [sflag:s23], $0x1  }
0xa3: {  	[sflag:s23] =	ssyncset.done $0x0  }
0xa4: {  	s25 =	simm.s32 $0x1B8E;
	s24 =	sld [smem:$0x3FFE];
	[sflag:s23] =	ssyncadd.s32 $0xFFFFFFFF  }
0xa5: {  	s26 =	simm.s32 $execute0_lowered;
	[smem:$0x3FD2] =	sst s25  }
0xa6: {  	s5 =	sshll.u32 s26, $0x1;
	_ =	strace $0x8000004C;
	[dreg:$0x1] =	wrdreg $0xFFFFFFFF  }
0xa7: {  	s28 =	simm.s32 $_size_execute0_lowered;
	s3 =	sadd.s32 s3, s5;
	[dreg:$0x0] =	wrdreg $0x0  }
0xa8: {  	s5 =	sshll.u32 s28, $0x1;
	[dreg:$0x2] =	wrdreg s3  }
0xa9: {  	[dreg:$0x3] =	wrdreg s5  }
0xaa: {  	[dreg:$0x4] =	wrdreg $0xC0  }
0xab: {  	_ =	task [dreg:s7], $0x5FFFF  }
0xac: {  	[dreg:$0x1] =	wrdreg $0xFFFFFFFF  }
0xad: {  	[dreg:$0x0] =	wrdreg $0x60  }
0xae: {  	[dreg:$0x2] =	wrdreg s2  }
0xaf: {  	[dreg:$0x3] =	wrdreg s24  }
0xb0: {  	[dreg:$0x4] =	wrdreg $0xAA000  }
0xb1: {  	[dreg:$0x5] =	wrdreg $0x9  }
0xb2: {  	_ =	task.clear_ibuf [dreg:s7], $0x6FFFF;
	_ =	strace $0x9000004C  }
0xb3: {  	s29 =	simm.s32 $0x9;
	_ =	strace $0x8000004E  }
0xb4: {  	_ =	swait.ge [sflag:s29], $0x1  }
0xb5: {  	[sflag:s29] =	ssyncadd.s32 $0xFFFFFFFF  }
0xb6: {  	_ =	strace $0x9000004E  }
0xb7: {  	_ =	sfence  }
0xb8: {  	s30 =	sld [smem:$0x0];
	_ =	sdelay $0x2  }
0xb9: {  	s31 =	sshll.u32 s1, $0xD;
	s1 =	sshrl.u32 s1, $0x2  }
0xba: {  	s3 =	sand.u32 $0x4000, s31;
	s1 =	sadd.s32 s1, s30  }
0xbb: {  	s0 =	sor.u32 s3, s0;
	s1 =	sshll.u32 s1, $0x11  }
0xbc: {  	s0 =	sor.u32 s1, s0  }
0xbd: {  	s0 =	sadd.s32 $0x8F2B, s0  }
0xbe: {  	[sflag:s0] =	ssyncadd.remote.s32 $0x1  }
0xbf: {  	_ =	sfence.sel $0xFFFF  }
0xc0: {  	[dreg:$0x0] =	wrdreg $0xFFFFFFFF;
	(pc) =	sbr.abs _section_cstart, $3  }
0xc1: {  	[dreg:$0x1] =	wrdreg $0xFFFFFFFF  }
0xc2: {  	_ =	task.clear_ibuf [dreg:s7], $0x2FFFF;
	_ =	strace $0x9FFFFFFF  }
0xc3: {  	(tm) =	ssettm $0x7FFFFFFF  }
tec
execute0_lowered:
.L_overlay_start_1:
0x0: {  	(tag) =	ssettag $0x1  }
0x1: {  	s1 =	rddreg [dreg:$0x0]  }
0x2: {  	s0 =	rddreg [dreg:$0x1]  }
0x3: {  	s3 =	rddreg [dreg:$0x2];
	s2 =	simm.s32 $0x0;
	s4 =	stileid.u32  }
0x4: {  	s11 =	srdreg.scid;
	s28 =	simm.s32 $0xA00;
	s30 =	simm.s32 $0x0  }
0x5: {  	[smem:$0x7FF] =	sst s2;
	s5 =	smul.u32 $0x2780, s4;
	s2 =	sand.u32 $0x1, s11  }
0x6: {  	s7 =	sadd.s32 $0x54A00, s0;
	s6 =	smul.u32 $0x4F000, s4;
	s15 =	sshll.u32 s4, $0x6  }
0x7: {  	s16 =	smul.u32 $0xA000, s4;
	_ =	strace $0x8000004D;
	s8 =	sshll.u32 s2, $0x4  }
0x8: {  	s12 =	ssub.s32 $0x2, s2;
	s10 =	smul.u32 $0xA0000, s2;
	p0 =	seq.s32 s2, $0x1  }
0x9: {  	s0 =	sadd.s32 s5, s0;
	s8 =	sor.u32 s4, s8;
	s9 =	sshrl.u32 s12, $0x1  }
0xa: {  	s6 =	sshrl.u32 s6, $0x2;
	s8 =	smul.u32 $0xA000, s8;
	s5 =	ssub.s32 s12, s9  }
0xb: {  	s13 =	sadd.s32 s6, s3;
	s14 =	sadd.s32 $0x4400, s0;
	s6 =	sor.u32 $0x1C15, s15  }
0xc: {  	s21 =	sadd.s32 s16, s10;
	s9 =	simm.s32 $0x8A00;
	s12 =	simm.s32 $0xF  }
0xd: {  	s15 =	simm.s32 $0x12;
	s16 =	simm.s32 $0x14;
	[dreg:$0x4] =	wrdreg s14  }
0xe: {  	s22 =	smax.u32 s5, $0x1;
	s5 =	simm.s32 $0x7CA00;
	s10 =	sor.u32 $0x800, s21  }
0xf: {  	s25 =	sor.u32 $0x700, s21;
	s26 =	sor.u32 $0x600, s21;
	s2 =	sor.u32 $0x500, s21  }
0x10: {  	s4 =	sshrl.u32 s13, $0x3;
	s13 =	simm.s32 $0x10;
	[dreg:$0x5] =	wrdreg s6  }
0x11: {  	s14 =	simm.s32 $0x11;
	s8 =	sshrl.u32 s8, $0x3;
	[dreg:$0xb] =	wrdreg s22  }
0x12: {  	s5 =	simm.s32 @!p0 $0x2BC00;
	s24 =	sshrl.u32 s10, $0x3;
	s31 =	sshrl.u32 s2, $0x3  }
0x13: {  	s10 =	simm.s32 $0xB;
	[dreg:$0x12] =	wrdreg s4;
	s11 =	sadd.s32 s7, s8  }
0x14: {  	s8 =	sor.u32 $0x900, s21;
	s0 =	sadd.s32 s5, s0;
	[dreg:$0x6] =	wrdreg s11  }
0x15: {  	s5 =	sshrl.u32 s26, $0x3;
	s17 =	sadd.s32 $0x20, s11;
	[dreg:$0xc] =	wrdreg s0  }
0x16: {  	s26 =	simm.s32 $0x40;
	s18 =	sadd.s32 $0x40, s11;
	[dreg:$0x7] =	wrdreg s17  }
0x17: {  	s21 =	simm.s32 $0x13;
	s19 =	sadd.s32 $0x60, s11;
	[dreg:$0x8] =	wrdreg s18  }
0x18: {  	s20 =	sadd.s32 $0x80, s11;
	s8 =	sshrl.u32 s8, $0x3;
	[dreg:$0x9] =	wrdreg s19  }
0x19: {  	s0 =	sadd.s32 s24, s7;
	s29 =	sadd.s32 s5, s7;
	[dreg:$0xa] =	wrdreg s20  }
.Ltmp0:
0x1a: {  	s5 =	simm.s32 $0x6A00;
	[dreg:$0xe] =	wrdreg s0;
	(pc) =	sbr.rel .LBB2_1-.Ltmp0, $4  }
0x1b: {  	s23 =	sadd.s32 s8, s7;
	s0 =	sshrl.u32 s25, $0x3;
	[dreg:$0x10] =	wrdreg s29  }
0x1c: {  	s11 =	simm.s32 $0xD;
	[dreg:$0xd] =	wrdreg s23;
	s0 =	sadd.s32 s0, s7  }
0x1d: {  	s8 =	simm.s32 $0x0;
	[dreg:$0xf] =	wrdreg s0;
	s0 =	sadd.s32 s31, s7  }
0x1e: {  	s7 =	simm.s32 $0x15;
	[dreg:$0x11] =	wrdreg s0;
	s0 =	simm.s32 $0x4A00  }
.LBB2_4:
0x1f: {  	_ =	swait.ge [sflag:s13], $0x2000  }
0x20: {  	[sflag:s13] =	ssyncset.done $0x0  }
0x21: {  	[sflag:s13] =	ssyncadd.s32 $0xFFFFE000  }
0x22: {  	_ =	swait.ge [sflag:s14], $0x2000  }
0x23: {  	[sflag:s14] =	ssyncset.done $0x0  }
0x24: {  	[sflag:s14] =	ssyncadd.s32 $0xFFFFE000  }
0x25: {  	_ =	swait.ge [sflag:s15], $0x2000  }
0x26: {  	[sflag:s15] =	ssyncset.done $0x0  }
0x27: {  	[sflag:s15] =	ssyncadd.s32 $0xFFFFE000  }
0x28: {  	_ =	swait.ge [sflag:s21], $0x2000  }
0x29: {  	[sflag:s21] =	ssyncset.done $0x0  }
0x2a: {  	[sflag:s21] =	ssyncadd.s32 $0xFFFFE000  }
0x2b: {  	_ =	swait.ge [sflag:s16], $0x2000  }
0x2c: {  	[sflag:s16] =	ssyncset.done $0x0  }
0x2d: {  	[sflag:s16] =	ssyncadd.s32 $0xFFFFE000  }
0x2e: {  	[bflag:$0x0] =	sbarrier.arrive $0xFFFF  }
0x2f: {  	s6 =	rddreg [dreg:$0x5]  }
0x30: {  	s2 =	rddreg [dreg:$0xc]  }
0x31: {  	s7 =	simm.s32 $0x15;
	s4 =	rddreg [dreg:$0x12]  }
0x32: {  	[hbm:s2], [sflag:s6] =	dma.local [spmem:s4], $0x2780  }
0x33: {  	_ =	swait.ge [sflag:s7], $0x2780  }
0x34: {  	s8 =	rddreg [dreg:$0x13]  }
0x35: {  	s31 =	rddreg [dreg:$0xb];
	s8 =	sadd.s32 $0x1, s8  }
0x36: {  	p0 =	sne.s32 s8, s31  }
.Ltmp1:
0x37: {  	_ = 	snop;
	(pc) =	sbr.rel @!p0 .LBB2_5-.Ltmp1, $3  }
0x38: {  	_ =	sdelay $0x1  }
0x39: {  	[sflag:s7] =	ssyncset.done $0x0  }
0x3a: {  	[sflag:s7] =	ssyncadd.s32 $0xFFFFD880  }
.LBB2_1:
0x3b: {  	[dreg:$0x13] =	wrdreg s8  }
0x3c: {  	s2 =	rddreg [dreg:$0x4]  }
0x3d: {  	[spmem:s4], [sflag:s6] =	dma.local [hbm:s2], $0x2780  }
0x3e: {  	_ =	swait.ge [sflag:s7], $0x2780  }
0x3f: {  	[sflag:s7] =	ssyncset.done $0x0  }
0x40: {  	[sflag:s7] =	ssyncadd.s32 $0xFFFFD880  }
0x41: {  	[bflag:$0x0] =	sbarrier.arrive $0xFFFF  }
0x42: {  	s24 =	simm.s32 $0x0;
	s25 =	rddreg [dreg:$0x6]  }
0x43: {  	[tilespmem:s24], [sflag:$0x1] =	stream.linear.gather [hbm4b:s25+s24], $0x100, $0x38;
	[tilespmem:$0x1E600] =	vst v63  }
0x44: {  	s31 =	simm.s32 $0x100;
	s29 =	rddreg [dreg:$0x7]  }
0x45: {  	[tilespmem:s31], [sflag:$0x2] =	stream.linear.gather [hbm4b:s29+s24], $0x100, $0x38;
	[tilespmem:$0x1E600] =	vst v63  }
0x46: {  	s8 =	simm.s32 $0x200;
	s7 =	rddreg [dreg:$0x8]  }
0x47: {  	[tilespmem:s8], [sflag:$0x3] =	stream.linear.gather [hbm4b:s7+s24], $0x100, $0x38;
	[tilespmem:$0x1E600] =	vst v63  }
0x48: {  	s19 =	simm.s32 $0x300;
	s18 =	rddreg [dreg:$0x9]  }
0x49: {  	[tilespmem:s19], [sflag:$0x4] =	stream.linear.gather [hbm4b:s18+s24], $0x100, $0x38;
	[tilespmem:$0x1E600] =	vst v63  }
0x4a: {  	s17 =	simm.s32 $0x400;
	s22 =	simm.s32 $0x1;
	s20 =	rddreg [dreg:$0xa]  }
0x4b: {  	[tilespmem:s17], [sflag:$0x5] =	stream.linear.gather [hbm4b:s20+s24], $0x100, $0x38;
	[tilespmem:$0x1E600] =	vst v63  }
0x4c: {  	_ =	swait.ge [sflag:s22], $0x100  }
0x4d: {  	[sflag:s22] =	ssyncset.done $0x0  }
0x4e: {  	s23 =	simm.s32 $0x2;
	[sflag:s22] =	ssyncadd.s32 $0xFFFFFF00  }
0x4f: {  	[tilespmem:s28], [sflag:$0xB] =	stream.indirect.gather [hbm4b:s1+s26], $0x80, s24, s26, $0xb8;
	[tilespmem:$0x1E600] =	vst v63  }
0x50: {  	_ =	swait.ge [sflag:s23], $0x100  }
0x51: {  	[sflag:s23] =	ssyncset.done $0x0  }
0x52: {  	s25 =	simm.s32 $0x3;
	s24 =	simm.s32 $0x2A00;
	[sflag:s23] =	ssyncadd.s32 $0xFFFFFF00  }
0x53: {  	[tilespmem:s24], [sflag:$0xC] =	stream.indirect.gather [hbm4b:s1+s26], $0x80, s31, s26, $0xb8;
	[tilespmem:$0x1E600] =	vst v63  }
0x54: {  	_ =	swait.ge [sflag:s25], $0x100  }
0x55: {  	[sflag:s25] =	ssyncset.done $0x0  }
0x56: {  	s29 =	simm.s32 $0x4;
	[sflag:s25] =	ssyncadd.s32 $0xFFFFFF00  }
0x57: {  	[tilespmem:s0], [sflag:$0xD] =	stream.indirect.gather [hbm4b:s1+s26], $0x80, s8, s26, $0xb8;
	[tilespmem:$0x1E600] =	vst v63  }
0x58: {  	_ =	swait.ge [sflag:s29], $0x100  }
0x59: {  	[sflag:s29] =	ssyncset.done $0x0  }
0x5a: {  	s31 =	simm.s32 $0x5;
	[sflag:s29] =	ssyncadd.s32 $0xFFFFFF00  }
0x5b: {  	[tilespmem:s5], [sflag:$0xE] =	stream.indirect.gather [hbm4b:s1+s26], $0x80, s19, s26, $0xb8;
	[tilespmem:$0x1E600] =	vst v63  }
0x5c: {  	_ =	swait.ge [sflag:s31], $0x100  }
0x5d: {  	s18 =	rddreg [dreg:$0x11]  }
0x5e: {  	s23 =	rddreg [dreg:$0x10]  }
0x5f: {  	[sflag:s31] =	ssyncset.done $0x0;
	s24 =	rddreg [dreg:$0xe]  }
0x60: {  	s7 =	rddreg [dreg:$0xd];
	[sflag:s31] =	ssyncadd.s32 $0xFFFFFF00  }
0x61: {  	[tilespmem:s9], [sflag:$0xF] =	stream.indirect.gather [hbm4b:s1+s26], $0x80, s17, s26, $0xb8;
	[tilespmem:$0x1E600] =	vst v63  }
0x62: {  	s25 =	simm.s32 $0x0;
	s17 =	rddreg [dreg:$0xf]  }
.LBB2_2:
0x63: {  	s29 =	sand.u32 $0x1, s25  }
0x64: {  	p0 =	seq.s32 s29, $0x1;
	s29 =	simm.s32 $0x5  }
0x65: {  	_ =	swait.ge [sflag:s10], $0x2000;
	s29 =	simm.s32 @!p0 $0x0  }
0x66: {  	[sflag:s10] =	ssyncset.done $0x0;
	p0 =	seq.s32 s25, $0x1F;
	s2 =	sshll.u32 s29, $0x8  }
0x67: {  	[sflag:s10] =	ssyncadd.s32 $0xFFFFE000;
	s8 =	simm.s32 @p0 $0xC;
	s31 =	sor.u32 $0x80, s2  }
0x68: {  	[spmem:s3] =	stream.indirect.scatter.add.f32 [tilespmem:s28], [sflag:$0x10], $0x80, s31, s26, $0xb8;
	[tilespmem:$0x1E600] =	vst v63  }
0x69: {  	_ =	swait.ge @p0 [sflag:s8], $0x2000  }
0x6a: {  	s6 =	simm.s32 @p0 $0x40;
	s19 =	simm.s32 @p0 $0x2A00;
	[sflag:s8] =	ssyncset.done @p0 $0x0  }
0x6b: {  	s31 =	sxor.u32 $0x5, s29;
	[sflag:s8] =	ssyncadd.s32 @p0 $0xFFFFE000;
	s8 =	sadd.s32 @p0 $0x180, s2  }
0x6c: {  	[spmem:s3] =	stream.indirect.scatter.add.f32 @p0 [tilespmem:s19], [sflag:$0x11], $0x80, s8, s6, $0xb8;
	[tilespmem:$0x1E600] =	vst v63  }
0x6d: {  	s20 =	simm.s32 @!p0 $0x0;
	s8 =	sshll.u32 @!p0 s31, $0x8;
	s19 =	sadd.s32 @!p0 $0x1, s31  }
0x6e: {  	[tilespmem:s8], [sflag:s19] =	stream.linear.gather @!p0 [hbm4b:s18+s20], $0x100, $0x38;
	[tilespmem:$0x1E600] =	vst v63  }
0x6f: {  	s8 =	simm.s32 @!p0 $0xC  }
0x70: {  	_ =	swait.ge @!p0 [sflag:s8], $0x2000  }
0x71: {  	s22 =	simm.s32 @!p0 $0x2A00;
	[sflag:s8] =	ssyncset.done @!p0 $0x0  }
0x72: {  	s19 =	simm.s32 @!p0 $0x40;
	[sflag:s8] =	ssyncadd.s32 @!p0 $0xFFFFE000;
	s8 =	sadd.s32 @!p0 $0x180, s2  }
0x73: {  	[spmem:s3] =	stream.indirect.scatter.add.f32 @!p0 [tilespmem:s22], [sflag:$0x11], $0x80, s8, s19, $0xb8;
	[tilespmem:$0x1E600] =	vst v63  }
0x74: {  	s8 =	ssub.s32 @!p0 $0x6, s29  }
0x75: {  	s22 =	sxor.u32 @!p0 $0x7, s29;
	s8 =	sshll.u32 @!p0 s8, $0x8  }
0x76: {  	[tilespmem:s8], [sflag:s22] =	stream.linear.gather @!p0 [hbm4b:s23+s20], $0x100, $0x38;
	[tilespmem:$0x1E600] =	vst v63  }
0x77: {  	_ =	swait.ge [sflag:s11], $0x2000  }
0x78: {  	[sflag:s11] =	ssyncset.done $0x0  }
0x79: {  	s4 =	sadd.s32 $0x280, s2;
	s8 =	simm.s32 @p0 $0xE;
	[sflag:s11] =	ssyncadd.s32 $0xFFFFE000  }
0x7a: {  	[spmem:s3] =	stream.indirect.scatter.add.f32 [tilespmem:s0], [sflag:$0x12], $0x80, s4, s26, $0xb8;
	[tilespmem:$0x1E600] =	vst v63  }
0x7b: {  	_ =	swait.ge @p0 [sflag:s8], $0x2000  }
0x7c: {  	[sflag:s8] =	ssyncset.done @p0 $0x0  }
0x7d: {  	s4 =	simm.s32 @p0 $0x6A00;
	[sflag:s8] =	ssyncadd.s32 @p0 $0xFFFFE000;
	s8 =	sadd.s32 @p0 $0x380, s2  }
0x7e: {  	[spmem:s3] =	stream.indirect.scatter.add.f32 @p0 [tilespmem:s4], [sflag:$0x13], $0x80, s8, s6, $0xb8;
	[tilespmem:$0x1E600] =	vst v63  }
0x7f: {  	s4 =	sshll.u32 @!p0 s22, $0x8;
	s6 =	sadd.s32 @!p0 $0x1, s22  }
0x80: {  	[tilespmem:s4], [sflag:s6] =	stream.linear.gather @!p0 [hbm4b:s17+s20], $0x100, $0x38;
	[tilespmem:$0x1E600] =	vst v63  }
0x81: {  	s4 =	simm.s32 @!p0 $0xE  }
0x82: {  	_ =	swait.ge @!p0 [sflag:s4], $0x2000  }
0x83: {  	[sflag:s4] =	ssyncset.done @!p0 $0x0  }
0x84: {  	s6 =	simm.s32 @!p0 $0x6A00;
	[sflag:s4] =	ssyncadd.s32 @!p0 $0xFFFFE000;
	s4 =	sadd.s32 @!p0 $0x380, s2  }
0x85: {  	[spmem:s3] =	stream.indirect.scatter.add.f32 @!p0 [tilespmem:s6], [sflag:$0x13], $0x80, s4, s19, $0xb8;
	[tilespmem:$0x1E600] =	vst v63  }
0x86: {  	s4 =	ssub.s32 @!p0 $0x8, s29  }
0x87: {  	s6 =	ssub.s32 @!p0 $0x9, s29;
	s4 =	sshll.u32 @!p0 s4, $0x8  }
0x88: {  	[tilespmem:s4], [sflag:s6] =	stream.linear.gather @!p0 [hbm4b:s24+s20], $0x100, $0x38;
	[tilespmem:$0x1E600] =	vst v63  }
.Ltmp2:
0x89: {  	_ = 	snop;
	(pc) =	sbr.rel @p0 .LBB2_4-.Ltmp2, $4  }
0x8a: {  	_ =	swait.ge [sflag:s12], $0x2000  }
0x8b: {  	[sflag:s12] =	ssyncset.done $0x0  }
0x8c: {  	s2 =	sadd.s32 $0x480, s2;
	[sflag:s12] =	ssyncadd.s32 $0xFFFFE000  }
0x8d: {  	[spmem:s3] =	stream.indirect.scatter.add.f32 [tilespmem:s9], [sflag:$0x14], $0x80, s2, s26, $0xb8;
	[tilespmem:$0x1E600] =	vst v63  }
0x8e: {  	s2 =	ssub.s32 $0x9, s29  }
0x8f: {  	s6 =	ssub.s32 $0xA, s29;
	s4 =	sshll.u32 s2, $0x8  }
0x90: {  	[tilespmem:s4], [sflag:s6] =	stream.linear.gather [hbm4b:s7+s30], $0x100, $0x38;
	[tilespmem:$0x1E600] =	vst v63  }
0x91: {  	_ =	swait.ge [sflag:s13], $0x2000  }
0x92: {  	[sflag:s13] =	ssyncset.done $0x0  }
0x93: {  	s8 =	sadd.s32 $0x1, s31;
	[sflag:s13] =	ssyncadd.s32 $0xFFFFE000  }
0x94: {  	_ =	swait.ge [sflag:s8], $0x100  }
0x95: {  	[sflag:s8] =	ssyncset.done $0x0  }
0x96: {  	s22 =	sshll.u32 s31, $0x8;
	[sflag:s8] =	ssyncadd.s32 $0xFFFFFF00  }
0x97: {  	[tilespmem:s28], [sflag:$0xB] =	stream.indirect.gather [hbm4b:s1+s26], $0x80, s22, s26, $0xb8;
	[tilespmem:$0x1E600] =	vst v63  }
0x98: {  	_ =	swait.ge [sflag:s14], $0x2000  }
0x99: {  	[sflag:s14] =	ssyncset.done $0x0  }
0x9a: {  	s31 =	sxor.u32 $0x7, s29;
	[sflag:s14] =	ssyncadd.s32 $0xFFFFE000  }
0x9b: {  	_ =	swait.ge [sflag:s31], $0x100  }
0x9c: {  	s19 =	ssub.s32 $0x6, s29;
	[sflag:s31] =	ssyncset.done $0x0  }
0x9d: {  	s20 =	simm.s32 $0x2A00;
	s19 =	sshll.u32 s19, $0x8;
	[sflag:s31] =	ssyncadd.s32 $0xFFFFFF00  }
0x9e: {  	[tilespmem:s20], [sflag:$0xC] =	stream.indirect.gather [hbm4b:s1+s26], $0x80, s19, s26, $0xb8;
	[tilespmem:$0x1E600] =	vst v63  }
0x9f: {  	_ =	swait.ge [sflag:s15], $0x2000  }
0xa0: {  	[sflag:s15] =	ssyncset.done $0x0  }
0xa1: {  	s22 =	sadd.s32 $0x1, s31;
	[sflag:s15] =	ssyncadd.s32 $0xFFFFE000  }
0xa2: {  	_ =	swait.ge [sflag:s22], $0x100  }
0xa3: {  	[sflag:s22] =	ssyncset.done $0x0  }
0xa4: {  	s8 =	sshll.u32 s31, $0x8;
	[sflag:s22] =	ssyncadd.s32 $0xFFFFFF00  }
0xa5: {  	[tilespmem:s0], [sflag:$0xD] =	stream.indirect.gather [hbm4b:s1+s26], $0x80, s8, s26, $0xb8;
	[tilespmem:$0x1E600] =	vst v63  }
0xa6: {  	_ =	swait.ge [sflag:s21], $0x2000  }
0xa7: {  	[sflag:s21] =	ssyncset.done $0x0  }
0xa8: {  	[sflag:s21] =	ssyncadd.s32 $0xFFFFE000  }
0xa9: {  	_ =	swait.ge [sflag:s2], $0x100  }
0xaa: {  	s29 =	ssub.s32 $0x8, s29;
	[sflag:s2] =	ssyncset.done $0x0  }
0xab: {  	s31 =	sshll.u32 s29, $0x8;
	[sflag:s2] =	ssyncadd.s32 $0xFFFFFF00  }
0xac: {  	[tilespmem:s5], [sflag:$0xE] =	stream.indirect.gather [hbm4b:s1+s26], $0x80, s31, s26, $0xb8;
	[tilespmem:$0x1E600] =	vst v63  }
0xad: {  	_ =	swait.ge [sflag:s16], $0x2000  }
0xae: {  	[sflag:s16] =	ssyncset.done $0x0  }
.Ltmp3:
0xaf: {  	[sflag:s16] =	ssyncadd.s32 $0xFFFFE000;
	(pc) =	sbr.rel .LBB2_2-.Ltmp3, $4  }
0xb0: {  	s25 =	sadd.s32 $0x1, s25;
	s24 =	sadd.s32 $0xA0, s24;
	_ =	swait.ge [sflag:s6], $0x100  }
0xb1: {  	s17 =	sadd.s32 $0xA0, s17;
	s23 =	sadd.s32 $0xA0, s23;
	[sflag:s6] =	ssyncset.done $0x0  }
0xb2: {  	s18 =	sadd.s32 $0xA0, s18;
	s7 =	sadd.s32 $0xA0, s7;
	[sflag:s6] =	ssyncadd.s32 $0xFFFFFF00  }
0xb3: {  	[tilespmem:s9], [sflag:$0xF] =	stream.indirect.gather [hbm4b:s1+s26], $0x80, s4, s26, $0xb8;
	[tilespmem:$0x1E600] =	vst v63  }
.LBB2_5:
0xb4: {  	_ =	sfence.sel $0x180000  }
0xb5: {  	[bflag:$0x0] =	sbarrier.arrive $0xFFFF  }
0xb6: {  	_ =	strace $0x9000004D  }
0xb7: {  	s0 =	stileid.u32;
	[bflag:$0x2] =	sbarrier.arrive $0xFFFF  }
0xb8: {  	p0 =	sne.s32 s0, $0x0;
	s0 =	rddreg [dreg:$0x3]  }
0xb9: {  	s0 =	sadd.s32 @!p0 $0x100000, s0  }
0xba: {  	[sflag:s0] =	ssyncadd.tile.s32 @!p0 $0x1;
	_ =	shalt  }
.Lfunc_end2:
_tile_overlayer_lowered:
.L_overlay_start_2:
0xbb: {  	(tag) =	ssettag $0x2  }
0xbc: {  	s0 =	rddreg [dreg:$0x0];
	s2 =	stileid.u32  }
0xbd: {  	s1 =	rddreg [dreg:$0x1];
	p0 =	sne.s32 s2, $0x0  }
0xbe: {  	s3 =	rddreg [dreg:$0x2];
	[bflag:$0x3] =	sbarrier.arrive $0xFFFF;
	s2 =	simm.s32 @!p0 $0x1C15  }
0xbf: {  	[timem:s3], [sflag:s2] =	dma.local @!p0 [hbm:s0], s1  }
0xc0: {  	s0 =	simm.s32 @!p0 $0x15  }
0xc1: {  	_ =	swait.ge @!p0 [sflag:s0], s1  }
0xc2: {  	s1 =	ssub.s32 @!p0 $0x0, s1;
	[sflag:s0] =	ssyncset.done @!p0 $0x0  }
0xc3: {  	[sflag:s0] =	ssyncadd.s32 @!p0 s1  }
0xc4: {  	[bflag:$0x3] =	sbarrier.arrive $0xFFFF  }
0xc5: {  	_ =	shalt  }

// kernel: kernel.8.cloned.1.call-start
scs
__scs_entry_jumppad:
0x0: {  	(pc) =	sbr.rel $0x88, $3  }
0x1: {  	(tag) =	ssettag $0x0;
	lr =	simm.s32 $0x1  }
0x2: {  	[smem:$0x3F93] =	sst lr;
	_ =	strace $0xD0000000  }
0x3: {  	_ = 	snop  }
0x4: {  	_ = 	snop  }
0x5: {  	_ = 	snop  }
0x6: {  	_ = 	snop  }
0x7: {  	_ = 	snop  }
__scs_overlays_trampoline_lowered:
0x8: {  	[smem:$0x3FA2] =	sst s0  }
0x9: {  	[smem:$0x3FA3] =	sst s1  }
0xa: {  	[smem:$0x3FA4] =	sst s2  }
0xb: {  	[smem:$0x3FA5] =	sst s3  }
0xc: {  	[smem:$0x3FA6] =	sst s4  }
0xd: {  	[smem:$0x3FA7] =	sst s5  }
0xe: {  	[smem:$0x3FA8] =	sst s6  }
0xf: {  	[smem:$0x3FA9] =	sst s7  }
0x10: {  	[smem:$0x3FAA] =	sst s8  }
0x11: {  	[smem:$0x3FAB] =	sst s9;
	s0 =	simm.s32 @!p0 $0x0  }
0x12: {  	s1 =	sld [smem:$0x3F91];
	s0 =	simm.s32 @p0 $0x1  }
0x13: {  	[smem:$0x3FAC] =	sst s0;
	s0 =	simm.s32 @!p1 $0x0  }
0x14: {  	s2 =	sld [smem:$0x3F90];
	s0 =	simm.s32 @p1 $0x1  }
0x15: {  	[smem:$0x3FAD] =	sst s0;
	s0 =	simm.s32 @!p2 $0x0  }
0x16: {  	s3 =	sld [smem:$0x3FDB];
	s0 =	simm.s32 @p2 $0x1  }
0x17: {  	s4 =	simm.s32 $0x1BF5;
	[smem:$0x3FAF] =	sst s0  }
0x18: {  	s0 =	sld [smem:$0x3F92];
	_ =	swait.ge [sflag:s4], $0x0  }
0x19: {  	s7 =	sld [smem:$0x3F93]  }
0x1a: {  	s8 =	sadd.s32 $0xFFFFE003, lr  }
0x1b: {  	s9 =	sadd.s32 $0xFFFFFEF7, lr;
	s5 =	simm.s32 $0xFFFFFFFF;
	p2 =	slt.u32 s8, $0xFFFFF086  }
0x1c: {  	p1 =	slt.u32 s9, $0xF7A;
	s5 =	simm.s32 @!p2 $0x0  }
0x1d: {  	s5 =	simm.s32 @p1 $0x1;
	p0 =	seq.s32 s7, s2  }
0x1e: {  	s7 =	smul.u32 @!p0 $0xF7A, s2;
	p2 =	seq.s32 @!p0 s5, $0x0  }
0x1f: {  	s9 =	smul.u32 $0xF7A, s1;
	s8 =	simm.s32 @!p0 $0x1BF5;
	p2 =	por !p2, p0  }
0x20: {  	[sflag:s8] =	ssyncset.s32 @!p0 $0xFFFFF086;
	s6 =	sadd.s32 @!p0 s3, s7;
	s7 =	simm.s32 @!p0 $0x108  }
0x21: {  	s3 =	sadd.s32 s3, s9;
	s6 =	sadd.s32 @!p0 $0x88, s6;
	s7 =	simm.s32 @p2 $0x1082  }
0x22: {  	[simem:s7], [sflag:s8] =	dma.local @!p0 [hbm:s6], $0xF7A  }
0x23: {  	s9 =	sor.u32 $0xD0000000, s2;
	s6 =	simm.s32 $0x108;
	_ =	swait.ge @!p0 [sflag:s8], $0x0  }
0x24: {  	s3 =	sadd.s32 $0x88, s3;
	s6 =	simm.s32 @!p1 $0x1082;
	[sflag:s4] =	ssyncset.s32 $0xFFFFF086  }
0x25: {  	[simem:s6], [sflag:s4] =	dma.local [hbm:s3], $0xF7A  }
0x26: {  	[smem:$0x3F93] =	sst s1;
	(tag) =	ssettag s2;
	_ =	strace s9  }
0x27: {  	s1 =	sld [smem:$0x3FA3]  }
0x28: {  	s2 =	sld [smem:$0x3FA4]  }
0x29: {  	s4 =	sld [smem:$0x3FA6]  }
0x2a: {  	p0 =	seq.s32 s5, $0x0;
	s5 =	sld [smem:$0x3FA7]  }
0x2b: {  	s6 =	sld [smem:$0x3FA8]  }
0x2c: {  	s7 =	sld [smem:$0x3FA9]  }
0x2d: {  	s3 =	simm.s32 $0x108;
	s8 =	sld [smem:$0x3FAA]  }
0x2e: {  	s3 =	simm.s32 @!p0 $0x1082;
	s9 =	sld [smem:$0x3FAB]  }
0x2f: {  	lr =	sadd.s32 s0, s3;
	s0 =	sld [smem:$0x3FA2]  }
0x30: {  	s3 =	sld [smem:$0x3FA5]  }
0x31: {  	[smem:$0x3FAE] =	sst s10  }
0x32: {  	s10 =	sld [smem:$0x3FAC];
	_ =	sdelay $0x3  }
0x33: {  	p0 =	seq.s32 s10, $0x1;
	s10 =	sld [smem:$0x3FAE];
	_ =	sdelay $0x3  }
0x34: {  	[smem:$0x3FAE] =	sst s10  }
0x35: {  	s10 =	sld [smem:$0x3FAD];
	_ =	sdelay $0x3  }
0x36: {  	p1 =	seq.s32 s10, $0x1;
	s10 =	sld [smem:$0x3FAE];
	_ =	sdelay $0x3  }
0x37: {  	[smem:$0x3FAE] =	sst s10  }
0x38: {  	s10 =	sld [smem:$0x3FAF]  }
0x39: {  	_ = 	snop;
	(pc) =	sbr.ind lr, $3  }
0x3a: {  	_ = 	snop  }
0x3b: {  	_ = 	snop  }
0x3c: {  	p2 =	seq.s32 s10, $0x1;
	s10 =	sld [smem:$0x3FAE]  }
0x3d: {  	_ =	shalt  }
0x3e: {  	_ =	shalt  }
0x3f: {  	_ =	shalt  }
0x40: {  	_ =	shalt  }
0x41: {  	_ =	shalt  }
0x42: {  	_ =	shalt  }
0x43: {  	_ =	shalt  }
0x44: {  	_ =	shalt  }
0x45: {  	_ =	shalt  }
0x46: {  	_ =	shalt  }
0x47: {  	_ =	shalt  }
0x48: {  	_ =	shalt  }
0x49: {  	_ =	shalt  }
0x4a: {  	_ =	shalt  }
0x4b: {  	_ =	shalt  }
0x4c: {  	_ =	shalt  }
0x4d: {  	_ =	shalt  }
0x4e: {  	_ =	shalt  }
0x4f: {  	_ =	shalt  }
0x50: {  	_ =	shalt  }
0x51: {  	_ =	shalt  }
0x52: {  	_ =	shalt  }
0x53: {  	_ =	shalt  }
0x54: {  	_ =	shalt  }
0x55: {  	_ =	shalt  }
0x56: {  	_ =	shalt  }
0x57: {  	_ =	shalt  }
0x58: {  	_ =	shalt  }
0x59: {  	_ =	shalt  }
0x5a: {  	_ =	shalt  }
0x5b: {  	_ =	shalt  }
0x5c: {  	_ =	shalt  }
0x5d: {  	_ =	shalt  }
0x5e: {  	_ =	shalt  }
0x5f: {  	_ =	shalt  }
0x60: {  	_ =	shalt  }
0x61: {  	_ =	shalt  }
0x62: {  	_ =	shalt  }
0x63: {  	_ =	shalt  }
0x64: {  	_ =	shalt  }
0x65: {  	_ =	shalt  }
0x66: {  	_ =	shalt  }
0x67: {  	_ =	shalt  }
0x68: {  	_ =	shalt  }
0x69: {  	_ =	shalt  }
0x6a: {  	_ =	shalt  }
0x6b: {  	_ =	shalt  }
0x6c: {  	_ =	shalt  }
0x6d: {  	_ =	shalt  }
0x6e: {  	_ =	shalt  }
0x6f: {  	_ =	shalt  }
0x70: {  	_ =	shalt  }
0x71: {  	_ =	shalt  }
0x72: {  	_ =	shalt  }
0x73: {  	_ =	shalt  }
0x74: {  	_ =	shalt  }
0x75: {  	_ =	shalt  }
0x76: {  	_ =	shalt  }
0x77: {  	_ =	shalt  }
0x78: {  	_ =	shalt  }
0x79: {  	_ =	shalt  }
0x7a: {  	_ =	shalt  }
0x7b: {  	_ =	shalt  }
0x7c: {  	_ =	shalt  }
0x7d: {  	_ =	shalt  }
0x7e: {  	_ =	shalt  }
0x7f: {  	_ =	shalt  }
0x80: {  	_ =	shalt  }
0x81: {  	_ =	shalt  }
0x82: {  	_ =	shalt  }
0x83: {  	_ =	shalt  }
0x84: {  	_ =	shalt  }
0x85: {  	_ =	shalt  }
0x86: {  	_ =	shalt  }
0x87: {  	_ =	shalt  }
.Lfunc_end0:
.L_simem_size_0:
called_computation_lowered:
.L_overlay_start_0:
0x88: {  	s2 =	sld [smem:$0x3FD9]  }
0x89: {  	s3 =	sld [smem:$0x3FFE];
	_ =	sdelay $0x1  }
0x8a: {  	s1 =	srdreg.scid  }
0x8b: {  	s0 =	sand.u32 $0x1, s1  }
0x8c: {  	s17 =	sshll.u32 s0, $0xA;
	s2 =	sadd.s32 s3, s2  }
0x8d: {  	s2 =	sadd.s32 s2, s17  }
0x8e: {  	[smem:$0x3FBA] =	sst s2  }
0x8f: {  	_ = 	snop  }
0x90: {  	s2 =	sld [smem:$0x3FD0];
	(tm) =	ssettm $0x1  }
0x91: {  	s18 =	sld [smem:$0x3FFB];
	_ =	sdelay $0x3  }
0x92: {  	_ =	strace s18  }
0x93: {  	s3 =	sld [smem:$0x3FFC];
	_ =	sdelay $0x3  }
0x94: {  	_ =	strace s3  }
0x95: {  	s3 =	sld [smem:$0x3FFD];
	_ =	sdelay $0x3  }
0x96: {  	_ =	strace s3  }
0x97: {  	_ =	strace $0x8FFFFFFF  }
0x98: {  	s19 =	sld [smem:$0x3FDB];
	_ =	sdelay $0x1  }
0x99: {  	s4 =	simm.s32 $_scs_section_size  }
0x9a: {  	s5 =	simm.s32 $_size__tile_overlayer_lowered;
	s6 =	simm.s32 $_tile_overlayer_lowered  }
0x9b: {  	s22 =	simm.s32 $0x1BFF;
	s21 =	sshll.u32 s6, $0x1;
	s3 =	sadd.s32 s4, s19  }
0x9c: {  	s7 =	simm.s32 $0x0;
	s20 =	sshll.u32 s5, $0x1;
	s5 =	sadd.s32 s21, s3  }
0x9d: {  	[timem:s7], [sflag:s22] =	dma.local [hbm:s5], s20  }
0x9e: {  	_ =	swait.ge [sflag:s22], s20  }
0x9f: {  	s4 =	ssub.s32 $0x0, s20;
	[sflag:s22] =	ssyncset.done $0x0  }
0xa0: {  	[sflag:s22] =	ssyncadd.s32 s4;
	_ =	sdelay $0x1  }
0xa1: {  	s23 =	simm.s32 $0x1B8B  }
0xa2: {  	_ =	swait.ge [sflag:s23], $0x1  }
0xa3: {  	[sflag:s23] =	ssyncset.done $0x0  }
0xa4: {  	s25 =	simm.s32 $0x1B8E;
	s24 =	sld [smem:$0x3FFE];
	[sflag:s23] =	ssyncadd.s32 $0xFFFFFFFF  }
0xa5: {  	s26 =	simm.s32 $execute0_lowered;
	[smem:$0x3FD2] =	sst s25  }
0xa6: {  	s5 =	sshll.u32 s26, $0x1;
	_ =	strace $0x80000046;
	[dreg:$0x1] =	wrdreg $0xFFFFFFFF  }
0xa7: {  	s28 =	simm.s32 $_size_execute0_lowered;
	s3 =	sadd.s32 s3, s5;
	[dreg:$0x0] =	wrdreg $0x0  }
0xa8: {  	s5 =	sshll.u32 s28, $0x1;
	[dreg:$0x2] =	wrdreg s3  }
0xa9: {  	[dreg:$0x3] =	wrdreg s5  }
0xaa: {  	[dreg:$0x4] =	wrdreg $0xC0  }
0xab: {  	_ =	task [dreg:s7], $0x5FFFF  }
0xac: {  	[dreg:$0x1] =	wrdreg $0xFFFFFFFF  }
0xad: {  	[dreg:$0x0] =	wrdreg $0x60  }
0xae: {  	[dreg:$0x2] =	wrdreg s24  }
0xaf: {  	[dreg:$0x3] =	wrdreg s2  }
0xb0: {  	[dreg:$0x4] =	wrdreg $0x9  }
0xb1: {  	_ =	task.clear_ibuf [dreg:s7], $0x5FFFF;
	_ =	strace $0x90000046  }
0xb2: {  	s29 =	simm.s32 $0x9;
	_ =	strace $0x80000048  }
0xb3: {  	_ =	swait.ge [sflag:s29], $0x1  }
0xb4: {  	[sflag:s29] =	ssyncadd.s32 $0xFFFFFFFF  }
0xb5: {  	_ =	strace $0x90000048  }
0xb6: {  	_ =	sfence  }
0xb7: {  	s30 =	sld [smem:$0x0];
	_ =	sdelay $0x2  }
0xb8: {  	s31 =	sshll.u32 s1, $0xD;
	s1 =	sshrl.u32 s1, $0x2  }
0xb9: {  	s3 =	sand.u32 $0x4000, s31;
	s1 =	sadd.s32 s1, s30  }
0xba: {  	s0 =	sor.u32 s3, s0;
	s1 =	sshll.u32 s1, $0x11  }
0xbb: {  	s0 =	sor.u32 s1, s0  }
0xbc: {  	s0 =	sadd.s32 $0x8F2B, s0  }
0xbd: {  	[sflag:s0] =	ssyncadd.remote.s32 $0x1  }
0xbe: {  	_ =	sfence.sel $0xFFFF  }
0xbf: {  	[dreg:$0x0] =	wrdreg $0xFFFFFFFF;
	(pc) =	sbr.abs _section_cstart, $3  }
0xc0: {  	[dreg:$0x1] =	wrdreg $0xFFFFFFFF  }
0xc1: {  	_ =	task.clear_ibuf [dreg:s7], $0x2FFFF;
	_ =	strace $0x9FFFFFFF  }
0xc2: {  	(tm) =	ssettm $0x7FFFFFFF  }
0xc3: {  	_ =	shalt  }
tec
execute0_lowered:
.L_overlay_start_1:
0x0: {  	(tag) =	ssettag $0x1  }
0x1: {  	s0 =	srdreg.scid;
	s3 =	rddreg [dreg:$0x0]  }
0x2: {  	s5 =	rddreg [dreg:$0x1];
	s1 =	stileid.u32  }
0x3: {  	s9 =	simm.s32 $0x80;
	s10 =	simm.s32 $0x400;
	s4 =	sand.u32 $0x1, s0  }
0x4: {  	s11 =	simm.s32 $0x0;
	s8 =	sshll.u32 s1, $0x7;
	s2 =	sshll.u32 s4, $0x4  }
0x5: {  	s0 =	rddreg [dreg:$0x2];
	s8 =	sand.u32 $0x380, s8;
	s6 =	sor.u32 s1, s2  }
0x6: {  	s2 =	simm.s32 $0x0;
	s7 =	smul.u32 $0x2800, s6;
	s6 =	sshrl.u32 s6, $0x3  }
0x7: {  	s4 =	ssub.s32 $0x2, s4;
	[smem:$0x7FF] =	sst s2;
	s6 =	smul.u32 $0x14000, s6  }
0x8: {  	s31 =	sshrl.u32 s4, $0x1;
	_ =	strace $0x80000047;
	s7 =	sadd.s32 s7, s3  }
0x9: {  	s3 =	sadd.s32 $0x54400, s3;
	s6 =	sor.u32 s8, s6;
	s8 =	ssub.s32 s4, s31  }
0xa: {  	s4 =	sadd.s32 $0x4400, s7;
	s7 =	simm.s32 $0x14000;
	s6 =	sshrl.u32 s6, $0x3  }
0xb: {  	v0 =	vimm.f32 $1.000000000e+00;
	s5 =	sadd.s32 s5, s6;
	s6 =	smax.u32 s8, $0x1;
	s8 =	simm.s32 $0x1  }
.LBB2_1:
0xc: {  	[tilespmem:s7], [sflag:$0x1] =	stream.linear.gather [hbm4b:s3+s2], $0x2800, $0x38;
	[tilespmem:$0x16800] =	vst v63  }
0xd: {  	_ =	swait.ge [sflag:s8], $0x2800  }
0xe: {  	[sflag:s8] =	ssyncset.done $0x0  }
0xf: {  	[sflag:s8] =	ssyncadd.s32 $0xFFFFD800  }
0x10: {  	[tilespmem:s2], [sflag:$0x1] =	stream.linear.gather [hbm4b:s4+s2], $0x14000, $0x38;
	[tilespmem:$0x16800] =	vst v63  }
0x11: {  	_ =	swait.ge [sflag:s8], $0x14000  }
0x12: {  	[sflag:s8] =	ssyncset.done $0x0  }
0x13: {  	s13 =	simm.s32 $0x0;
	s12 =	simm.s32 $0x200;
	[sflag:s8] =	ssyncadd.s32 $0xFFFEC000  }
.LBB2_2:
0x14: {  	p0 =	sne.s32 s12, $0x4FE00;
	v1 =	vld [tilespmem:s13+$0x0];
	_ =	sdelay $0x3  }
.Ltmp0:
0x15: {  	(pc) =	sbr.rel @p0 .LBB2_2-.Ltmp0, $2  }
0x16: {  	_ =	sdelay $0x2  }
0x17: {  	s13 =	sshra.s32 s12, $0x2;
	s12 =	sadd.s32 $0x200, s12;
	[tilespmem:v1+s7+$0x0] =	vst.idx.add.f32.msk $0xffff, v0  }
0x18: {  	v1 =	vld [tilespmem:s13+$0x0];
	_ =	sdelay $0x5  }
0x19: {  	s11 =	sadd.s32 $0x1, s11  }
0x1a: {  	p0 =	sne.s32 s11, s6  }
.Ltmp1:
0x1b: {  	[tilespmem:v1+s7+$0x0] =	vst.idx.add.f32.msk $0xffff, v0;
	(pc) =	sbr.rel @p0 .LBB2_1-.Ltmp1, $4  }
0x1c: {  	[hbm4b:s5+s9] =	stream.strided.scatter [tilespmem:s7], [sflag:$0x1], $0x2800, s10, s9, $0x38;
	[tilespmem:$0x16800] =	vst v63  }
0x1d: {  	_ =	swait.ge [sflag:s8], $0x2800  }
0x1e: {  	[sflag:s8] =	ssyncset.done $0x0  }
0x1f: {  	[sflag:s8] =	ssyncadd.s32 $0xFFFFD800  }
0x20: {  	_ =	sfence.sel $0x180000  }
0x21: {  	[bflag:$0x0] =	sbarrier.arrive $0xFFFF  }
0x22: {  	p0 =	sne.s32 s1, $0x0;
	_ =	strace $0x90000047  }
0x23: {  	s0 =	sadd.s32 @!p0 $0x100000, s0;
	[bflag:$0x2] =	sbarrier.arrive $0xFFFF  }
0x24: {  	[sflag:s0] =	ssyncadd.tile.s32 @!p0 $0x1;
	_ =	shalt  }
.Lfunc_end2:
_tile_overlayer_lowered:
.L_overlay_start_2:
0x25: {  	(tag) =	ssettag $0x2  }
0x26: {  	s0 =	rddreg [dreg:$0x0];
	s2 =	stileid.u32  }
0x27: {  	s1 =	rddreg [dreg:$0x1];
	p0 =	sne.s32 s2, $0x0  }
0x28: {  	s3 =	rddreg [dreg:$0x2];
	[bflag:$0x3] =	sbarrier.arrive $0xFFFF;
	s2 =	simm.s32 @!p0 $0x1C01  }
0x29: {  	[timem:s3], [sflag:s2] =	dma.local @!p0 [hbm:s0], s1  }
0x2a: {  	s0 =	simm.s32 @!p0 $0x1  }
0x2b: {  	_ =	swait.ge @!p0 [sflag:s0], s1  }
0x2c: {  	s1 =	ssub.s32 @!p0 $0x0, s1;
	[sflag:s0] =	ssyncset.done @!p0 $0x0  }
0x2d: {  	[sflag:s0] =	ssyncadd.s32 @!p0 s1  }
0x2e: {  	[bflag:$0x3] =	sbarrier.arrive $0xFFFF  }
0x2f: {  	_ =	shalt  }

</sc_bundles>
